<compile_context>
chip_gen: v7x
topology: tpu7x:2x2x1
jax: 0.10.2.dev20260603
libtpu: 0.0.44.dev20260713+nightly
codegen_flags: <defaults>
</compile_context>

<pallas_src>
import functools

import jax
import jax.numpy as jnp
from jax import lax
from jax.experimental import pallas as pl
from jax.experimental.pallas import tpu as pltpu
from jax.experimental.pallas import tpu_sc as plsc

EMB = 32
B = 16384
NW = 32
CH = 1024
LG2_CH = 10
N_USERS = 1000000
N_MOVIES = 100000
U_FULL = N_USERS // CH
M_FULL = N_MOVIES // CH
OUT_ROWS = B + NW
STAGE = 112


def _scan_gather():
    mesh = plsc.VectorSubcoreMesh(core_axis_name="c", subcore_axis_name="s")
    i32 = jnp.int32
    f32 = jnp.float32

    @functools.partial(
        pl.kernel,
        mesh=mesh,
        compiler_params=pltpu.CompilerParams(
            use_tc_tiling_on_sc=True, needs_layout_passes=False),
        out_type=[jax.ShapeDtypeStruct((OUT_ROWS, 128), f32),
                  jax.ShapeDtypeStruct((OUT_ROWS, 128), f32)],
        scratch_types=[
            pltpu.VMEM((2, 32, CH), f32),
            pltpu.VMEM((B,), i32),
            pltpu.VMEM((B,), i32),
            pltpu.VMEM((B,), i32),
            pltpu.VMEM((STAGE, 128), f32),
            pltpu.VMEM((1, STAGE), i32),
            pltpu.SemaphoreType.DMA,
            pltpu.SemaphoreType.DMA,
            pltpu.SemaphoreType.DMA,
        ],
    )
    def scan(ut_hbm, mt_hbm, utail_hbm, mtail_hbm, uids_hbm, mids_hbm,
             uout, mout, slab_v, ids_v, pkl_v, cpk_v, stage_v, sidx_v,
             seml0, seml1, sems):
        w = lax.axis_index("s") * 2 + lax.axis_index("c")
        trash = B + w
        lanes = lax.iota(i32, 16)
        zeros16 = jnp.zeros((16,), i32)
        seml = (seml0, seml1)

        def filter_ids():
            def body(gg, n_vec):
                for u in range(4):
                    g = gg * 4 + u
                    ids16 = ids_v[pl.ds(pl.multiple_of(g * 16, 16), 16)]
                    chunk16 = ids16 >> LG2_CH
                    mask = (chunk16 & (NW - 1)) == w
                    packed = (((chunk16 >> 5) << 24)
                              | ((ids16 & (CH - 1)) << 14)
                              | (g * 16 + lanes))
                    pref = plsc.cumsum(mask.astype(i32))
                    plsc.store_scatter(pkl_v, [n_vec + pref - 1], packed,
                                       mask=mask)
                    n_vec = n_vec + plsc.all_reduce_population_count(mask)
                return n_vec
            return lax.fori_loop(0, B // 64, body, zeros16)

        def drain_slab(par):
            for p in (0, 1):
                @pl.when(par == p)
                def _():
                    pltpu.make_async_copy(
                        ut_hbm.at[:, pl.ds(0, CH)], slab_v.at[p],
                        seml[p]).wait()

        def process_chunk(kk, n_vec, off0, out_hbm, par):
            def refilter(gg, m_vec):
                for u in range(2):
                    gr = gg * 2 + u
                    pk16 = pkl_v[pl.ds(pl.multiple_of(gr * 16, 16), 16)]
                    valid = (gr * 16 + lanes) < n_vec
                    inlist = valid & ((pk16 >> 24) == kk)
                    pref = plsc.cumsum(inlist.astype(i32))
                    plsc.store_scatter(cpk_v, [m_vec + pref - 1], pk16,
                                       mask=inlist)
                    m_vec = m_vec + plsc.all_reduce_population_count(inlist)
                return m_vec
            ng = jnp.max((n_vec + 31) >> 5)
            m_vec = lax.fori_loop(0, ng, refilter, zeros16)
            m = jnp.max(m_vec)

            par16 = jnp.full((16,), par, i32)

            def group(gq, off):
                pk16 = cpk_v[pl.ds(pl.multiple_of(gq * 16, 16), 16)]
                valid = (gq * 16 + lanes) < m_vec
                cols = jnp.where(valid, (pk16 >> 14) & (CH - 1), 0)
                rows = off + lanes
                for f in range(EMB):
                    f16 = jnp.full((16,), f, i32)
                    vals = plsc.load_gather(slab_v, [par16, f16, cols])
                    plsc.store_scatter(stage_v, [rows, f16], vals)
                pout = jnp.where(valid, pk16 & (B - 1), trash)
                plsc.store_scatter(sidx_v, [zeros16, rows], pout)
                off = off + 16

                @pl.when(off == STAGE)
                def _():
                    pltpu.async_copy(stage_v, out_hbm.at[sidx_v.at[0]],
                                     sems).wait()
                return jnp.where(off == STAGE, 0, off)
            ng2 = (m + 15) >> 4
            return lax.fori_loop(0, ng2, group, off0)

        def table_pass(t_hbm, tail_hbm, n_full, out_hbm):
            trash16 = jnp.full((16,), trash, i32)
            for q in range(STAGE // 16):
                plsc.store_scatter(sidx_v, [zeros16, q * 16 + lanes], trash16)
            tail_owner = n_full % NW
            nmine = (n_full - 1 - w + NW) // NW
            nloops = nmine + (w == tail_owner).astype(i32)

            def fire(knext):
                par_n = knext & 1
                live = knext < nloops
                is_t = knext == nmine
                c_n = w + NW * knext
                for p in (0, 1):
                    @pl.when(live & (par_n == p) & (~is_t))
                    def _():
                        start = pl.multiple_of(c_n * CH, CH)
                        pltpu.async_copy(t_hbm.at[:, pl.ds(start, CH)],
                                         slab_v.at[p], seml[p])

                    @pl.when(live & (par_n == p) & is_t)
                    def _():
                        pltpu.async_copy(tail_hbm, slab_v.at[p], seml[p])

            fire(0)
            fire(1)
            n_vec = filter_ids()

            def chunk_loop(k, off):
                par = k & 1
                drain_slab(par)
                c = jnp.where(k == nmine, n_full, w + NW * k)
                off = process_chunk(c >> 5, n_vec, off, out_hbm, par)
                fire(k + 2)
                return off
            off = lax.fori_loop(0, nloops, chunk_loop, jnp.int32(0))

            @pl.when(off > 0)
            def _():
                pltpu.async_copy(stage_v, out_hbm.at[sidx_v.at[0]],
                                 sems).wait()

        pltpu.sync_copy(uids_hbm, ids_v)
        table_pass(ut_hbm, utail_hbm, U_FULL, uout)
        pltpu.sync_copy(mids_hbm, ids_v)
        table_pass(mt_hbm, mtail_hbm, M_FULL, mout)



    return scan


def _mlp_body(u_ref, m_ref, g_ref, w1u, w1m, w1g, b1, w2, b2, w3, b3, o_ref):
    u = u_ref[:, :EMB]
    m = m_ref[:, :EMB]
    h = (jnp.dot(u, w1u[...], preferred_element_type=jnp.float32)
         + jnp.dot(m, w1m[...], preferred_element_type=jnp.float32)
         + jnp.dot(g_ref[...], w1g[...], preferred_element_type=jnp.float32)
         + b1[...])
    h = jnp.maximum(h, 0.0)
    h2 = jnp.maximum(
        jnp.dot(h, w2[...], preferred_element_type=jnp.float32) + b2[...], 0.0)
    y = jnp.dot(h2, w3[...], preferred_element_type=jnp.float32) + b3[...]
    o_ref[...] = y


@functools.lru_cache(maxsize=None)
def _mlp_fn(blk):
    grid = B // blk
    full = lambda shape: pl.BlockSpec(shape, lambda i: (0, 0))
    return pl.pallas_call(
        _mlp_body,
        grid=(grid,),
        in_specs=[
            pl.BlockSpec((blk, 128), lambda i: (i, 0)),
            pl.BlockSpec((blk, 128), lambda i: (i, 0)),
            pl.BlockSpec((blk, 20), lambda i: (i, 0)),
            full((EMB, 64)),
            full((EMB, 64)),
            full((20, 64)),
            full((1, 64)),
            full((64, 32)),
            full((1, 32)),
            full((32, 1)),
            full((1, 1)),
        ],
        out_specs=pl.BlockSpec((blk, 1), lambda i: (i, 0)),
        out_shape=jax.ShapeDtypeStruct((B, 1), jnp.float32),
    )


def kernel(user_ids, movie_ids, genres, user_table, movie_table,
           W1, b1, W2, b2, W3, b3):
    uids = user_ids.astype(jnp.int32)
    mids = movie_ids.astype(jnp.int32)
    u_tail = jnp.pad(user_table[U_FULL * CH:],
                     ((0, CH - (N_USERS - U_FULL * CH)), (0, 0))).T
    m_tail = jnp.pad(movie_table[M_FULL * CH:],
                     ((0, CH - (N_MOVIES - M_FULL * CH)), (0, 0))).T
    user_emb, movie_emb = _scan_gather()(
        user_table.T, movie_table.T, u_tail, m_tail, uids, mids)
    out = _mlp_fn(2048)(
        user_emb, movie_emb, genres,
        W1[:EMB], W1[EMB:2 * EMB], W1[2 * EMB:],
        b1.reshape(1, 64), W2, b2.reshape(1, 32), W3, b3.reshape(1, 1))
    return out.reshape(B)

# --- scband reference (transcript-rebuilt; emitter-appended) ---
"""Pipeline reference for scband-recommender-model-38998303048165 (READ-ONLY COPY).

The authoritative reference and input builder live on the scoring server;
editing this copy changes nothing except your own understanding.
"""

import jax, jax.numpy as jnp
import numpy as np

NUM_USERS = 1000000
NUM_MOVIES = 100000
NUM_GENRES = 20
EMB_DIM = 32
BATCH = 16384


def setup_inputs(seed: int = 0) -> dict:
    key = jax.random.key(seed)
    ks = jax.random.split(key, 12)
    user_ids = jax.random.randint(ks[0], (BATCH,), 0, NUM_USERS, dtype=jnp.int32).astype(jnp.int64)
    movie_ids = jax.random.randint(ks[1], (BATCH,), 0, NUM_MOVIES, dtype=jnp.int32).astype(jnp.int64)
    genres = jax.random.uniform(ks[2], (BATCH, NUM_GENRES), dtype=jnp.float32)
    # Embedding tables, initialized N(0, 0.01) as in the torch module
    user_table = jax.random.normal(ks[3], (NUM_USERS, EMB_DIM), dtype=jnp.float32) * 0.01
    movie_table = jax.random.normal(ks[4], (NUM_MOVIES, EMB_DIM), dtype=jnp.float32) * 0.01
    # MLP params (kaiming-uniform-ish via uniform scaled)
    d_in = 2 * EMB_DIM + NUM_GENRES
    lim1 = 1.0 / np.sqrt(d_in)
    W1 = jax.random.uniform(ks[5], (d_in, 64), minval=-lim1, maxval=lim1, dtype=jnp.float32)
    b1 = jax.random.uniform(ks[6], (64,), minval=-lim1, maxval=lim1, dtype=jnp.float32)
    lim2 = 1.0 / np.sqrt(64)
    W2 = jax.random.uniform(ks[7], (64, 32), minval=-lim2, maxval=lim2, dtype=jnp.float32)
    b2 = jax.random.uniform(ks[8], (32,), minval=-lim2, maxval=lim2, dtype=jnp.float32)
    lim3 = 1.0 / np.sqrt(32)
    W3 = jax.random.uniform(ks[9], (32, 1), minval=-lim3, maxval=lim3, dtype=jnp.float32)
    b3 = jax.random.uniform(ks[10], (1,), minval=-lim3, maxval=lim3, dtype=jnp.float32)
    return {
        'user_ids': user_ids,
        'movie_ids': movie_ids,
        'genres': genres,
        'user_table': user_table,
        'movie_table': movie_table,
        'W1': W1, 'b1': b1,
        'W2': W2, 'b2': b2,
        'W3': W3, 'b3': b3,
    }


def reference(user_ids, movie_ids, genres, user_table, movie_table, W1, b1, W2, b2, W3, b3):
    # Embedding lookups (gather)
    user_emb = jnp.take(user_table, user_ids, axis=0)
    movie_emb = jnp.take(movie_table, movie_ids, axis=0)
    x = jnp.concatenate([user_emb, movie_emb, genres], axis=1)
    x = jax.nn.relu(x @ W1 + b1)
    # dropout is identity in eval mode
    x = jax.nn.relu(x @ W2 + b2)
    out = x @ W3 + b3
    return jnp.squeeze(out, axis=-1)

if __name__ == "__main__":
    import jax
    _d = setup_inputs()
    print(jax.jit(kernel)(*tuple(_d.values())))

</pallas_src>

<mosaic_0001>
#map = affine_map<(d0, d1) -> (0, 0)>
#map1 = affine_map<(d0, d1) -> (0)>
module attributes {stable_mosaic.version = 14 : i64} {
  func.func @scan(%arg0: i32, %arg1: i32, %arg2: memref<32x1000000xf32, #tpu.memory_space<hbm>>, %arg3: memref<32x100000xf32, #tpu.memory_space<hbm>>, %arg4: memref<32x1024xf32, #tpu.memory_space<hbm>>, %arg5: memref<32x1024xf32, #tpu.memory_space<hbm>>, %arg6: memref<16384xi32, #tpu.memory_space<hbm>>, %arg7: memref<16384xi32, #tpu.memory_space<hbm>>, %arg8: memref<16416x128xf32, #tpu.memory_space<hbm>>, %arg9: memref<16416x128xf32, #tpu.memory_space<hbm>>, %arg10: memref<2x32x1024xf32, #tpu.memory_space<vmem>>, %arg11: memref<16384xi32, #tpu.memory_space<vmem>>, %arg12: memref<16384xi32, #tpu.memory_space<vmem>>, %arg13: memref<16384xi32, #tpu.memory_space<vmem>>, %arg14: memref<112x128xf32, #tpu.memory_space<vmem>>, %arg15: memref<1x112xi32, #tpu.memory_space<vmem>>, %arg16: memref<!tpu.dma_semaphore, #tpu.memory_space<semaphore_mem>>, %arg17: memref<!tpu.dma_semaphore, #tpu.memory_space<semaphore_mem>>, %arg18: memref<!tpu.dma_semaphore, #tpu.memory_space<semaphore_mem>>) attributes {dimension_semantics = [#tpu.dimension_semantics<core_parallel>, #tpu.dimension_semantics<subcore_parallel>], iteration_bounds = array<i64: 2, 16>, scalar_prefetch = 0 : i64, scratch_operands = 9 : i64, tpu.core_type = #tpu.core_type<sc_vector_subcore>, window_params = [{transform_indices = #map}, {transform_indices = #map}, {transform_indices = #map}, {transform_indices = #map}, {transform_indices = #map1}, {transform_indices = #map1}, {transform_indices = #map}, {transform_indices = #map}]} {
    %mul3A = arith.constant 2 : i32
    %mul3A_0 = arith.muli %arg1, %mul3A : i32
    %add3A = arith.addi %mul3A_0, %arg0 : i32
    %add3A_1 = arith.constant 16384 : i32
    %add3A_2 = arith.addi %add3A_1, %add3A : i32
    %iota3A = tpu.iota {dimensions = array<i32: 0>} : vector<16xi32>
    %broadcast_in_dim3A = arith.constant 0 : i32
    %broadcast_in_dim3A_3 = vector.broadcast %broadcast_in_dim3A : i32 to vector<16xi32>
    "tpu.region"() ({
      %run_scoped3A = tpu.sem_alloc : memref<!tpu.dma_semaphore, #tpu.memory_space<semaphore_mem>>
      tpu.enqueue_dma source(%arg6 : memref<16384xi32, #tpu.memory_space<hbm>>) target(%arg11 : memref<16384xi32, #tpu.memory_space<vmem>>) target_semaphore(%run_scoped3A : memref<!tpu.dma_semaphore, #tpu.memory_space<semaphore_mem>>)
      tpu.wait_dma2 semaphore(%run_scoped3A : memref<!tpu.dma_semaphore, #tpu.memory_space<semaphore_mem>>) src(%arg6 : memref<16384xi32, #tpu.memory_space<hbm>>) dst(%arg11 : memref<16384xi32, #tpu.memory_space<vmem>>)
      tpu.yield
    }) : () -> ()
    %broadcast_in_dim3A_4 = vector.broadcast %add3A_2 : i32 to vector<16xi32>
    %add3A_5 = arith.constant 0 : i32
    %add3A_6 = vector.broadcast %add3A_5 : i32 to vector<16xi32>
    %add3A_7 = arith.addi %add3A_6, %iota3A : vector<16xi32>
    tpu.vector_store_idx %arg15[%broadcast_in_dim3A_3, %add3A_7], %broadcast_in_dim3A_4 : memref<1x112xi32, #tpu.memory_space<vmem>>[vector<16xi32>, vector<16xi32>], vector<16xi32>,
    %add3A_8 = arith.constant 16 : i32
    %add3A_9 = vector.broadcast %add3A_8 : i32 to vector<16xi32>
    %add3A_10 = arith.addi %add3A_9, %iota3A : vector<16xi32>
    tpu.vector_store_idx %arg15[%broadcast_in_dim3A_3, %add3A_10], %broadcast_in_dim3A_4 : memref<1x112xi32, #tpu.memory_space<vmem>>[vector<16xi32>, vector<16xi32>], vector<16xi32>,
    %add3A_11 = arith.constant 32 : i32
    %add3A_12 = vector.broadcast %add3A_11 : i32 to vector<16xi32>
    %add3A_13 = arith.addi %add3A_12, %iota3A : vector<16xi32>
    tpu.vector_store_idx %arg15[%broadcast_in_dim3A_3, %add3A_13], %broadcast_in_dim3A_4 : memref<1x112xi32, #tpu.memory_space<vmem>>[vector<16xi32>, vector<16xi32>], vector<16xi32>,
    %add3A_14 = arith.constant 48 : i32
    %add3A_15 = vector.broadcast %add3A_14 : i32 to vector<16xi32>
    %add3A_16 = arith.addi %add3A_15, %iota3A : vector<16xi32>
    tpu.vector_store_idx %arg15[%broadcast_in_dim3A_3, %add3A_16], %broadcast_in_dim3A_4 : memref<1x112xi32, #tpu.memory_space<vmem>>[vector<16xi32>, vector<16xi32>], vector<16xi32>,
    %add3A_17 = arith.constant 64 : i32
    %add3A_18 = vector.broadcast %add3A_17 : i32 to vector<16xi32>
    %add3A_19 = arith.addi %add3A_18, %iota3A : vector<16xi32>
    tpu.vector_store_idx %arg15[%broadcast_in_dim3A_3, %add3A_19], %broadcast_in_dim3A_4 : memref<1x112xi32, #tpu.memory_space<vmem>>[vector<16xi32>, vector<16xi32>], vector<16xi32>,
    %add3A_20 = arith.constant 80 : i32
    %add3A_21 = vector.broadcast %add3A_20 : i32 to vector<16xi32>
    %add3A_22 = arith.addi %add3A_21, %iota3A : vector<16xi32>
    tpu.vector_store_idx %arg15[%broadcast_in_dim3A_3, %add3A_22], %broadcast_in_dim3A_4 : memref<1x112xi32, #tpu.memory_space<vmem>>[vector<16xi32>, vector<16xi32>], vector<16xi32>,
    %add3A_23 = arith.constant 96 : i32
    %add3A_24 = vector.broadcast %add3A_23 : i32 to vector<16xi32>
    %add3A_25 = arith.addi %add3A_24, %iota3A : vector<16xi32>
    tpu.vector_store_idx %arg15[%broadcast_in_dim3A_3, %add3A_25], %broadcast_in_dim3A_4 : memref<1x112xi32, #tpu.memory_space<vmem>>[vector<16xi32>, vector<16xi32>], vector<16xi32>,
    %sub3A = arith.constant 975 : i32
    %sub3A_26 = arith.subi %sub3A, %add3A : i32
    %add3A_27 = arith.constant 32 : i32
    %add3A_28 = arith.addi %sub3A_26, %add3A_27 : i32
    %jit3A = arith.constant 32 : i32
    %div3A = arith.divsi %add3A_28, %jit3A : i32
    %sign3A = arith.constant 0 : i32
    %sign3A_29 = arith.cmpi sgt, %add3A_28, %sign3A : i32
    %sign3A_30 = arith.extui %sign3A_29 : i1 to i32
    %sign3A_31 = arith.constant 0 : i32
    %sign3A_32 = arith.cmpi slt, %add3A_28, %sign3A_31 : i32
    %sign3A_33 = arith.extui %sign3A_32 : i1 to i32
    %sign3A_34 = arith.subi %sign3A_30, %sign3A_33 : i32
    %sign3A_35 = arith.constant 0 : i32
    %sign3A_36 = arith.cmpi sgt, %jit3A, %sign3A_35 : i32
    %sign3A_37 = arith.extui %sign3A_36 : i1 to i32
    %sign3A_38 = arith.constant 0 : i32
    %sign3A_39 = arith.cmpi slt, %jit3A, %sign3A_38 : i32
    %sign3A_40 = arith.extui %sign3A_39 : i1 to i32
    %sign3A_41 = arith.subi %sign3A_37, %sign3A_40 : i32
    %ne3A = arith.cmpi ne, %sign3A_34, %sign3A_41 : i32
    %rem3A = arith.remsi %add3A_28, %jit3A : i32
    %ne3A_42 = arith.constant 0 : i32
    %ne3A_43 = arith.cmpi ne, %rem3A, %ne3A_42 : i32
    %and3A = arith.andi %ne3A, %ne3A_43 : i1
    %sub3A_44 = arith.constant 1 : i32
    %sub3A_45 = arith.subi %div3A, %sub3A_44 : i32
    %select_n3A = arith.select %and3A, %sub3A_45, %div3A : i32
    %eq3A = arith.constant 16 : i32
    %eq3A_46 = arith.cmpi eq, %add3A, %eq3A : i32
    %convert_element_type3A = arith.extui %eq3A_46 : i1 to i32
    %add3A_47 = arith.addi %select_n3A, %convert_element_type3A : i32
    %gt3A = arith.constant 0 : i32
    %gt3A_48 = arith.cmpi sgt, %add3A_47, %gt3A : i32
    %eq3A_49 = arith.constant 0 : i32
    %eq3A_50 = arith.cmpi eq, %select_n3A, %eq3A_49 : i32
    %add3A_51 = arith.constant 0 : i32
    %add3A_52 = arith.addi %add3A, %add3A_51 : i32
    %and3A_53 = arith.constant true
    %and3A_54 = arith.andi %gt3A_48, %and3A_53 : i1
    %not3A = arith.constant true
    %not3A_55 = arith.xori %eq3A_50, %not3A : i1
    %and3A_56 = arith.andi %and3A_54, %not3A_55 : i1
    %convert_element_type3A_57 = arith.extui %and3A_56 : i1 to i32
    %cond3A = arith.constant 0 : i32
    %cond3A_58 = arith.cmpi ne, %convert_element_type3A_57, %cond3A : i32
    scf.if %cond3A_58 {
      %mul3A_279 = arith.constant 1024 : i32
      %mul3A_280 = arith.muli %add3A_52, %mul3A_279 : i32
      %multiple_of3A = tpu.assume_multiple %mul3A_280, 1024 : i32
      %dma_start3A = arith.constant 0 : i32
      %dma_start3A_281 = arith.constant 0 : i32
      %dma_start3A_282 = arith.constant 0 : i32
      %dma_start3A_283 = tpu.memref_slice %arg10[%dma_start3A, %dma_start3A_281, %dma_start3A_282] : memref<2x32x1024xf32, #tpu.memory_space<vmem>> -> memref<1x32x1024xf32, #tpu.memory_space<vmem>>
      %dma_start3A_284 = tpu.memref_squeeze %dma_start3A_283 : memref<1x32x1024xf32, #tpu.memory_space<vmem>> -> memref<32x1024xf32, #tpu.memory_space<vmem>>
      %dma_start3A_285 = arith.constant 0 : i32
      %dma_start3A_286 = tpu.memref_slice %arg2[%dma_start3A_285, %multiple_of3A] : memref<32x1000000xf32, #tpu.memory_space<hbm>> -> memref<32x1024xf32, #tpu.memory_space<hbm>>
      %dma_start3A_287 = arith.constant 0 : i32
      %dma_start3A_288 = arith.constant 0 : i32
      %dma_start3A_289 = tpu.memref_slice %arg10[%dma_start3A, %dma_start3A_287, %dma_start3A_288] : memref<2x32x1024xf32, #tpu.memory_space<vmem>> -> memref<1x32x1024xf32, #tpu.memory_space<vmem>>
      %dma_start3A_290 = tpu.memref_squeeze %dma_start3A_289 : memref<1x32x1024xf32, #tpu.memory_space<vmem>> -> memref<32x1024xf32, #tpu.memory_space<vmem>>
      %dma_start3A_291 = arith.constant 0 : i32
      %dma_start3A_292 = tpu.memref_slice %arg2[%dma_start3A_291, %multiple_of3A] : memref<32x1000000xf32, #tpu.memory_space<hbm>> -> memref<32x1024xf32, #tpu.memory_space<hbm>>
      tpu.enqueue_dma source(%dma_start3A_292 : memref<32x1024xf32, #tpu.memory_space<hbm>>) target(%dma_start3A_290 : memref<32x1024xf32, #tpu.memory_space<vmem>>) target_semaphore(%arg16 : memref<!tpu.dma_semaphore, #tpu.memory_space<semaphore_mem>>)
    } else {
    }
    %and3A_59 = arith.constant true
    %and3A_60 = arith.andi %gt3A_48, %and3A_59 : i1
    %and3A_61 = arith.andi %and3A_60, %eq3A_50 : i1
    %convert_element_type3A_62 = arith.extui %and3A_61 : i1 to i32
    %cond3A_63 = arith.constant 0 : i32
    %cond3A_64 = arith.cmpi ne, %convert_element_type3A_62, %cond3A_63 : i32
    scf.if %cond3A_64 {
      %dma_start3A = arith.constant 0 : i32
      %dma_start3A_279 = arith.constant 0 : i32
      %dma_start3A_280 = arith.constant 0 : i32
      %dma_start3A_281 = tpu.memref_slice %arg10[%dma_start3A, %dma_start3A_279, %dma_start3A_280] : memref<2x32x1024xf32, #tpu.memory_space<vmem>> -> memref<1x32x1024xf32, #tpu.memory_space<vmem>>
      %dma_start3A_282 = tpu.memref_squeeze %dma_start3A_281 : memref<1x32x1024xf32, #tpu.memory_space<vmem>> -> memref<32x1024xf32, #tpu.memory_space<vmem>>
      %dma_start3A_283 = arith.constant 0 : i32
      %dma_start3A_284 = arith.constant 0 : i32
      %dma_start3A_285 = tpu.memref_slice %arg10[%dma_start3A, %dma_start3A_283, %dma_start3A_284] : memref<2x32x1024xf32, #tpu.memory_space<vmem>> -> memref<1x32x1024xf32, #tpu.memory_space<vmem>>
      %dma_start3A_286 = tpu.memref_squeeze %dma_start3A_285 : memref<1x32x1024xf32, #tpu.memory_space<vmem>> -> memref<32x1024xf32, #tpu.memory_space<vmem>>
      tpu.enqueue_dma source(%arg4 : memref<32x1024xf32, #tpu.memory_space<hbm>>) target(%dma_start3A_286 : memref<32x1024xf32, #tpu.memory_space<vmem>>) target_semaphore(%arg16 : memref<!tpu.dma_semaphore, #tpu.memory_space<semaphore_mem>>)
    } else {
    }
    %and3A_65 = arith.constant false
    %and3A_66 = arith.andi %gt3A_48, %and3A_65 : i1
    %not3A_67 = arith.constant true
    %not3A_68 = arith.xori %eq3A_50, %not3A_67 : i1
    %and3A_69 = arith.andi %and3A_66, %not3A_68 : i1
    %convert_element_type3A_70 = arith.extui %and3A_69 : i1 to i32
    %cond3A_71 = arith.constant 0 : i32
    %cond3A_72 = arith.cmpi ne, %convert_element_type3A_70, %cond3A_71 : i32
    scf.if %cond3A_72 {
      %mul3A_279 = arith.constant 1024 : i32
      %mul3A_280 = arith.muli %add3A_52, %mul3A_279 : i32
      %multiple_of3A = tpu.assume_multiple %mul3A_280, 1024 : i32
      %dma_start3A = arith.constant 1 : i32
      %dma_start3A_281 = arith.constant 0 : i32
      %dma_start3A_282 = arith.constant 0 : i32
      %dma_start3A_283 = tpu.memref_slice %arg10[%dma_start3A, %dma_start3A_281, %dma_start3A_282] : memref<2x32x1024xf32, #tpu.memory_space<vmem>> -> memref<1x32x1024xf32, #tpu.memory_space<vmem>>
      %dma_start3A_284 = tpu.memref_squeeze %dma_start3A_283 : memref<1x32x1024xf32, #tpu.memory_space<vmem>> -> memref<32x1024xf32, #tpu.memory_space<vmem>>
      %dma_start3A_285 = arith.constant 0 : i32
      %dma_start3A_286 = tpu.memref_slice %arg2[%dma_start3A_285, %multiple_of3A] : memref<32x1000000xf32, #tpu.memory_space<hbm>> -> memref<32x1024xf32, #tpu.memory_space<hbm>>
      %dma_start3A_287 = arith.constant 0 : i32
      %dma_start3A_288 = arith.constant 0 : i32
      %dma_start3A_289 = tpu.memref_slice %arg10[%dma_start3A, %dma_start3A_287, %dma_start3A_288] : memref<2x32x1024xf32, #tpu.memory_space<vmem>> -> memref<1x32x1024xf32, #tpu.memory_space<vmem>>
      %dma_start3A_290 = tpu.memref_squeeze %dma_start3A_289 : memref<1x32x1024xf32, #tpu.memory_space<vmem>> -> memref<32x1024xf32, #tpu.memory_space<vmem>>
      %dma_start3A_291 = arith.constant 0 : i32
      %dma_start3A_292 = tpu.memref_slice %arg2[%dma_start3A_291, %multiple_of3A] : memref<32x1000000xf32, #tpu.memory_space<hbm>> -> memref<32x1024xf32, #tpu.memory_space<hbm>>
      tpu.enqueue_dma source(%dma_start3A_292 : memref<32x1024xf32, #tpu.memory_space<hbm>>) target(%dma_start3A_290 : memref<32x1024xf32, #tpu.memory_space<vmem>>) target_semaphore(%arg17 : memref<!tpu.dma_semaphore, #tpu.memory_space<semaphore_mem>>)
    } else {
    }
    %and3A_73 = arith.constant false
    %and3A_74 = arith.andi %gt3A_48, %and3A_73 : i1
    %and3A_75 = arith.andi %and3A_74, %eq3A_50 : i1
    %convert_element_type3A_76 = arith.extui %and3A_75 : i1 to i32
    %cond3A_77 = arith.constant 0 : i32
    %cond3A_78 = arith.cmpi ne, %convert_element_type3A_76, %cond3A_77 : i32
    scf.if %cond3A_78 {
      %dma_start3A = arith.constant 1 : i32
      %dma_start3A_279 = arith.constant 0 : i32
      %dma_start3A_280 = arith.constant 0 : i32
      %dma_start3A_281 = tpu.memref_slice %arg10[%dma_start3A, %dma_start3A_279, %dma_start3A_280] : memref<2x32x1024xf32, #tpu.memory_space<vmem>> -> memref<1x32x1024xf32, #tpu.memory_space<vmem>>
      %dma_start3A_282 = tpu.memref_squeeze %dma_start3A_281 : memref<1x32x1024xf32, #tpu.memory_space<vmem>> -> memref<32x1024xf32, #tpu.memory_space<vmem>>
      %dma_start3A_283 = arith.constant 0 : i32
      %dma_start3A_284 = arith.constant 0 : i32
      %dma_start3A_285 = tpu.memref_slice %arg10[%dma_start3A, %dma_start3A_283, %dma_start3A_284] : memref<2x32x1024xf32, #tpu.memory_space<vmem>> -> memref<1x32x1024xf32, #tpu.memory_space<vmem>>
      %dma_start3A_286 = tpu.memref_squeeze %dma_start3A_285 : memref<1x32x1024xf32, #tpu.memory_space<vmem>> -> memref<32x1024xf32, #tpu.memory_space<vmem>>
      tpu.enqueue_dma source(%arg4 : memref<32x1024xf32, #tpu.memory_space<hbm>>) target(%dma_start3A_286 : memref<32x1024xf32, #tpu.memory_space<vmem>>) target_semaphore(%arg17 : memref<!tpu.dma_semaphore, #tpu.memory_space<semaphore_mem>>)
    } else {
    }
    %gt3A_79 = arith.constant 1 : i32
    %gt3A_80 = arith.cmpi sgt, %add3A_47, %gt3A_79 : i32
    %eq3A_81 = arith.constant 1 : i32
    %eq3A_82 = arith.cmpi eq, %select_n3A, %eq3A_81 : i32
    %add3A_83 = arith.constant 32 : i32
    %add3A_84 = arith.addi %add3A, %add3A_83 : i32
    %and3A_85 = arith.constant false
    %and3A_86 = arith.andi %gt3A_80, %and3A_85 : i1
    %not3A_87 = arith.constant true
    %not3A_88 = arith.xori %eq3A_82, %not3A_87 : i1
    %and3A_89 = arith.andi %and3A_86, %not3A_88 : i1
    %convert_element_type3A_90 = arith.extui %and3A_89 : i1 to i32
    %cond3A_91 = arith.constant 0 : i32
    %cond3A_92 = arith.cmpi ne, %convert_element_type3A_90, %cond3A_91 : i32
    scf.if %cond3A_92 {
      %mul3A_279 = arith.constant 1024 : i32
      %mul3A_280 = arith.muli %add3A_84, %mul3A_279 : i32
      %multiple_of3A = tpu.assume_multiple %mul3A_280, 1024 : i32
      %dma_start3A = arith.constant 0 : i32
      %dma_start3A_281 = arith.constant 0 : i32
      %dma_start3A_282 = arith.constant 0 : i32
      %dma_start3A_283 = tpu.memref_slice %arg10[%dma_start3A, %dma_start3A_281, %dma_start3A_282] : memref<2x32x1024xf32, #tpu.memory_space<vmem>> -> memref<1x32x1024xf32, #tpu.memory_space<vmem>>
      %dma_start3A_284 = tpu.memref_squeeze %dma_start3A_283 : memref<1x32x1024xf32, #tpu.memory_space<vmem>> -> memref<32x1024xf32, #tpu.memory_space<vmem>>
      %dma_start3A_285 = arith.constant 0 : i32
      %dma_start3A_286 = tpu.memref_slice %arg2[%dma_start3A_285, %multiple_of3A] : memref<32x1000000xf32, #tpu.memory_space<hbm>> -> memref<32x1024xf32, #tpu.memory_space<hbm>>
      %dma_start3A_287 = arith.constant 0 : i32
      %dma_start3A_288 = arith.constant 0 : i32
      %dma_start3A_289 = tpu.memref_slice %arg10[%dma_start3A, %dma_start3A_287, %dma_start3A_288] : memref<2x32x1024xf32, #tpu.memory_space<vmem>> -> memref<1x32x1024xf32, #tpu.memory_space<vmem>>
      %dma_start3A_290 = tpu.memref_squeeze %dma_start3A_289 : memref<1x32x1024xf32, #tpu.memory_space<vmem>> -> memref<32x1024xf32, #tpu.memory_space<vmem>>
      %dma_start3A_291 = arith.constant 0 : i32
      %dma_start3A_292 = tpu.memref_slice %arg2[%dma_start3A_291, %multiple_of3A] : memref<32x1000000xf32, #tpu.memory_space<hbm>> -> memref<32x1024xf32, #tpu.memory_space<hbm>>
      tpu.enqueue_dma source(%dma_start3A_292 : memref<32x1024xf32, #tpu.memory_space<hbm>>) target(%dma_start3A_290 : memref<32x1024xf32, #tpu.memory_space<vmem>>) target_semaphore(%arg16 : memref<!tpu.dma_semaphore, #tpu.memory_space<semaphore_mem>>)
    } else {
    }
    %and3A_93 = arith.constant false
    %and3A_94 = arith.andi %gt3A_80, %and3A_93 : i1
    %and3A_95 = arith.andi %and3A_94, %eq3A_82 : i1
    %convert_element_type3A_96 = arith.extui %and3A_95 : i1 to i32
    %cond3A_97 = arith.constant 0 : i32
    %cond3A_98 = arith.cmpi ne, %convert_element_type3A_96, %cond3A_97 : i32
    scf.if %cond3A_98 {
      %dma_start3A = arith.constant 0 : i32
      %dma_start3A_279 = arith.constant 0 : i32
      %dma_start3A_280 = arith.constant 0 : i32
      %dma_start3A_281 = tpu.memref_slice %arg10[%dma_start3A, %dma_start3A_279, %dma_start3A_280] : memref<2x32x1024xf32, #tpu.memory_space<vmem>> -> memref<1x32x1024xf32, #tpu.memory_space<vmem>>
      %dma_start3A_282 = tpu.memref_squeeze %dma_start3A_281 : memref<1x32x1024xf32, #tpu.memory_space<vmem>> -> memref<32x1024xf32, #tpu.memory_space<vmem>>
      %dma_start3A_283 = arith.constant 0 : i32
      %dma_start3A_284 = arith.constant 0 : i32
      %dma_start3A_285 = tpu.memref_slice %arg10[%dma_start3A, %dma_start3A_283, %dma_start3A_284] : memref<2x32x1024xf32, #tpu.memory_space<vmem>> -> memref<1x32x1024xf32, #tpu.memory_space<vmem>>
      %dma_start3A_286 = tpu.memref_squeeze %dma_start3A_285 : memref<1x32x1024xf32, #tpu.memory_space<vmem>> -> memref<32x1024xf32, #tpu.memory_space<vmem>>
      tpu.enqueue_dma source(%arg4 : memref<32x1024xf32, #tpu.memory_space<hbm>>) target(%dma_start3A_286 : memref<32x1024xf32, #tpu.memory_space<vmem>>) target_semaphore(%arg16 : memref<!tpu.dma_semaphore, #tpu.memory_space<semaphore_mem>>)
    } else {
    }
    %and3A_99 = arith.constant true
    %and3A_100 = arith.andi %gt3A_80, %and3A_99 : i1
    %not3A_101 = arith.constant true
    %not3A_102 = arith.xori %eq3A_82, %not3A_101 : i1
    %and3A_103 = arith.andi %and3A_100, %not3A_102 : i1
    %convert_element_type3A_104 = arith.extui %and3A_103 : i1 to i32
    %cond3A_105 = arith.constant 0 : i32
    %cond3A_106 = arith.cmpi ne, %convert_element_type3A_104, %cond3A_105 : i32
    scf.if %cond3A_106 {
      %mul3A_279 = arith.constant 1024 : i32
      %mul3A_280 = arith.muli %add3A_84, %mul3A_279 : i32
      %multiple_of3A = tpu.assume_multiple %mul3A_280, 1024 : i32
      %dma_start3A = arith.constant 1 : i32
      %dma_start3A_281 = arith.constant 0 : i32
      %dma_start3A_282 = arith.constant 0 : i32
      %dma_start3A_283 = tpu.memref_slice %arg10[%dma_start3A, %dma_start3A_281, %dma_start3A_282] : memref<2x32x1024xf32, #tpu.memory_space<vmem>> -> memref<1x32x1024xf32, #tpu.memory_space<vmem>>
      %dma_start3A_284 = tpu.memref_squeeze %dma_start3A_283 : memref<1x32x1024xf32, #tpu.memory_space<vmem>> -> memref<32x1024xf32, #tpu.memory_space<vmem>>
      %dma_start3A_285 = arith.constant 0 : i32
      %dma_start3A_286 = tpu.memref_slice %arg2[%dma_start3A_285, %multiple_of3A] : memref<32x1000000xf32, #tpu.memory_space<hbm>> -> memref<32x1024xf32, #tpu.memory_space<hbm>>
      %dma_start3A_287 = arith.constant 0 : i32
      %dma_start3A_288 = arith.constant 0 : i32
      %dma_start3A_289 = tpu.memref_slice %arg10[%dma_start3A, %dma_start3A_287, %dma_start3A_288] : memref<2x32x1024xf32, #tpu.memory_space<vmem>> -> memref<1x32x1024xf32, #tpu.memory_space<vmem>>
      %dma_start3A_290 = tpu.memref_squeeze %dma_start3A_289 : memref<1x32x1024xf32, #tpu.memory_space<vmem>> -> memref<32x1024xf32, #tpu.memory_space<vmem>>
      %dma_start3A_291 = arith.constant 0 : i32
      %dma_start3A_292 = tpu.memref_slice %arg2[%dma_start3A_291, %multiple_of3A] : memref<32x1000000xf32, #tpu.memory_space<hbm>> -> memref<32x1024xf32, #tpu.memory_space<hbm>>
      tpu.enqueue_dma source(%dma_start3A_292 : memref<32x1024xf32, #tpu.memory_space<hbm>>) target(%dma_start3A_290 : memref<32x1024xf32, #tpu.memory_space<vmem>>) target_semaphore(%arg17 : memref<!tpu.dma_semaphore, #tpu.memory_space<semaphore_mem>>)
    } else {
    }
    %and3A_107 = arith.constant true
    %and3A_108 = arith.andi %gt3A_80, %and3A_107 : i1
    %and3A_109 = arith.andi %and3A_108, %eq3A_82 : i1
    %convert_element_type3A_110 = arith.extui %and3A_109 : i1 to i32
    %cond3A_111 = arith.constant 0 : i32
    %cond3A_112 = arith.cmpi ne, %convert_element_type3A_110, %cond3A_111 : i32
    scf.if %cond3A_112 {
      %dma_start3A = arith.constant 1 : i32
      %dma_start3A_279 = arith.constant 0 : i32
      %dma_start3A_280 = arith.constant 0 : i32
      %dma_start3A_281 = tpu.memref_slice %arg10[%dma_start3A, %dma_start3A_279, %dma_start3A_280] : memref<2x32x1024xf32, #tpu.memory_space<vmem>> -> memref<1x32x1024xf32, #tpu.memory_space<vmem>>
      %dma_start3A_282 = tpu.memref_squeeze %dma_start3A_281 : memref<1x32x1024xf32, #tpu.memory_space<vmem>> -> memref<32x1024xf32, #tpu.memory_space<vmem>>
      %dma_start3A_283 = arith.constant 0 : i32
      %dma_start3A_284 = arith.constant 0 : i32
      %dma_start3A_285 = tpu.memref_slice %arg10[%dma_start3A, %dma_start3A_283, %dma_start3A_284] : memref<2x32x1024xf32, #tpu.memory_space<vmem>> -> memref<1x32x1024xf32, #tpu.memory_space<vmem>>
      %dma_start3A_286 = tpu.memref_squeeze %dma_start3A_285 : memref<1x32x1024xf32, #tpu.memory_space<vmem>> -> memref<32x1024xf32, #tpu.memory_space<vmem>>
      tpu.enqueue_dma source(%arg4 : memref<32x1024xf32, #tpu.memory_space<hbm>>) target(%dma_start3A_286 : memref<32x1024xf32, #tpu.memory_space<vmem>>) target_semaphore(%arg17 : memref<!tpu.dma_semaphore, #tpu.memory_space<semaphore_mem>>)
    } else {
    }
    %scan3A = arith.constant 0 : i32
    %scan3A_113 = arith.constant 256 : i32
    %scan3A_114 = arith.addi %scan3A, %scan3A_113 : i32
    %scan3A_115 = arith.constant 1 : i32
    %scan3A_116 = scf.for %scan3A_279 = %scan3A to %scan3A_114 step %scan3A_115 iter_args(%scan3A_280 = %broadcast_in_dim3A_3) -> (vector<16xi32>)  : i32 {
      %mul3A_281 = arith.constant 4 : i32
      %mul3A_282 = arith.muli %scan3A_279, %mul3A_281 : i32
      %add3A_283 = arith.constant 0 : i32
      %add3A_284 = arith.addi %mul3A_282, %add3A_283 : i32
      %mul3A_285 = arith.constant 16 : i32
      %mul3A_286 = arith.muli %add3A_284, %mul3A_285 : i32
      %multiple_of3A = tpu.assume_multiple %mul3A_286, 16 : i32
      %get3A = arith.index_cast %multiple_of3A : i32 to index
      %get3A_287 = tpu.vector_load %arg11[%get3A] {strides = array<i32>} : memref<16384xi32, #tpu.memory_space<vmem>>, vector<16xi32>,
      %shift_right_arithmetic3A = arith.constant 10 : i32
      %shift_right_arithmetic3A_288 = vector.broadcast %shift_right_arithmetic3A : i32 to vector<16xi32>
      %shift_right_arithmetic3A_289 = arith.shrsi %get3A_287, %shift_right_arithmetic3A_288 : vector<16xi32>
      %and3A_290 = arith.constant 31 : i32
      %and3A_291 = vector.broadcast %and3A_290 : i32 to vector<16xi32>
      %and3A_292 = arith.andi %shift_right_arithmetic3A_289, %and3A_291 : vector<16xi32>
      %eq3A_293 = vector.broadcast %add3A : i32 to vector<16xi32>
      %eq3A_294 = arith.cmpi eq, %and3A_292, %eq3A_293 : vector<16xi32>
      %shift_right_arithmetic3A_295 = arith.constant 5 : i32
      %shift_right_arithmetic3A_296 = vector.broadcast %shift_right_arithmetic3A_295 : i32 to vector<16xi32>
      %shift_right_arithmetic3A_297 = arith.shrsi %shift_right_arithmetic3A_289, %shift_right_arithmetic3A_296 : vector<16xi32>
      %shift_left3A = arith.constant 24 : i32
      %shift_left3A_298 = vector.broadcast %shift_left3A : i32 to vector<16xi32>
      %shift_left3A_299 = arith.shli %shift_right_arithmetic3A_297, %shift_left3A_298 : vector<16xi32>
      %and3A_300 = arith.constant 1023 : i32
      %and3A_301 = vector.broadcast %and3A_300 : i32 to vector<16xi32>
      %and3A_302 = arith.andi %get3A_287, %and3A_301 : vector<16xi32>
      %shift_left3A_303 = arith.constant 14 : i32
      %shift_left3A_304 = vector.broadcast %shift_left3A_303 : i32 to vector<16xi32>
      %shift_left3A_305 = arith.shli %and3A_302, %shift_left3A_304 : vector<16xi32>
      %or3A = arith.ori %shift_left3A_299, %shift_left3A_305 : vector<16xi32>
      %mul3A_306 = arith.constant 16 : i32
      %mul3A_307 = arith.muli %add3A_284, %mul3A_306 : i32
      %add3A_308 = vector.broadcast %mul3A_307 : i32 to vector<16xi32>
      %add3A_309 = arith.addi %add3A_308, %iota3A : vector<16xi32>
      %or3A_310 = arith.ori %or3A, %add3A_309 : vector<16xi32>
      %convert_element_type3A_311 = arith.extui %eq3A_294 : vector<16xi1> to vector<16xi32>
      %broadcast_in_dim3A_312 = arith.constant true
      %broadcast_in_dim3A_313 = vector.broadcast %broadcast_in_dim3A_312 : i1 to vector<16xi1>
      %masked_cumsum3A = tpu.scan <sum>, %convert_element_type3A_311 masked %broadcast_in_dim3A_313 : vector<16xi32>, vector<16xi1> -> vector<16xi32>
      %add3A_314 = arith.addi %scan3A_280, %masked_cumsum3A : vector<16xi32>
      %sub3A_315 = arith.constant 1 : i32
      %sub3A_316 = vector.broadcast %sub3A_315 : i32 to vector<16xi32>
      %sub3A_317 = arith.subi %add3A_314, %sub3A_316 : vector<16xi32>
      tpu.vector_store_idx %arg12[%sub3A_317], %or3A_310 masked %eq3A_294 : memref<16384xi32, #tpu.memory_space<vmem>>[vector<16xi32>], vector<16xi32>, vector<16xi1>
      %all_reduce_population_count3A = tpu.all_reduce %eq3A_294 {dim = 0 : i64, kind = #tpu.reduction_kind<sum>} : vector<16xi1> -> vector<16xi32>
      %add3A_318 = arith.addi %scan3A_280, %all_reduce_population_count3A : vector<16xi32>
      %mul3A_319 = arith.constant 4 : i32
      %mul3A_320 = arith.muli %scan3A_279, %mul3A_319 : i32
      %add3A_321 = arith.constant 1 : i32
      %add3A_322 = arith.addi %mul3A_320, %add3A_321 : i32
      %mul3A_323 = arith.constant 16 : i32
      %mul3A_324 = arith.muli %add3A_322, %mul3A_323 : i32
      %multiple_of3A_325 = tpu.assume_multiple %mul3A_324, 16 : i32
      %get3A_326 = arith.index_cast %multiple_of3A_325 : i32 to index
      %get3A_327 = tpu.vector_load %arg11[%get3A_326] {strides = array<i32>} : memref<16384xi32, #tpu.memory_space<vmem>>, vector<16xi32>,
      %shift_right_arithmetic3A_328 = arith.constant 10 : i32
      %shift_right_arithmetic3A_329 = vector.broadcast %shift_right_arithmetic3A_328 : i32 to vector<16xi32>
      %shift_right_arithmetic3A_330 = arith.shrsi %get3A_327, %shift_right_arithmetic3A_329 : vector<16xi32>
      %and3A_331 = arith.constant 31 : i32
      %and3A_332 = vector.broadcast %and3A_331 : i32 to vector<16xi32>
      %and3A_333 = arith.andi %shift_right_arithmetic3A_330, %and3A_332 : vector<16xi32>
      %eq3A_334 = vector.broadcast %add3A : i32 to vector<16xi32>
      %eq3A_335 = arith.cmpi eq, %and3A_333, %eq3A_334 : vector<16xi32>
      %shift_right_arithmetic3A_336 = arith.constant 5 : i32
      %shift_right_arithmetic3A_337 = vector.broadcast %shift_right_arithmetic3A_336 : i32 to vector<16xi32>
      %shift_right_arithmetic3A_338 = arith.shrsi %shift_right_arithmetic3A_330, %shift_right_arithmetic3A_337 : vector<16xi32>
      %shift_left3A_339 = arith.constant 24 : i32
      %shift_left3A_340 = vector.broadcast %shift_left3A_339 : i32 to vector<16xi32>
      %shift_left3A_341 = arith.shli %shift_right_arithmetic3A_338, %shift_left3A_340 : vector<16xi32>
      %and3A_342 = arith.constant 1023 : i32
      %and3A_343 = vector.broadcast %and3A_342 : i32 to vector<16xi32>
      %and3A_344 = arith.andi %get3A_327, %and3A_343 : vector<16xi32>
      %shift_left3A_345 = arith.constant 14 : i32
      %shift_left3A_346 = vector.broadcast %shift_left3A_345 : i32 to vector<16xi32>
      %shift_left3A_347 = arith.shli %and3A_344, %shift_left3A_346 : vector<16xi32>
      %or3A_348 = arith.ori %shift_left3A_341, %shift_left3A_347 : vector<16xi32>
      %mul3A_349 = arith.constant 16 : i32
      %mul3A_350 = arith.muli %add3A_322, %mul3A_349 : i32
      %add3A_351 = vector.broadcast %mul3A_350 : i32 to vector<16xi32>
      %add3A_352 = arith.addi %add3A_351, %iota3A : vector<16xi32>
      %or3A_353 = arith.ori %or3A_348, %add3A_352 : vector<16xi32>
      %convert_element_type3A_354 = arith.extui %eq3A_335 : vector<16xi1> to vector<16xi32>
      %broadcast_in_dim3A_355 = arith.constant true
      %broadcast_in_dim3A_356 = vector.broadcast %broadcast_in_dim3A_355 : i1 to vector<16xi1>
      %masked_cumsum3A_357 = tpu.scan <sum>, %convert_element_type3A_354 masked %broadcast_in_dim3A_356 : vector<16xi32>, vector<16xi1> -> vector<16xi32>
      %add3A_358 = arith.addi %add3A_318, %masked_cumsum3A_357 : vector<16xi32>
      %sub3A_359 = arith.constant 1 : i32
      %sub3A_360 = vector.broadcast %sub3A_359 : i32 to vector<16xi32>
      %sub3A_361 = arith.subi %add3A_358, %sub3A_360 : vector<16xi32>
      tpu.vector_store_idx %arg12[%sub3A_361], %or3A_353 masked %eq3A_335 : memref<16384xi32, #tpu.memory_space<vmem>>[vector<16xi32>], vector<16xi32>, vector<16xi1>
      %all_reduce_population_count3A_362 = tpu.all_reduce %eq3A_335 {dim = 0 : i64, kind = #tpu.reduction_kind<sum>} : vector<16xi1> -> vector<16xi32>
      %add3A_363 = arith.addi %add3A_318, %all_reduce_population_count3A_362 : vector<16xi32>
      %mul3A_364 = arith.constant 4 : i32
      %mul3A_365 = arith.muli %scan3A_279, %mul3A_364 : i32
      %add3A_366 = arith.constant 2 : i32
      %add3A_367 = arith.addi %mul3A_365, %add3A_366 : i32
      %mul3A_368 = arith.constant 16 : i32
      %mul3A_369 = arith.muli %add3A_367, %mul3A_368 : i32
      %multiple_of3A_370 = tpu.assume_multiple %mul3A_369, 16 : i32
      %get3A_371 = arith.index_cast %multiple_of3A_370 : i32 to index
      %get3A_372 = tpu.vector_load %arg11[%get3A_371] {strides = array<i32>} : memref<16384xi32, #tpu.memory_space<vmem>>, vector<16xi32>,
      %shift_right_arithmetic3A_373 = arith.constant 10 : i32
      %shift_right_arithmetic3A_374 = vector.broadcast %shift_right_arithmetic3A_373 : i32 to vector<16xi32>
      %shift_right_arithmetic3A_375 = arith.shrsi %get3A_372, %shift_right_arithmetic3A_374 : vector<16xi32>
      %and3A_376 = arith.constant 31 : i32
      %and3A_377 = vector.broadcast %and3A_376 : i32 to vector<16xi32>
      %and3A_378 = arith.andi %shift_right_arithmetic3A_375, %and3A_377 : vector<16xi32>
      %eq3A_379 = vector.broadcast %add3A : i32 to vector<16xi32>
      %eq3A_380 = arith.cmpi eq, %and3A_378, %eq3A_379 : vector<16xi32>
      %shift_right_arithmetic3A_381 = arith.constant 5 : i32
      %shift_right_arithmetic3A_382 = vector.broadcast %shift_right_arithmetic3A_381 : i32 to vector<16xi32>
      %shift_right_arithmetic3A_383 = arith.shrsi %shift_right_arithmetic3A_375, %shift_right_arithmetic3A_382 : vector<16xi32>
      %shift_left3A_384 = arith.constant 24 : i32
      %shift_left3A_385 = vector.broadcast %shift_left3A_384 : i32 to vector<16xi32>
      %shift_left3A_386 = arith.shli %shift_right_arithmetic3A_383, %shift_left3A_385 : vector<16xi32>
      %and3A_387 = arith.constant 1023 : i32
      %and3A_388 = vector.broadcast %and3A_387 : i32 to vector<16xi32>
      %and3A_389 = arith.andi %get3A_372, %and3A_388 : vector<16xi32>
      %shift_left3A_390 = arith.constant 14 : i32
      %shift_left3A_391 = vector.broadcast %shift_left3A_390 : i32 to vector<16xi32>
      %shift_left3A_392 = arith.shli %and3A_389, %shift_left3A_391 : vector<16xi32>
      %or3A_393 = arith.ori %shift_left3A_386, %shift_left3A_392 : vector<16xi32>
      %mul3A_394 = arith.constant 16 : i32
      %mul3A_395 = arith.muli %add3A_367, %mul3A_394 : i32
      %add3A_396 = vector.broadcast %mul3A_395 : i32 to vector<16xi32>
      %add3A_397 = arith.addi %add3A_396, %iota3A : vector<16xi32>
      %or3A_398 = arith.ori %or3A_393, %add3A_397 : vector<16xi32>
      %convert_element_type3A_399 = arith.extui %eq3A_380 : vector<16xi1> to vector<16xi32>
      %broadcast_in_dim3A_400 = arith.constant true
      %broadcast_in_dim3A_401 = vector.broadcast %broadcast_in_dim3A_400 : i1 to vector<16xi1>
      %masked_cumsum3A_402 = tpu.scan <sum>, %convert_element_type3A_399 masked %broadcast_in_dim3A_401 : vector<16xi32>, vector<16xi1> -> vector<16xi32>
      %add3A_403 = arith.addi %add3A_363, %masked_cumsum3A_402 : vector<16xi32>
      %sub3A_404 = arith.constant 1 : i32
      %sub3A_405 = vector.broadcast %sub3A_404 : i32 to vector<16xi32>
      %sub3A_406 = arith.subi %add3A_403, %sub3A_405 : vector<16xi32>
      tpu.vector_store_idx %arg12[%sub3A_406], %or3A_398 masked %eq3A_380 : memref<16384xi32, #tpu.memory_space<vmem>>[vector<16xi32>], vector<16xi32>, vector<16xi1>
      %all_reduce_population_count3A_407 = tpu.all_reduce %eq3A_380 {dim = 0 : i64, kind = #tpu.reduction_kind<sum>} : vector<16xi1> -> vector<16xi32>
      %add3A_408 = arith.addi %add3A_363, %all_reduce_population_count3A_407 : vector<16xi32>
      %mul3A_409 = arith.constant 4 : i32
      %mul3A_410 = arith.muli %scan3A_279, %mul3A_409 : i32
      %add3A_411 = arith.constant 3 : i32
      %add3A_412 = arith.addi %mul3A_410, %add3A_411 : i32
      %mul3A_413 = arith.constant 16 : i32
      %mul3A_414 = arith.muli %add3A_412, %mul3A_413 : i32
      %multiple_of3A_415 = tpu.assume_multiple %mul3A_414, 16 : i32
      %get3A_416 = arith.index_cast %multiple_of3A_415 : i32 to index
      %get3A_417 = tpu.vector_load %arg11[%get3A_416] {strides = array<i32>} : memref<16384xi32, #tpu.memory_space<vmem>>, vector<16xi32>,
      %shift_right_arithmetic3A_418 = arith.constant 10 : i32
      %shift_right_arithmetic3A_419 = vector.broadcast %shift_right_arithmetic3A_418 : i32 to vector<16xi32>
      %shift_right_arithmetic3A_420 = arith.shrsi %get3A_417, %shift_right_arithmetic3A_419 : vector<16xi32>
      %and3A_421 = arith.constant 31 : i32
      %and3A_422 = vector.broadcast %and3A_421 : i32 to vector<16xi32>
      %and3A_423 = arith.andi %shift_right_arithmetic3A_420, %and3A_422 : vector<16xi32>
      %eq3A_424 = vector.broadcast %add3A : i32 to vector<16xi32>
      %eq3A_425 = arith.cmpi eq, %and3A_423, %eq3A_424 : vector<16xi32>
      %shift_right_arithmetic3A_426 = arith.constant 5 : i32
      %shift_right_arithmetic3A_427 = vector.broadcast %shift_right_arithmetic3A_426 : i32 to vector<16xi32>
      %shift_right_arithmetic3A_428 = arith.shrsi %shift_right_arithmetic3A_420, %shift_right_arithmetic3A_427 : vector<16xi32>
      %shift_left3A_429 = arith.constant 24 : i32
      %shift_left3A_430 = vector.broadcast %shift_left3A_429 : i32 to vector<16xi32>
      %shift_left3A_431 = arith.shli %shift_right_arithmetic3A_428, %shift_left3A_430 : vector<16xi32>
      %and3A_432 = arith.constant 1023 : i32
      %and3A_433 = vector.broadcast %and3A_432 : i32 to vector<16xi32>
      %and3A_434 = arith.andi %get3A_417, %and3A_433 : vector<16xi32>
      %shift_left3A_435 = arith.constant 14 : i32
      %shift_left3A_436 = vector.broadcast %shift_left3A_435 : i32 to vector<16xi32>
      %shift_left3A_437 = arith.shli %and3A_434, %shift_left3A_436 : vector<16xi32>
      %or3A_438 = arith.ori %shift_left3A_431, %shift_left3A_437 : vector<16xi32>
      %mul3A_439 = arith.constant 16 : i32
      %mul3A_440 = arith.muli %add3A_412, %mul3A_439 : i32
      %add3A_441 = vector.broadcast %mul3A_440 : i32 to vector<16xi32>
      %add3A_442 = arith.addi %add3A_441, %iota3A : vector<16xi32>
      %or3A_443 = arith.ori %or3A_438, %add3A_442 : vector<16xi32>
      %convert_element_type3A_444 = arith.extui %eq3A_425 : vector<16xi1> to vector<16xi32>
      %broadcast_in_dim3A_445 = arith.constant true
      %broadcast_in_dim3A_446 = vector.broadcast %broadcast_in_dim3A_445 : i1 to vector<16xi1>
      %masked_cumsum3A_447 = tpu.scan <sum>, %convert_element_type3A_444 masked %broadcast_in_dim3A_446 : vector<16xi32>, vector<16xi1> -> vector<16xi32>
      %add3A_448 = arith.addi %add3A_408, %masked_cumsum3A_447 : vector<16xi32>
      %sub3A_449 = arith.constant 1 : i32
      %sub3A_450 = vector.broadcast %sub3A_449 : i32 to vector<16xi32>
      %sub3A_451 = arith.subi %add3A_448, %sub3A_450 : vector<16xi32>
      tpu.vector_store_idx %arg12[%sub3A_451], %or3A_443 masked %eq3A_425 : memref<16384xi32, #tpu.memory_space<vmem>>[vector<16xi32>], vector<16xi32>, vector<16xi1>
      %all_reduce_population_count3A_452 = tpu.all_reduce %eq3A_425 {dim = 0 : i64, kind = #tpu.reduction_kind<sum>} : vector<16xi1> -> vector<16xi32>
      %add3A_453 = arith.addi %add3A_408, %all_reduce_population_count3A_452 : vector<16xi32>
      scf.yield %add3A_453 : vector<16xi32>
    }
    %scan3A_117 = arith.constant 256 : i32
    %while3A = arith.constant 0 : i32
    %while3A_118 = arith.constant 0 : i32
    %while3A_119 = arith.subi %add3A_47, %while3A : i32
    %while3A_120 = arith.addi %while3A, %while3A_119 : i32
    %while3A_121 = arith.constant 1 : i32
    %while3A_122 = arith.divsi %while3A_119, %while3A_121 : i32
    %while3A_123 = arith.muli %while3A_122, %while3A_121 : i32
    %while3A_124 = arith.addi %while3A, %while3A_123 : i32
    %while3A_125 = arith.constant 1 : i32
    %while3A_126 = scf.for %while3A_279 = %while3A to %while3A_124 step %while3A_125 iter_args(%while3A_280 = %while3A_118) -> (i32)  : i32 {
      %and3A_281 = arith.constant 1 : i32
      %and3A_282 = arith.andi %while3A_279, %and3A_281 : i32
      %eq3A_283 = arith.constant 0 : i32
      %eq3A_284 = arith.cmpi eq, %and3A_282, %eq3A_283 : i32
      %convert_element_type3A_285 = arith.extui %eq3A_284 : i1 to i32
      %cond3A_286 = arith.constant 0 : i32
      %cond3A_287 = arith.cmpi ne, %convert_element_type3A_285, %cond3A_286 : i32
      scf.if %cond3A_287 {
        %dma_wait3A = arith.constant 0 : i32
        %dma_wait3A_388 = arith.constant 0 : i32
        %dma_wait3A_389 = arith.constant 0 : i32
        %dma_wait3A_390 = tpu.memref_slice %arg10[%dma_wait3A, %dma_wait3A_388, %dma_wait3A_389] : memref<2x32x1024xf32, #tpu.memory_space<vmem>> -> memref<1x32x1024xf32, #tpu.memory_space<vmem>>
        %dma_wait3A_391 = tpu.memref_squeeze %dma_wait3A_390 : memref<1x32x1024xf32, #tpu.memory_space<vmem>> -> memref<32x1024xf32, #tpu.memory_space<vmem>>
        %dma_wait3A_392 = arith.constant 0 : i32
        %dma_wait3A_393 = arith.constant 0 : i32
        %dma_wait3A_394 = tpu.memref_slice %arg2[%dma_wait3A_392, %dma_wait3A_393] : memref<32x1000000xf32, #tpu.memory_space<hbm>> -> memref<32x1024xf32, #tpu.memory_space<hbm>>
        %dma_wait3A_395 = arith.constant 0 : i32
        %dma_wait3A_396 = arith.constant 0 : i32
        %dma_wait3A_397 = tpu.memref_slice %arg10[%dma_wait3A, %dma_wait3A_395, %dma_wait3A_396] : memref<2x32x1024xf32, #tpu.memory_space<vmem>> -> memref<1x32x1024xf32, #tpu.memory_space<vmem>>
        %dma_wait3A_398 = tpu.memref_squeeze %dma_wait3A_397 : memref<1x32x1024xf32, #tpu.memory_space<vmem>> -> memref<32x1024xf32, #tpu.memory_space<vmem>>
        %dma_wait3A_399 = arith.constant 0 : i32
        %dma_wait3A_400 = arith.constant 0 : i32
        %dma_wait3A_401 = tpu.memref_slice %arg2[%dma_wait3A_399, %dma_wait3A_400] : memref<32x1000000xf32, #tpu.memory_space<hbm>> -> memref<32x1024xf32, #tpu.memory_space<hbm>>
        tpu.wait_dma2 semaphore(%arg16 : memref<!tpu.dma_semaphore, #tpu.memory_space<semaphore_mem>>) src(%dma_wait3A_401 : memref<32x1024xf32, #tpu.memory_space<hbm>>) dst(%dma_wait3A_398 : memref<32x1024xf32, #tpu.memory_space<vmem>>)
      } else {
      }
      %eq3A_288 = arith.constant 1 : i32
      %eq3A_289 = arith.cmpi eq, %and3A_282, %eq3A_288 : i32
      %convert_element_type3A_290 = arith.extui %eq3A_289 : i1 to i32
      %cond3A_291 = arith.constant 0 : i32
      %cond3A_292 = arith.cmpi ne, %convert_element_type3A_290, %cond3A_291 : i32
      scf.if %cond3A_292 {
        %dma_wait3A = arith.constant 1 : i32
        %dma_wait3A_388 = arith.constant 0 : i32
        %dma_wait3A_389 = arith.constant 0 : i32
        %dma_wait3A_390 = tpu.memref_slice %arg10[%dma_wait3A, %dma_wait3A_388, %dma_wait3A_389] : memref<2x32x1024xf32, #tpu.memory_space<vmem>> -> memref<1x32x1024xf32, #tpu.memory_space<vmem>>
        %dma_wait3A_391 = tpu.memref_squeeze %dma_wait3A_390 : memref<1x32x1024xf32, #tpu.memory_space<vmem>> -> memref<32x1024xf32, #tpu.memory_space<vmem>>
        %dma_wait3A_392 = arith.constant 0 : i32
        %dma_wait3A_393 = arith.constant 0 : i32
        %dma_wait3A_394 = tpu.memref_slice %arg2[%dma_wait3A_392, %dma_wait3A_393] : memref<32x1000000xf32, #tpu.memory_space<hbm>> -> memref<32x1024xf32, #tpu.memory_space<hbm>>
        %dma_wait3A_395 = arith.constant 0 : i32
        %dma_wait3A_396 = arith.constant 0 : i32
        %dma_wait3A_397 = tpu.memref_slice %arg10[%dma_wait3A, %dma_wait3A_395, %dma_wait3A_396] : memref<2x32x1024xf32, #tpu.memory_space<vmem>> -> memref<1x32x1024xf32, #tpu.memory_space<vmem>>
        %dma_wait3A_398 = tpu.memref_squeeze %dma_wait3A_397 : memref<1x32x1024xf32, #tpu.memory_space<vmem>> -> memref<32x1024xf32, #tpu.memory_space<vmem>>
        %dma_wait3A_399 = arith.constant 0 : i32
        %dma_wait3A_400 = arith.constant 0 : i32
        %dma_wait3A_401 = tpu.memref_slice %arg2[%dma_wait3A_399, %dma_wait3A_400] : memref<32x1000000xf32, #tpu.memory_space<hbm>> -> memref<32x1024xf32, #tpu.memory_space<hbm>>
        tpu.wait_dma2 semaphore(%arg17 : memref<!tpu.dma_semaphore, #tpu.memory_space<semaphore_mem>>) src(%dma_wait3A_401 : memref<32x1024xf32, #tpu.memory_space<hbm>>) dst(%dma_wait3A_398 : memref<32x1024xf32, #tpu.memory_space<vmem>>)
      } else {
      }
      %eq3A_293 = arith.cmpi eq, %while3A_279, %select_n3A : i32
      %mul3A_294 = arith.constant 32 : i32
      %mul3A_295 = arith.muli %mul3A_294, %while3A_279 : i32
      %add3A_296 = arith.addi %add3A, %mul3A_295 : i32
      %jit3A_297 = arith.constant 976 : i32
      %select_n3A_298 = arith.select %eq3A_293, %jit3A_297, %add3A_296 : i32
      %shift_right_arithmetic3A = arith.constant 5 : i32
      %shift_right_arithmetic3A_299 = arith.shrsi %select_n3A_298, %shift_right_arithmetic3A : i32
      %add3A_300 = arith.constant 31 : i32
      %add3A_301 = vector.broadcast %add3A_300 : i32 to vector<16xi32>
      %add3A_302 = arith.addi %scan3A_116, %add3A_301 : vector<16xi32>
      %shift_right_arithmetic3A_303 = arith.constant 5 : i32
      %shift_right_arithmetic3A_304 = vector.broadcast %shift_right_arithmetic3A_303 : i32 to vector<16xi32>
      %shift_right_arithmetic3A_305 = arith.shrsi %add3A_302, %shift_right_arithmetic3A_304 : vector<16xi32>
      %reduce_max3A = arith.constant true
      %reduce_max3A_306 = vector.broadcast %reduce_max3A : i1 to vector<16xi1>
      %reduce_max3A_307 = arith.constant -2147483648 : i32
      %reduce_max3A_308 = vector.broadcast %reduce_max3A_307 : i32 to vector<16xi32>
      %reduce_max3A_309 = arith.xori %shift_right_arithmetic3A_305, %reduce_max3A_308 : vector<16xi32>
      %reduce_max3A_310 = tpu.scan <max>, %reduce_max3A_309 masked %reduce_max3A_306 : vector<16xi32>, vector<16xi1> -> vector<16xi32>
      %reduce_max3A_311 = arith.xori %reduce_max3A_310, %reduce_max3A_308 : vector<16xi32>
      %reduce_max3A_312 = vector.extract %reduce_max3A_311[15] : i32 from vector<16xi32>
      %while3A_313 = arith.constant 0 : i32
      %while3A_314 = arith.subi %reduce_max3A_312, %while3A_313 : i32
      %while3A_315 = arith.addi %while3A_313, %while3A_314 : i32
      %while3A_316 = arith.constant 1 : i32
      %while3A_317 = arith.divsi %while3A_314, %while3A_316 : i32
      %while3A_318 = arith.muli %while3A_317, %while3A_316 : i32
      %while3A_319 = arith.addi %while3A_313, %while3A_318 : i32
      %while3A_320 = arith.constant 1 : i32
      %while3A_321 = scf.for %while3A_388 = %while3A_313 to %while3A_319 step %while3A_320 iter_args(%while3A_389 = %broadcast_in_dim3A_3) -> (vector<16xi32>)  : i32 {
        %mul3A_390 = arith.constant 2 : i32
        %mul3A_391 = arith.muli %while3A_388, %mul3A_390 : i32
        %add3A_392 = arith.constant 0 : i32
        %add3A_393 = arith.addi %mul3A_391, %add3A_392 : i32
        %mul3A_394 = arith.constant 16 : i32
        %mul3A_395 = arith.muli %add3A_393, %mul3A_394 : i32
        %multiple_of3A = tpu.assume_multiple %mul3A_395, 16 : i32
        %get3A = arith.index_cast %multiple_of3A : i32 to index
        %get3A_396 = tpu.vector_load %arg12[%get3A] {strides = array<i32>} : memref<16384xi32, #tpu.memory_space<vmem>>, vector<16xi32>,
        %mul3A_397 = arith.constant 16 : i32
        %mul3A_398 = arith.muli %add3A_393, %mul3A_397 : i32
        %add3A_399 = vector.broadcast %mul3A_398 : i32 to vector<16xi32>
        %add3A_400 = arith.addi %add3A_399, %iota3A : vector<16xi32>
        %lt3A_401 = arith.cmpi slt, %add3A_400, %scan3A_116 : vector<16xi32>
        %shift_right_arithmetic3A_402 = arith.constant 24 : i32
        %shift_right_arithmetic3A_403 = vector.broadcast %shift_right_arithmetic3A_402 : i32 to vector<16xi32>
        %shift_right_arithmetic3A_404 = arith.shrsi %get3A_396, %shift_right_arithmetic3A_403 : vector<16xi32>
        %eq3A_405 = vector.broadcast %shift_right_arithmetic3A_299 : i32 to vector<16xi32>
        %eq3A_406 = arith.cmpi eq, %shift_right_arithmetic3A_404, %eq3A_405 : vector<16xi32>
        %and3A_407 = arith.andi %lt3A_401, %eq3A_406 : vector<16xi1>
        %convert_element_type3A_408 = arith.extui %and3A_407 : vector<16xi1> to vector<16xi32>
        %broadcast_in_dim3A_409 = arith.constant true
        %broadcast_in_dim3A_410 = vector.broadcast %broadcast_in_dim3A_409 : i1 to vector<16xi1>
        %masked_cumsum3A = tpu.scan <sum>, %convert_element_type3A_408 masked %broadcast_in_dim3A_410 : vector<16xi32>, vector<16xi1> -> vector<16xi32>
        %add3A_411 = arith.addi %while3A_389, %masked_cumsum3A : vector<16xi32>
        %sub3A_412 = arith.constant 1 : i32
        %sub3A_413 = vector.broadcast %sub3A_412 : i32 to vector<16xi32>
        %sub3A_414 = arith.subi %add3A_411, %sub3A_413 : vector<16xi32>
        tpu.vector_store_idx %arg13[%sub3A_414], %get3A_396 masked %and3A_407 : memref<16384xi32, #tpu.memory_space<vmem>>[vector<16xi32>], vector<16xi32>, vector<16xi1>
        %all_reduce_population_count3A = tpu.all_reduce %and3A_407 {dim = 0 : i64, kind = #tpu.reduction_kind<sum>} : vector<16xi1> -> vector<16xi32>
        %add3A_415 = arith.addi %while3A_389, %all_reduce_population_count3A : vector<16xi32>
        %mul3A_416 = arith.constant 2 : i32
        %mul3A_417 = arith.muli %while3A_388, %mul3A_416 : i32
        %add3A_418 = arith.constant 1 : i32
        %add3A_419 = arith.addi %mul3A_417, %add3A_418 : i32
        %mul3A_420 = arith.constant 16 : i32
        %mul3A_421 = arith.muli %add3A_419, %mul3A_420 : i32
        %multiple_of3A_422 = tpu.assume_multiple %mul3A_421, 16 : i32
        %get3A_423 = arith.index_cast %multiple_of3A_422 : i32 to index
        %get3A_424 = tpu.vector_load %arg12[%get3A_423] {strides = array<i32>} : memref<16384xi32, #tpu.memory_space<vmem>>, vector<16xi32>,
        %mul3A_425 = arith.constant 16 : i32
        %mul3A_426 = arith.muli %add3A_419, %mul3A_425 : i32
        %add3A_427 = vector.broadcast %mul3A_426 : i32 to vector<16xi32>
        %add3A_428 = arith.addi %add3A_427, %iota3A : vector<16xi32>
        %lt3A_429 = arith.cmpi slt, %add3A_428, %scan3A_116 : vector<16xi32>
        %shift_right_arithmetic3A_430 = arith.constant 24 : i32
        %shift_right_arithmetic3A_431 = vector.broadcast %shift_right_arithmetic3A_430 : i32 to vector<16xi32>
        %shift_right_arithmetic3A_432 = arith.shrsi %get3A_424, %shift_right_arithmetic3A_431 : vector<16xi32>
        %eq3A_433 = vector.broadcast %shift_right_arithmetic3A_299 : i32 to vector<16xi32>
        %eq3A_434 = arith.cmpi eq, %shift_right_arithmetic3A_432, %eq3A_433 : vector<16xi32>
        %and3A_435 = arith.andi %lt3A_429, %eq3A_434 : vector<16xi1>
        %convert_element_type3A_436 = arith.extui %and3A_435 : vector<16xi1> to vector<16xi32>
        %broadcast_in_dim3A_437 = arith.constant true
        %broadcast_in_dim3A_438 = vector.broadcast %broadcast_in_dim3A_437 : i1 to vector<16xi1>
        %masked_cumsum3A_439 = tpu.scan <sum>, %convert_element_type3A_436 masked %broadcast_in_dim3A_438 : vector<16xi32>, vector<16xi1> -> vector<16xi32>
        %add3A_440 = arith.addi %add3A_415, %masked_cumsum3A_439 : vector<16xi32>
        %sub3A_441 = arith.constant 1 : i32
        %sub3A_442 = vector.broadcast %sub3A_441 : i32 to vector<16xi32>
        %sub3A_443 = arith.subi %add3A_440, %sub3A_442 : vector<16xi32>
        tpu.vector_store_idx %arg13[%sub3A_443], %get3A_424 masked %and3A_435 : memref<16384xi32, #tpu.memory_space<vmem>>[vector<16xi32>], vector<16xi32>, vector<16xi1>
        %all_reduce_population_count3A_444 = tpu.all_reduce %and3A_435 {dim = 0 : i64, kind = #tpu.reduction_kind<sum>} : vector<16xi1> -> vector<16xi32>
        %add3A_445 = arith.addi %add3A_415, %all_reduce_population_count3A_444 : vector<16xi32>
        scf.yield %add3A_445 : vector<16xi32>
      }
      %while3A_322 = arith.constant 1 : i32
      %while3A_323 = scf.for %while3A_388 = %while3A_319 to %while3A_315 step %while3A_322 iter_args(%while3A_389 = %while3A_321) -> (vector<16xi32>)  : i32 {
        %mul3A_390 = arith.constant 2 : i32
        %mul3A_391 = arith.muli %while3A_388, %mul3A_390 : i32
        %add3A_392 = arith.constant 0 : i32
        %add3A_393 = arith.addi %mul3A_391, %add3A_392 : i32
        %mul3A_394 = arith.constant 16 : i32
        %mul3A_395 = arith.muli %add3A_393, %mul3A_394 : i32
        %multiple_of3A = tpu.assume_multiple %mul3A_395, 16 : i32
        %get3A = arith.index_cast %multiple_of3A : i32 to index
        %get3A_396 = tpu.vector_load %arg12[%get3A] {strides = array<i32>} : memref<16384xi32, #tpu.memory_space<vmem>>, vector<16xi32>,
        %mul3A_397 = arith.constant 16 : i32
        %mul3A_398 = arith.muli %add3A_393, %mul3A_397 : i32
        %add3A_399 = vector.broadcast %mul3A_398 : i32 to vector<16xi32>
        %add3A_400 = arith.addi %add3A_399, %iota3A : vector<16xi32>
        %lt3A_401 = arith.cmpi slt, %add3A_400, %scan3A_116 : vector<16xi32>
        %shift_right_arithmetic3A_402 = arith.constant 24 : i32
        %shift_right_arithmetic3A_403 = vector.broadcast %shift_right_arithmetic3A_402 : i32 to vector<16xi32>
        %shift_right_arithmetic3A_404 = arith.shrsi %get3A_396, %shift_right_arithmetic3A_403 : vector<16xi32>
        %eq3A_405 = vector.broadcast %shift_right_arithmetic3A_299 : i32 to vector<16xi32>
        %eq3A_406 = arith.cmpi eq, %shift_right_arithmetic3A_404, %eq3A_405 : vector<16xi32>
        %and3A_407 = arith.andi %lt3A_401, %eq3A_406 : vector<16xi1>
        %convert_element_type3A_408 = arith.extui %and3A_407 : vector<16xi1> to vector<16xi32>
        %broadcast_in_dim3A_409 = arith.constant true
        %broadcast_in_dim3A_410 = vector.broadcast %broadcast_in_dim3A_409 : i1 to vector<16xi1>
        %masked_cumsum3A = tpu.scan <sum>, %convert_element_type3A_408 masked %broadcast_in_dim3A_410 : vector<16xi32>, vector<16xi1> -> vector<16xi32>
        %add3A_411 = arith.addi %while3A_389, %masked_cumsum3A : vector<16xi32>
        %sub3A_412 = arith.constant 1 : i32
        %sub3A_413 = vector.broadcast %sub3A_412 : i32 to vector<16xi32>
        %sub3A_414 = arith.subi %add3A_411, %sub3A_413 : vector<16xi32>
        tpu.vector_store_idx %arg13[%sub3A_414], %get3A_396 masked %and3A_407 : memref<16384xi32, #tpu.memory_space<vmem>>[vector<16xi32>], vector<16xi32>, vector<16xi1>
        %all_reduce_population_count3A = tpu.all_reduce %and3A_407 {dim = 0 : i64, kind = #tpu.reduction_kind<sum>} : vector<16xi1> -> vector<16xi32>
        %add3A_415 = arith.addi %while3A_389, %all_reduce_population_count3A : vector<16xi32>
        %mul3A_416 = arith.constant 2 : i32
        %mul3A_417 = arith.muli %while3A_388, %mul3A_416 : i32
        %add3A_418 = arith.constant 1 : i32
        %add3A_419 = arith.addi %mul3A_417, %add3A_418 : i32
        %mul3A_420 = arith.constant 16 : i32
        %mul3A_421 = arith.muli %add3A_419, %mul3A_420 : i32
        %multiple_of3A_422 = tpu.assume_multiple %mul3A_421, 16 : i32
        %get3A_423 = arith.index_cast %multiple_of3A_422 : i32 to index
        %get3A_424 = tpu.vector_load %arg12[%get3A_423] {strides = array<i32>} : memref<16384xi32, #tpu.memory_space<vmem>>, vector<16xi32>,
        %mul3A_425 = arith.constant 16 : i32
        %mul3A_426 = arith.muli %add3A_419, %mul3A_425 : i32
        %add3A_427 = vector.broadcast %mul3A_426 : i32 to vector<16xi32>
        %add3A_428 = arith.addi %add3A_427, %iota3A : vector<16xi32>
        %lt3A_429 = arith.cmpi slt, %add3A_428, %scan3A_116 : vector<16xi32>
        %shift_right_arithmetic3A_430 = arith.constant 24 : i32
        %shift_right_arithmetic3A_431 = vector.broadcast %shift_right_arithmetic3A_430 : i32 to vector<16xi32>
        %shift_right_arithmetic3A_432 = arith.shrsi %get3A_424, %shift_right_arithmetic3A_431 : vector<16xi32>
        %eq3A_433 = vector.broadcast %shift_right_arithmetic3A_299 : i32 to vector<16xi32>
        %eq3A_434 = arith.cmpi eq, %shift_right_arithmetic3A_432, %eq3A_433 : vector<16xi32>
        %and3A_435 = arith.andi %lt3A_429, %eq3A_434 : vector<16xi1>
        %convert_element_type3A_436 = arith.extui %and3A_435 : vector<16xi1> to vector<16xi32>
        %broadcast_in_dim3A_437 = arith.constant true
        %broadcast_in_dim3A_438 = vector.broadcast %broadcast_in_dim3A_437 : i1 to vector<16xi1>
        %masked_cumsum3A_439 = tpu.scan <sum>, %convert_element_type3A_436 masked %broadcast_in_dim3A_438 : vector<16xi32>, vector<16xi1> -> vector<16xi32>
        %add3A_440 = arith.addi %add3A_415, %masked_cumsum3A_439 : vector<16xi32>
        %sub3A_441 = arith.constant 1 : i32
        %sub3A_442 = vector.broadcast %sub3A_441 : i32 to vector<16xi32>
        %sub3A_443 = arith.subi %add3A_440, %sub3A_442 : vector<16xi32>
        tpu.vector_store_idx %arg13[%sub3A_443], %get3A_424 masked %and3A_435 : memref<16384xi32, #tpu.memory_space<vmem>>[vector<16xi32>], vector<16xi32>, vector<16xi1>
        %all_reduce_population_count3A_444 = tpu.all_reduce %and3A_435 {dim = 0 : i64, kind = #tpu.reduction_kind<sum>} : vector<16xi1> -> vector<16xi32>
        %add3A_445 = arith.addi %add3A_415, %all_reduce_population_count3A_444 : vector<16xi32>
        scf.yield %add3A_445 : vector<16xi32>
      }
      %reduce_max3A_324 = arith.constant true
      %reduce_max3A_325 = vector.broadcast %reduce_max3A_324 : i1 to vector<16xi1>
      %reduce_max3A_326 = arith.constant -2147483648 : i32
      %reduce_max3A_327 = vector.broadcast %reduce_max3A_326 : i32 to vector<16xi32>
      %reduce_max3A_328 = arith.xori %while3A_323, %reduce_max3A_327 : vector<16xi32>
      %reduce_max3A_329 = tpu.scan <max>, %reduce_max3A_328 masked %reduce_max3A_325 : vector<16xi32>, vector<16xi1> -> vector<16xi32>
      %reduce_max3A_330 = arith.xori %reduce_max3A_329, %reduce_max3A_327 : vector<16xi32>
      %reduce_max3A_331 = vector.extract %reduce_max3A_330[15] : i32 from vector<16xi32>
      %broadcast_in_dim3A_332 = vector.broadcast %and3A_282 : i32 to vector<16xi32>
      %add3A_333 = arith.constant 15 : i32
      %add3A_334 = arith.addi %reduce_max3A_331, %add3A_333 : i32
      %shift_right_arithmetic3A_335 = arith.constant 4 : i32
      %shift_right_arithmetic3A_336 = arith.shrsi %add3A_334, %shift_right_arithmetic3A_335 : i32
      %while3A_337 = arith.constant 0 : i32
      %while3A_338 = arith.subi %shift_right_arithmetic3A_336, %while3A_337 : i32
      %while3A_339 = arith.addi %while3A_337, %while3A_338 : i32
      %while3A_340 = arith.constant 1 : i32
      %while3A_341 = arith.divsi %while3A_338, %while3A_340 : i32
      %while3A_342 = arith.muli %while3A_341, %while3A_340 : i32
      %while3A_343 = arith.addi %while3A_337, %while3A_342 : i32
      %while3A_344 = arith.constant 1 : i32
      %while3A_345 = scf.for %while3A_388 = %while3A_337 to %while3A_343 step %while3A_344 iter_args(%while3A_389 = %while3A_280) -> (i32)  : i32 {
        %mul3A_390 = arith.constant 16 : i32
        %mul3A_391 = arith.muli %while3A_388, %mul3A_390 : i32
        %multiple_of3A = tpu.assume_multiple %mul3A_391, 16 : i32
        %get3A = arith.index_cast %multiple_of3A : i32 to index
        %get3A_392 = tpu.vector_load %arg13[%get3A] {strides = array<i32>} : memref<16384xi32, #tpu.memory_space<vmem>>, vector<16xi32>,
        %mul3A_393 = arith.constant 16 : i32
        %mul3A_394 = arith.muli %while3A_388, %mul3A_393 : i32
        %add3A_395 = vector.broadcast %mul3A_394 : i32 to vector<16xi32>
        %add3A_396 = arith.addi %add3A_395, %iota3A : vector<16xi32>
        %lt3A_397 = arith.cmpi slt, %add3A_396, %while3A_323 : vector<16xi32>
        %shift_right_arithmetic3A_398 = arith.constant 14 : i32
        %shift_right_arithmetic3A_399 = vector.broadcast %shift_right_arithmetic3A_398 : i32 to vector<16xi32>
        %shift_right_arithmetic3A_400 = arith.shrsi %get3A_392, %shift_right_arithmetic3A_399 : vector<16xi32>
        %and3A_401 = arith.constant 1023 : i32
        %and3A_402 = vector.broadcast %and3A_401 : i32 to vector<16xi32>
        %and3A_403 = arith.andi %shift_right_arithmetic3A_400, %and3A_402 : vector<16xi32>
        %jit3A_404 = arith.constant 0 : i32
        %broadcast_in_dim3A_405 = vector.broadcast %jit3A_404 : i32 to vector<16xi32>
        %select_n3A_406 = arith.select %lt3A_397, %and3A_403, %broadcast_in_dim3A_405 : vector<16xi1>, vector<16xi32>
        %add3A_407 = vector.broadcast %while3A_389 : i32 to vector<16xi32>
        %add3A_408 = arith.addi %add3A_407, %iota3A : vector<16xi32>
        %broadcast_in_dim3A_409 = arith.constant 0 : i32
        %broadcast_in_dim3A_410 = vector.broadcast %broadcast_in_dim3A_409 : i32 to vector<16xi32>
        %gather3A = tpu.vector_load_idx %arg10[%broadcast_in_dim3A_332, %broadcast_in_dim3A_410, %select_n3A_406] : memref<2x32x1024xf32, #tpu.memory_space<vmem>>[vector<16xi32>, vector<16xi32>, vector<16xi32>], vector<16xf32>,
        tpu.vector_store_idx %arg14[%add3A_408, %broadcast_in_dim3A_410], %gather3A : memref<112x128xf32, #tpu.memory_space<vmem>>[vector<16xi32>, vector<16xi32>], vector<16xf32>,
        %broadcast_in_dim3A_411 = arith.constant 1 : i32
        %broadcast_in_dim3A_412 = vector.broadcast %broadcast_in_dim3A_411 : i32 to vector<16xi32>
        %gather3A_413 = tpu.vector_load_idx %arg10[%broadcast_in_dim3A_332, %broadcast_in_dim3A_412, %select_n3A_406] : memref<2x32x1024xf32, #tpu.memory_space<vmem>>[vector<16xi32>, vector<16xi32>, vector<16xi32>], vector<16xf32>,
        tpu.vector_store_idx %arg14[%add3A_408, %broadcast_in_dim3A_412], %gather3A_413 : memref<112x128xf32, #tpu.memory_space<vmem>>[vector<16xi32>, vector<16xi32>], vector<16xf32>,
        %broadcast_in_dim3A_414 = arith.constant 2 : i32
        %broadcast_in_dim3A_415 = vector.broadcast %broadcast_in_dim3A_414 : i32 to vector<16xi32>
        %gather3A_416 = tpu.vector_load_idx %arg10[%broadcast_in_dim3A_332, %broadcast_in_dim3A_415, %select_n3A_406] : memref<2x32x1024xf32, #tpu.memory_space<vmem>>[vector<16xi32>, vector<16xi32>, vector<16xi32>], vector<16xf32>,
        tpu.vector_store_idx %arg14[%add3A_408, %broadcast_in_dim3A_415], %gather3A_416 : memref<112x128xf32, #tpu.memory_space<vmem>>[vector<16xi32>, vector<16xi32>], vector<16xf32>,
        %broadcast_in_dim3A_417 = arith.constant 3 : i32
        %broadcast_in_dim3A_418 = vector.broadcast %broadcast_in_dim3A_417 : i32 to vector<16xi32>
        %gather3A_419 = tpu.vector_load_idx %arg10[%broadcast_in_dim3A_332, %broadcast_in_dim3A_418, %select_n3A_406] : memref<2x32x1024xf32, #tpu.memory_space<vmem>>[vector<16xi32>, vector<16xi32>, vector<16xi32>], vector<16xf32>,
        tpu.vector_store_idx %arg14[%add3A_408, %broadcast_in_dim3A_418], %gather3A_419 : memref<112x128xf32, #tpu.memory_space<vmem>>[vector<16xi32>, vector<16xi32>], vector<16xf32>,
        %broadcast_in_dim3A_420 = arith.constant 4 : i32
        %broadcast_in_dim3A_421 = vector.broadcast %broadcast_in_dim3A_420 : i32 to vector<16xi32>
        %gather3A_422 = tpu.vector_load_idx %arg10[%broadcast_in_dim3A_332, %broadcast_in_dim3A_421, %select_n3A_406] : memref<2x32x1024xf32, #tpu.memory_space<vmem>>[vector<16xi32>, vector<16xi32>, vector<16xi32>], vector<16xf32>,
        tpu.vector_store_idx %arg14[%add3A_408, %broadcast_in_dim3A_421], %gather3A_422 : memref<112x128xf32, #tpu.memory_space<vmem>>[vector<16xi32>, vector<16xi32>], vector<16xf32>,
        %broadcast_in_dim3A_423 = arith.constant 5 : i32
        %broadcast_in_dim3A_424 = vector.broadcast %broadcast_in_dim3A_423 : i32 to vector<16xi32>
        %gather3A_425 = tpu.vector_load_idx %arg10[%broadcast_in_dim3A_332, %broadcast_in_dim3A_424, %select_n3A_406] : memref<2x32x1024xf32, #tpu.memory_space<vmem>>[vector<16xi32>, vector<16xi32>, vector<16xi32>], vector<16xf32>,
        tpu.vector_store_idx %arg14[%add3A_408, %broadcast_in_dim3A_424], %gather3A_425 : memref<112x128xf32, #tpu.memory_space<vmem>>[vector<16xi32>, vector<16xi32>], vector<16xf32>,
        %broadcast_in_dim3A_426 = arith.constant 6 : i32
        %broadcast_in_dim3A_427 = vector.broadcast %broadcast_in_dim3A_426 : i32 to vector<16xi32>
        %gather3A_428 = tpu.vector_load_idx %arg10[%broadcast_in_dim3A_332, %broadcast_in_dim3A_427, %select_n3A_406] : memref<2x32x1024xf32, #tpu.memory_space<vmem>>[vector<16xi32>, vector<16xi32>, vector<16xi32>], vector<16xf32>,
        tpu.vector_store_idx %arg14[%add3A_408, %broadcast_in_dim3A_427], %gather3A_428 : memref<112x128xf32, #tpu.memory_space<vmem>>[vector<16xi32>, vector<16xi32>], vector<16xf32>,
        %broadcast_in_dim3A_429 = arith.constant 7 : i32
        %broadcast_in_dim3A_430 = vector.broadcast %broadcast_in_dim3A_429 : i32 to vector<16xi32>
        %gather3A_431 = tpu.vector_load_idx %arg10[%broadcast_in_dim3A_332, %broadcast_in_dim3A_430, %select_n3A_406] : memref<2x32x1024xf32, #tpu.memory_space<vmem>>[vector<16xi32>, vector<16xi32>, vector<16xi32>], vector<16xf32>,
        tpu.vector_store_idx %arg14[%add3A_408, %broadcast_in_dim3A_430], %gather3A_431 : memref<112x128xf32, #tpu.memory_space<vmem>>[vector<16xi32>, vector<16xi32>], vector<16xf32>,
        %broadcast_in_dim3A_432 = arith.constant 8 : i32
        %broadcast_in_dim3A_433 = vector.broadcast %broadcast_in_dim3A_432 : i32 to vector<16xi32>
        %gather3A_434 = tpu.vector_load_idx %arg10[%broadcast_in_dim3A_332, %broadcast_in_dim3A_433, %select_n3A_406] : memref<2x32x1024xf32, #tpu.memory_space<vmem>>[vector<16xi32>, vector<16xi32>, vector<16xi32>], vector<16xf32>,
        tpu.vector_store_idx %arg14[%add3A_408, %broadcast_in_dim3A_433], %gather3A_434 : memref<112x128xf32, #tpu.memory_space<vmem>>[vector<16xi32>, vector<16xi32>], vector<16xf32>,
        %broadcast_in_dim3A_435 = arith.constant 9 : i32
        %broadcast_in_dim3A_436 = vector.broadcast %broadcast_in_dim3A_435 : i32 to vector<16xi32>
        %gather3A_437 = tpu.vector_load_idx %arg10[%broadcast_in_dim3A_332, %broadcast_in_dim3A_436, %select_n3A_406] : memref<2x32x1024xf32, #tpu.memory_space<vmem>>[vector<16xi32>, vector<16xi32>, vector<16xi32>], vector<16xf32>,
        tpu.vector_store_idx %arg14[%add3A_408, %broadcast_in_dim3A_436], %gather3A_437 : memref<112x128xf32, #tpu.memory_space<vmem>>[vector<16xi32>, vector<16xi32>], vector<16xf32>,
        %broadcast_in_dim3A_438 = arith.constant 10 : i32
        %broadcast_in_dim3A_439 = vector.broadcast %broadcast_in_dim3A_438 : i32 to vector<16xi32>
        %gather3A_440 = tpu.vector_load_idx %arg10[%broadcast_in_dim3A_332, %broadcast_in_dim3A_439, %select_n3A_406] : memref<2x32x1024xf32, #tpu.memory_space<vmem>>[vector<16xi32>, vector<16xi32>, vector<16xi32>], vector<16xf32>,
        tpu.vector_store_idx %arg14[%add3A_408, %broadcast_in_dim3A_439], %gather3A_440 : memref<112x128xf32, #tpu.memory_space<vmem>>[vector<16xi32>, vector<16xi32>], vector<16xf32>,
        %broadcast_in_dim3A_441 = arith.constant 11 : i32
        %broadcast_in_dim3A_442 = vector.broadcast %broadcast_in_dim3A_441 : i32 to vector<16xi32>
        %gather3A_443 = tpu.vector_load_idx %arg10[%broadcast_in_dim3A_332, %broadcast_in_dim3A_442, %select_n3A_406] : memref<2x32x1024xf32, #tpu.memory_space<vmem>>[vector<16xi32>, vector<16xi32>, vector<16xi32>], vector<16xf32>,
        tpu.vector_store_idx %arg14[%add3A_408, %broadcast_in_dim3A_442], %gather3A_443 : memref<112x128xf32, #tpu.memory_space<vmem>>[vector<16xi32>, vector<16xi32>], vector<16xf32>,
        %broadcast_in_dim3A_444 = arith.constant 12 : i32
        %broadcast_in_dim3A_445 = vector.broadcast %broadcast_in_dim3A_444 : i32 to vector<16xi32>
        %gather3A_446 = tpu.vector_load_idx %arg10[%broadcast_in_dim3A_332, %broadcast_in_dim3A_445, %select_n3A_406] : memref<2x32x1024xf32, #tpu.memory_space<vmem>>[vector<16xi32>, vector<16xi32>, vector<16xi32>], vector<16xf32>,
        tpu.vector_store_idx %arg14[%add3A_408, %broadcast_in_dim3A_445], %gather3A_446 : memref<112x128xf32, #tpu.memory_space<vmem>>[vector<16xi32>, vector<16xi32>], vector<16xf32>,
        %broadcast_in_dim3A_447 = arith.constant 13 : i32
        %broadcast_in_dim3A_448 = vector.broadcast %broadcast_in_dim3A_447 : i32 to vector<16xi32>
        %gather3A_449 = tpu.vector_load_idx %arg10[%broadcast_in_dim3A_332, %broadcast_in_dim3A_448, %select_n3A_406] : memref<2x32x1024xf32, #tpu.memory_space<vmem>>[vector<16xi32>, vector<16xi32>, vector<16xi32>], vector<16xf32>,
        tpu.vector_store_idx %arg14[%add3A_408, %broadcast_in_dim3A_448], %gather3A_449 : memref<112x128xf32, #tpu.memory_space<vmem>>[vector<16xi32>, vector<16xi32>], vector<16xf32>,
        %broadcast_in_dim3A_450 = arith.constant 14 : i32
        %broadcast_in_dim3A_451 = vector.broadcast %broadcast_in_dim3A_450 : i32 to vector<16xi32>
        %gather3A_452 = tpu.vector_load_idx %arg10[%broadcast_in_dim3A_332, %broadcast_in_dim3A_451, %select_n3A_406] : memref<2x32x1024xf32, #tpu.memory_space<vmem>>[vector<16xi32>, vector<16xi32>, vector<16xi32>], vector<16xf32>,
        tpu.vector_store_idx %arg14[%add3A_408, %broadcast_in_dim3A_451], %gather3A_452 : memref<112x128xf32, #tpu.memory_space<vmem>>[vector<16xi32>, vector<16xi32>], vector<16xf32>,
        %broadcast_in_dim3A_453 = arith.constant 15 : i32
        %broadcast_in_dim3A_454 = vector.broadcast %broadcast_in_dim3A_453 : i32 to vector<16xi32>
        %gather3A_455 = tpu.vector_load_idx %arg10[%broadcast_in_dim3A_332, %broadcast_in_dim3A_454, %select_n3A_406] : memref<2x32x1024xf32, #tpu.memory_space<vmem>>[vector<16xi32>, vector<16xi32>, vector<16xi32>], vector<16xf32>,
        tpu.vector_store_idx %arg14[%add3A_408, %broadcast_in_dim3A_454], %gather3A_455 : memref<112x128xf32, #tpu.memory_space<vmem>>[vector<16xi32>, vector<16xi32>], vector<16xf32>,
        %broadcast_in_dim3A_456 = arith.constant 16 : i32
        %broadcast_in_dim3A_457 = vector.broadcast %broadcast_in_dim3A_456 : i32 to vector<16xi32>
        %gather3A_458 = tpu.vector_load_idx %arg10[%broadcast_in_dim3A_332, %broadcast_in_dim3A_457, %select_n3A_406] : memref<2x32x1024xf32, #tpu.memory_space<vmem>>[vector<16xi32>, vector<16xi32>, vector<16xi32>], vector<16xf32>,
        tpu.vector_store_idx %arg14[%add3A_408, %broadcast_in_dim3A_457], %gather3A_458 : memref<112x128xf32, #tpu.memory_space<vmem>>[vector<16xi32>, vector<16xi32>], vector<16xf32>,
        %broadcast_in_dim3A_459 = arith.constant 17 : i32
        %broadcast_in_dim3A_460 = vector.broadcast %broadcast_in_dim3A_459 : i32 to vector<16xi32>
        %gather3A_461 = tpu.vector_load_idx %arg10[%broadcast_in_dim3A_332, %broadcast_in_dim3A_460, %select_n3A_406] : memref<2x32x1024xf32, #tpu.memory_space<vmem>>[vector<16xi32>, vector<16xi32>, vector<16xi32>], vector<16xf32>,
        tpu.vector_store_idx %arg14[%add3A_408, %broadcast_in_dim3A_460], %gather3A_461 : memref<112x128xf32, #tpu.memory_space<vmem>>[vector<16xi32>, vector<16xi32>], vector<16xf32>,
        %broadcast_in_dim3A_462 = arith.constant 18 : i32
        %broadcast_in_dim3A_463 = vector.broadcast %broadcast_in_dim3A_462 : i32 to vector<16xi32>
        %gather3A_464 = tpu.vector_load_idx %arg10[%broadcast_in_dim3A_332, %broadcast_in_dim3A_463, %select_n3A_406] : memref<2x32x1024xf32, #tpu.memory_space<vmem>>[vector<16xi32>, vector<16xi32>, vector<16xi32>], vector<16xf32>,
        tpu.vector_store_idx %arg14[%add3A_408, %broadcast_in_dim3A_463], %gather3A_464 : memref<112x128xf32, #tpu.memory_space<vmem>>[vector<16xi32>, vector<16xi32>], vector<16xf32>,
        %broadcast_in_dim3A_465 = arith.constant 19 : i32
        %broadcast_in_dim3A_466 = vector.broadcast %broadcast_in_dim3A_465 : i32 to vector<16xi32>
        %gather3A_467 = tpu.vector_load_idx %arg10[%broadcast_in_dim3A_332, %broadcast_in_dim3A_466, %select_n3A_406] : memref<2x32x1024xf32, #tpu.memory_space<vmem>>[vector<16xi32>, vector<16xi32>, vector<16xi32>], vector<16xf32>,
        tpu.vector_store_idx %arg14[%add3A_408, %broadcast_in_dim3A_466], %gather3A_467 : memref<112x128xf32, #tpu.memory_space<vmem>>[vector<16xi32>, vector<16xi32>], vector<16xf32>,
        %broadcast_in_dim3A_468 = arith.constant 20 : i32
        %broadcast_in_dim3A_469 = vector.broadcast %broadcast_in_dim3A_468 : i32 to vector<16xi32>
        %gather3A_470 = tpu.vector_load_idx %arg10[%broadcast_in_dim3A_332, %broadcast_in_dim3A_469, %select_n3A_406] : memref<2x32x1024xf32, #tpu.memory_space<vmem>>[vector<16xi32>, vector<16xi32>, vector<16xi32>], vector<16xf32>,
        tpu.vector_store_idx %arg14[%add3A_408, %broadcast_in_dim3A_469], %gather3A_470 : memref<112x128xf32, #tpu.memory_space<vmem>>[vector<16xi32>, vector<16xi32>], vector<16xf32>,
        %broadcast_in_dim3A_471 = arith.constant 21 : i32
        %broadcast_in_dim3A_472 = vector.broadcast %broadcast_in_dim3A_471 : i32 to vector<16xi32>
        %gather3A_473 = tpu.vector_load_idx %arg10[%broadcast_in_dim3A_332, %broadcast_in_dim3A_472, %select_n3A_406] : memref<2x32x1024xf32, #tpu.memory_space<vmem>>[vector<16xi32>, vector<16xi32>, vector<16xi32>], vector<16xf32>,
        tpu.vector_store_idx %arg14[%add3A_408, %broadcast_in_dim3A_472], %gather3A_473 : memref<112x128xf32, #tpu.memory_space<vmem>>[vector<16xi32>, vector<16xi32>], vector<16xf32>,
        %broadcast_in_dim3A_474 = arith.constant 22 : i32
        %broadcast_in_dim3A_475 = vector.broadcast %broadcast_in_dim3A_474 : i32 to vector<16xi32>
        %gather3A_476 = tpu.vector_load_idx %arg10[%broadcast_in_dim3A_332, %broadcast_in_dim3A_475, %select_n3A_406] : memref<2x32x1024xf32, #tpu.memory_space<vmem>>[vector<16xi32>, vector<16xi32>, vector<16xi32>], vector<16xf32>,
        tpu.vector_store_idx %arg14[%add3A_408, %broadcast_in_dim3A_475], %gather3A_476 : memref<112x128xf32, #tpu.memory_space<vmem>>[vector<16xi32>, vector<16xi32>], vector<16xf32>,
        %broadcast_in_dim3A_477 = arith.constant 23 : i32
        %broadcast_in_dim3A_478 = vector.broadcast %broadcast_in_dim3A_477 : i32 to vector<16xi32>
        %gather3A_479 = tpu.vector_load_idx %arg10[%broadcast_in_dim3A_332, %broadcast_in_dim3A_478, %select_n3A_406] : memref<2x32x1024xf32, #tpu.memory_space<vmem>>[vector<16xi32>, vector<16xi32>, vector<16xi32>], vector<16xf32>,
        tpu.vector_store_idx %arg14[%add3A_408, %broadcast_in_dim3A_478], %gather3A_479 : memref<112x128xf32, #tpu.memory_space<vmem>>[vector<16xi32>, vector<16xi32>], vector<16xf32>,
        %broadcast_in_dim3A_480 = arith.constant 24 : i32
        %broadcast_in_dim3A_481 = vector.broadcast %broadcast_in_dim3A_480 : i32 to vector<16xi32>
        %gather3A_482 = tpu.vector_load_idx %arg10[%broadcast_in_dim3A_332, %broadcast_in_dim3A_481, %select_n3A_406] : memref<2x32x1024xf32, #tpu.memory_space<vmem>>[vector<16xi32>, vector<16xi32>, vector<16xi32>], vector<16xf32>,
        tpu.vector_store_idx %arg14[%add3A_408, %broadcast_in_dim3A_481], %gather3A_482 : memref<112x128xf32, #tpu.memory_space<vmem>>[vector<16xi32>, vector<16xi32>], vector<16xf32>,
        %broadcast_in_dim3A_483 = arith.constant 25 : i32
        %broadcast_in_dim3A_484 = vector.broadcast %broadcast_in_dim3A_483 : i32 to vector<16xi32>
        %gather3A_485 = tpu.vector_load_idx %arg10[%broadcast_in_dim3A_332, %broadcast_in_dim3A_484, %select_n3A_406] : memref<2x32x1024xf32, #tpu.memory_space<vmem>>[vector<16xi32>, vector<16xi32>, vector<16xi32>], vector<16xf32>,
        tpu.vector_store_idx %arg14[%add3A_408, %broadcast_in_dim3A_484], %gather3A_485 : memref<112x128xf32, #tpu.memory_space<vmem>>[vector<16xi32>, vector<16xi32>], vector<16xf32>,
        %broadcast_in_dim3A_486 = arith.constant 26 : i32
        %broadcast_in_dim3A_487 = vector.broadcast %broadcast_in_dim3A_486 : i32 to vector<16xi32>
        %gather3A_488 = tpu.vector_load_idx %arg10[%broadcast_in_dim3A_332, %broadcast_in_dim3A_487, %select_n3A_406] : memref<2x32x1024xf32, #tpu.memory_space<vmem>>[vector<16xi32>, vector<16xi32>, vector<16xi32>], vector<16xf32>,
        tpu.vector_store_idx %arg14[%add3A_408, %broadcast_in_dim3A_487], %gather3A_488 : memref<112x128xf32, #tpu.memory_space<vmem>>[vector<16xi32>, vector<16xi32>], vector<16xf32>,
        %broadcast_in_dim3A_489 = arith.constant 27 : i32
        %broadcast_in_dim3A_490 = vector.broadcast %broadcast_in_dim3A_489 : i32 to vector<16xi32>
        %gather3A_491 = tpu.vector_load_idx %arg10[%broadcast_in_dim3A_332, %broadcast_in_dim3A_490, %select_n3A_406] : memref<2x32x1024xf32, #tpu.memory_space<vmem>>[vector<16xi32>, vector<16xi32>, vector<16xi32>], vector<16xf32>,
        tpu.vector_store_idx %arg14[%add3A_408, %broadcast_in_dim3A_490], %gather3A_491 : memref<112x128xf32, #tpu.memory_space<vmem>>[vector<16xi32>, vector<16xi32>], vector<16xf32>,
        %broadcast_in_dim3A_492 = arith.constant 28 : i32
        %broadcast_in_dim3A_493 = vector.broadcast %broadcast_in_dim3A_492 : i32 to vector<16xi32>
        %gather3A_494 = tpu.vector_load_idx %arg10[%broadcast_in_dim3A_332, %broadcast_in_dim3A_493, %select_n3A_406] : memref<2x32x1024xf32, #tpu.memory_space<vmem>>[vector<16xi32>, vector<16xi32>, vector<16xi32>], vector<16xf32>,
        tpu.vector_store_idx %arg14[%add3A_408, %broadcast_in_dim3A_493], %gather3A_494 : memref<112x128xf32, #tpu.memory_space<vmem>>[vector<16xi32>, vector<16xi32>], vector<16xf32>,
        %broadcast_in_dim3A_495 = arith.constant 29 : i32
        %broadcast_in_dim3A_496 = vector.broadcast %broadcast_in_dim3A_495 : i32 to vector<16xi32>
        %gather3A_497 = tpu.vector_load_idx %arg10[%broadcast_in_dim3A_332, %broadcast_in_dim3A_496, %select_n3A_406] : memref<2x32x1024xf32, #tpu.memory_space<vmem>>[vector<16xi32>, vector<16xi32>, vector<16xi32>], vector<16xf32>,
        tpu.vector_store_idx %arg14[%add3A_408, %broadcast_in_dim3A_496], %gather3A_497 : memref<112x128xf32, #tpu.memory_space<vmem>>[vector<16xi32>, vector<16xi32>], vector<16xf32>,
        %broadcast_in_dim3A_498 = arith.constant 30 : i32
        %broadcast_in_dim3A_499 = vector.broadcast %broadcast_in_dim3A_498 : i32 to vector<16xi32>
        %gather3A_500 = tpu.vector_load_idx %arg10[%broadcast_in_dim3A_332, %broadcast_in_dim3A_499, %select_n3A_406] : memref<2x32x1024xf32, #tpu.memory_space<vmem>>[vector<16xi32>, vector<16xi32>, vector<16xi32>], vector<16xf32>,
        tpu.vector_store_idx %arg14[%add3A_408, %broadcast_in_dim3A_499], %gather3A_500 : memref<112x128xf32, #tpu.memory_space<vmem>>[vector<16xi32>, vector<16xi32>], vector<16xf32>,
        %broadcast_in_dim3A_501 = arith.constant 31 : i32
        %broadcast_in_dim3A_502 = vector.broadcast %broadcast_in_dim3A_501 : i32 to vector<16xi32>
        %gather3A_503 = tpu.vector_load_idx %arg10[%broadcast_in_dim3A_332, %broadcast_in_dim3A_502, %select_n3A_406] : memref<2x32x1024xf32, #tpu.memory_space<vmem>>[vector<16xi32>, vector<16xi32>, vector<16xi32>], vector<16xf32>,
        tpu.vector_store_idx %arg14[%add3A_408, %broadcast_in_dim3A_502], %gather3A_503 : memref<112x128xf32, #tpu.memory_space<vmem>>[vector<16xi32>, vector<16xi32>], vector<16xf32>,
        %and3A_504 = arith.constant 16383 : i32
        %and3A_505 = vector.broadcast %and3A_504 : i32 to vector<16xi32>
        %and3A_506 = arith.andi %get3A_392, %and3A_505 : vector<16xi32>
        %broadcast_in_dim3A_507 = vector.broadcast %add3A_2 : i32 to vector<16xi32>
        %select_n3A_508 = arith.select %lt3A_397, %and3A_506, %broadcast_in_dim3A_507 : vector<16xi1>, vector<16xi32>
        tpu.vector_store_idx %arg15[%broadcast_in_dim3A_3, %add3A_408], %select_n3A_508 : memref<1x112xi32, #tpu.memory_space<vmem>>[vector<16xi32>, vector<16xi32>], vector<16xi32>,
        %add3A_509 = arith.constant 16 : i32
        %add3A_510 = arith.addi %while3A_389, %add3A_509 : i32
        %eq3A_511 = arith.constant 112 : i32
        %eq3A_512 = arith.cmpi eq, %add3A_510, %eq3A_511 : i32
        %convert_element_type3A_513 = arith.extui %eq3A_512 : i1 to i32
        %cond3A_514 = arith.constant 0 : i32
        %cond3A_515 = arith.cmpi ne, %convert_element_type3A_513, %cond3A_514 : i32
        scf.if %cond3A_515 {
          %dma_start3A = arith.constant 0 : i32
          %dma_start3A_520 = arith.constant 0 : i32
          %dma_start3A_521 = tpu.memref_slice %arg15[%dma_start3A, %dma_start3A_520] : memref<1x112xi32, #tpu.memory_space<vmem>> -> memref<1x112xi32, #tpu.memory_space<vmem>>
          %dma_start3A_522 = tpu.memref_squeeze %dma_start3A_521 : memref<1x112xi32, #tpu.memory_space<vmem>> -> memref<112xi32, #tpu.memory_space<vmem>>
          %dma_start3A_523 = arith.constant 0 : i32
          %dma_start3A_524 = arith.constant 0 : i32
          %dma_start3A_525 = tpu.memref_slice %arg8[%dma_start3A_523, %dma_start3A_524] : memref<16416x128xf32, #tpu.memory_space<hbm>> -> memref<16416x128xf32, #tpu.memory_space<hbm>>
          tpu.enqueue_indirect_dma source(%arg14 : memref<112x128xf32, #tpu.memory_space<vmem>>) target(%dma_start3A_525 : memref<16416x128xf32, #tpu.memory_space<hbm>>) offsets(%dma_start3A_522 : memref<112xi32, #tpu.memory_space<vmem>>) semaphore(%arg18 : memref<!tpu.dma_semaphore, #tpu.memory_space<semaphore_mem>>)
          %dma_wait3A = arith.constant 0 : i32
          %dma_wait3A_526 = arith.constant 0 : i32
          %dma_wait3A_527 = tpu.memref_slice %arg15[%dma_wait3A, %dma_wait3A_526] : memref<1x112xi32, #tpu.memory_space<vmem>> -> memref<1x112xi32, #tpu.memory_space<vmem>>
          %dma_wait3A_528 = tpu.memref_squeeze %dma_wait3A_527 : memref<1x112xi32, #tpu.memory_space<vmem>> -> memref<112xi32, #tpu.memory_space<vmem>>
          %dma_wait3A_529 = arith.constant 0 : i32
          %dma_wait3A_530 = arith.constant 0 : i32
          %dma_wait3A_531 = tpu.memref_slice %arg8[%dma_wait3A_529, %dma_wait3A_530] : memref<16416x128xf32, #tpu.memory_space<hbm>> -> memref<16416x128xf32, #tpu.memory_space<hbm>>
          tpu.wait_indirect_dma semaphore(%arg18 : memref<!tpu.dma_semaphore, #tpu.memory_space<semaphore_mem>>) src(%arg14 : memref<112x128xf32, #tpu.memory_space<vmem>>) dst(%dma_wait3A_531 : memref<16416x128xf32, #tpu.memory_space<hbm>>)
        } else {
        }
        %eq3A_516 = arith.constant 112 : i32
        %eq3A_517 = arith.cmpi eq, %add3A_510, %eq3A_516 : i32
        %jit3A_518 = arith.constant 0 : i32
        %select_n3A_519 = arith.select %eq3A_517, %jit3A_518, %add3A_510 : i32
        scf.yield %select_n3A_519 : i32
      }
      %while3A_346 = arith.constant 1 : i32
      %while3A_347 = scf.for %while3A_388 = %while3A_343 to %while3A_339 step %while3A_346 iter_args(%while3A_389 = %while3A_345) -> (i32)  : i32 {
        %mul3A_390 = arith.constant 16 : i32
        %mul3A_391 = arith.muli %while3A_388, %mul3A_390 : i32
        %multiple_of3A = tpu.assume_multiple %mul3A_391, 16 : i32
        %get3A = arith.index_cast %multiple_of3A : i32 to index
        %get3A_392 = tpu.vector_load %arg13[%get3A] {strides = array<i32>} : memref<16384xi32, #tpu.memory_space<vmem>>, vector<16xi32>,
        %mul3A_393 = arith.constant 16 : i32
        %mul3A_394 = arith.muli %while3A_388, %mul3A_393 : i32
        %add3A_395 = vector.broadcast %mul3A_394 : i32 to vector<16xi32>
        %add3A_396 = arith.addi %add3A_395, %iota3A : vector<16xi32>
        %lt3A_397 = arith.cmpi slt, %add3A_396, %while3A_323 : vector<16xi32>
        %shift_right_arithmetic3A_398 = arith.constant 14 : i32
        %shift_right_arithmetic3A_399 = vector.broadcast %shift_right_arithmetic3A_398 : i32 to vector<16xi32>
        %shift_right_arithmetic3A_400 = arith.shrsi %get3A_392, %shift_right_arithmetic3A_399 : vector<16xi32>
        %and3A_401 = arith.constant 1023 : i32
        %and3A_402 = vector.broadcast %and3A_401 : i32 to vector<16xi32>
        %and3A_403 = arith.andi %shift_right_arithmetic3A_400, %and3A_402 : vector<16xi32>
        %jit3A_404 = arith.constant 0 : i32
        %broadcast_in_dim3A_405 = vector.broadcast %jit3A_404 : i32 to vector<16xi32>
        %select_n3A_406 = arith.select %lt3A_397, %and3A_403, %broadcast_in_dim3A_405 : vector<16xi1>, vector<16xi32>
        %add3A_407 = vector.broadcast %while3A_389 : i32 to vector<16xi32>
        %add3A_408 = arith.addi %add3A_407, %iota3A : vector<16xi32>
        %broadcast_in_dim3A_409 = arith.constant 0 : i32
        %broadcast_in_dim3A_410 = vector.broadcast %broadcast_in_dim3A_409 : i32 to vector<16xi32>
        %gather3A = tpu.vector_load_idx %arg10[%broadcast_in_dim3A_332, %broadcast_in_dim3A_410, %select_n3A_406] : memref<2x32x1024xf32, #tpu.memory_space<vmem>>[vector<16xi32>, vector<16xi32>, vector<16xi32>], vector<16xf32>,
        tpu.vector_store_idx %arg14[%add3A_408, %broadcast_in_dim3A_410], %gather3A : memref<112x128xf32, #tpu.memory_space<vmem>>[vector<16xi32>, vector<16xi32>], vector<16xf32>,
        %broadcast_in_dim3A_411 = arith.constant 1 : i32
        %broadcast_in_dim3A_412 = vector.broadcast %broadcast_in_dim3A_411 : i32 to vector<16xi32>
        %gather3A_413 = tpu.vector_load_idx %arg10[%broadcast_in_dim3A_332, %broadcast_in_dim3A_412, %select_n3A_406] : memref<2x32x1024xf32, #tpu.memory_space<vmem>>[vector<16xi32>, vector<16xi32>, vector<16xi32>], vector<16xf32>,
        tpu.vector_store_idx %arg14[%add3A_408, %broadcast_in_dim3A_412], %gather3A_413 : memref<112x128xf32, #tpu.memory_space<vmem>>[vector<16xi32>, vector<16xi32>], vector<16xf32>,
        %broadcast_in_dim3A_414 = arith.constant 2 : i32
        %broadcast_in_dim3A_415 = vector.broadcast %broadcast_in_dim3A_414 : i32 to vector<16xi32>
        %gather3A_416 = tpu.vector_load_idx %arg10[%broadcast_in_dim3A_332, %broadcast_in_dim3A_415, %select_n3A_406] : memref<2x32x1024xf32, #tpu.memory_space<vmem>>[vector<16xi32>, vector<16xi32>, vector<16xi32>], vector<16xf32>,
        tpu.vector_store_idx %arg14[%add3A_408, %broadcast_in_dim3A_415], %gather3A_416 : memref<112x128xf32, #tpu.memory_space<vmem>>[vector<16xi32>, vector<16xi32>], vector<16xf32>,
        %broadcast_in_dim3A_417 = arith.constant 3 : i32
        %broadcast_in_dim3A_418 = vector.broadcast %broadcast_in_dim3A_417 : i32 to vector<16xi32>
        %gather3A_419 = tpu.vector_load_idx %arg10[%broadcast_in_dim3A_332, %broadcast_in_dim3A_418, %select_n3A_406] : memref<2x32x1024xf32, #tpu.memory_space<vmem>>[vector<16xi32>, vector<16xi32>, vector<16xi32>], vector<16xf32>,
        tpu.vector_store_idx %arg14[%add3A_408, %broadcast_in_dim3A_418], %gather3A_419 : memref<112x128xf32, #tpu.memory_space<vmem>>[vector<16xi32>, vector<16xi32>], vector<16xf32>,
        %broadcast_in_dim3A_420 = arith.constant 4 : i32
        %broadcast_in_dim3A_421 = vector.broadcast %broadcast_in_dim3A_420 : i32 to vector<16xi32>
        %gather3A_422 = tpu.vector_load_idx %arg10[%broadcast_in_dim3A_332, %broadcast_in_dim3A_421, %select_n3A_406] : memref<2x32x1024xf32, #tpu.memory_space<vmem>>[vector<16xi32>, vector<16xi32>, vector<16xi32>], vector<16xf32>,
        tpu.vector_store_idx %arg14[%add3A_408, %broadcast_in_dim3A_421], %gather3A_422 : memref<112x128xf32, #tpu.memory_space<vmem>>[vector<16xi32>, vector<16xi32>], vector<16xf32>,
        %broadcast_in_dim3A_423 = arith.constant 5 : i32
        %broadcast_in_dim3A_424 = vector.broadcast %broadcast_in_dim3A_423 : i32 to vector<16xi32>
        %gather3A_425 = tpu.vector_load_idx %arg10[%broadcast_in_dim3A_332, %broadcast_in_dim3A_424, %select_n3A_406] : memref<2x32x1024xf32, #tpu.memory_space<vmem>>[vector<16xi32>, vector<16xi32>, vector<16xi32>], vector<16xf32>,
        tpu.vector_store_idx %arg14[%add3A_408, %broadcast_in_dim3A_424], %gather3A_425 : memref<112x128xf32, #tpu.memory_space<vmem>>[vector<16xi32>, vector<16xi32>], vector<16xf32>,
        %broadcast_in_dim3A_426 = arith.constant 6 : i32
        %broadcast_in_dim3A_427 = vector.broadcast %broadcast_in_dim3A_426 : i32 to vector<16xi32>
        %gather3A_428 = tpu.vector_load_idx %arg10[%broadcast_in_dim3A_332, %broadcast_in_dim3A_427, %select_n3A_406] : memref<2x32x1024xf32, #tpu.memory_space<vmem>>[vector<16xi32>, vector<16xi32>, vector<16xi32>], vector<16xf32>,
        tpu.vector_store_idx %arg14[%add3A_408, %broadcast_in_dim3A_427], %gather3A_428 : memref<112x128xf32, #tpu.memory_space<vmem>>[vector<16xi32>, vector<16xi32>], vector<16xf32>,
        %broadcast_in_dim3A_429 = arith.constant 7 : i32
        %broadcast_in_dim3A_430 = vector.broadcast %broadcast_in_dim3A_429 : i32 to vector<16xi32>
        %gather3A_431 = tpu.vector_load_idx %arg10[%broadcast_in_dim3A_332, %broadcast_in_dim3A_430, %select_n3A_406] : memref<2x32x1024xf32, #tpu.memory_space<vmem>>[vector<16xi32>, vector<16xi32>, vector<16xi32>], vector<16xf32>,
        tpu.vector_store_idx %arg14[%add3A_408, %broadcast_in_dim3A_430], %gather3A_431 : memref<112x128xf32, #tpu.memory_space<vmem>>[vector<16xi32>, vector<16xi32>], vector<16xf32>,
        %broadcast_in_dim3A_432 = arith.constant 8 : i32
        %broadcast_in_dim3A_433 = vector.broadcast %broadcast_in_dim3A_432 : i32 to vector<16xi32>
        %gather3A_434 = tpu.vector_load_idx %arg10[%broadcast_in_dim3A_332, %broadcast_in_dim3A_433, %select_n3A_406] : memref<2x32x1024xf32, #tpu.memory_space<vmem>>[vector<16xi32>, vector<16xi32>, vector<16xi32>], vector<16xf32>,
        tpu.vector_store_idx %arg14[%add3A_408, %broadcast_in_dim3A_433], %gather3A_434 : memref<112x128xf32, #tpu.memory_space<vmem>>[vector<16xi32>, vector<16xi32>], vector<16xf32>,
        %broadcast_in_dim3A_435 = arith.constant 9 : i32
        %broadcast_in_dim3A_436 = vector.broadcast %broadcast_in_dim3A_435 : i32 to vector<16xi32>
        %gather3A_437 = tpu.vector_load_idx %arg10[%broadcast_in_dim3A_332, %broadcast_in_dim3A_436, %select_n3A_406] : memref<2x32x1024xf32, #tpu.memory_space<vmem>>[vector<16xi32>, vector<16xi32>, vector<16xi32>], vector<16xf32>,
        tpu.vector_store_idx %arg14[%add3A_408, %broadcast_in_dim3A_436], %gather3A_437 : memref<112x128xf32, #tpu.memory_space<vmem>>[vector<16xi32>, vector<16xi32>], vector<16xf32>,
        %broadcast_in_dim3A_438 = arith.constant 10 : i32
        %broadcast_in_dim3A_439 = vector.broadcast %broadcast_in_dim3A_438 : i32 to vector<16xi32>
        %gather3A_440 = tpu.vector_load_idx %arg10[%broadcast_in_dim3A_332, %broadcast_in_dim3A_439, %select_n3A_406] : memref<2x32x1024xf32, #tpu.memory_space<vmem>>[vector<16xi32>, vector<16xi32>, vector<16xi32>], vector<16xf32>,
        tpu.vector_store_idx %arg14[%add3A_408, %broadcast_in_dim3A_439], %gather3A_440 : memref<112x128xf32, #tpu.memory_space<vmem>>[vector<16xi32>, vector<16xi32>], vector<16xf32>,
        %broadcast_in_dim3A_441 = arith.constant 11 : i32
        %broadcast_in_dim3A_442 = vector.broadcast %broadcast_in_dim3A_441 : i32 to vector<16xi32>
        %gather3A_443 = tpu.vector_load_idx %arg10[%broadcast_in_dim3A_332, %broadcast_in_dim3A_442, %select_n3A_406] : memref<2x32x1024xf32, #tpu.memory_space<vmem>>[vector<16xi32>, vector<16xi32>, vector<16xi32>], vector<16xf32>,
        tpu.vector_store_idx %arg14[%add3A_408, %broadcast_in_dim3A_442], %gather3A_443 : memref<112x128xf32, #tpu.memory_space<vmem>>[vector<16xi32>, vector<16xi32>], vector<16xf32>,
        %broadcast_in_dim3A_444 = arith.constant 12 : i32
        %broadcast_in_dim3A_445 = vector.broadcast %broadcast_in_dim3A_444 : i32 to vector<16xi32>
        %gather3A_446 = tpu.vector_load_idx %arg10[%broadcast_in_dim3A_332, %broadcast_in_dim3A_445, %select_n3A_406] : memref<2x32x1024xf32, #tpu.memory_space<vmem>>[vector<16xi32>, vector<16xi32>, vector<16xi32>], vector<16xf32>,
        tpu.vector_store_idx %arg14[%add3A_408, %broadcast_in_dim3A_445], %gather3A_446 : memref<112x128xf32, #tpu.memory_space<vmem>>[vector<16xi32>, vector<16xi32>], vector<16xf32>,
        %broadcast_in_dim3A_447 = arith.constant 13 : i32
        %broadcast_in_dim3A_448 = vector.broadcast %broadcast_in_dim3A_447 : i32 to vector<16xi32>
        %gather3A_449 = tpu.vector_load_idx %arg10[%broadcast_in_dim3A_332, %broadcast_in_dim3A_448, %select_n3A_406] : memref<2x32x1024xf32, #tpu.memory_space<vmem>>[vector<16xi32>, vector<16xi32>, vector<16xi32>], vector<16xf32>,
        tpu.vector_store_idx %arg14[%add3A_408, %broadcast_in_dim3A_448], %gather3A_449 : memref<112x128xf32, #tpu.memory_space<vmem>>[vector<16xi32>, vector<16xi32>], vector<16xf32>,
        %broadcast_in_dim3A_450 = arith.constant 14 : i32
        %broadcast_in_dim3A_451 = vector.broadcast %broadcast_in_dim3A_450 : i32 to vector<16xi32>
        %gather3A_452 = tpu.vector_load_idx %arg10[%broadcast_in_dim3A_332, %broadcast_in_dim3A_451, %select_n3A_406] : memref<2x32x1024xf32, #tpu.memory_space<vmem>>[vector<16xi32>, vector<16xi32>, vector<16xi32>], vector<16xf32>,
        tpu.vector_store_idx %arg14[%add3A_408, %broadcast_in_dim3A_451], %gather3A_452 : memref<112x128xf32, #tpu.memory_space<vmem>>[vector<16xi32>, vector<16xi32>], vector<16xf32>,
        %broadcast_in_dim3A_453 = arith.constant 15 : i32
        %broadcast_in_dim3A_454 = vector.broadcast %broadcast_in_dim3A_453 : i32 to vector<16xi32>
        %gather3A_455 = tpu.vector_load_idx %arg10[%broadcast_in_dim3A_332, %broadcast_in_dim3A_454, %select_n3A_406] : memref<2x32x1024xf32, #tpu.memory_space<vmem>>[vector<16xi32>, vector<16xi32>, vector<16xi32>], vector<16xf32>,
        tpu.vector_store_idx %arg14[%add3A_408, %broadcast_in_dim3A_454], %gather3A_455 : memref<112x128xf32, #tpu.memory_space<vmem>>[vector<16xi32>, vector<16xi32>], vector<16xf32>,
        %broadcast_in_dim3A_456 = arith.constant 16 : i32
        %broadcast_in_dim3A_457 = vector.broadcast %broadcast_in_dim3A_456 : i32 to vector<16xi32>
        %gather3A_458 = tpu.vector_load_idx %arg10[%broadcast_in_dim3A_332, %broadcast_in_dim3A_457, %select_n3A_406] : memref<2x32x1024xf32, #tpu.memory_space<vmem>>[vector<16xi32>, vector<16xi32>, vector<16xi32>], vector<16xf32>,
        tpu.vector_store_idx %arg14[%add3A_408, %broadcast_in_dim3A_457], %gather3A_458 : memref<112x128xf32, #tpu.memory_space<vmem>>[vector<16xi32>, vector<16xi32>], vector<16xf32>,
        %broadcast_in_dim3A_459 = arith.constant 17 : i32
        %broadcast_in_dim3A_460 = vector.broadcast %broadcast_in_dim3A_459 : i32 to vector<16xi32>
        %gather3A_461 = tpu.vector_load_idx %arg10[%broadcast_in_dim3A_332, %broadcast_in_dim3A_460, %select_n3A_406] : memref<2x32x1024xf32, #tpu.memory_space<vmem>>[vector<16xi32>, vector<16xi32>, vector<16xi32>], vector<16xf32>,
        tpu.vector_store_idx %arg14[%add3A_408, %broadcast_in_dim3A_460], %gather3A_461 : memref<112x128xf32, #tpu.memory_space<vmem>>[vector<16xi32>, vector<16xi32>], vector<16xf32>,
        %broadcast_in_dim3A_462 = arith.constant 18 : i32
        %broadcast_in_dim3A_463 = vector.broadcast %broadcast_in_dim3A_462 : i32 to vector<16xi32>
        %gather3A_464 = tpu.vector_load_idx %arg10[%broadcast_in_dim3A_332, %broadcast_in_dim3A_463, %select_n3A_406] : memref<2x32x1024xf32, #tpu.memory_space<vmem>>[vector<16xi32>, vector<16xi32>, vector<16xi32>], vector<16xf32>,
        tpu.vector_store_idx %arg14[%add3A_408, %broadcast_in_dim3A_463], %gather3A_464 : memref<112x128xf32, #tpu.memory_space<vmem>>[vector<16xi32>, vector<16xi32>], vector<16xf32>,
        %broadcast_in_dim3A_465 = arith.constant 19 : i32
        %broadcast_in_dim3A_466 = vector.broadcast %broadcast_in_dim3A_465 : i32 to vector<16xi32>
        %gather3A_467 = tpu.vector_load_idx %arg10[%broadcast_in_dim3A_332, %broadcast_in_dim3A_466, %select_n3A_406] : memref<2x32x1024xf32, #tpu.memory_space<vmem>>[vector<16xi32>, vector<16xi32>, vector<16xi32>], vector<16xf32>,
        tpu.vector_store_idx %arg14[%add3A_408, %broadcast_in_dim3A_466], %gather3A_467 : memref<112x128xf32, #tpu.memory_space<vmem>>[vector<16xi32>, vector<16xi32>], vector<16xf32>,
        %broadcast_in_dim3A_468 = arith.constant 20 : i32
        %broadcast_in_dim3A_469 = vector.broadcast %broadcast_in_dim3A_468 : i32 to vector<16xi32>
        %gather3A_470 = tpu.vector_load_idx %arg10[%broadcast_in_dim3A_332, %broadcast_in_dim3A_469, %select_n3A_406] : memref<2x32x1024xf32, #tpu.memory_space<vmem>>[vector<16xi32>, vector<16xi32>, vector<16xi32>], vector<16xf32>,
        tpu.vector_store_idx %arg14[%add3A_408, %broadcast_in_dim3A_469], %gather3A_470 : memref<112x128xf32, #tpu.memory_space<vmem>>[vector<16xi32>, vector<16xi32>], vector<16xf32>,
        %broadcast_in_dim3A_471 = arith.constant 21 : i32
        %broadcast_in_dim3A_472 = vector.broadcast %broadcast_in_dim3A_471 : i32 to vector<16xi32>
        %gather3A_473 = tpu.vector_load_idx %arg10[%broadcast_in_dim3A_332, %broadcast_in_dim3A_472, %select_n3A_406] : memref<2x32x1024xf32, #tpu.memory_space<vmem>>[vector<16xi32>, vector<16xi32>, vector<16xi32>], vector<16xf32>,
        tpu.vector_store_idx %arg14[%add3A_408, %broadcast_in_dim3A_472], %gather3A_473 : memref<112x128xf32, #tpu.memory_space<vmem>>[vector<16xi32>, vector<16xi32>], vector<16xf32>,
        %broadcast_in_dim3A_474 = arith.constant 22 : i32
        %broadcast_in_dim3A_475 = vector.broadcast %broadcast_in_dim3A_474 : i32 to vector<16xi32>
        %gather3A_476 = tpu.vector_load_idx %arg10[%broadcast_in_dim3A_332, %broadcast_in_dim3A_475, %select_n3A_406] : memref<2x32x1024xf32, #tpu.memory_space<vmem>>[vector<16xi32>, vector<16xi32>, vector<16xi32>], vector<16xf32>,
        tpu.vector_store_idx %arg14[%add3A_408, %broadcast_in_dim3A_475], %gather3A_476 : memref<112x128xf32, #tpu.memory_space<vmem>>[vector<16xi32>, vector<16xi32>], vector<16xf32>,
        %broadcast_in_dim3A_477 = arith.constant 23 : i32
        %broadcast_in_dim3A_478 = vector.broadcast %broadcast_in_dim3A_477 : i32 to vector<16xi32>
        %gather3A_479 = tpu.vector_load_idx %arg10[%broadcast_in_dim3A_332, %broadcast_in_dim3A_478, %select_n3A_406] : memref<2x32x1024xf32, #tpu.memory_space<vmem>>[vector<16xi32>, vector<16xi32>, vector<16xi32>], vector<16xf32>,
        tpu.vector_store_idx %arg14[%add3A_408, %broadcast_in_dim3A_478], %gather3A_479 : memref<112x128xf32, #tpu.memory_space<vmem>>[vector<16xi32>, vector<16xi32>], vector<16xf32>,
        %broadcast_in_dim3A_480 = arith.constant 24 : i32
        %broadcast_in_dim3A_481 = vector.broadcast %broadcast_in_dim3A_480 : i32 to vector<16xi32>
        %gather3A_482 = tpu.vector_load_idx %arg10[%broadcast_in_dim3A_332, %broadcast_in_dim3A_481, %select_n3A_406] : memref<2x32x1024xf32, #tpu.memory_space<vmem>>[vector<16xi32>, vector<16xi32>, vector<16xi32>], vector<16xf32>,
        tpu.vector_store_idx %arg14[%add3A_408, %broadcast_in_dim3A_481], %gather3A_482 : memref<112x128xf32, #tpu.memory_space<vmem>>[vector<16xi32>, vector<16xi32>], vector<16xf32>,
        %broadcast_in_dim3A_483 = arith.constant 25 : i32
        %broadcast_in_dim3A_484 = vector.broadcast %broadcast_in_dim3A_483 : i32 to vector<16xi32>
        %gather3A_485 = tpu.vector_load_idx %arg10[%broadcast_in_dim3A_332, %broadcast_in_dim3A_484, %select_n3A_406] : memref<2x32x1024xf32, #tpu.memory_space<vmem>>[vector<16xi32>, vector<16xi32>, vector<16xi32>], vector<16xf32>,
        tpu.vector_store_idx %arg14[%add3A_408, %broadcast_in_dim3A_484], %gather3A_485 : memref<112x128xf32, #tpu.memory_space<vmem>>[vector<16xi32>, vector<16xi32>], vector<16xf32>,
        %broadcast_in_dim3A_486 = arith.constant 26 : i32
        %broadcast_in_dim3A_487 = vector.broadcast %broadcast_in_dim3A_486 : i32 to vector<16xi32>
        %gather3A_488 = tpu.vector_load_idx %arg10[%broadcast_in_dim3A_332, %broadcast_in_dim3A_487, %select_n3A_406] : memref<2x32x1024xf32, #tpu.memory_space<vmem>>[vector<16xi32>, vector<16xi32>, vector<16xi32>], vector<16xf32>,
        tpu.vector_store_idx %arg14[%add3A_408, %broadcast_in_dim3A_487], %gather3A_488 : memref<112x128xf32, #tpu.memory_space<vmem>>[vector<16xi32>, vector<16xi32>], vector<16xf32>,
        %broadcast_in_dim3A_489 = arith.constant 27 : i32
        %broadcast_in_dim3A_490 = vector.broadcast %broadcast_in_dim3A_489 : i32 to vector<16xi32>
        %gather3A_491 = tpu.vector_load_idx %arg10[%broadcast_in_dim3A_332, %broadcast_in_dim3A_490, %select_n3A_406] : memref<2x32x1024xf32, #tpu.memory_space<vmem>>[vector<16xi32>, vector<16xi32>, vector<16xi32>], vector<16xf32>,
        tpu.vector_store_idx %arg14[%add3A_408, %broadcast_in_dim3A_490], %gather3A_491 : memref<112x128xf32, #tpu.memory_space<vmem>>[vector<16xi32>, vector<16xi32>], vector<16xf32>,
        %broadcast_in_dim3A_492 = arith.constant 28 : i32
        %broadcast_in_dim3A_493 = vector.broadcast %broadcast_in_dim3A_492 : i32 to vector<16xi32>
        %gather3A_494 = tpu.vector_load_idx %arg10[%broadcast_in_dim3A_332, %broadcast_in_dim3A_493, %select_n3A_406] : memref<2x32x1024xf32, #tpu.memory_space<vmem>>[vector<16xi32>, vector<16xi32>, vector<16xi32>], vector<16xf32>,
        tpu.vector_store_idx %arg14[%add3A_408, %broadcast_in_dim3A_493], %gather3A_494 : memref<112x128xf32, #tpu.memory_space<vmem>>[vector<16xi32>, vector<16xi32>], vector<16xf32>,
        %broadcast_in_dim3A_495 = arith.constant 29 : i32
        %broadcast_in_dim3A_496 = vector.broadcast %broadcast_in_dim3A_495 : i32 to vector<16xi32>
        %gather3A_497 = tpu.vector_load_idx %arg10[%broadcast_in_dim3A_332, %broadcast_in_dim3A_496, %select_n3A_406] : memref<2x32x1024xf32, #tpu.memory_space<vmem>>[vector<16xi32>, vector<16xi32>, vector<16xi32>], vector<16xf32>,
        tpu.vector_store_idx %arg14[%add3A_408, %broadcast_in_dim3A_496], %gather3A_497 : memref<112x128xf32, #tpu.memory_space<vmem>>[vector<16xi32>, vector<16xi32>], vector<16xf32>,
        %broadcast_in_dim3A_498 = arith.constant 30 : i32
        %broadcast_in_dim3A_499 = vector.broadcast %broadcast_in_dim3A_498 : i32 to vector<16xi32>
        %gather3A_500 = tpu.vector_load_idx %arg10[%broadcast_in_dim3A_332, %broadcast_in_dim3A_499, %select_n3A_406] : memref<2x32x1024xf32, #tpu.memory_space<vmem>>[vector<16xi32>, vector<16xi32>, vector<16xi32>], vector<16xf32>,
        tpu.vector_store_idx %arg14[%add3A_408, %broadcast_in_dim3A_499], %gather3A_500 : memref<112x128xf32, #tpu.memory_space<vmem>>[vector<16xi32>, vector<16xi32>], vector<16xf32>,
        %broadcast_in_dim3A_501 = arith.constant 31 : i32
        %broadcast_in_dim3A_502 = vector.broadcast %broadcast_in_dim3A_501 : i32 to vector<16xi32>
        %gather3A_503 = tpu.vector_load_idx %arg10[%broadcast_in_dim3A_332, %broadcast_in_dim3A_502, %select_n3A_406] : memref<2x32x1024xf32, #tpu.memory_space<vmem>>[vector<16xi32>, vector<16xi32>, vector<16xi32>], vector<16xf32>,
        tpu.vector_store_idx %arg14[%add3A_408, %broadcast_in_dim3A_502], %gather3A_503 : memref<112x128xf32, #tpu.memory_space<vmem>>[vector<16xi32>, vector<16xi32>], vector<16xf32>,
        %and3A_504 = arith.constant 16383 : i32
        %and3A_505 = vector.broadcast %and3A_504 : i32 to vector<16xi32>
        %and3A_506 = arith.andi %get3A_392, %and3A_505 : vector<16xi32>
        %broadcast_in_dim3A_507 = vector.broadcast %add3A_2 : i32 to vector<16xi32>
        %select_n3A_508 = arith.select %lt3A_397, %and3A_506, %broadcast_in_dim3A_507 : vector<16xi1>, vector<16xi32>
        tpu.vector_store_idx %arg15[%broadcast_in_dim3A_3, %add3A_408], %select_n3A_508 : memref<1x112xi32, #tpu.memory_space<vmem>>[vector<16xi32>, vector<16xi32>], vector<16xi32>,
        %add3A_509 = arith.constant 16 : i32
        %add3A_510 = arith.addi %while3A_389, %add3A_509 : i32
        %eq3A_511 = arith.constant 112 : i32
        %eq3A_512 = arith.cmpi eq, %add3A_510, %eq3A_511 : i32
        %convert_element_type3A_513 = arith.extui %eq3A_512 : i1 to i32
        %cond3A_514 = arith.constant 0 : i32
        %cond3A_515 = arith.cmpi ne, %convert_element_type3A_513, %cond3A_514 : i32
        scf.if %cond3A_515 {
          %dma_start3A = arith.constant 0 : i32
          %dma_start3A_520 = arith.constant 0 : i32
          %dma_start3A_521 = tpu.memref_slice %arg15[%dma_start3A, %dma_start3A_520] : memref<1x112xi32, #tpu.memory_space<vmem>> -> memref<1x112xi32, #tpu.memory_space<vmem>>
          %dma_start3A_522 = tpu.memref_squeeze %dma_start3A_521 : memref<1x112xi32, #tpu.memory_space<vmem>> -> memref<112xi32, #tpu.memory_space<vmem>>
          %dma_start3A_523 = arith.constant 0 : i32
          %dma_start3A_524 = arith.constant 0 : i32
          %dma_start3A_525 = tpu.memref_slice %arg8[%dma_start3A_523, %dma_start3A_524] : memref<16416x128xf32, #tpu.memory_space<hbm>> -> memref<16416x128xf32, #tpu.memory_space<hbm>>
          tpu.enqueue_indirect_dma source(%arg14 : memref<112x128xf32, #tpu.memory_space<vmem>>) target(%dma_start3A_525 : memref<16416x128xf32, #tpu.memory_space<hbm>>) offsets(%dma_start3A_522 : memref<112xi32, #tpu.memory_space<vmem>>) semaphore(%arg18 : memref<!tpu.dma_semaphore, #tpu.memory_space<semaphore_mem>>)
          %dma_wait3A = arith.constant 0 : i32
          %dma_wait3A_526 = arith.constant 0 : i32
          %dma_wait3A_527 = tpu.memref_slice %arg15[%dma_wait3A, %dma_wait3A_526] : memref<1x112xi32, #tpu.memory_space<vmem>> -> memref<1x112xi32, #tpu.memory_space<vmem>>
          %dma_wait3A_528 = tpu.memref_squeeze %dma_wait3A_527 : memref<1x112xi32, #tpu.memory_space<vmem>> -> memref<112xi32, #tpu.memory_space<vmem>>
          %dma_wait3A_529 = arith.constant 0 : i32
          %dma_wait3A_530 = arith.constant 0 : i32
          %dma_wait3A_531 = tpu.memref_slice %arg8[%dma_wait3A_529, %dma_wait3A_530] : memref<16416x128xf32, #tpu.memory_space<hbm>> -> memref<16416x128xf32, #tpu.memory_space<hbm>>
          tpu.wait_indirect_dma semaphore(%arg18 : memref<!tpu.dma_semaphore, #tpu.memory_space<semaphore_mem>>) src(%arg14 : memref<112x128xf32, #tpu.memory_space<vmem>>) dst(%dma_wait3A_531 : memref<16416x128xf32, #tpu.memory_space<hbm>>)
        } else {
        }
        %eq3A_516 = arith.constant 112 : i32
        %eq3A_517 = arith.cmpi eq, %add3A_510, %eq3A_516 : i32
        %jit3A_518 = arith.constant 0 : i32
        %select_n3A_519 = arith.select %eq3A_517, %jit3A_518, %add3A_510 : i32
        scf.yield %select_n3A_519 : i32
      }
      %add3A_348 = arith.constant 2 : i32
      %add3A_349 = arith.addi %while3A_279, %add3A_348 : i32
      %and3A_350 = arith.constant 1 : i32
      %and3A_351 = arith.andi %add3A_349, %and3A_350 : i32
      %lt3A = arith.cmpi slt, %add3A_349, %add3A_47 : i32
      %eq3A_352 = arith.cmpi eq, %add3A_349, %select_n3A : i32
      %mul3A_353 = arith.constant 32 : i32
      %mul3A_354 = arith.muli %mul3A_353, %add3A_349 : i32
      %add3A_355 = arith.addi %add3A, %mul3A_354 : i32
      %eq3A_356 = arith.constant 0 : i32
      %eq3A_357 = arith.cmpi eq, %and3A_351, %eq3A_356 : i32
      %and3A_358 = arith.andi %lt3A, %eq3A_357 : i1
      %not3A_359 = arith.constant true
      %not3A_360 = arith.xori %eq3A_352, %not3A_359 : i1
      %and3A_361 = arith.andi %and3A_358, %not3A_360 : i1
      %convert_element_type3A_362 = arith.extui %and3A_361 : i1 to i32
      %cond3A_363 = arith.constant 0 : i32
      %cond3A_364 = arith.cmpi ne, %convert_element_type3A_362, %cond3A_363 : i32
      scf.if %cond3A_364 {
        %mul3A_388 = arith.constant 1024 : i32
        %mul3A_389 = arith.muli %add3A_355, %mul3A_388 : i32
        %multiple_of3A = tpu.assume_multiple %mul3A_389, 1024 : i32
        %dma_start3A = arith.constant 0 : i32
        %dma_start3A_390 = arith.constant 0 : i32
        %dma_start3A_391 = arith.constant 0 : i32
        %dma_start3A_392 = tpu.memref_slice %arg10[%dma_start3A, %dma_start3A_390, %dma_start3A_391] : memref<2x32x1024xf32, #tpu.memory_space<vmem>> -> memref<1x32x1024xf32, #tpu.memory_space<vmem>>
        %dma_start3A_393 = tpu.memref_squeeze %dma_start3A_392 : memref<1x32x1024xf32, #tpu.memory_space<vmem>> -> memref<32x1024xf32, #tpu.memory_space<vmem>>
        %dma_start3A_394 = arith.constant 0 : i32
        %dma_start3A_395 = tpu.memref_slice %arg2[%dma_start3A_394, %multiple_of3A] : memref<32x1000000xf32, #tpu.memory_space<hbm>> -> memref<32x1024xf32, #tpu.memory_space<hbm>>
        %dma_start3A_396 = arith.constant 0 : i32
        %dma_start3A_397 = arith.constant 0 : i32
        %dma_start3A_398 = tpu.memref_slice %arg10[%dma_start3A, %dma_start3A_396, %dma_start3A_397] : memref<2x32x1024xf32, #tpu.memory_space<vmem>> -> memref<1x32x1024xf32, #tpu.memory_space<vmem>>
        %dma_start3A_399 = tpu.memref_squeeze %dma_start3A_398 : memref<1x32x1024xf32, #tpu.memory_space<vmem>> -> memref<32x1024xf32, #tpu.memory_space<vmem>>
        %dma_start3A_400 = arith.constant 0 : i32
        %dma_start3A_401 = tpu.memref_slice %arg2[%dma_start3A_400, %multiple_of3A] : memref<32x1000000xf32, #tpu.memory_space<hbm>> -> memref<32x1024xf32, #tpu.memory_space<hbm>>
        tpu.enqueue_dma source(%dma_start3A_401 : memref<32x1024xf32, #tpu.memory_space<hbm>>) target(%dma_start3A_399 : memref<32x1024xf32, #tpu.memory_space<vmem>>) target_semaphore(%arg16 : memref<!tpu.dma_semaphore, #tpu.memory_space<semaphore_mem>>)
      } else {
      }
      %eq3A_365 = arith.constant 0 : i32
      %eq3A_366 = arith.cmpi eq, %and3A_351, %eq3A_365 : i32
      %and3A_367 = arith.andi %lt3A, %eq3A_366 : i1
      %and3A_368 = arith.andi %and3A_367, %eq3A_352 : i1
      %convert_element_type3A_369 = arith.extui %and3A_368 : i1 to i32
      %cond3A_370 = arith.constant 0 : i32
      %cond3A_371 = arith.cmpi ne, %convert_element_type3A_369, %cond3A_370 : i32
      scf.if %cond3A_371 {
        %dma_start3A = arith.constant 0 : i32
        %dma_start3A_388 = arith.constant 0 : i32
        %dma_start3A_389 = arith.constant 0 : i32
        %dma_start3A_390 = tpu.memref_slice %arg10[%dma_start3A, %dma_start3A_388, %dma_start3A_389] : memref<2x32x1024xf32, #tpu.memory_space<vmem>> -> memref<1x32x1024xf32, #tpu.memory_space<vmem>>
        %dma_start3A_391 = tpu.memref_squeeze %dma_start3A_390 : memref<1x32x1024xf32, #tpu.memory_space<vmem>> -> memref<32x1024xf32, #tpu.memory_space<vmem>>
        %dma_start3A_392 = arith.constant 0 : i32
        %dma_start3A_393 = arith.constant 0 : i32
        %dma_start3A_394 = tpu.memref_slice %arg10[%dma_start3A, %dma_start3A_392, %dma_start3A_393] : memref<2x32x1024xf32, #tpu.memory_space<vmem>> -> memref<1x32x1024xf32, #tpu.memory_space<vmem>>
        %dma_start3A_395 = tpu.memref_squeeze %dma_start3A_394 : memref<1x32x1024xf32, #tpu.memory_space<vmem>> -> memref<32x1024xf32, #tpu.memory_space<vmem>>
        tpu.enqueue_dma source(%arg4 : memref<32x1024xf32, #tpu.memory_space<hbm>>) target(%dma_start3A_395 : memref<32x1024xf32, #tpu.memory_space<vmem>>) target_semaphore(%arg16 : memref<!tpu.dma_semaphore, #tpu.memory_space<semaphore_mem>>)
      } else {
      }
      %eq3A_372 = arith.constant 1 : i32
      %eq3A_373 = arith.cmpi eq, %and3A_351, %eq3A_372 : i32
      %and3A_374 = arith.andi %lt3A, %eq3A_373 : i1
      %not3A_375 = arith.constant true
      %not3A_376 = arith.xori %eq3A_352, %not3A_375 : i1
      %and3A_377 = arith.andi %and3A_374, %not3A_376 : i1
      %convert_element_type3A_378 = arith.extui %and3A_377 : i1 to i32
      %cond3A_379 = arith.constant 0 : i32
      %cond3A_380 = arith.cmpi ne, %convert_element_type3A_378, %cond3A_379 : i32
      scf.if %cond3A_380 {
        %mul3A_388 = arith.constant 1024 : i32
        %mul3A_389 = arith.muli %add3A_355, %mul3A_388 : i32
        %multiple_of3A = tpu.assume_multiple %mul3A_389, 1024 : i32
        %dma_start3A = arith.constant 1 : i32
        %dma_start3A_390 = arith.constant 0 : i32
        %dma_start3A_391 = arith.constant 0 : i32
        %dma_start3A_392 = tpu.memref_slice %arg10[%dma_start3A, %dma_start3A_390, %dma_start3A_391] : memref<2x32x1024xf32, #tpu.memory_space<vmem>> -> memref<1x32x1024xf32, #tpu.memory_space<vmem>>
        %dma_start3A_393 = tpu.memref_squeeze %dma_start3A_392 : memref<1x32x1024xf32, #tpu.memory_space<vmem>> -> memref<32x1024xf32, #tpu.memory_space<vmem>>
        %dma_start3A_394 = arith.constant 0 : i32
        %dma_start3A_395 = tpu.memref_slice %arg2[%dma_start3A_394, %multiple_of3A] : memref<32x1000000xf32, #tpu.memory_space<hbm>> -> memref<32x1024xf32, #tpu.memory_space<hbm>>
        %dma_start3A_396 = arith.constant 0 : i32
        %dma_start3A_397 = arith.constant 0 : i32
        %dma_start3A_398 = tpu.memref_slice %arg10[%dma_start3A, %dma_start3A_396, %dma_start3A_397] : memref<2x32x1024xf32, #tpu.memory_space<vmem>> -> memref<1x32x1024xf32, #tpu.memory_space<vmem>>
        %dma_start3A_399 = tpu.memref_squeeze %dma_start3A_398 : memref<1x32x1024xf32, #tpu.memory_space<vmem>> -> memref<32x1024xf32, #tpu.memory_space<vmem>>
        %dma_start3A_400 = arith.constant 0 : i32
        %dma_start3A_401 = tpu.memref_slice %arg2[%dma_start3A_400, %multiple_of3A] : memref<32x1000000xf32, #tpu.memory_space<hbm>> -> memref<32x1024xf32, #tpu.memory_space<hbm>>
        tpu.enqueue_dma source(%dma_start3A_401 : memref<32x1024xf32, #tpu.memory_space<hbm>>) target(%dma_start3A_399 : memref<32x1024xf32, #tpu.memory_space<vmem>>) target_semaphore(%arg17 : memref<!tpu.dma_semaphore, #tpu.memory_space<semaphore_mem>>)
      } else {
      }
      %eq3A_381 = arith.constant 1 : i32
      %eq3A_382 = arith.cmpi eq, %and3A_351, %eq3A_381 : i32
      %and3A_383 = arith.andi %lt3A, %eq3A_382 : i1
      %and3A_384 = arith.andi %and3A_383, %eq3A_352 : i1
      %convert_element_type3A_385 = arith.extui %and3A_384 : i1 to i32
      %cond3A_386 = arith.constant 0 : i32
      %cond3A_387 = arith.cmpi ne, %convert_element_type3A_385, %cond3A_386 : i32
      scf.if %cond3A_387 {
        %dma_start3A = arith.constant 1 : i32
        %dma_start3A_388 = arith.constant 0 : i32
        %dma_start3A_389 = arith.constant 0 : i32
        %dma_start3A_390 = tpu.memref_slice %arg10[%dma_start3A, %dma_start3A_388, %dma_start3A_389] : memref<2x32x1024xf32, #tpu.memory_space<vmem>> -> memref<1x32x1024xf32, #tpu.memory_space<vmem>>
        %dma_start3A_391 = tpu.memref_squeeze %dma_start3A_390 : memref<1x32x1024xf32, #tpu.memory_space<vmem>> -> memref<32x1024xf32, #tpu.memory_space<vmem>>
        %dma_start3A_392 = arith.constant 0 : i32
        %dma_start3A_393 = arith.constant 0 : i32
        %dma_start3A_394 = tpu.memref_slice %arg10[%dma_start3A, %dma_start3A_392, %dma_start3A_393] : memref<2x32x1024xf32, #tpu.memory_space<vmem>> -> memref<1x32x1024xf32, #tpu.memory_space<vmem>>
        %dma_start3A_395 = tpu.memref_squeeze %dma_start3A_394 : memref<1x32x1024xf32, #tpu.memory_space<vmem>> -> memref<32x1024xf32, #tpu.memory_space<vmem>>
        tpu.enqueue_dma source(%arg4 : memref<32x1024xf32, #tpu.memory_space<hbm>>) target(%dma_start3A_395 : memref<32x1024xf32, #tpu.memory_space<vmem>>) target_semaphore(%arg17 : memref<!tpu.dma_semaphore, #tpu.memory_space<semaphore_mem>>)
      } else {
      }
      scf.yield %while3A_347 : i32
    }
    %while3A_127 = arith.constant 1 : i32
    %while3A_128 = scf.for %while3A_279 = %while3A_124 to %while3A_120 step %while3A_127 iter_args(%while3A_280 = %while3A_126) -> (i32)  : i32 {
      %and3A_281 = arith.constant 1 : i32
      %and3A_282 = arith.andi %while3A_279, %and3A_281 : i32
      %eq3A_283 = arith.constant 0 : i32
      %eq3A_284 = arith.cmpi eq, %and3A_282, %eq3A_283 : i32
      %convert_element_type3A_285 = arith.extui %eq3A_284 : i1 to i32
      %cond3A_286 = arith.constant 0 : i32
      %cond3A_287 = arith.cmpi ne, %convert_element_type3A_285, %cond3A_286 : i32
      scf.if %cond3A_287 {
        %dma_wait3A = arith.constant 0 : i32
        %dma_wait3A_388 = arith.constant 0 : i32
        %dma_wait3A_389 = arith.constant 0 : i32
        %dma_wait3A_390 = tpu.memref_slice %arg10[%dma_wait3A, %dma_wait3A_388, %dma_wait3A_389] : memref<2x32x1024xf32, #tpu.memory_space<vmem>> -> memref<1x32x1024xf32, #tpu.memory_space<vmem>>
        %dma_wait3A_391 = tpu.memref_squeeze %dma_wait3A_390 : memref<1x32x1024xf32, #tpu.memory_space<vmem>> -> memref<32x1024xf32, #tpu.memory_space<vmem>>
        %dma_wait3A_392 = arith.constant 0 : i32
        %dma_wait3A_393 = arith.constant 0 : i32
        %dma_wait3A_394 = tpu.memref_slice %arg2[%dma_wait3A_392, %dma_wait3A_393] : memref<32x1000000xf32, #tpu.memory_space<hbm>> -> memref<32x1024xf32, #tpu.memory_space<hbm>>
        %dma_wait3A_395 = arith.constant 0 : i32
        %dma_wait3A_396 = arith.constant 0 : i32
        %dma_wait3A_397 = tpu.memref_slice %arg10[%dma_wait3A, %dma_wait3A_395, %dma_wait3A_396] : memref<2x32x1024xf32, #tpu.memory_space<vmem>> -> memref<1x32x1024xf32, #tpu.memory_space<vmem>>
        %dma_wait3A_398 = tpu.memref_squeeze %dma_wait3A_397 : memref<1x32x1024xf32, #tpu.memory_space<vmem>> -> memref<32x1024xf32, #tpu.memory_space<vmem>>
        %dma_wait3A_399 = arith.constant 0 : i32
        %dma_wait3A_400 = arith.constant 0 : i32
        %dma_wait3A_401 = tpu.memref_slice %arg2[%dma_wait3A_399, %dma_wait3A_400] : memref<32x1000000xf32, #tpu.memory_space<hbm>> -> memref<32x1024xf32, #tpu.memory_space<hbm>>
        tpu.wait_dma2 semaphore(%arg16 : memref<!tpu.dma_semaphore, #tpu.memory_space<semaphore_mem>>) src(%dma_wait3A_401 : memref<32x1024xf32, #tpu.memory_space<hbm>>) dst(%dma_wait3A_398 : memref<32x1024xf32, #tpu.memory_space<vmem>>)
      } else {
      }
      %eq3A_288 = arith.constant 1 : i32
      %eq3A_289 = arith.cmpi eq, %and3A_282, %eq3A_288 : i32
      %convert_element_type3A_290 = arith.extui %eq3A_289 : i1 to i32
      %cond3A_291 = arith.constant 0 : i32
      %cond3A_292 = arith.cmpi ne, %convert_element_type3A_290, %cond3A_291 : i32
      scf.if %cond3A_292 {
        %dma_wait3A = arith.constant 1 : i32
        %dma_wait3A_388 = arith.constant 0 : i32
        %dma_wait3A_389 = arith.constant 0 : i32
        %dma_wait3A_390 = tpu.memref_slice %arg10[%dma_wait3A, %dma_wait3A_388, %dma_wait3A_389] : memref<2x32x1024xf32, #tpu.memory_space<vmem>> -> memref<1x32x1024xf32, #tpu.memory_space<vmem>>
        %dma_wait3A_391 = tpu.memref_squeeze %dma_wait3A_390 : memref<1x32x1024xf32, #tpu.memory_space<vmem>> -> memref<32x1024xf32, #tpu.memory_space<vmem>>
        %dma_wait3A_392 = arith.constant 0 : i32
        %dma_wait3A_393 = arith.constant 0 : i32
        %dma_wait3A_394 = tpu.memref_slice %arg2[%dma_wait3A_392, %dma_wait3A_393] : memref<32x1000000xf32, #tpu.memory_space<hbm>> -> memref<32x1024xf32, #tpu.memory_space<hbm>>
        %dma_wait3A_395 = arith.constant 0 : i32
        %dma_wait3A_396 = arith.constant 0 : i32
        %dma_wait3A_397 = tpu.memref_slice %arg10[%dma_wait3A, %dma_wait3A_395, %dma_wait3A_396] : memref<2x32x1024xf32, #tpu.memory_space<vmem>> -> memref<1x32x1024xf32, #tpu.memory_space<vmem>>
        %dma_wait3A_398 = tpu.memref_squeeze %dma_wait3A_397 : memref<1x32x1024xf32, #tpu.memory_space<vmem>> -> memref<32x1024xf32, #tpu.memory_space<vmem>>
        %dma_wait3A_399 = arith.constant 0 : i32
        %dma_wait3A_400 = arith.constant 0 : i32
        %dma_wait3A_401 = tpu.memref_slice %arg2[%dma_wait3A_399, %dma_wait3A_400] : memref<32x1000000xf32, #tpu.memory_space<hbm>> -> memref<32x1024xf32, #tpu.memory_space<hbm>>
        tpu.wait_dma2 semaphore(%arg17 : memref<!tpu.dma_semaphore, #tpu.memory_space<semaphore_mem>>) src(%dma_wait3A_401 : memref<32x1024xf32, #tpu.memory_space<hbm>>) dst(%dma_wait3A_398 : memref<32x1024xf32, #tpu.memory_space<vmem>>)
      } else {
      }
      %eq3A_293 = arith.cmpi eq, %while3A_279, %select_n3A : i32
      %mul3A_294 = arith.constant 32 : i32
      %mul3A_295 = arith.muli %mul3A_294, %while3A_279 : i32
      %add3A_296 = arith.addi %add3A, %mul3A_295 : i32
      %jit3A_297 = arith.constant 976 : i32
      %select_n3A_298 = arith.select %eq3A_293, %jit3A_297, %add3A_296 : i32
      %shift_right_arithmetic3A = arith.constant 5 : i32
      %shift_right_arithmetic3A_299 = arith.shrsi %select_n3A_298, %shift_right_arithmetic3A : i32
      %add3A_300 = arith.constant 31 : i32
      %add3A_301 = vector.broadcast %add3A_300 : i32 to vector<16xi32>
      %add3A_302 = arith.addi %scan3A_116, %add3A_301 : vector<16xi32>
      %shift_right_arithmetic3A_303 = arith.constant 5 : i32
      %shift_right_arithmetic3A_304 = vector.broadcast %shift_right_arithmetic3A_303 : i32 to vector<16xi32>
      %shift_right_arithmetic3A_305 = arith.shrsi %add3A_302, %shift_right_arithmetic3A_304 : vector<16xi32>
      %reduce_max3A = arith.constant true
      %reduce_max3A_306 = vector.broadcast %reduce_max3A : i1 to vector<16xi1>
      %reduce_max3A_307 = arith.constant -2147483648 : i32
      %reduce_max3A_308 = vector.broadcast %reduce_max3A_307 : i32 to vector<16xi32>
      %reduce_max3A_309 = arith.xori %shift_right_arithmetic3A_305, %reduce_max3A_308 : vector<16xi32>
      %reduce_max3A_310 = tpu.scan <max>, %reduce_max3A_309 masked %reduce_max3A_306 : vector<16xi32>, vector<16xi1> -> vector<16xi32>
      %reduce_max3A_311 = arith.xori %reduce_max3A_310, %reduce_max3A_308 : vector<16xi32>
      %reduce_max3A_312 = vector.extract %reduce_max3A_311[15] : i32 from vector<16xi32>
      %while3A_313 = arith.constant 0 : i32
      %while3A_314 = arith.subi %reduce_max3A_312, %while3A_313 : i32
      %while3A_315 = arith.addi %while3A_313, %while3A_314 : i32
      %while3A_316 = arith.constant 1 : i32
      %while3A_317 = arith.divsi %while3A_314, %while3A_316 : i32
      %while3A_318 = arith.muli %while3A_317, %while3A_316 : i32
      %while3A_319 = arith.addi %while3A_313, %while3A_318 : i32
      %while3A_320 = arith.constant 1 : i32
      %while3A_321 = scf.for %while3A_388 = %while3A_313 to %while3A_319 step %while3A_320 iter_args(%while3A_389 = %broadcast_in_dim3A_3) -> (vector<16xi32>)  : i32 {
        %mul3A_390 = arith.constant 2 : i32
        %mul3A_391 = arith.muli %while3A_388, %mul3A_390 : i32
        %add3A_392 = arith.constant 0 : i32
        %add3A_393 = arith.addi %mul3A_391, %add3A_392 : i32
        %mul3A_394 = arith.constant 16 : i32
        %mul3A_395 = arith.muli %add3A_393, %mul3A_394 : i32
        %multiple_of3A = tpu.assume_multiple %mul3A_395, 16 : i32
        %get3A = arith.index_cast %multiple_of3A : i32 to index
        %get3A_396 = tpu.vector_load %arg12[%get3A] {strides = array<i32>} : memref<16384xi32, #tpu.memory_space<vmem>>, vector<16xi32>,
        %mul3A_397 = arith.constant 16 : i32
        %mul3A_398 = arith.muli %add3A_393, %mul3A_397 : i32
        %add3A_399 = vector.broadcast %mul3A_398 : i32 to vector<16xi32>
        %add3A_400 = arith.addi %add3A_399, %iota3A : vector<16xi32>
        %lt3A_401 = arith.cmpi slt, %add3A_400, %scan3A_116 : vector<16xi32>
        %shift_right_arithmetic3A_402 = arith.constant 24 : i32
        %shift_right_arithmetic3A_403 = vector.broadcast %shift_right_arithmetic3A_402 : i32 to vector<16xi32>
        %shift_right_arithmetic3A_404 = arith.shrsi %get3A_396, %shift_right_arithmetic3A_403 : vector<16xi32>
        %eq3A_405 = vector.broadcast %shift_right_arithmetic3A_299 : i32 to vector<16xi32>
        %eq3A_406 = arith.cmpi eq, %shift_right_arithmetic3A_404, %eq3A_405 : vector<16xi32>
        %and3A_407 = arith.andi %lt3A_401, %eq3A_406 : vector<16xi1>
        %convert_element_type3A_408 = arith.extui %and3A_407 : vector<16xi1> to vector<16xi32>
        %broadcast_in_dim3A_409 = arith.constant true
        %broadcast_in_dim3A_410 = vector.broadcast %broadcast_in_dim3A_409 : i1 to vector<16xi1>
        %masked_cumsum3A = tpu.scan <sum>, %convert_element_type3A_408 masked %broadcast_in_dim3A_410 : vector<16xi32>, vector<16xi1> -> vector<16xi32>
        %add3A_411 = arith.addi %while3A_389, %masked_cumsum3A : vector<16xi32>
        %sub3A_412 = arith.constant 1 : i32
        %sub3A_413 = vector.broadcast %sub3A_412 : i32 to vector<16xi32>
        %sub3A_414 = arith.subi %add3A_411, %sub3A_413 : vector<16xi32>
        tpu.vector_store_idx %arg13[%sub3A_414], %get3A_396 masked %and3A_407 : memref<16384xi32, #tpu.memory_space<vmem>>[vector<16xi32>], vector<16xi32>, vector<16xi1>
        %all_reduce_population_count3A = tpu.all_reduce %and3A_407 {dim = 0 : i64, kind = #tpu.reduction_kind<sum>} : vector<16xi1> -> vector<16xi32>
        %add3A_415 = arith.addi %while3A_389, %all_reduce_population_count3A : vector<16xi32>
        %mul3A_416 = arith.constant 2 : i32
        %mul3A_417 = arith.muli %while3A_388, %mul3A_416 : i32
        %add3A_418 = arith.constant 1 : i32
        %add3A_419 = arith.addi %mul3A_417, %add3A_418 : i32
        %mul3A_420 = arith.constant 16 : i32
        %mul3A_421 = arith.muli %add3A_419, %mul3A_420 : i32
        %multiple_of3A_422 = tpu.assume_multiple %mul3A_421, 16 : i32
        %get3A_423 = arith.index_cast %multiple_of3A_422 : i32 to index
        %get3A_424 = tpu.vector_load %arg12[%get3A_423] {strides = array<i32>} : memref<16384xi32, #tpu.memory_space<vmem>>, vector<16xi32>,
        %mul3A_425 = arith.constant 16 : i32
        %mul3A_426 = arith.muli %add3A_419, %mul3A_425 : i32
        %add3A_427 = vector.broadcast %mul3A_426 : i32 to vector<16xi32>
        %add3A_428 = arith.addi %add3A_427, %iota3A : vector<16xi32>
        %lt3A_429 = arith.cmpi slt, %add3A_428, %scan3A_116 : vector<16xi32>
        %shift_right_arithmetic3A_430 = arith.constant 24 : i32
        %shift_right_arithmetic3A_431 = vector.broadcast %shift_right_arithmetic3A_430 : i32 to vector<16xi32>
        %shift_right_arithmetic3A_432 = arith.shrsi %get3A_424, %shift_right_arithmetic3A_431 : vector<16xi32>
        %eq3A_433 = vector.broadcast %shift_right_arithmetic3A_299 : i32 to vector<16xi32>
        %eq3A_434 = arith.cmpi eq, %shift_right_arithmetic3A_432, %eq3A_433 : vector<16xi32>
        %and3A_435 = arith.andi %lt3A_429, %eq3A_434 : vector<16xi1>
        %convert_element_type3A_436 = arith.extui %and3A_435 : vector<16xi1> to vector<16xi32>
        %broadcast_in_dim3A_437 = arith.constant true
        %broadcast_in_dim3A_438 = vector.broadcast %broadcast_in_dim3A_437 : i1 to vector<16xi1>
        %masked_cumsum3A_439 = tpu.scan <sum>, %convert_element_type3A_436 masked %broadcast_in_dim3A_438 : vector<16xi32>, vector<16xi1> -> vector<16xi32>
        %add3A_440 = arith.addi %add3A_415, %masked_cumsum3A_439 : vector<16xi32>
        %sub3A_441 = arith.constant 1 : i32
        %sub3A_442 = vector.broadcast %sub3A_441 : i32 to vector<16xi32>
        %sub3A_443 = arith.subi %add3A_440, %sub3A_442 : vector<16xi32>
        tpu.vector_store_idx %arg13[%sub3A_443], %get3A_424 masked %and3A_435 : memref<16384xi32, #tpu.memory_space<vmem>>[vector<16xi32>], vector<16xi32>, vector<16xi1>
        %all_reduce_population_count3A_444 = tpu.all_reduce %and3A_435 {dim = 0 : i64, kind = #tpu.reduction_kind<sum>} : vector<16xi1> -> vector<16xi32>
        %add3A_445 = arith.addi %add3A_415, %all_reduce_population_count3A_444 : vector<16xi32>
        scf.yield %add3A_445 : vector<16xi32>
      }
      %while3A_322 = arith.constant 1 : i32
      %while3A_323 = scf.for %while3A_388 = %while3A_319 to %while3A_315 step %while3A_322 iter_args(%while3A_389 = %while3A_321) -> (vector<16xi32>)  : i32 {
        %mul3A_390 = arith.constant 2 : i32
        %mul3A_391 = arith.muli %while3A_388, %mul3A_390 : i32
        %add3A_392 = arith.constant 0 : i32
        %add3A_393 = arith.addi %mul3A_391, %add3A_392 : i32
        %mul3A_394 = arith.constant 16 : i32
        %mul3A_395 = arith.muli %add3A_393, %mul3A_394 : i32
        %multiple_of3A = tpu.assume_multiple %mul3A_395, 16 : i32
        %get3A = arith.index_cast %multiple_of3A : i32 to index
        %get3A_396 = tpu.vector_load %arg12[%get3A] {strides = array<i32>} : memref<16384xi32, #tpu.memory_space<vmem>>, vector<16xi32>,
        %mul3A_397 = arith.constant 16 : i32
        %mul3A_398 = arith.muli %add3A_393, %mul3A_397 : i32
        %add3A_399 = vector.broadcast %mul3A_398 : i32 to vector<16xi32>
        %add3A_400 = arith.addi %add3A_399, %iota3A : vector<16xi32>
        %lt3A_401 = arith.cmpi slt, %add3A_400, %scan3A_116 : vector<16xi32>
        %shift_right_arithmetic3A_402 = arith.constant 24 : i32
        %shift_right_arithmetic3A_403 = vector.broadcast %shift_right_arithmetic3A_402 : i32 to vector<16xi32>
        %shift_right_arithmetic3A_404 = arith.shrsi %get3A_396, %shift_right_arithmetic3A_403 : vector<16xi32>
        %eq3A_405 = vector.broadcast %shift_right_arithmetic3A_299 : i32 to vector<16xi32>
        %eq3A_406 = arith.cmpi eq, %shift_right_arithmetic3A_404, %eq3A_405 : vector<16xi32>
        %and3A_407 = arith.andi %lt3A_401, %eq3A_406 : vector<16xi1>
        %convert_element_type3A_408 = arith.extui %and3A_407 : vector<16xi1> to vector<16xi32>
        %broadcast_in_dim3A_409 = arith.constant true
        %broadcast_in_dim3A_410 = vector.broadcast %broadcast_in_dim3A_409 : i1 to vector<16xi1>
        %masked_cumsum3A = tpu.scan <sum>, %convert_element_type3A_408 masked %broadcast_in_dim3A_410 : vector<16xi32>, vector<16xi1> -> vector<16xi32>
        %add3A_411 = arith.addi %while3A_389, %masked_cumsum3A : vector<16xi32>
        %sub3A_412 = arith.constant 1 : i32
        %sub3A_413 = vector.broadcast %sub3A_412 : i32 to vector<16xi32>
        %sub3A_414 = arith.subi %add3A_411, %sub3A_413 : vector<16xi32>
        tpu.vector_store_idx %arg13[%sub3A_414], %get3A_396 masked %and3A_407 : memref<16384xi32, #tpu.memory_space<vmem>>[vector<16xi32>], vector<16xi32>, vector<16xi1>
        %all_reduce_population_count3A = tpu.all_reduce %and3A_407 {dim = 0 : i64, kind = #tpu.reduction_kind<sum>} : vector<16xi1> -> vector<16xi32>
        %add3A_415 = arith.addi %while3A_389, %all_reduce_population_count3A : vector<16xi32>
        %mul3A_416 = arith.constant 2 : i32
        %mul3A_417 = arith.muli %while3A_388, %mul3A_416 : i32
        %add3A_418 = arith.constant 1 : i32
        %add3A_419 = arith.addi %mul3A_417, %add3A_418 : i32
        %mul3A_420 = arith.constant 16 : i32
        %mul3A_421 = arith.muli %add3A_419, %mul3A_420 : i32
        %multiple_of3A_422 = tpu.assume_multiple %mul3A_421, 16 : i32
        %get3A_423 = arith.index_cast %multiple_of3A_422 : i32 to index
        %get3A_424 = tpu.vector_load %arg12[%get3A_423] {strides = array<i32>} : memref<16384xi32, #tpu.memory_space<vmem>>, vector<16xi32>,
        %mul3A_425 = arith.constant 16 : i32
        %mul3A_426 = arith.muli %add3A_419, %mul3A_425 : i32
        %add3A_427 = vector.broadcast %mul3A_426 : i32 to vector<16xi32>
        %add3A_428 = arith.addi %add3A_427, %iota3A : vector<16xi32>
        %lt3A_429 = arith.cmpi slt, %add3A_428, %scan3A_116 : vector<16xi32>
        %shift_right_arithmetic3A_430 = arith.constant 24 : i32
        %shift_right_arithmetic3A_431 = vector.broadcast %shift_right_arithmetic3A_430 : i32 to vector<16xi32>
        %shift_right_arithmetic3A_432 = arith.shrsi %get3A_424, %shift_right_arithmetic3A_431 : vector<16xi32>
        %eq3A_433 = vector.broadcast %shift_right_arithmetic3A_299 : i32 to vector<16xi32>
        %eq3A_434 = arith.cmpi eq, %shift_right_arithmetic3A_432, %eq3A_433 : vector<16xi32>
        %and3A_435 = arith.andi %lt3A_429, %eq3A_434 : vector<16xi1>
        %convert_element_type3A_436 = arith.extui %and3A_435 : vector<16xi1> to vector<16xi32>
        %broadcast_in_dim3A_437 = arith.constant true
        %broadcast_in_dim3A_438 = vector.broadcast %broadcast_in_dim3A_437 : i1 to vector<16xi1>
        %masked_cumsum3A_439 = tpu.scan <sum>, %convert_element_type3A_436 masked %broadcast_in_dim3A_438 : vector<16xi32>, vector<16xi1> -> vector<16xi32>
        %add3A_440 = arith.addi %add3A_415, %masked_cumsum3A_439 : vector<16xi32>
        %sub3A_441 = arith.constant 1 : i32
        %sub3A_442 = vector.broadcast %sub3A_441 : i32 to vector<16xi32>
        %sub3A_443 = arith.subi %add3A_440, %sub3A_442 : vector<16xi32>
        tpu.vector_store_idx %arg13[%sub3A_443], %get3A_424 masked %and3A_435 : memref<16384xi32, #tpu.memory_space<vmem>>[vector<16xi32>], vector<16xi32>, vector<16xi1>
        %all_reduce_population_count3A_444 = tpu.all_reduce %and3A_435 {dim = 0 : i64, kind = #tpu.reduction_kind<sum>} : vector<16xi1> -> vector<16xi32>
        %add3A_445 = arith.addi %add3A_415, %all_reduce_population_count3A_444 : vector<16xi32>
        scf.yield %add3A_445 : vector<16xi32>
      }
      %reduce_max3A_324 = arith.constant true
      %reduce_max3A_325 = vector.broadcast %reduce_max3A_324 : i1 to vector<16xi1>
      %reduce_max3A_326 = arith.constant -2147483648 : i32
      %reduce_max3A_327 = vector.broadcast %reduce_max3A_326 : i32 to vector<16xi32>
      %reduce_max3A_328 = arith.xori %while3A_323, %reduce_max3A_327 : vector<16xi32>
      %reduce_max3A_329 = tpu.scan <max>, %reduce_max3A_328 masked %reduce_max3A_325 : vector<16xi32>, vector<16xi1> -> vector<16xi32>
      %reduce_max3A_330 = arith.xori %reduce_max3A_329, %reduce_max3A_327 : vector<16xi32>
      %reduce_max3A_331 = vector.extract %reduce_max3A_330[15] : i32 from vector<16xi32>
      %broadcast_in_dim3A_332 = vector.broadcast %and3A_282 : i32 to vector<16xi32>
      %add3A_333 = arith.constant 15 : i32
      %add3A_334 = arith.addi %reduce_max3A_331, %add3A_333 : i32
      %shift_right_arithmetic3A_335 = arith.constant 4 : i32
      %shift_right_arithmetic3A_336 = arith.shrsi %add3A_334, %shift_right_arithmetic3A_335 : i32
      %while3A_337 = arith.constant 0 : i32
      %while3A_338 = arith.subi %shift_right_arithmetic3A_336, %while3A_337 : i32
      %while3A_339 = arith.addi %while3A_337, %while3A_338 : i32
      %while3A_340 = arith.constant 1 : i32
      %while3A_341 = arith.divsi %while3A_338, %while3A_340 : i32
      %while3A_342 = arith.muli %while3A_341, %while3A_340 : i32
      %while3A_343 = arith.addi %while3A_337, %while3A_342 : i32
      %while3A_344 = arith.constant 1 : i32
      %while3A_345 = scf.for %while3A_388 = %while3A_337 to %while3A_343 step %while3A_344 iter_args(%while3A_389 = %while3A_280) -> (i32)  : i32 {
        %mul3A_390 = arith.constant 16 : i32
        %mul3A_391 = arith.muli %while3A_388, %mul3A_390 : i32
        %multiple_of3A = tpu.assume_multiple %mul3A_391, 16 : i32
        %get3A = arith.index_cast %multiple_of3A : i32 to index
        %get3A_392 = tpu.vector_load %arg13[%get3A] {strides = array<i32>} : memref<16384xi32, #tpu.memory_space<vmem>>, vector<16xi32>,
        %mul3A_393 = arith.constant 16 : i32
        %mul3A_394 = arith.muli %while3A_388, %mul3A_393 : i32
        %add3A_395 = vector.broadcast %mul3A_394 : i32 to vector<16xi32>
        %add3A_396 = arith.addi %add3A_395, %iota3A : vector<16xi32>
        %lt3A_397 = arith.cmpi slt, %add3A_396, %while3A_323 : vector<16xi32>
        %shift_right_arithmetic3A_398 = arith.constant 14 : i32
        %shift_right_arithmetic3A_399 = vector.broadcast %shift_right_arithmetic3A_398 : i32 to vector<16xi32>
        %shift_right_arithmetic3A_400 = arith.shrsi %get3A_392, %shift_right_arithmetic3A_399 : vector<16xi32>
        %and3A_401 = arith.constant 1023 : i32
        %and3A_402 = vector.broadcast %and3A_401 : i32 to vector<16xi32>
        %and3A_403 = arith.andi %shift_right_arithmetic3A_400, %and3A_402 : vector<16xi32>
        %jit3A_404 = arith.constant 0 : i32
        %broadcast_in_dim3A_405 = vector.broadcast %jit3A_404 : i32 to vector<16xi32>
        %select_n3A_406 = arith.select %lt3A_397, %and3A_403, %broadcast_in_dim3A_405 : vector<16xi1>, vector<16xi32>
        %add3A_407 = vector.broadcast %while3A_389 : i32 to vector<16xi32>
        %add3A_408 = arith.addi %add3A_407, %iota3A : vector<16xi32>
        %broadcast_in_dim3A_409 = arith.constant 0 : i32
        %broadcast_in_dim3A_410 = vector.broadcast %broadcast_in_dim3A_409 : i32 to vector<16xi32>
        %gather3A = tpu.vector_load_idx %arg10[%broadcast_in_dim3A_332, %broadcast_in_dim3A_410, %select_n3A_406] : memref<2x32x1024xf32, #tpu.memory_space<vmem>>[vector<16xi32>, vector<16xi32>, vector<16xi32>], vector<16xf32>,
        tpu.vector_store_idx %arg14[%add3A_408, %broadcast_in_dim3A_410], %gather3A : memref<112x128xf32, #tpu.memory_space<vmem>>[vector<16xi32>, vector<16xi32>], vector<16xf32>,
        %broadcast_in_dim3A_411 = arith.constant 1 : i32
        %broadcast_in_dim3A_412 = vector.broadcast %broadcast_in_dim3A_411 : i32 to vector<16xi32>
        %gather3A_413 = tpu.vector_load_idx %arg10[%broadcast_in_dim3A_332, %broadcast_in_dim3A_412, %select_n3A_406] : memref<2x32x1024xf32, #tpu.memory_space<vmem>>[vector<16xi32>, vector<16xi32>, vector<16xi32>], vector<16xf32>,
        tpu.vector_store_idx %arg14[%add3A_408, %broadcast_in_dim3A_412], %gather3A_413 : memref<112x128xf32, #tpu.memory_space<vmem>>[vector<16xi32>, vector<16xi32>], vector<16xf32>,
        %broadcast_in_dim3A_414 = arith.constant 2 : i32
        %broadcast_in_dim3A_415 = vector.broadcast %broadcast_in_dim3A_414 : i32 to vector<16xi32>
        %gather3A_416 = tpu.vector_load_idx %arg10[%broadcast_in_dim3A_332, %broadcast_in_dim3A_415, %select_n3A_406] : memref<2x32x1024xf32, #tpu.memory_space<vmem>>[vector<16xi32>, vector<16xi32>, vector<16xi32>], vector<16xf32>,
        tpu.vector_store_idx %arg14[%add3A_408, %broadcast_in_dim3A_415], %gather3A_416 : memref<112x128xf32, #tpu.memory_space<vmem>>[vector<16xi32>, vector<16xi32>], vector<16xf32>,
        %broadcast_in_dim3A_417 = arith.constant 3 : i32
        %broadcast_in_dim3A_418 = vector.broadcast %broadcast_in_dim3A_417 : i32 to vector<16xi32>
        %gather3A_419 = tpu.vector_load_idx %arg10[%broadcast_in_dim3A_332, %broadcast_in_dim3A_418, %select_n3A_406] : memref<2x32x1024xf32, #tpu.memory_space<vmem>>[vector<16xi32>, vector<16xi32>, vector<16xi32>], vector<16xf32>,
        tpu.vector_store_idx %arg14[%add3A_408, %broadcast_in_dim3A_418], %gather3A_419 : memref<112x128xf32, #tpu.memory_space<vmem>>[vector<16xi32>, vector<16xi32>], vector<16xf32>,
        %broadcast_in_dim3A_420 = arith.constant 4 : i32
        %broadcast_in_dim3A_421 = vector.broadcast %broadcast_in_dim3A_420 : i32 to vector<16xi32>
        %gather3A_422 = tpu.vector_load_idx %arg10[%broadcast_in_dim3A_332, %broadcast_in_dim3A_421, %select_n3A_406] : memref<2x32x1024xf32, #tpu.memory_space<vmem>>[vector<16xi32>, vector<16xi32>, vector<16xi32>], vector<16xf32>,
        tpu.vector_store_idx %arg14[%add3A_408, %broadcast_in_dim3A_421], %gather3A_422 : memref<112x128xf32, #tpu.memory_space<vmem>>[vector<16xi32>, vector<16xi32>], vector<16xf32>,
        %broadcast_in_dim3A_423 = arith.constant 5 : i32
        %broadcast_in_dim3A_424 = vector.broadcast %broadcast_in_dim3A_423 : i32 to vector<16xi32>
        %gather3A_425 = tpu.vector_load_idx %arg10[%broadcast_in_dim3A_332, %broadcast_in_dim3A_424, %select_n3A_406] : memref<2x32x1024xf32, #tpu.memory_space<vmem>>[vector<16xi32>, vector<16xi32>, vector<16xi32>], vector<16xf32>,
        tpu.vector_store_idx %arg14[%add3A_408, %broadcast_in_dim3A_424], %gather3A_425 : memref<112x128xf32, #tpu.memory_space<vmem>>[vector<16xi32>, vector<16xi32>], vector<16xf32>,
        %broadcast_in_dim3A_426 = arith.constant 6 : i32
        %broadcast_in_dim3A_427 = vector.broadcast %broadcast_in_dim3A_426 : i32 to vector<16xi32>
        %gather3A_428 = tpu.vector_load_idx %arg10[%broadcast_in_dim3A_332, %broadcast_in_dim3A_427, %select_n3A_406] : memref<2x32x1024xf32, #tpu.memory_space<vmem>>[vector<16xi32>, vector<16xi32>, vector<16xi32>], vector<16xf32>,
        tpu.vector_store_idx %arg14[%add3A_408, %broadcast_in_dim3A_427], %gather3A_428 : memref<112x128xf32, #tpu.memory_space<vmem>>[vector<16xi32>, vector<16xi32>], vector<16xf32>,
        %broadcast_in_dim3A_429 = arith.constant 7 : i32
        %broadcast_in_dim3A_430 = vector.broadcast %broadcast_in_dim3A_429 : i32 to vector<16xi32>
        %gather3A_431 = tpu.vector_load_idx %arg10[%broadcast_in_dim3A_332, %broadcast_in_dim3A_430, %select_n3A_406] : memref<2x32x1024xf32, #tpu.memory_space<vmem>>[vector<16xi32>, vector<16xi32>, vector<16xi32>], vector<16xf32>,
        tpu.vector_store_idx %arg14[%add3A_408, %broadcast_in_dim3A_430], %gather3A_431 : memref<112x128xf32, #tpu.memory_space<vmem>>[vector<16xi32>, vector<16xi32>], vector<16xf32>,
        %broadcast_in_dim3A_432 = arith.constant 8 : i32
        %broadcast_in_dim3A_433 = vector.broadcast %broadcast_in_dim3A_432 : i32 to vector<16xi32>
        %gather3A_434 = tpu.vector_load_idx %arg10[%broadcast_in_dim3A_332, %broadcast_in_dim3A_433, %select_n3A_406] : memref<2x32x1024xf32, #tpu.memory_space<vmem>>[vector<16xi32>, vector<16xi32>, vector<16xi32>], vector<16xf32>,
        tpu.vector_store_idx %arg14[%add3A_408, %broadcast_in_dim3A_433], %gather3A_434 : memref<112x128xf32, #tpu.memory_space<vmem>>[vector<16xi32>, vector<16xi32>], vector<16xf32>,
        %broadcast_in_dim3A_435 = arith.constant 9 : i32
        %broadcast_in_dim3A_436 = vector.broadcast %broadcast_in_dim3A_435 : i32 to vector<16xi32>
        %gather3A_437 = tpu.vector_load_idx %arg10[%broadcast_in_dim3A_332, %broadcast_in_dim3A_436, %select_n3A_406] : memref<2x32x1024xf32, #tpu.memory_space<vmem>>[vector<16xi32>, vector<16xi32>, vector<16xi32>], vector<16xf32>,
        tpu.vector_store_idx %arg14[%add3A_408, %broadcast_in_dim3A_436], %gather3A_437 : memref<112x128xf32, #tpu.memory_space<vmem>>[vector<16xi32>, vector<16xi32>], vector<16xf32>,
        %broadcast_in_dim3A_438 = arith.constant 10 : i32
        %broadcast_in_dim3A_439 = vector.broadcast %broadcast_in_dim3A_438 : i32 to vector<16xi32>
        %gather3A_440 = tpu.vector_load_idx %arg10[%broadcast_in_dim3A_332, %broadcast_in_dim3A_439, %select_n3A_406] : memref<2x32x1024xf32, #tpu.memory_space<vmem>>[vector<16xi32>, vector<16xi32>, vector<16xi32>], vector<16xf32>,
        tpu.vector_store_idx %arg14[%add3A_408, %broadcast_in_dim3A_439], %gather3A_440 : memref<112x128xf32, #tpu.memory_space<vmem>>[vector<16xi32>, vector<16xi32>], vector<16xf32>,
        %broadcast_in_dim3A_441 = arith.constant 11 : i32
        %broadcast_in_dim3A_442 = vector.broadcast %broadcast_in_dim3A_441 : i32 to vector<16xi32>
        %gather3A_443 = tpu.vector_load_idx %arg10[%broadcast_in_dim3A_332, %broadcast_in_dim3A_442, %select_n3A_406] : memref<2x32x1024xf32, #tpu.memory_space<vmem>>[vector<16xi32>, vector<16xi32>, vector<16xi32>], vector<16xf32>,
        tpu.vector_store_idx %arg14[%add3A_408, %broadcast_in_dim3A_442], %gather3A_443 : memref<112x128xf32, #tpu.memory_space<vmem>>[vector<16xi32>, vector<16xi32>], vector<16xf32>,
        %broadcast_in_dim3A_444 = arith.constant 12 : i32
        %broadcast_in_dim3A_445 = vector.broadcast %broadcast_in_dim3A_444 : i32 to vector<16xi32>
        %gather3A_446 = tpu.vector_load_idx %arg10[%broadcast_in_dim3A_332, %broadcast_in_dim3A_445, %select_n3A_406] : memref<2x32x1024xf32, #tpu.memory_space<vmem>>[vector<16xi32>, vector<16xi32>, vector<16xi32>], vector<16xf32>,
        tpu.vector_store_idx %arg14[%add3A_408, %broadcast_in_dim3A_445], %gather3A_446 : memref<112x128xf32, #tpu.memory_space<vmem>>[vector<16xi32>, vector<16xi32>], vector<16xf32>,
        %broadcast_in_dim3A_447 = arith.constant 13 : i32
        %broadcast_in_dim3A_448 = vector.broadcast %broadcast_in_dim3A_447 : i32 to vector<16xi32>
        %gather3A_449 = tpu.vector_load_idx %arg10[%broadcast_in_dim3A_332, %broadcast_in_dim3A_448, %select_n3A_406] : memref<2x32x1024xf32, #tpu.memory_space<vmem>>[vector<16xi32>, vector<16xi32>, vector<16xi32>], vector<16xf32>,
        tpu.vector_store_idx %arg14[%add3A_408, %broadcast_in_dim3A_448], %gather3A_449 : memref<112x128xf32, #tpu.memory_space<vmem>>[vector<16xi32>, vector<16xi32>], vector<16xf32>,
        %broadcast_in_dim3A_450 = arith.constant 14 : i32
        %broadcast_in_dim3A_451 = vector.broadcast %broadcast_in_dim3A_450 : i32 to vector<16xi32>
        %gather3A_452 = tpu.vector_load_idx %arg10[%broadcast_in_dim3A_332, %broadcast_in_dim3A_451, %select_n3A_406] : memref<2x32x1024xf32, #tpu.memory_space<vmem>>[vector<16xi32>, vector<16xi32>, vector<16xi32>], vector<16xf32>,
        tpu.vector_store_idx %arg14[%add3A_408, %broadcast_in_dim3A_451], %gather3A_452 : memref<112x128xf32, #tpu.memory_space<vmem>>[vector<16xi32>, vector<16xi32>], vector<16xf32>,
        %broadcast_in_dim3A_453 = arith.constant 15 : i32
        %broadcast_in_dim3A_454 = vector.broadcast %broadcast_in_dim3A_453 : i32 to vector<16xi32>
        %gather3A_455 = tpu.vector_load_idx %arg10[%broadcast_in_dim3A_332, %broadcast_in_dim3A_454, %select_n3A_406] : memref<2x32x1024xf32, #tpu.memory_space<vmem>>[vector<16xi32>, vector<16xi32>, vector<16xi32>], vector<16xf32>,
        tpu.vector_store_idx %arg14[%add3A_408, %broadcast_in_dim3A_454], %gather3A_455 : memref<112x128xf32, #tpu.memory_space<vmem>>[vector<16xi32>, vector<16xi32>], vector<16xf32>,
        %broadcast_in_dim3A_456 = arith.constant 16 : i32
        %broadcast_in_dim3A_457 = vector.broadcast %broadcast_in_dim3A_456 : i32 to vector<16xi32>
        %gather3A_458 = tpu.vector_load_idx %arg10[%broadcast_in_dim3A_332, %broadcast_in_dim3A_457, %select_n3A_406] : memref<2x32x1024xf32, #tpu.memory_space<vmem>>[vector<16xi32>, vector<16xi32>, vector<16xi32>], vector<16xf32>,
        tpu.vector_store_idx %arg14[%add3A_408, %broadcast_in_dim3A_457], %gather3A_458 : memref<112x128xf32, #tpu.memory_space<vmem>>[vector<16xi32>, vector<16xi32>], vector<16xf32>,
        %broadcast_in_dim3A_459 = arith.constant 17 : i32
        %broadcast_in_dim3A_460 = vector.broadcast %broadcast_in_dim3A_459 : i32 to vector<16xi32>
        %gather3A_461 = tpu.vector_load_idx %arg10[%broadcast_in_dim3A_332, %broadcast_in_dim3A_460, %select_n3A_406] : memref<2x32x1024xf32, #tpu.memory_space<vmem>>[vector<16xi32>, vector<16xi32>, vector<16xi32>], vector<16xf32>,
        tpu.vector_store_idx %arg14[%add3A_408, %broadcast_in_dim3A_460], %gather3A_461 : memref<112x128xf32, #tpu.memory_space<vmem>>[vector<16xi32>, vector<16xi32>], vector<16xf32>,
        %broadcast_in_dim3A_462 = arith.constant 18 : i32
        %broadcast_in_dim3A_463 = vector.broadcast %broadcast_in_dim3A_462 : i32 to vector<16xi32>
        %gather3A_464 = tpu.vector_load_idx %arg10[%broadcast_in_dim3A_332, %broadcast_in_dim3A_463, %select_n3A_406] : memref<2x32x1024xf32, #tpu.memory_space<vmem>>[vector<16xi32>, vector<16xi32>, vector<16xi32>], vector<16xf32>,
        tpu.vector_store_idx %arg14[%add3A_408, %broadcast_in_dim3A_463], %gather3A_464 : memref<112x128xf32, #tpu.memory_space<vmem>>[vector<16xi32>, vector<16xi32>], vector<16xf32>,
        %broadcast_in_dim3A_465 = arith.constant 19 : i32
        %broadcast_in_dim3A_466 = vector.broadcast %broadcast_in_dim3A_465 : i32 to vector<16xi32>
        %gather3A_467 = tpu.vector_load_idx %arg10[%broadcast_in_dim3A_332, %broadcast_in_dim3A_466, %select_n3A_406] : memref<2x32x1024xf32, #tpu.memory_space<vmem>>[vector<16xi32>, vector<16xi32>, vector<16xi32>], vector<16xf32>,
        tpu.vector_store_idx %arg14[%add3A_408, %broadcast_in_dim3A_466], %gather3A_467 : memref<112x128xf32, #tpu.memory_space<vmem>>[vector<16xi32>, vector<16xi32>], vector<16xf32>,
        %broadcast_in_dim3A_468 = arith.constant 20 : i32
        %broadcast_in_dim3A_469 = vector.broadcast %broadcast_in_dim3A_468 : i32 to vector<16xi32>
        %gather3A_470 = tpu.vector_load_idx %arg10[%broadcast_in_dim3A_332, %broadcast_in_dim3A_469, %select_n3A_406] : memref<2x32x1024xf32, #tpu.memory_space<vmem>>[vector<16xi32>, vector<16xi32>, vector<16xi32>], vector<16xf32>,
        tpu.vector_store_idx %arg14[%add3A_408, %broadcast_in_dim3A_469], %gather3A_470 : memref<112x128xf32, #tpu.memory_space<vmem>>[vector<16xi32>, vector<16xi32>], vector<16xf32>,
        %broadcast_in_dim3A_471 = arith.constant 21 : i32
        %broadcast_in_dim3A_472 = vector.broadcast %broadcast_in_dim3A_471 : i32 to vector<16xi32>
        %gather3A_473 = tpu.vector_load_idx %arg10[%broadcast_in_dim3A_332, %broadcast_in_dim3A_472, %select_n3A_406] : memref<2x32x1024xf32, #tpu.memory_space<vmem>>[vector<16xi32>, vector<16xi32>, vector<16xi32>], vector<16xf32>,
        tpu.vector_store_idx %arg14[%add3A_408, %broadcast_in_dim3A_472], %gather3A_473 : memref<112x128xf32, #tpu.memory_space<vmem>>[vector<16xi32>, vector<16xi32>], vector<16xf32>,
        %broadcast_in_dim3A_474 = arith.constant 22 : i32
        %broadcast_in_dim3A_475 = vector.broadcast %broadcast_in_dim3A_474 : i32 to vector<16xi32>
        %gather3A_476 = tpu.vector_load_idx %arg10[%broadcast_in_dim3A_332, %broadcast_in_dim3A_475, %select_n3A_406] : memref<2x32x1024xf32, #tpu.memory_space<vmem>>[vector<16xi32>, vector<16xi32>, vector<16xi32>], vector<16xf32>,
        tpu.vector_store_idx %arg14[%add3A_408, %broadcast_in_dim3A_475], %gather3A_476 : memref<112x128xf32, #tpu.memory_space<vmem>>[vector<16xi32>, vector<16xi32>], vector<16xf32>,
        %broadcast_in_dim3A_477 = arith.constant 23 : i32
        %broadcast_in_dim3A_478 = vector.broadcast %broadcast_in_dim3A_477 : i32 to vector<16xi32>
        %gather3A_479 = tpu.vector_load_idx %arg10[%broadcast_in_dim3A_332, %broadcast_in_dim3A_478, %select_n3A_406] : memref<2x32x1024xf32, #tpu.memory_space<vmem>>[vector<16xi32>, vector<16xi32>, vector<16xi32>], vector<16xf32>,
        tpu.vector_store_idx %arg14[%add3A_408, %broadcast_in_dim3A_478], %gather3A_479 : memref<112x128xf32, #tpu.memory_space<vmem>>[vector<16xi32>, vector<16xi32>], vector<16xf32>,
        %broadcast_in_dim3A_480 = arith.constant 24 : i32
        %broadcast_in_dim3A_481 = vector.broadcast %broadcast_in_dim3A_480 : i32 to vector<16xi32>
        %gather3A_482 = tpu.vector_load_idx %arg10[%broadcast_in_dim3A_332, %broadcast_in_dim3A_481, %select_n3A_406] : memref<2x32x1024xf32, #tpu.memory_space<vmem>>[vector<16xi32>, vector<16xi32>, vector<16xi32>], vector<16xf32>,
        tpu.vector_store_idx %arg14[%add3A_408, %broadcast_in_dim3A_481], %gather3A_482 : memref<112x128xf32, #tpu.memory_space<vmem>>[vector<16xi32>, vector<16xi32>], vector<16xf32>,
        %broadcast_in_dim3A_483 = arith.constant 25 : i32
        %broadcast_in_dim3A_484 = vector.broadcast %broadcast_in_dim3A_483 : i32 to vector<16xi32>
        %gather3A_485 = tpu.vector_load_idx %arg10[%broadcast_in_dim3A_332, %broadcast_in_dim3A_484, %select_n3A_406] : memref<2x32x1024xf32, #tpu.memory_space<vmem>>[vector<16xi32>, vector<16xi32>, vector<16xi32>], vector<16xf32>,
        tpu.vector_store_idx %arg14[%add3A_408, %broadcast_in_dim3A_484], %gather3A_485 : memref<112x128xf32, #tpu.memory_space<vmem>>[vector<16xi32>, vector<16xi32>], vector<16xf32>,
        %broadcast_in_dim3A_486 = arith.constant 26 : i32
        %broadcast_in_dim3A_487 = vector.broadcast %broadcast_in_dim3A_486 : i32 to vector<16xi32>
        %gather3A_488 = tpu.vector_load_idx %arg10[%broadcast_in_dim3A_332, %broadcast_in_dim3A_487, %select_n3A_406] : memref<2x32x1024xf32, #tpu.memory_space<vmem>>[vector<16xi32>, vector<16xi32>, vector<16xi32>], vector<16xf32>,
        tpu.vector_store_idx %arg14[%add3A_408, %broadcast_in_dim3A_487], %gather3A_488 : memref<112x128xf32, #tpu.memory_space<vmem>>[vector<16xi32>, vector<16xi32>], vector<16xf32>,
        %broadcast_in_dim3A_489 = arith.constant 27 : i32
        %broadcast_in_dim3A_490 = vector.broadcast %broadcast_in_dim3A_489 : i32 to vector<16xi32>
        %gather3A_491 = tpu.vector_load_idx %arg10[%broadcast_in_dim3A_332, %broadcast_in_dim3A_490, %select_n3A_406] : memref<2x32x1024xf32, #tpu.memory_space<vmem>>[vector<16xi32>, vector<16xi32>, vector<16xi32>], vector<16xf32>,
        tpu.vector_store_idx %arg14[%add3A_408, %broadcast_in_dim3A_490], %gather3A_491 : memref<112x128xf32, #tpu.memory_space<vmem>>[vector<16xi32>, vector<16xi32>], vector<16xf32>,
        %broadcast_in_dim3A_492 = arith.constant 28 : i32
        %broadcast_in_dim3A_493 = vector.broadcast %broadcast_in_dim3A_492 : i32 to vector<16xi32>
        %gather3A_494 = tpu.vector_load_idx %arg10[%broadcast_in_dim3A_332, %broadcast_in_dim3A_493, %select_n3A_406] : memref<2x32x1024xf32, #tpu.memory_space<vmem>>[vector<16xi32>, vector<16xi32>, vector<16xi32>], vector<16xf32>,
        tpu.vector_store_idx %arg14[%add3A_408, %broadcast_in_dim3A_493], %gather3A_494 : memref<112x128xf32, #tpu.memory_space<vmem>>[vector<16xi32>, vector<16xi32>], vector<16xf32>,
        %broadcast_in_dim3A_495 = arith.constant 29 : i32
        %broadcast_in_dim3A_496 = vector.broadcast %broadcast_in_dim3A_495 : i32 to vector<16xi32>
        %gather3A_497 = tpu.vector_load_idx %arg10[%broadcast_in_dim3A_332, %broadcast_in_dim3A_496, %select_n3A_406] : memref<2x32x1024xf32, #tpu.memory_space<vmem>>[vector<16xi32>, vector<16xi32>, vector<16xi32>], vector<16xf32>,
        tpu.vector_store_idx %arg14[%add3A_408, %broadcast_in_dim3A_496], %gather3A_497 : memref<112x128xf32, #tpu.memory_space<vmem>>[vector<16xi32>, vector<16xi32>], vector<16xf32>,
        %broadcast_in_dim3A_498 = arith.constant 30 : i32
        %broadcast_in_dim3A_499 = vector.broadcast %broadcast_in_dim3A_498 : i32 to vector<16xi32>
        %gather3A_500 = tpu.vector_load_idx %arg10[%broadcast_in_dim3A_332, %broadcast_in_dim3A_499, %select_n3A_406] : memref<2x32x1024xf32, #tpu.memory_space<vmem>>[vector<16xi32>, vector<16xi32>, vector<16xi32>], vector<16xf32>,
        tpu.vector_store_idx %arg14[%add3A_408, %broadcast_in_dim3A_499], %gather3A_500 : memref<112x128xf32, #tpu.memory_space<vmem>>[vector<16xi32>, vector<16xi32>], vector<16xf32>,
        %broadcast_in_dim3A_501 = arith.constant 31 : i32
        %broadcast_in_dim3A_502 = vector.broadcast %broadcast_in_dim3A_501 : i32 to vector<16xi32>
        %gather3A_503 = tpu.vector_load_idx %arg10[%broadcast_in_dim3A_332, %broadcast_in_dim3A_502, %select_n3A_406] : memref<2x32x1024xf32, #tpu.memory_space<vmem>>[vector<16xi32>, vector<16xi32>, vector<16xi32>], vector<16xf32>,
        tpu.vector_store_idx %arg14[%add3A_408, %broadcast_in_dim3A_502], %gather3A_503 : memref<112x128xf32, #tpu.memory_space<vmem>>[vector<16xi32>, vector<16xi32>], vector<16xf32>,
        %and3A_504 = arith.constant 16383 : i32
        %and3A_505 = vector.broadcast %and3A_504 : i32 to vector<16xi32>
        %and3A_506 = arith.andi %get3A_392, %and3A_505 : vector<16xi32>
        %broadcast_in_dim3A_507 = vector.broadcast %add3A_2 : i32 to vector<16xi32>
        %select_n3A_508 = arith.select %lt3A_397, %and3A_506, %broadcast_in_dim3A_507 : vector<16xi1>, vector<16xi32>
        tpu.vector_store_idx %arg15[%broadcast_in_dim3A_3, %add3A_408], %select_n3A_508 : memref<1x112xi32, #tpu.memory_space<vmem>>[vector<16xi32>, vector<16xi32>], vector<16xi32>,
        %add3A_509 = arith.constant 16 : i32
        %add3A_510 = arith.addi %while3A_389, %add3A_509 : i32
        %eq3A_511 = arith.constant 112 : i32
        %eq3A_512 = arith.cmpi eq, %add3A_510, %eq3A_511 : i32
        %convert_element_type3A_513 = arith.extui %eq3A_512 : i1 to i32
        %cond3A_514 = arith.constant 0 : i32
        %cond3A_515 = arith.cmpi ne, %convert_element_type3A_513, %cond3A_514 : i32
        scf.if %cond3A_515 {
          %dma_start3A = arith.constant 0 : i32
          %dma_start3A_520 = arith.constant 0 : i32
          %dma_start3A_521 = tpu.memref_slice %arg15[%dma_start3A, %dma_start3A_520] : memref<1x112xi32, #tpu.memory_space<vmem>> -> memref<1x112xi32, #tpu.memory_space<vmem>>
          %dma_start3A_522 = tpu.memref_squeeze %dma_start3A_521 : memref<1x112xi32, #tpu.memory_space<vmem>> -> memref<112xi32, #tpu.memory_space<vmem>>
          %dma_start3A_523 = arith.constant 0 : i32
          %dma_start3A_524 = arith.constant 0 : i32
          %dma_start3A_525 = tpu.memref_slice %arg8[%dma_start3A_523, %dma_start3A_524] : memref<16416x128xf32, #tpu.memory_space<hbm>> -> memref<16416x128xf32, #tpu.memory_space<hbm>>
          tpu.enqueue_indirect_dma source(%arg14 : memref<112x128xf32, #tpu.memory_space<vmem>>) target(%dma_start3A_525 : memref<16416x128xf32, #tpu.memory_space<hbm>>) offsets(%dma_start3A_522 : memref<112xi32, #tpu.memory_space<vmem>>) semaphore(%arg18 : memref<!tpu.dma_semaphore, #tpu.memory_space<semaphore_mem>>)
          %dma_wait3A = arith.constant 0 : i32
          %dma_wait3A_526 = arith.constant 0 : i32
          %dma_wait3A_527 = tpu.memref_slice %arg15[%dma_wait3A, %dma_wait3A_526] : memref<1x112xi32, #tpu.memory_space<vmem>> -> memref<1x112xi32, #tpu.memory_space<vmem>>
          %dma_wait3A_528 = tpu.memref_squeeze %dma_wait3A_527 : memref<1x112xi32, #tpu.memory_space<vmem>> -> memref<112xi32, #tpu.memory_space<vmem>>
          %dma_wait3A_529 = arith.constant 0 : i32
          %dma_wait3A_530 = arith.constant 0 : i32
          %dma_wait3A_531 = tpu.memref_slice %arg8[%dma_wait3A_529, %dma_wait3A_530] : memref<16416x128xf32, #tpu.memory_space<hbm>> -> memref<16416x128xf32, #tpu.memory_space<hbm>>
          tpu.wait_indirect_dma semaphore(%arg18 : memref<!tpu.dma_semaphore, #tpu.memory_space<semaphore_mem>>) src(%arg14 : memref<112x128xf32, #tpu.memory_space<vmem>>) dst(%dma_wait3A_531 : memref<16416x128xf32, #tpu.memory_space<hbm>>)
        } else {
        }
        %eq3A_516 = arith.constant 112 : i32
        %eq3A_517 = arith.cmpi eq, %add3A_510, %eq3A_516 : i32
        %jit3A_518 = arith.constant 0 : i32
        %select_n3A_519 = arith.select %eq3A_517, %jit3A_518, %add3A_510 : i32
        scf.yield %select_n3A_519 : i32
      }
      %while3A_346 = arith.constant 1 : i32
      %while3A_347 = scf.for %while3A_388 = %while3A_343 to %while3A_339 step %while3A_346 iter_args(%while3A_389 = %while3A_345) -> (i32)  : i32 {
        %mul3A_390 = arith.constant 16 : i32
        %mul3A_391 = arith.muli %while3A_388, %mul3A_390 : i32
        %multiple_of3A = tpu.assume_multiple %mul3A_391, 16 : i32
        %get3A = arith.index_cast %multiple_of3A : i32 to index
        %get3A_392 = tpu.vector_load %arg13[%get3A] {strides = array<i32>} : memref<16384xi32, #tpu.memory_space<vmem>>, vector<16xi32>,
        %mul3A_393 = arith.constant 16 : i32
        %mul3A_394 = arith.muli %while3A_388, %mul3A_393 : i32
        %add3A_395 = vector.broadcast %mul3A_394 : i32 to vector<16xi32>
        %add3A_396 = arith.addi %add3A_395, %iota3A : vector<16xi32>
        %lt3A_397 = arith.cmpi slt, %add3A_396, %while3A_323 : vector<16xi32>
        %shift_right_arithmetic3A_398 = arith.constant 14 : i32
        %shift_right_arithmetic3A_399 = vector.broadcast %shift_right_arithmetic3A_398 : i32 to vector<16xi32>
        %shift_right_arithmetic3A_400 = arith.shrsi %get3A_392, %shift_right_arithmetic3A_399 : vector<16xi32>
        %and3A_401 = arith.constant 1023 : i32
        %and3A_402 = vector.broadcast %and3A_401 : i32 to vector<16xi32>
        %and3A_403 = arith.andi %shift_right_arithmetic3A_400, %and3A_402 : vector<16xi32>
        %jit3A_404 = arith.constant 0 : i32
        %broadcast_in_dim3A_405 = vector.broadcast %jit3A_404 : i32 to vector<16xi32>
        %select_n3A_406 = arith.select %lt3A_397, %and3A_403, %broadcast_in_dim3A_405 : vector<16xi1>, vector<16xi32>
        %add3A_407 = vector.broadcast %while3A_389 : i32 to vector<16xi32>
        %add3A_408 = arith.addi %add3A_407, %iota3A : vector<16xi32>
        %broadcast_in_dim3A_409 = arith.constant 0 : i32
        %broadcast_in_dim3A_410 = vector.broadcast %broadcast_in_dim3A_409 : i32 to vector<16xi32>
        %gather3A = tpu.vector_load_idx %arg10[%broadcast_in_dim3A_332, %broadcast_in_dim3A_410, %select_n3A_406] : memref<2x32x1024xf32, #tpu.memory_space<vmem>>[vector<16xi32>, vector<16xi32>, vector<16xi32>], vector<16xf32>,
        tpu.vector_store_idx %arg14[%add3A_408, %broadcast_in_dim3A_410], %gather3A : memref<112x128xf32, #tpu.memory_space<vmem>>[vector<16xi32>, vector<16xi32>], vector<16xf32>,
        %broadcast_in_dim3A_411 = arith.constant 1 : i32
        %broadcast_in_dim3A_412 = vector.broadcast %broadcast_in_dim3A_411 : i32 to vector<16xi32>
        %gather3A_413 = tpu.vector_load_idx %arg10[%broadcast_in_dim3A_332, %broadcast_in_dim3A_412, %select_n3A_406] : memref<2x32x1024xf32, #tpu.memory_space<vmem>>[vector<16xi32>, vector<16xi32>, vector<16xi32>], vector<16xf32>,
        tpu.vector_store_idx %arg14[%add3A_408, %broadcast_in_dim3A_412], %gather3A_413 : memref<112x128xf32, #tpu.memory_space<vmem>>[vector<16xi32>, vector<16xi32>], vector<16xf32>,
        %broadcast_in_dim3A_414 = arith.constant 2 : i32
        %broadcast_in_dim3A_415 = vector.broadcast %broadcast_in_dim3A_414 : i32 to vector<16xi32>
        %gather3A_416 = tpu.vector_load_idx %arg10[%broadcast_in_dim3A_332, %broadcast_in_dim3A_415, %select_n3A_406] : memref<2x32x1024xf32, #tpu.memory_space<vmem>>[vector<16xi32>, vector<16xi32>, vector<16xi32>], vector<16xf32>,
        tpu.vector_store_idx %arg14[%add3A_408, %broadcast_in_dim3A_415], %gather3A_416 : memref<112x128xf32, #tpu.memory_space<vmem>>[vector<16xi32>, vector<16xi32>], vector<16xf32>,
        %broadcast_in_dim3A_417 = arith.constant 3 : i32
        %broadcast_in_dim3A_418 = vector.broadcast %broadcast_in_dim3A_417 : i32 to vector<16xi32>
        %gather3A_419 = tpu.vector_load_idx %arg10[%broadcast_in_dim3A_332, %broadcast_in_dim3A_418, %select_n3A_406] : memref<2x32x1024xf32, #tpu.memory_space<vmem>>[vector<16xi32>, vector<16xi32>, vector<16xi32>], vector<16xf32>,
        tpu.vector_store_idx %arg14[%add3A_408, %broadcast_in_dim3A_418], %gather3A_419 : memref<112x128xf32, #tpu.memory_space<vmem>>[vector<16xi32>, vector<16xi32>], vector<16xf32>,
        %broadcast_in_dim3A_420 = arith.constant 4 : i32
        %broadcast_in_dim3A_421 = vector.broadcast %broadcast_in_dim3A_420 : i32 to vector<16xi32>
        %gather3A_422 = tpu.vector_load_idx %arg10[%broadcast_in_dim3A_332, %broadcast_in_dim3A_421, %select_n3A_406] : memref<2x32x1024xf32, #tpu.memory_space<vmem>>[vector<16xi32>, vector<16xi32>, vector<16xi32>], vector<16xf32>,
        tpu.vector_store_idx %arg14[%add3A_408, %broadcast_in_dim3A_421], %gather3A_422 : memref<112x128xf32, #tpu.memory_space<vmem>>[vector<16xi32>, vector<16xi32>], vector<16xf32>,
        %broadcast_in_dim3A_423 = arith.constant 5 : i32
        %broadcast_in_dim3A_424 = vector.broadcast %broadcast_in_dim3A_423 : i32 to vector<16xi32>
        %gather3A_425 = tpu.vector_load_idx %arg10[%broadcast_in_dim3A_332, %broadcast_in_dim3A_424, %select_n3A_406] : memref<2x32x1024xf32, #tpu.memory_space<vmem>>[vector<16xi32>, vector<16xi32>, vector<16xi32>], vector<16xf32>,
        tpu.vector_store_idx %arg14[%add3A_408, %broadcast_in_dim3A_424], %gather3A_425 : memref<112x128xf32, #tpu.memory_space<vmem>>[vector<16xi32>, vector<16xi32>], vector<16xf32>,
        %broadcast_in_dim3A_426 = arith.constant 6 : i32
        %broadcast_in_dim3A_427 = vector.broadcast %broadcast_in_dim3A_426 : i32 to vector<16xi32>
        %gather3A_428 = tpu.vector_load_idx %arg10[%broadcast_in_dim3A_332, %broadcast_in_dim3A_427, %select_n3A_406] : memref<2x32x1024xf32, #tpu.memory_space<vmem>>[vector<16xi32>, vector<16xi32>, vector<16xi32>], vector<16xf32>,
        tpu.vector_store_idx %arg14[%add3A_408, %broadcast_in_dim3A_427], %gather3A_428 : memref<112x128xf32, #tpu.memory_space<vmem>>[vector<16xi32>, vector<16xi32>], vector<16xf32>,
        %broadcast_in_dim3A_429 = arith.constant 7 : i32
        %broadcast_in_dim3A_430 = vector.broadcast %broadcast_in_dim3A_429 : i32 to vector<16xi32>
        %gather3A_431 = tpu.vector_load_idx %arg10[%broadcast_in_dim3A_332, %broadcast_in_dim3A_430, %select_n3A_406] : memref<2x32x1024xf32, #tpu.memory_space<vmem>>[vector<16xi32>, vector<16xi32>, vector<16xi32>], vector<16xf32>,
        tpu.vector_store_idx %arg14[%add3A_408, %broadcast_in_dim3A_430], %gather3A_431 : memref<112x128xf32, #tpu.memory_space<vmem>>[vector<16xi32>, vector<16xi32>], vector<16xf32>,
        %broadcast_in_dim3A_432 = arith.constant 8 : i32
        %broadcast_in_dim3A_433 = vector.broadcast %broadcast_in_dim3A_432 : i32 to vector<16xi32>
        %gather3A_434 = tpu.vector_load_idx %arg10[%broadcast_in_dim3A_332, %broadcast_in_dim3A_433, %select_n3A_406] : memref<2x32x1024xf32, #tpu.memory_space<vmem>>[vector<16xi32>, vector<16xi32>, vector<16xi32>], vector<16xf32>,
        tpu.vector_store_idx %arg14[%add3A_408, %broadcast_in_dim3A_433], %gather3A_434 : memref<112x128xf32, #tpu.memory_space<vmem>>[vector<16xi32>, vector<16xi32>], vector<16xf32>,
        %broadcast_in_dim3A_435 = arith.constant 9 : i32
        %broadcast_in_dim3A_436 = vector.broadcast %broadcast_in_dim3A_435 : i32 to vector<16xi32>
        %gather3A_437 = tpu.vector_load_idx %arg10[%broadcast_in_dim3A_332, %broadcast_in_dim3A_436, %select_n3A_406] : memref<2x32x1024xf32, #tpu.memory_space<vmem>>[vector<16xi32>, vector<16xi32>, vector<16xi32>], vector<16xf32>,
        tpu.vector_store_idx %arg14[%add3A_408, %broadcast_in_dim3A_436], %gather3A_437 : memref<112x128xf32, #tpu.memory_space<vmem>>[vector<16xi32>, vector<16xi32>], vector<16xf32>,
        %broadcast_in_dim3A_438 = arith.constant 10 : i32
        %broadcast_in_dim3A_439 = vector.broadcast %broadcast_in_dim3A_438 : i32 to vector<16xi32>
        %gather3A_440 = tpu.vector_load_idx %arg10[%broadcast_in_dim3A_332, %broadcast_in_dim3A_439, %select_n3A_406] : memref<2x32x1024xf32, #tpu.memory_space<vmem>>[vector<16xi32>, vector<16xi32>, vector<16xi32>], vector<16xf32>,
        tpu.vector_store_idx %arg14[%add3A_408, %broadcast_in_dim3A_439], %gather3A_440 : memref<112x128xf32, #tpu.memory_space<vmem>>[vector<16xi32>, vector<16xi32>], vector<16xf32>,
        %broadcast_in_dim3A_441 = arith.constant 11 : i32
        %broadcast_in_dim3A_442 = vector.broadcast %broadcast_in_dim3A_441 : i32 to vector<16xi32>
        %gather3A_443 = tpu.vector_load_idx %arg10[%broadcast_in_dim3A_332, %broadcast_in_dim3A_442, %select_n3A_406] : memref<2x32x1024xf32, #tpu.memory_space<vmem>>[vector<16xi32>, vector<16xi32>, vector<16xi32>], vector<16xf32>,
        tpu.vector_store_idx %arg14[%add3A_408, %broadcast_in_dim3A_442], %gather3A_443 : memref<112x128xf32, #tpu.memory_space<vmem>>[vector<16xi32>, vector<16xi32>], vector<16xf32>,
        %broadcast_in_dim3A_444 = arith.constant 12 : i32
        %broadcast_in_dim3A_445 = vector.broadcast %broadcast_in_dim3A_444 : i32 to vector<16xi32>
        %gather3A_446 = tpu.vector_load_idx %arg10[%broadcast_in_dim3A_332, %broadcast_in_dim3A_445, %select_n3A_406] : memref<2x32x1024xf32, #tpu.memory_space<vmem>>[vector<16xi32>, vector<16xi32>, vector<16xi32>], vector<16xf32>,
        tpu.vector_store_idx %arg14[%add3A_408, %broadcast_in_dim3A_445], %gather3A_446 : memref<112x128xf32, #tpu.memory_space<vmem>>[vector<16xi32>, vector<16xi32>], vector<16xf32>,
        %broadcast_in_dim3A_447 = arith.constant 13 : i32
        %broadcast_in_dim3A_448 = vector.broadcast %broadcast_in_dim3A_447 : i32 to vector<16xi32>
        %gather3A_449 = tpu.vector_load_idx %arg10[%broadcast_in_dim3A_332, %broadcast_in_dim3A_448, %select_n3A_406] : memref<2x32x1024xf32, #tpu.memory_space<vmem>>[vector<16xi32>, vector<16xi32>, vector<16xi32>], vector<16xf32>,
        tpu.vector_store_idx %arg14[%add3A_408, %broadcast_in_dim3A_448], %gather3A_449 : memref<112x128xf32, #tpu.memory_space<vmem>>[vector<16xi32>, vector<16xi32>], vector<16xf32>,
        %broadcast_in_dim3A_450 = arith.constant 14 : i32
        %broadcast_in_dim3A_451 = vector.broadcast %broadcast_in_dim3A_450 : i32 to vector<16xi32>
        %gather3A_452 = tpu.vector_load_idx %arg10[%broadcast_in_dim3A_332, %broadcast_in_dim3A_451, %select_n3A_406] : memref<2x32x1024xf32, #tpu.memory_space<vmem>>[vector<16xi32>, vector<16xi32>, vector<16xi32>], vector<16xf32>,
        tpu.vector_store_idx %arg14[%add3A_408, %broadcast_in_dim3A_451], %gather3A_452 : memref<112x128xf32, #tpu.memory_space<vmem>>[vector<16xi32>, vector<16xi32>], vector<16xf32>,
        %broadcast_in_dim3A_453 = arith.constant 15 : i32
        %broadcast_in_dim3A_454 = vector.broadcast %broadcast_in_dim3A_453 : i32 to vector<16xi32>
        %gather3A_455 = tpu.vector_load_idx %arg10[%broadcast_in_dim3A_332, %broadcast_in_dim3A_454, %select_n3A_406] : memref<2x32x1024xf32, #tpu.memory_space<vmem>>[vector<16xi32>, vector<16xi32>, vector<16xi32>], vector<16xf32>,
        tpu.vector_store_idx %arg14[%add3A_408, %broadcast_in_dim3A_454], %gather3A_455 : memref<112x128xf32, #tpu.memory_space<vmem>>[vector<16xi32>, vector<16xi32>], vector<16xf32>,
        %broadcast_in_dim3A_456 = arith.constant 16 : i32
        %broadcast_in_dim3A_457 = vector.broadcast %broadcast_in_dim3A_456 : i32 to vector<16xi32>
        %gather3A_458 = tpu.vector_load_idx %arg10[%broadcast_in_dim3A_332, %broadcast_in_dim3A_457, %select_n3A_406] : memref<2x32x1024xf32, #tpu.memory_space<vmem>>[vector<16xi32>, vector<16xi32>, vector<16xi32>], vector<16xf32>,
        tpu.vector_store_idx %arg14[%add3A_408, %broadcast_in_dim3A_457], %gather3A_458 : memref<112x128xf32, #tpu.memory_space<vmem>>[vector<16xi32>, vector<16xi32>], vector<16xf32>,
        %broadcast_in_dim3A_459 = arith.constant 17 : i32
        %broadcast_in_dim3A_460 = vector.broadcast %broadcast_in_dim3A_459 : i32 to vector<16xi32>
        %gather3A_461 = tpu.vector_load_idx %arg10[%broadcast_in_dim3A_332, %broadcast_in_dim3A_460, %select_n3A_406] : memref<2x32x1024xf32, #tpu.memory_space<vmem>>[vector<16xi32>, vector<16xi32>, vector<16xi32>], vector<16xf32>,
        tpu.vector_store_idx %arg14[%add3A_408, %broadcast_in_dim3A_460], %gather3A_461 : memref<112x128xf32, #tpu.memory_space<vmem>>[vector<16xi32>, vector<16xi32>], vector<16xf32>,
        %broadcast_in_dim3A_462 = arith.constant 18 : i32
        %broadcast_in_dim3A_463 = vector.broadcast %broadcast_in_dim3A_462 : i32 to vector<16xi32>
        %gather3A_464 = tpu.vector_load_idx %arg10[%broadcast_in_dim3A_332, %broadcast_in_dim3A_463, %select_n3A_406] : memref<2x32x1024xf32, #tpu.memory_space<vmem>>[vector<16xi32>, vector<16xi32>, vector<16xi32>], vector<16xf32>,
        tpu.vector_store_idx %arg14[%add3A_408, %broadcast_in_dim3A_463], %gather3A_464 : memref<112x128xf32, #tpu.memory_space<vmem>>[vector<16xi32>, vector<16xi32>], vector<16xf32>,
        %broadcast_in_dim3A_465 = arith.constant 19 : i32
        %broadcast_in_dim3A_466 = vector.broadcast %broadcast_in_dim3A_465 : i32 to vector<16xi32>
        %gather3A_467 = tpu.vector_load_idx %arg10[%broadcast_in_dim3A_332, %broadcast_in_dim3A_466, %select_n3A_406] : memref<2x32x1024xf32, #tpu.memory_space<vmem>>[vector<16xi32>, vector<16xi32>, vector<16xi32>], vector<16xf32>,
        tpu.vector_store_idx %arg14[%add3A_408, %broadcast_in_dim3A_466], %gather3A_467 : memref<112x128xf32, #tpu.memory_space<vmem>>[vector<16xi32>, vector<16xi32>], vector<16xf32>,
        %broadcast_in_dim3A_468 = arith.constant 20 : i32
        %broadcast_in_dim3A_469 = vector.broadcast %broadcast_in_dim3A_468 : i32 to vector<16xi32>
        %gather3A_470 = tpu.vector_load_idx %arg10[%broadcast_in_dim3A_332, %broadcast_in_dim3A_469, %select_n3A_406] : memref<2x32x1024xf32, #tpu.memory_space<vmem>>[vector<16xi32>, vector<16xi32>, vector<16xi32>], vector<16xf32>,
        tpu.vector_store_idx %arg14[%add3A_408, %broadcast_in_dim3A_469], %gather3A_470 : memref<112x128xf32, #tpu.memory_space<vmem>>[vector<16xi32>, vector<16xi32>], vector<16xf32>,
        %broadcast_in_dim3A_471 = arith.constant 21 : i32
        %broadcast_in_dim3A_472 = vector.broadcast %broadcast_in_dim3A_471 : i32 to vector<16xi32>
        %gather3A_473 = tpu.vector_load_idx %arg10[%broadcast_in_dim3A_332, %broadcast_in_dim3A_472, %select_n3A_406] : memref<2x32x1024xf32, #tpu.memory_space<vmem>>[vector<16xi32>, vector<16xi32>, vector<16xi32>], vector<16xf32>,
        tpu.vector_store_idx %arg14[%add3A_408, %broadcast_in_dim3A_472], %gather3A_473 : memref<112x128xf32, #tpu.memory_space<vmem>>[vector<16xi32>, vector<16xi32>], vector<16xf32>,
        %broadcast_in_dim3A_474 = arith.constant 22 : i32
        %broadcast_in_dim3A_475 = vector.broadcast %broadcast_in_dim3A_474 : i32 to vector<16xi32>
        %gather3A_476 = tpu.vector_load_idx %arg10[%broadcast_in_dim3A_332, %broadcast_in_dim3A_475, %select_n3A_406] : memref<2x32x1024xf32, #tpu.memory_space<vmem>>[vector<16xi32>, vector<16xi32>, vector<16xi32>], vector<16xf32>,
        tpu.vector_store_idx %arg14[%add3A_408, %broadcast_in_dim3A_475], %gather3A_476 : memref<112x128xf32, #tpu.memory_space<vmem>>[vector<16xi32>, vector<16xi32>], vector<16xf32>,
        %broadcast_in_dim3A_477 = arith.constant 23 : i32
        %broadcast_in_dim3A_478 = vector.broadcast %broadcast_in_dim3A_477 : i32 to vector<16xi32>
        %gather3A_479 = tpu.vector_load_idx %arg10[%broadcast_in_dim3A_332, %broadcast_in_dim3A_478, %select_n3A_406] : memref<2x32x1024xf32, #tpu.memory_space<vmem>>[vector<16xi32>, vector<16xi32>, vector<16xi32>], vector<16xf32>,
        tpu.vector_store_idx %arg14[%add3A_408, %broadcast_in_dim3A_478], %gather3A_479 : memref<112x128xf32, #tpu.memory_space<vmem>>[vector<16xi32>, vector<16xi32>], vector<16xf32>,
        %broadcast_in_dim3A_480 = arith.constant 24 : i32
        %broadcast_in_dim3A_481 = vector.broadcast %broadcast_in_dim3A_480 : i32 to vector<16xi32>
        %gather3A_482 = tpu.vector_load_idx %arg10[%broadcast_in_dim3A_332, %broadcast_in_dim3A_481, %select_n3A_406] : memref<2x32x1024xf32, #tpu.memory_space<vmem>>[vector<16xi32>, vector<16xi32>, vector<16xi32>], vector<16xf32>,
        tpu.vector_store_idx %arg14[%add3A_408, %broadcast_in_dim3A_481], %gather3A_482 : memref<112x128xf32, #tpu.memory_space<vmem>>[vector<16xi32>, vector<16xi32>], vector<16xf32>,
        %broadcast_in_dim3A_483 = arith.constant 25 : i32
        %broadcast_in_dim3A_484 = vector.broadcast %broadcast_in_dim3A_483 : i32 to vector<16xi32>
        %gather3A_485 = tpu.vector_load_idx %arg10[%broadcast_in_dim3A_332, %broadcast_in_dim3A_484, %select_n3A_406] : memref<2x32x1024xf32, #tpu.memory_space<vmem>>[vector<16xi32>, vector<16xi32>, vector<16xi32>], vector<16xf32>,
        tpu.vector_store_idx %arg14[%add3A_408, %broadcast_in_dim3A_484], %gather3A_485 : memref<112x128xf32, #tpu.memory_space<vmem>>[vector<16xi32>, vector<16xi32>], vector<16xf32>,
        %broadcast_in_dim3A_486 = arith.constant 26 : i32
        %broadcast_in_dim3A_487 = vector.broadcast %broadcast_in_dim3A_486 : i32 to vector<16xi32>
        %gather3A_488 = tpu.vector_load_idx %arg10[%broadcast_in_dim3A_332, %broadcast_in_dim3A_487, %select_n3A_406] : memref<2x32x1024xf32, #tpu.memory_space<vmem>>[vector<16xi32>, vector<16xi32>, vector<16xi32>], vector<16xf32>,
        tpu.vector_store_idx %arg14[%add3A_408, %broadcast_in_dim3A_487], %gather3A_488 : memref<112x128xf32, #tpu.memory_space<vmem>>[vector<16xi32>, vector<16xi32>], vector<16xf32>,
        %broadcast_in_dim3A_489 = arith.constant 27 : i32
        %broadcast_in_dim3A_490 = vector.broadcast %broadcast_in_dim3A_489 : i32 to vector<16xi32>
        %gather3A_491 = tpu.vector_load_idx %arg10[%broadcast_in_dim3A_332, %broadcast_in_dim3A_490, %select_n3A_406] : memref<2x32x1024xf32, #tpu.memory_space<vmem>>[vector<16xi32>, vector<16xi32>, vector<16xi32>], vector<16xf32>,
        tpu.vector_store_idx %arg14[%add3A_408, %broadcast_in_dim3A_490], %gather3A_491 : memref<112x128xf32, #tpu.memory_space<vmem>>[vector<16xi32>, vector<16xi32>], vector<16xf32>,
        %broadcast_in_dim3A_492 = arith.constant 28 : i32
        %broadcast_in_dim3A_493 = vector.broadcast %broadcast_in_dim3A_492 : i32 to vector<16xi32>
        %gather3A_494 = tpu.vector_load_idx %arg10[%broadcast_in_dim3A_332, %broadcast_in_dim3A_493, %select_n3A_406] : memref<2x32x1024xf32, #tpu.memory_space<vmem>>[vector<16xi32>, vector<16xi32>, vector<16xi32>], vector<16xf32>,
        tpu.vector_store_idx %arg14[%add3A_408, %broadcast_in_dim3A_493], %gather3A_494 : memref<112x128xf32, #tpu.memory_space<vmem>>[vector<16xi32>, vector<16xi32>], vector<16xf32>,
        %broadcast_in_dim3A_495 = arith.constant 29 : i32
        %broadcast_in_dim3A_496 = vector.broadcast %broadcast_in_dim3A_495 : i32 to vector<16xi32>
        %gather3A_497 = tpu.vector_load_idx %arg10[%broadcast_in_dim3A_332, %broadcast_in_dim3A_496, %select_n3A_406] : memref<2x32x1024xf32, #tpu.memory_space<vmem>>[vector<16xi32>, vector<16xi32>, vector<16xi32>], vector<16xf32>,
        tpu.vector_store_idx %arg14[%add3A_408, %broadcast_in_dim3A_496], %gather3A_497 : memref<112x128xf32, #tpu.memory_space<vmem>>[vector<16xi32>, vector<16xi32>], vector<16xf32>,
        %broadcast_in_dim3A_498 = arith.constant 30 : i32
        %broadcast_in_dim3A_499 = vector.broadcast %broadcast_in_dim3A_498 : i32 to vector<16xi32>
        %gather3A_500 = tpu.vector_load_idx %arg10[%broadcast_in_dim3A_332, %broadcast_in_dim3A_499, %select_n3A_406] : memref<2x32x1024xf32, #tpu.memory_space<vmem>>[vector<16xi32>, vector<16xi32>, vector<16xi32>], vector<16xf32>,
        tpu.vector_store_idx %arg14[%add3A_408, %broadcast_in_dim3A_499], %gather3A_500 : memref<112x128xf32, #tpu.memory_space<vmem>>[vector<16xi32>, vector<16xi32>], vector<16xf32>,
        %broadcast_in_dim3A_501 = arith.constant 31 : i32
        %broadcast_in_dim3A_502 = vector.broadcast %broadcast_in_dim3A_501 : i32 to vector<16xi32>
        %gather3A_503 = tpu.vector_load_idx %arg10[%broadcast_in_dim3A_332, %broadcast_in_dim3A_502, %select_n3A_406] : memref<2x32x1024xf32, #tpu.memory_space<vmem>>[vector<16xi32>, vector<16xi32>, vector<16xi32>], vector<16xf32>,
        tpu.vector_store_idx %arg14[%add3A_408, %broadcast_in_dim3A_502], %gather3A_503 : memref<112x128xf32, #tpu.memory_space<vmem>>[vector<16xi32>, vector<16xi32>], vector<16xf32>,
        %and3A_504 = arith.constant 16383 : i32
        %and3A_505 = vector.broadcast %and3A_504 : i32 to vector<16xi32>
        %and3A_506 = arith.andi %get3A_392, %and3A_505 : vector<16xi32>
        %broadcast_in_dim3A_507 = vector.broadcast %add3A_2 : i32 to vector<16xi32>
        %select_n3A_508 = arith.select %lt3A_397, %and3A_506, %broadcast_in_dim3A_507 : vector<16xi1>, vector<16xi32>
        tpu.vector_store_idx %arg15[%broadcast_in_dim3A_3, %add3A_408], %select_n3A_508 : memref<1x112xi32, #tpu.memory_space<vmem>>[vector<16xi32>, vector<16xi32>], vector<16xi32>,
        %add3A_509 = arith.constant 16 : i32
        %add3A_510 = arith.addi %while3A_389, %add3A_509 : i32
        %eq3A_511 = arith.constant 112 : i32
        %eq3A_512 = arith.cmpi eq, %add3A_510, %eq3A_511 : i32
        %convert_element_type3A_513 = arith.extui %eq3A_512 : i1 to i32
        %cond3A_514 = arith.constant 0 : i32
        %cond3A_515 = arith.cmpi ne, %convert_element_type3A_513, %cond3A_514 : i32
        scf.if %cond3A_515 {
          %dma_start3A = arith.constant 0 : i32
          %dma_start3A_520 = arith.constant 0 : i32
          %dma_start3A_521 = tpu.memref_slice %arg15[%dma_start3A, %dma_start3A_520] : memref<1x112xi32, #tpu.memory_space<vmem>> -> memref<1x112xi32, #tpu.memory_space<vmem>>
          %dma_start3A_522 = tpu.memref_squeeze %dma_start3A_521 : memref<1x112xi32, #tpu.memory_space<vmem>> -> memref<112xi32, #tpu.memory_space<vmem>>
          %dma_start3A_523 = arith.constant 0 : i32
          %dma_start3A_524 = arith.constant 0 : i32
          %dma_start3A_525 = tpu.memref_slice %arg8[%dma_start3A_523, %dma_start3A_524] : memref<16416x128xf32, #tpu.memory_space<hbm>> -> memref<16416x128xf32, #tpu.memory_space<hbm>>
          tpu.enqueue_indirect_dma source(%arg14 : memref<112x128xf32, #tpu.memory_space<vmem>>) target(%dma_start3A_525 : memref<16416x128xf32, #tpu.memory_space<hbm>>) offsets(%dma_start3A_522 : memref<112xi32, #tpu.memory_space<vmem>>) semaphore(%arg18 : memref<!tpu.dma_semaphore, #tpu.memory_space<semaphore_mem>>)
          %dma_wait3A = arith.constant 0 : i32
          %dma_wait3A_526 = arith.constant 0 : i32
          %dma_wait3A_527 = tpu.memref_slice %arg15[%dma_wait3A, %dma_wait3A_526] : memref<1x112xi32, #tpu.memory_space<vmem>> -> memref<1x112xi32, #tpu.memory_space<vmem>>
          %dma_wait3A_528 = tpu.memref_squeeze %dma_wait3A_527 : memref<1x112xi32, #tpu.memory_space<vmem>> -> memref<112xi32, #tpu.memory_space<vmem>>
          %dma_wait3A_529 = arith.constant 0 : i32
          %dma_wait3A_530 = arith.constant 0 : i32
          %dma_wait3A_531 = tpu.memref_slice %arg8[%dma_wait3A_529, %dma_wait3A_530] : memref<16416x128xf32, #tpu.memory_space<hbm>> -> memref<16416x128xf32, #tpu.memory_space<hbm>>
          tpu.wait_indirect_dma semaphore(%arg18 : memref<!tpu.dma_semaphore, #tpu.memory_space<semaphore_mem>>) src(%arg14 : memref<112x128xf32, #tpu.memory_space<vmem>>) dst(%dma_wait3A_531 : memref<16416x128xf32, #tpu.memory_space<hbm>>)
        } else {
        }
        %eq3A_516 = arith.constant 112 : i32
        %eq3A_517 = arith.cmpi eq, %add3A_510, %eq3A_516 : i32
        %jit3A_518 = arith.constant 0 : i32
        %select_n3A_519 = arith.select %eq3A_517, %jit3A_518, %add3A_510 : i32
        scf.yield %select_n3A_519 : i32
      }
      %add3A_348 = arith.constant 2 : i32
      %add3A_349 = arith.addi %while3A_279, %add3A_348 : i32
      %and3A_350 = arith.constant 1 : i32
      %and3A_351 = arith.andi %add3A_349, %and3A_350 : i32
      %lt3A = arith.cmpi slt, %add3A_349, %add3A_47 : i32
      %eq3A_352 = arith.cmpi eq, %add3A_349, %select_n3A : i32
      %mul3A_353 = arith.constant 32 : i32
      %mul3A_354 = arith.muli %mul3A_353, %add3A_349 : i32
      %add3A_355 = arith.addi %add3A, %mul3A_354 : i32
      %eq3A_356 = arith.constant 0 : i32
      %eq3A_357 = arith.cmpi eq, %and3A_351, %eq3A_356 : i32
      %and3A_358 = arith.andi %lt3A, %eq3A_357 : i1
      %not3A_359 = arith.constant true
      %not3A_360 = arith.xori %eq3A_352, %not3A_359 : i1
      %and3A_361 = arith.andi %and3A_358, %not3A_360 : i1
      %convert_element_type3A_362 = arith.extui %and3A_361 : i1 to i32
      %cond3A_363 = arith.constant 0 : i32
      %cond3A_364 = arith.cmpi ne, %convert_element_type3A_362, %cond3A_363 : i32
      scf.if %cond3A_364 {
        %mul3A_388 = arith.constant 1024 : i32
        %mul3A_389 = arith.muli %add3A_355, %mul3A_388 : i32
        %multiple_of3A = tpu.assume_multiple %mul3A_389, 1024 : i32
        %dma_start3A = arith.constant 0 : i32
        %dma_start3A_390 = arith.constant 0 : i32
        %dma_start3A_391 = arith.constant 0 : i32
        %dma_start3A_392 = tpu.memref_slice %arg10[%dma_start3A, %dma_start3A_390, %dma_start3A_391] : memref<2x32x1024xf32, #tpu.memory_space<vmem>> -> memref<1x32x1024xf32, #tpu.memory_space<vmem>>
        %dma_start3A_393 = tpu.memref_squeeze %dma_start3A_392 : memref<1x32x1024xf32, #tpu.memory_space<vmem>> -> memref<32x1024xf32, #tpu.memory_space<vmem>>
        %dma_start3A_394 = arith.constant 0 : i32
        %dma_start3A_395 = tpu.memref_slice %arg2[%dma_start3A_394, %multiple_of3A] : memref<32x1000000xf32, #tpu.memory_space<hbm>> -> memref<32x1024xf32, #tpu.memory_space<hbm>>
        %dma_start3A_396 = arith.constant 0 : i32
        %dma_start3A_397 = arith.constant 0 : i32
        %dma_start3A_398 = tpu.memref_slice %arg10[%dma_start3A, %dma_start3A_396, %dma_start3A_397] : memref<2x32x1024xf32, #tpu.memory_space<vmem>> -> memref<1x32x1024xf32, #tpu.memory_space<vmem>>
        %dma_start3A_399 = tpu.memref_squeeze %dma_start3A_398 : memref<1x32x1024xf32, #tpu.memory_space<vmem>> -> memref<32x1024xf32, #tpu.memory_space<vmem>>
        %dma_start3A_400 = arith.constant 0 : i32
        %dma_start3A_401 = tpu.memref_slice %arg2[%dma_start3A_400, %multiple_of3A] : memref<32x1000000xf32, #tpu.memory_space<hbm>> -> memref<32x1024xf32, #tpu.memory_space<hbm>>
        tpu.enqueue_dma source(%dma_start3A_401 : memref<32x1024xf32, #tpu.memory_space<hbm>>) target(%dma_start3A_399 : memref<32x1024xf32, #tpu.memory_space<vmem>>) target_semaphore(%arg16 : memref<!tpu.dma_semaphore, #tpu.memory_space<semaphore_mem>>)
      } else {
      }
      %eq3A_365 = arith.constant 0 : i32
      %eq3A_366 = arith.cmpi eq, %and3A_351, %eq3A_365 : i32
      %and3A_367 = arith.andi %lt3A, %eq3A_366 : i1
      %and3A_368 = arith.andi %and3A_367, %eq3A_352 : i1
      %convert_element_type3A_369 = arith.extui %and3A_368 : i1 to i32
      %cond3A_370 = arith.constant 0 : i32
      %cond3A_371 = arith.cmpi ne, %convert_element_type3A_369, %cond3A_370 : i32
      scf.if %cond3A_371 {
        %dma_start3A = arith.constant 0 : i32
        %dma_start3A_388 = arith.constant 0 : i32
        %dma_start3A_389 = arith.constant 0 : i32
        %dma_start3A_390 = tpu.memref_slice %arg10[%dma_start3A, %dma_start3A_388, %dma_start3A_389] : memref<2x32x1024xf32, #tpu.memory_space<vmem>> -> memref<1x32x1024xf32, #tpu.memory_space<vmem>>
        %dma_start3A_391 = tpu.memref_squeeze %dma_start3A_390 : memref<1x32x1024xf32, #tpu.memory_space<vmem>> -> memref<32x1024xf32, #tpu.memory_space<vmem>>
        %dma_start3A_392 = arith.constant 0 : i32
        %dma_start3A_393 = arith.constant 0 : i32
        %dma_start3A_394 = tpu.memref_slice %arg10[%dma_start3A, %dma_start3A_392, %dma_start3A_393] : memref<2x32x1024xf32, #tpu.memory_space<vmem>> -> memref<1x32x1024xf32, #tpu.memory_space<vmem>>
        %dma_start3A_395 = tpu.memref_squeeze %dma_start3A_394 : memref<1x32x1024xf32, #tpu.memory_space<vmem>> -> memref<32x1024xf32, #tpu.memory_space<vmem>>
        tpu.enqueue_dma source(%arg4 : memref<32x1024xf32, #tpu.memory_space<hbm>>) target(%dma_start3A_395 : memref<32x1024xf32, #tpu.memory_space<vmem>>) target_semaphore(%arg16 : memref<!tpu.dma_semaphore, #tpu.memory_space<semaphore_mem>>)
      } else {
      }
      %eq3A_372 = arith.constant 1 : i32
      %eq3A_373 = arith.cmpi eq, %and3A_351, %eq3A_372 : i32
      %and3A_374 = arith.andi %lt3A, %eq3A_373 : i1
      %not3A_375 = arith.constant true
      %not3A_376 = arith.xori %eq3A_352, %not3A_375 : i1
      %and3A_377 = arith.andi %and3A_374, %not3A_376 : i1
      %convert_element_type3A_378 = arith.extui %and3A_377 : i1 to i32
      %cond3A_379 = arith.constant 0 : i32
      %cond3A_380 = arith.cmpi ne, %convert_element_type3A_378, %cond3A_379 : i32
      scf.if %cond3A_380 {
        %mul3A_388 = arith.constant 1024 : i32
        %mul3A_389 = arith.muli %add3A_355, %mul3A_388 : i32
        %multiple_of3A = tpu.assume_multiple %mul3A_389, 1024 : i32
        %dma_start3A = arith.constant 1 : i32
        %dma_start3A_390 = arith.constant 0 : i32
        %dma_start3A_391 = arith.constant 0 : i32
        %dma_start3A_392 = tpu.memref_slice %arg10[%dma_start3A, %dma_start3A_390, %dma_start3A_391] : memref<2x32x1024xf32, #tpu.memory_space<vmem>> -> memref<1x32x1024xf32, #tpu.memory_space<vmem>>
        %dma_start3A_393 = tpu.memref_squeeze %dma_start3A_392 : memref<1x32x1024xf32, #tpu.memory_space<vmem>> -> memref<32x1024xf32, #tpu.memory_space<vmem>>
        %dma_start3A_394 = arith.constant 0 : i32
        %dma_start3A_395 = tpu.memref_slice %arg2[%dma_start3A_394, %multiple_of3A] : memref<32x1000000xf32, #tpu.memory_space<hbm>> -> memref<32x1024xf32, #tpu.memory_space<hbm>>
        %dma_start3A_396 = arith.constant 0 : i32
        %dma_start3A_397 = arith.constant 0 : i32
        %dma_start3A_398 = tpu.memref_slice %arg10[%dma_start3A, %dma_start3A_396, %dma_start3A_397] : memref<2x32x1024xf32, #tpu.memory_space<vmem>> -> memref<1x32x1024xf32, #tpu.memory_space<vmem>>
        %dma_start3A_399 = tpu.memref_squeeze %dma_start3A_398 : memref<1x32x1024xf32, #tpu.memory_space<vmem>> -> memref<32x1024xf32, #tpu.memory_space<vmem>>
        %dma_start3A_400 = arith.constant 0 : i32
        %dma_start3A_401 = tpu.memref_slice %arg2[%dma_start3A_400, %multiple_of3A] : memref<32x1000000xf32, #tpu.memory_space<hbm>> -> memref<32x1024xf32, #tpu.memory_space<hbm>>
        tpu.enqueue_dma source(%dma_start3A_401 : memref<32x1024xf32, #tpu.memory_space<hbm>>) target(%dma_start3A_399 : memref<32x1024xf32, #tpu.memory_space<vmem>>) target_semaphore(%arg17 : memref<!tpu.dma_semaphore, #tpu.memory_space<semaphore_mem>>)
      } else {
      }
      %eq3A_381 = arith.constant 1 : i32
      %eq3A_382 = arith.cmpi eq, %and3A_351, %eq3A_381 : i32
      %and3A_383 = arith.andi %lt3A, %eq3A_382 : i1
      %and3A_384 = arith.andi %and3A_383, %eq3A_352 : i1
      %convert_element_type3A_385 = arith.extui %and3A_384 : i1 to i32
      %cond3A_386 = arith.constant 0 : i32
      %cond3A_387 = arith.cmpi ne, %convert_element_type3A_385, %cond3A_386 : i32
      scf.if %cond3A_387 {
        %dma_start3A = arith.constant 1 : i32
        %dma_start3A_388 = arith.constant 0 : i32
        %dma_start3A_389 = arith.constant 0 : i32
        %dma_start3A_390 = tpu.memref_slice %arg10[%dma_start3A, %dma_start3A_388, %dma_start3A_389] : memref<2x32x1024xf32, #tpu.memory_space<vmem>> -> memref<1x32x1024xf32, #tpu.memory_space<vmem>>
        %dma_start3A_391 = tpu.memref_squeeze %dma_start3A_390 : memref<1x32x1024xf32, #tpu.memory_space<vmem>> -> memref<32x1024xf32, #tpu.memory_space<vmem>>
        %dma_start3A_392 = arith.constant 0 : i32
        %dma_start3A_393 = arith.constant 0 : i32
        %dma_start3A_394 = tpu.memref_slice %arg10[%dma_start3A, %dma_start3A_392, %dma_start3A_393] : memref<2x32x1024xf32, #tpu.memory_space<vmem>> -> memref<1x32x1024xf32, #tpu.memory_space<vmem>>
        %dma_start3A_395 = tpu.memref_squeeze %dma_start3A_394 : memref<1x32x1024xf32, #tpu.memory_space<vmem>> -> memref<32x1024xf32, #tpu.memory_space<vmem>>
        tpu.enqueue_dma source(%arg4 : memref<32x1024xf32, #tpu.memory_space<hbm>>) target(%dma_start3A_395 : memref<32x1024xf32, #tpu.memory_space<vmem>>) target_semaphore(%arg17 : memref<!tpu.dma_semaphore, #tpu.memory_space<semaphore_mem>>)
      } else {
      }
      scf.yield %while3A_347 : i32
    }
    %gt3A_129 = arith.constant 0 : i32
    %gt3A_130 = arith.cmpi sgt, %while3A_128, %gt3A_129 : i32
    %convert_element_type3A_131 = arith.extui %gt3A_130 : i1 to i32
    %cond3A_132 = arith.constant 0 : i32
    %cond3A_133 = arith.cmpi ne, %convert_element_type3A_131, %cond3A_132 : i32
    scf.if %cond3A_133 {
      %dma_start3A = arith.constant 0 : i32
      %dma_start3A_279 = arith.constant 0 : i32
      %dma_start3A_280 = tpu.memref_slice %arg15[%dma_start3A, %dma_start3A_279] : memref<1x112xi32, #tpu.memory_space<vmem>> -> memref<1x112xi32, #tpu.memory_space<vmem>>
      %dma_start3A_281 = tpu.memref_squeeze %dma_start3A_280 : memref<1x112xi32, #tpu.memory_space<vmem>> -> memref<112xi32, #tpu.memory_space<vmem>>
      %dma_start3A_282 = arith.constant 0 : i32
      %dma_start3A_283 = arith.constant 0 : i32
      %dma_start3A_284 = tpu.memref_slice %arg8[%dma_start3A_282, %dma_start3A_283] : memref<16416x128xf32, #tpu.memory_space<hbm>> -> memref<16416x128xf32, #tpu.memory_space<hbm>>
      tpu.enqueue_indirect_dma source(%arg14 : memref<112x128xf32, #tpu.memory_space<vmem>>) target(%dma_start3A_284 : memref<16416x128xf32, #tpu.memory_space<hbm>>) offsets(%dma_start3A_281 : memref<112xi32, #tpu.memory_space<vmem>>) semaphore(%arg18 : memref<!tpu.dma_semaphore, #tpu.memory_space<semaphore_mem>>)
      %dma_wait3A = arith.constant 0 : i32
      %dma_wait3A_285 = arith.constant 0 : i32
      %dma_wait3A_286 = tpu.memref_slice %arg15[%dma_wait3A, %dma_wait3A_285] : memref<1x112xi32, #tpu.memory_space<vmem>> -> memref<1x112xi32, #tpu.memory_space<vmem>>
      %dma_wait3A_287 = tpu.memref_squeeze %dma_wait3A_286 : memref<1x112xi32, #tpu.memory_space<vmem>> -> memref<112xi32, #tpu.memory_space<vmem>>
      %dma_wait3A_288 = arith.constant 0 : i32
      %dma_wait3A_289 = arith.constant 0 : i32
      %dma_wait3A_290 = tpu.memref_slice %arg8[%dma_wait3A_288, %dma_wait3A_289] : memref<16416x128xf32, #tpu.memory_space<hbm>> -> memref<16416x128xf32, #tpu.memory_space<hbm>>
      tpu.wait_indirect_dma semaphore(%arg18 : memref<!tpu.dma_semaphore, #tpu.memory_space<semaphore_mem>>) src(%arg14 : memref<112x128xf32, #tpu.memory_space<vmem>>) dst(%dma_wait3A_290 : memref<16416x128xf32, #tpu.memory_space<hbm>>)
    } else {
    }
    "tpu.region"() ({
      %run_scoped3A = tpu.sem_alloc : memref<!tpu.dma_semaphore, #tpu.memory_space<semaphore_mem>>
      tpu.enqueue_dma source(%arg7 : memref<16384xi32, #tpu.memory_space<hbm>>) target(%arg11 : memref<16384xi32, #tpu.memory_space<vmem>>) target_semaphore(%run_scoped3A : memref<!tpu.dma_semaphore, #tpu.memory_space<semaphore_mem>>)
      tpu.wait_dma2 semaphore(%run_scoped3A : memref<!tpu.dma_semaphore, #tpu.memory_space<semaphore_mem>>) src(%arg7 : memref<16384xi32, #tpu.memory_space<hbm>>) dst(%arg11 : memref<16384xi32, #tpu.memory_space<vmem>>)
      tpu.yield
    }) : () -> ()
    %broadcast_in_dim3A_134 = vector.broadcast %add3A_2 : i32 to vector<16xi32>
    %add3A_135 = arith.constant 0 : i32
    %add3A_136 = vector.broadcast %add3A_135 : i32 to vector<16xi32>
    %add3A_137 = arith.addi %add3A_136, %iota3A : vector<16xi32>
    tpu.vector_store_idx %arg15[%broadcast_in_dim3A_3, %add3A_137], %broadcast_in_dim3A_134 : memref<1x112xi32, #tpu.memory_space<vmem>>[vector<16xi32>, vector<16xi32>], vector<16xi32>,
    %add3A_138 = arith.constant 16 : i32
    %add3A_139 = vector.broadcast %add3A_138 : i32 to vector<16xi32>
    %add3A_140 = arith.addi %add3A_139, %iota3A : vector<16xi32>
    tpu.vector_store_idx %arg15[%broadcast_in_dim3A_3, %add3A_140], %broadcast_in_dim3A_134 : memref<1x112xi32, #tpu.memory_space<vmem>>[vector<16xi32>, vector<16xi32>], vector<16xi32>,
    %add3A_141 = arith.constant 32 : i32
    %add3A_142 = vector.broadcast %add3A_141 : i32 to vector<16xi32>
    %add3A_143 = arith.addi %add3A_142, %iota3A : vector<16xi32>
    tpu.vector_store_idx %arg15[%broadcast_in_dim3A_3, %add3A_143], %broadcast_in_dim3A_134 : memref<1x112xi32, #tpu.memory_space<vmem>>[vector<16xi32>, vector<16xi32>], vector<16xi32>,
    %add3A_144 = arith.constant 48 : i32
    %add3A_145 = vector.broadcast %add3A_144 : i32 to vector<16xi32>
    %add3A_146 = arith.addi %add3A_145, %iota3A : vector<16xi32>
    tpu.vector_store_idx %arg15[%broadcast_in_dim3A_3, %add3A_146], %broadcast_in_dim3A_134 : memref<1x112xi32, #tpu.memory_space<vmem>>[vector<16xi32>, vector<16xi32>], vector<16xi32>,
    %add3A_147 = arith.constant 64 : i32
    %add3A_148 = vector.broadcast %add3A_147 : i32 to vector<16xi32>
    %add3A_149 = arith.addi %add3A_148, %iota3A : vector<16xi32>
    tpu.vector_store_idx %arg15[%broadcast_in_dim3A_3, %add3A_149], %broadcast_in_dim3A_134 : memref<1x112xi32, #tpu.memory_space<vmem>>[vector<16xi32>, vector<16xi32>], vector<16xi32>,
    %add3A_150 = arith.constant 80 : i32
    %add3A_151 = vector.broadcast %add3A_150 : i32 to vector<16xi32>
    %add3A_152 = arith.addi %add3A_151, %iota3A : vector<16xi32>
    tpu.vector_store_idx %arg15[%broadcast_in_dim3A_3, %add3A_152], %broadcast_in_dim3A_134 : memref<1x112xi32, #tpu.memory_space<vmem>>[vector<16xi32>, vector<16xi32>], vector<16xi32>,
    %add3A_153 = arith.constant 96 : i32
    %add3A_154 = vector.broadcast %add3A_153 : i32 to vector<16xi32>
    %add3A_155 = arith.addi %add3A_154, %iota3A : vector<16xi32>
    tpu.vector_store_idx %arg15[%broadcast_in_dim3A_3, %add3A_155], %broadcast_in_dim3A_134 : memref<1x112xi32, #tpu.memory_space<vmem>>[vector<16xi32>, vector<16xi32>], vector<16xi32>,
    %sub3A_156 = arith.constant 96 : i32
    %sub3A_157 = arith.subi %sub3A_156, %add3A : i32
    %add3A_158 = arith.constant 32 : i32
    %add3A_159 = arith.addi %sub3A_157, %add3A_158 : i32
    %jit3A_160 = arith.constant 32 : i32
    %div3A_161 = arith.divsi %add3A_159, %jit3A_160 : i32
    %sign3A_162 = arith.constant 0 : i32
    %sign3A_163 = arith.cmpi sgt, %add3A_159, %sign3A_162 : i32
    %sign3A_164 = arith.extui %sign3A_163 : i1 to i32
    %sign3A_165 = arith.constant 0 : i32
    %sign3A_166 = arith.cmpi slt, %add3A_159, %sign3A_165 : i32
    %sign3A_167 = arith.extui %sign3A_166 : i1 to i32
    %sign3A_168 = arith.subi %sign3A_164, %sign3A_167 : i32
    %sign3A_169 = arith.constant 0 : i32
    %sign3A_170 = arith.cmpi sgt, %jit3A_160, %sign3A_169 : i32
    %sign3A_171 = arith.extui %sign3A_170 : i1 to i32
    %sign3A_172 = arith.constant 0 : i32
    %sign3A_173 = arith.cmpi slt, %jit3A_160, %sign3A_172 : i32
    %sign3A_174 = arith.extui %sign3A_173 : i1 to i32
    %sign3A_175 = arith.subi %sign3A_171, %sign3A_174 : i32
    %ne3A_176 = arith.cmpi ne, %sign3A_168, %sign3A_175 : i32
    %rem3A_177 = arith.remsi %add3A_159, %jit3A_160 : i32
    %ne3A_178 = arith.constant 0 : i32
    %ne3A_179 = arith.cmpi ne, %rem3A_177, %ne3A_178 : i32
    %and3A_180 = arith.andi %ne3A_176, %ne3A_179 : i1
    %sub3A_181 = arith.constant 1 : i32
    %sub3A_182 = arith.subi %div3A_161, %sub3A_181 : i32
    %select_n3A_183 = arith.select %and3A_180, %sub3A_182, %div3A_161 : i32
    %eq3A_184 = arith.constant 1 : i32
    %eq3A_185 = arith.cmpi eq, %add3A, %eq3A_184 : i32
    %convert_element_type3A_186 = arith.extui %eq3A_185 : i1 to i32
    %add3A_187 = arith.addi %select_n3A_183, %convert_element_type3A_186 : i32
    %gt3A_188 = arith.constant 0 : i32
    %gt3A_189 = arith.cmpi sgt, %add3A_187, %gt3A_188 : i32
    %eq3A_190 = arith.constant 0 : i32
    %eq3A_191 = arith.cmpi eq, %select_n3A_183, %eq3A_190 : i32
    %add3A_192 = arith.constant 0 : i32
    %add3A_193 = arith.addi %add3A, %add3A_192 : i32
    %and3A_194 = arith.constant true
    %and3A_195 = arith.andi %gt3A_189, %and3A_194 : i1
    %not3A_196 = arith.constant true
    %not3A_197 = arith.xori %eq3A_191, %not3A_196 : i1
    %and3A_198 = arith.andi %and3A_195, %not3A_197 : i1
    %convert_element_type3A_199 = arith.extui %and3A_198 : i1 to i32
    %cond3A_200 = arith.constant 0 : i32
    %cond3A_201 = arith.cmpi ne, %convert_element_type3A_199, %cond3A_200 : i32
    scf.if %cond3A_201 {
      %mul3A_279 = arith.constant 1024 : i32
      %mul3A_280 = arith.muli %add3A_193, %mul3A_279 : i32
      %multiple_of3A = tpu.assume_multiple %mul3A_280, 1024 : i32
      %dma_start3A = arith.constant 0 : i32
      %dma_start3A_281 = arith.constant 0 : i32
      %dma_start3A_282 = arith.constant 0 : i32
      %dma_start3A_283 = tpu.memref_slice %arg10[%dma_start3A, %dma_start3A_281, %dma_start3A_282] : memref<2x32x1024xf32, #tpu.memory_space<vmem>> -> memref<1x32x1024xf32, #tpu.memory_space<vmem>>
      %dma_start3A_284 = tpu.memref_squeeze %dma_start3A_283 : memref<1x32x1024xf32, #tpu.memory_space<vmem>> -> memref<32x1024xf32, #tpu.memory_space<vmem>>
      %dma_start3A_285 = arith.constant 0 : i32
      %dma_start3A_286 = tpu.memref_slice %arg3[%dma_start3A_285, %multiple_of3A] : memref<32x100000xf32, #tpu.memory_space<hbm>> -> memref<32x1024xf32, #tpu.memory_space<hbm>>
      %dma_start3A_287 = arith.constant 0 : i32
      %dma_start3A_288 = arith.constant 0 : i32
      %dma_start3A_289 = tpu.memref_slice %arg10[%dma_start3A, %dma_start3A_287, %dma_start3A_288] : memref<2x32x1024xf32, #tpu.memory_space<vmem>> -> memref<1x32x1024xf32, #tpu.memory_space<vmem>>
      %dma_start3A_290 = tpu.memref_squeeze %dma_start3A_289 : memref<1x32x1024xf32, #tpu.memory_space<vmem>> -> memref<32x1024xf32, #tpu.memory_space<vmem>>
      %dma_start3A_291 = arith.constant 0 : i32
      %dma_start3A_292 = tpu.memref_slice %arg3[%dma_start3A_291, %multiple_of3A] : memref<32x100000xf32, #tpu.memory_space<hbm>> -> memref<32x1024xf32, #tpu.memory_space<hbm>>
      tpu.enqueue_dma source(%dma_start3A_292 : memref<32x1024xf32, #tpu.memory_space<hbm>>) target(%dma_start3A_290 : memref<32x1024xf32, #tpu.memory_space<vmem>>) target_semaphore(%arg16 : memref<!tpu.dma_semaphore, #tpu.memory_space<semaphore_mem>>)
    } else {
    }
    %and3A_202 = arith.constant true
    %and3A_203 = arith.andi %gt3A_189, %and3A_202 : i1
    %and3A_204 = arith.andi %and3A_203, %eq3A_191 : i1
    %convert_element_type3A_205 = arith.extui %and3A_204 : i1 to i32
    %cond3A_206 = arith.constant 0 : i32
    %cond3A_207 = arith.cmpi ne, %convert_element_type3A_205, %cond3A_206 : i32
    scf.if %cond3A_207 {
      %dma_start3A = arith.constant 0 : i32
      %dma_start3A_279 = arith.constant 0 : i32
      %dma_start3A_280 = arith.constant 0 : i32
      %dma_start3A_281 = tpu.memref_slice %arg10[%dma_start3A, %dma_start3A_279, %dma_start3A_280] : memref<2x32x1024xf32, #tpu.memory_space<vmem>> -> memref<1x32x1024xf32, #tpu.memory_space<vmem>>
      %dma_start3A_282 = tpu.memref_squeeze %dma_start3A_281 : memref<1x32x1024xf32, #tpu.memory_space<vmem>> -> memref<32x1024xf32, #tpu.memory_space<vmem>>
      %dma_start3A_283 = arith.constant 0 : i32
      %dma_start3A_284 = arith.constant 0 : i32
      %dma_start3A_285 = tpu.memref_slice %arg10[%dma_start3A, %dma_start3A_283, %dma_start3A_284] : memref<2x32x1024xf32, #tpu.memory_space<vmem>> -> memref<1x32x1024xf32, #tpu.memory_space<vmem>>
      %dma_start3A_286 = tpu.memref_squeeze %dma_start3A_285 : memref<1x32x1024xf32, #tpu.memory_space<vmem>> -> memref<32x1024xf32, #tpu.memory_space<vmem>>
      tpu.enqueue_dma source(%arg5 : memref<32x1024xf32, #tpu.memory_space<hbm>>) target(%dma_start3A_286 : memref<32x1024xf32, #tpu.memory_space<vmem>>) target_semaphore(%arg16 : memref<!tpu.dma_semaphore, #tpu.memory_space<semaphore_mem>>)
    } else {
    }
    %and3A_208 = arith.constant false
    %and3A_209 = arith.andi %gt3A_189, %and3A_208 : i1
    %not3A_210 = arith.constant true
    %not3A_211 = arith.xori %eq3A_191, %not3A_210 : i1
    %and3A_212 = arith.andi %and3A_209, %not3A_211 : i1
    %convert_element_type3A_213 = arith.extui %and3A_212 : i1 to i32
    %cond3A_214 = arith.constant 0 : i32
    %cond3A_215 = arith.cmpi ne, %convert_element_type3A_213, %cond3A_214 : i32
    scf.if %cond3A_215 {
      %mul3A_279 = arith.constant 1024 : i32
      %mul3A_280 = arith.muli %add3A_193, %mul3A_279 : i32
      %multiple_of3A = tpu.assume_multiple %mul3A_280, 1024 : i32
      %dma_start3A = arith.constant 1 : i32
      %dma_start3A_281 = arith.constant 0 : i32
      %dma_start3A_282 = arith.constant 0 : i32
      %dma_start3A_283 = tpu.memref_slice %arg10[%dma_start3A, %dma_start3A_281, %dma_start3A_282] : memref<2x32x1024xf32, #tpu.memory_space<vmem>> -> memref<1x32x1024xf32, #tpu.memory_space<vmem>>
      %dma_start3A_284 = tpu.memref_squeeze %dma_start3A_283 : memref<1x32x1024xf32, #tpu.memory_space<vmem>> -> memref<32x1024xf32, #tpu.memory_space<vmem>>
      %dma_start3A_285 = arith.constant 0 : i32
      %dma_start3A_286 = tpu.memref_slice %arg3[%dma_start3A_285, %multiple_of3A] : memref<32x100000xf32, #tpu.memory_space<hbm>> -> memref<32x1024xf32, #tpu.memory_space<hbm>>
      %dma_start3A_287 = arith.constant 0 : i32
      %dma_start3A_288 = arith.constant 0 : i32
      %dma_start3A_289 = tpu.memref_slice %arg10[%dma_start3A, %dma_start3A_287, %dma_start3A_288] : memref<2x32x1024xf32, #tpu.memory_space<vmem>> -> memref<1x32x1024xf32, #tpu.memory_space<vmem>>
      %dma_start3A_290 = tpu.memref_squeeze %dma_start3A_289 : memref<1x32x1024xf32, #tpu.memory_space<vmem>> -> memref<32x1024xf32, #tpu.memory_space<vmem>>
      %dma_start3A_291 = arith.constant 0 : i32
      %dma_start3A_292 = tpu.memref_slice %arg3[%dma_start3A_291, %multiple_of3A] : memref<32x100000xf32, #tpu.memory_space<hbm>> -> memref<32x1024xf32, #tpu.memory_space<hbm>>
      tpu.enqueue_dma source(%dma_start3A_292 : memref<32x1024xf32, #tpu.memory_space<hbm>>) target(%dma_start3A_290 : memref<32x1024xf32, #tpu.memory_space<vmem>>) target_semaphore(%arg17 : memref<!tpu.dma_semaphore, #tpu.memory_space<semaphore_mem>>)
    } else {
    }
    %and3A_216 = arith.constant false
    %and3A_217 = arith.andi %gt3A_189, %and3A_216 : i1
    %and3A_218 = arith.andi %and3A_217, %eq3A_191 : i1
    %convert_element_type3A_219 = arith.extui %and3A_218 : i1 to i32
    %cond3A_220 = arith.constant 0 : i32
    %cond3A_221 = arith.cmpi ne, %convert_element_type3A_219, %cond3A_220 : i32
    scf.if %cond3A_221 {
      %dma_start3A = arith.constant 1 : i32
      %dma_start3A_279 = arith.constant 0 : i32
      %dma_start3A_280 = arith.constant 0 : i32
      %dma_start3A_281 = tpu.memref_slice %arg10[%dma_start3A, %dma_start3A_279, %dma_start3A_280] : memref<2x32x1024xf32, #tpu.memory_space<vmem>> -> memref<1x32x1024xf32, #tpu.memory_space<vmem>>
      %dma_start3A_282 = tpu.memref_squeeze %dma_start3A_281 : memref<1x32x1024xf32, #tpu.memory_space<vmem>> -> memref<32x1024xf32, #tpu.memory_space<vmem>>
      %dma_start3A_283 = arith.constant 0 : i32
      %dma_start3A_284 = arith.constant 0 : i32
      %dma_start3A_285 = tpu.memref_slice %arg10[%dma_start3A, %dma_start3A_283, %dma_start3A_284] : memref<2x32x1024xf32, #tpu.memory_space<vmem>> -> memref<1x32x1024xf32, #tpu.memory_space<vmem>>
      %dma_start3A_286 = tpu.memref_squeeze %dma_start3A_285 : memref<1x32x1024xf32, #tpu.memory_space<vmem>> -> memref<32x1024xf32, #tpu.memory_space<vmem>>
      tpu.enqueue_dma source(%arg5 : memref<32x1024xf32, #tpu.memory_space<hbm>>) target(%dma_start3A_286 : memref<32x1024xf32, #tpu.memory_space<vmem>>) target_semaphore(%arg17 : memref<!tpu.dma_semaphore, #tpu.memory_space<semaphore_mem>>)
    } else {
    }
    %gt3A_222 = arith.constant 1 : i32
    %gt3A_223 = arith.cmpi sgt, %add3A_187, %gt3A_222 : i32
    %eq3A_224 = arith.constant 1 : i32
    %eq3A_225 = arith.cmpi eq, %select_n3A_183, %eq3A_224 : i32
    %add3A_226 = arith.constant 32 : i32
    %add3A_227 = arith.addi %add3A, %add3A_226 : i32
    %and3A_228 = arith.constant false
    %and3A_229 = arith.andi %gt3A_223, %and3A_228 : i1
    %not3A_230 = arith.constant true
    %not3A_231 = arith.xori %eq3A_225, %not3A_230 : i1
    %and3A_232 = arith.andi %and3A_229, %not3A_231 : i1
    %convert_element_type3A_233 = arith.extui %and3A_232 : i1 to i32
    %cond3A_234 = arith.constant 0 : i32
    %cond3A_235 = arith.cmpi ne, %convert_element_type3A_233, %cond3A_234 : i32
    scf.if %cond3A_235 {
      %mul3A_279 = arith.constant 1024 : i32
      %mul3A_280 = arith.muli %add3A_227, %mul3A_279 : i32
      %multiple_of3A = tpu.assume_multiple %mul3A_280, 1024 : i32
      %dma_start3A = arith.constant 0 : i32
      %dma_start3A_281 = arith.constant 0 : i32
      %dma_start3A_282 = arith.constant 0 : i32
      %dma_start3A_283 = tpu.memref_slice %arg10[%dma_start3A, %dma_start3A_281, %dma_start3A_282] : memref<2x32x1024xf32, #tpu.memory_space<vmem>> -> memref<1x32x1024xf32, #tpu.memory_space<vmem>>
      %dma_start3A_284 = tpu.memref_squeeze %dma_start3A_283 : memref<1x32x1024xf32, #tpu.memory_space<vmem>> -> memref<32x1024xf32, #tpu.memory_space<vmem>>
      %dma_start3A_285 = arith.constant 0 : i32
      %dma_start3A_286 = tpu.memref_slice %arg3[%dma_start3A_285, %multiple_of3A] : memref<32x100000xf32, #tpu.memory_space<hbm>> -> memref<32x1024xf32, #tpu.memory_space<hbm>>
      %dma_start3A_287 = arith.constant 0 : i32
      %dma_start3A_288 = arith.constant 0 : i32
      %dma_start3A_289 = tpu.memref_slice %arg10[%dma_start3A, %dma_start3A_287, %dma_start3A_288] : memref<2x32x1024xf32, #tpu.memory_space<vmem>> -> memref<1x32x1024xf32, #tpu.memory_space<vmem>>
      %dma_start3A_290 = tpu.memref_squeeze %dma_start3A_289 : memref<1x32x1024xf32, #tpu.memory_space<vmem>> -> memref<32x1024xf32, #tpu.memory_space<vmem>>
      %dma_start3A_291 = arith.constant 0 : i32
      %dma_start3A_292 = tpu.memref_slice %arg3[%dma_start3A_291, %multiple_of3A] : memref<32x100000xf32, #tpu.memory_space<hbm>> -> memref<32x1024xf32, #tpu.memory_space<hbm>>
      tpu.enqueue_dma source(%dma_start3A_292 : memref<32x1024xf32, #tpu.memory_space<hbm>>) target(%dma_start3A_290 : memref<32x1024xf32, #tpu.memory_space<vmem>>) target_semaphore(%arg16 : memref<!tpu.dma_semaphore, #tpu.memory_space<semaphore_mem>>)
    } else {
    }
    %and3A_236 = arith.constant false
    %and3A_237 = arith.andi %gt3A_223, %and3A_236 : i1
    %and3A_238 = arith.andi %and3A_237, %eq3A_225 : i1
    %convert_element_type3A_239 = arith.extui %and3A_238 : i1 to i32
    %cond3A_240 = arith.constant 0 : i32
    %cond3A_241 = arith.cmpi ne, %convert_element_type3A_239, %cond3A_240 : i32
    scf.if %cond3A_241 {
      %dma_start3A = arith.constant 0 : i32
      %dma_start3A_279 = arith.constant 0 : i32
      %dma_start3A_280 = arith.constant 0 : i32
      %dma_start3A_281 = tpu.memref_slice %arg10[%dma_start3A, %dma_start3A_279, %dma_start3A_280] : memref<2x32x1024xf32, #tpu.memory_space<vmem>> -> memref<1x32x1024xf32, #tpu.memory_space<vmem>>
      %dma_start3A_282 = tpu.memref_squeeze %dma_start3A_281 : memref<1x32x1024xf32, #tpu.memory_space<vmem>> -> memref<32x1024xf32, #tpu.memory_space<vmem>>
      %dma_start3A_283 = arith.constant 0 : i32
      %dma_start3A_284 = arith.constant 0 : i32
      %dma_start3A_285 = tpu.memref_slice %arg10[%dma_start3A, %dma_start3A_283, %dma_start3A_284] : memref<2x32x1024xf32, #tpu.memory_space<vmem>> -> memref<1x32x1024xf32, #tpu.memory_space<vmem>>
      %dma_start3A_286 = tpu.memref_squeeze %dma_start3A_285 : memref<1x32x1024xf32, #tpu.memory_space<vmem>> -> memref<32x1024xf32, #tpu.memory_space<vmem>>
      tpu.enqueue_dma source(%arg5 : memref<32x1024xf32, #tpu.memory_space<hbm>>) target(%dma_start3A_286 : memref<32x1024xf32, #tpu.memory_space<vmem>>) target_semaphore(%arg16 : memref<!tpu.dma_semaphore, #tpu.memory_space<semaphore_mem>>)
    } else {
    }
    %and3A_242 = arith.constant true
    %and3A_243 = arith.andi %gt3A_223, %and3A_242 : i1
    %not3A_244 = arith.constant true
    %not3A_245 = arith.xori %eq3A_225, %not3A_244 : i1
    %and3A_246 = arith.andi %and3A_243, %not3A_245 : i1
    %convert_element_type3A_247 = arith.extui %and3A_246 : i1 to i32
    %cond3A_248 = arith.constant 0 : i32
    %cond3A_249 = arith.cmpi ne, %convert_element_type3A_247, %cond3A_248 : i32
    scf.if %cond3A_249 {
      %mul3A_279 = arith.constant 1024 : i32
      %mul3A_280 = arith.muli %add3A_227, %mul3A_279 : i32
      %multiple_of3A = tpu.assume_multiple %mul3A_280, 1024 : i32
      %dma_start3A = arith.constant 1 : i32
      %dma_start3A_281 = arith.constant 0 : i32
      %dma_start3A_282 = arith.constant 0 : i32
      %dma_start3A_283 = tpu.memref_slice %arg10[%dma_start3A, %dma_start3A_281, %dma_start3A_282] : memref<2x32x1024xf32, #tpu.memory_space<vmem>> -> memref<1x32x1024xf32, #tpu.memory_space<vmem>>
      %dma_start3A_284 = tpu.memref_squeeze %dma_start3A_283 : memref<1x32x1024xf32, #tpu.memory_space<vmem>> -> memref<32x1024xf32, #tpu.memory_space<vmem>>
      %dma_start3A_285 = arith.constant 0 : i32
      %dma_start3A_286 = tpu.memref_slice %arg3[%dma_start3A_285, %multiple_of3A] : memref<32x100000xf32, #tpu.memory_space<hbm>> -> memref<32x1024xf32, #tpu.memory_space<hbm>>
      %dma_start3A_287 = arith.constant 0 : i32
      %dma_start3A_288 = arith.constant 0 : i32
      %dma_start3A_289 = tpu.memref_slice %arg10[%dma_start3A, %dma_start3A_287, %dma_start3A_288] : memref<2x32x1024xf32, #tpu.memory_space<vmem>> -> memref<1x32x1024xf32, #tpu.memory_space<vmem>>
      %dma_start3A_290 = tpu.memref_squeeze %dma_start3A_289 : memref<1x32x1024xf32, #tpu.memory_space<vmem>> -> memref<32x1024xf32, #tpu.memory_space<vmem>>
      %dma_start3A_291 = arith.constant 0 : i32
      %dma_start3A_292 = tpu.memref_slice %arg3[%dma_start3A_291, %multiple_of3A] : memref<32x100000xf32, #tpu.memory_space<hbm>> -> memref<32x1024xf32, #tpu.memory_space<hbm>>
      tpu.enqueue_dma source(%dma_start3A_292 : memref<32x1024xf32, #tpu.memory_space<hbm>>) target(%dma_start3A_290 : memref<32x1024xf32, #tpu.memory_space<vmem>>) target_semaphore(%arg17 : memref<!tpu.dma_semaphore, #tpu.memory_space<semaphore_mem>>)
    } else {
    }
    %and3A_250 = arith.constant true
    %and3A_251 = arith.andi %gt3A_223, %and3A_250 : i1
    %and3A_252 = arith.andi %and3A_251, %eq3A_225 : i1
    %convert_element_type3A_253 = arith.extui %and3A_252 : i1 to i32
    %cond3A_254 = arith.constant 0 : i32
    %cond3A_255 = arith.cmpi ne, %convert_element_type3A_253, %cond3A_254 : i32
    scf.if %cond3A_255 {
      %dma_start3A = arith.constant 1 : i32
      %dma_start3A_279 = arith.constant 0 : i32
      %dma_start3A_280 = arith.constant 0 : i32
      %dma_start3A_281 = tpu.memref_slice %arg10[%dma_start3A, %dma_start3A_279, %dma_start3A_280] : memref<2x32x1024xf32, #tpu.memory_space<vmem>> -> memref<1x32x1024xf32, #tpu.memory_space<vmem>>
      %dma_start3A_282 = tpu.memref_squeeze %dma_start3A_281 : memref<1x32x1024xf32, #tpu.memory_space<vmem>> -> memref<32x1024xf32, #tpu.memory_space<vmem>>
      %dma_start3A_283 = arith.constant 0 : i32
      %dma_start3A_284 = arith.constant 0 : i32
      %dma_start3A_285 = tpu.memref_slice %arg10[%dma_start3A, %dma_start3A_283, %dma_start3A_284] : memref<2x32x1024xf32, #tpu.memory_space<vmem>> -> memref<1x32x1024xf32, #tpu.memory_space<vmem>>
      %dma_start3A_286 = tpu.memref_squeeze %dma_start3A_285 : memref<1x32x1024xf32, #tpu.memory_space<vmem>> -> memref<32x1024xf32, #tpu.memory_space<vmem>>
      tpu.enqueue_dma source(%arg5 : memref<32x1024xf32, #tpu.memory_space<hbm>>) target(%dma_start3A_286 : memref<32x1024xf32, #tpu.memory_space<vmem>>) target_semaphore(%arg17 : memref<!tpu.dma_semaphore, #tpu.memory_space<semaphore_mem>>)
    } else {
    }
    %scan3A_256 = arith.constant 0 : i32
    %scan3A_257 = arith.constant 256 : i32
    %scan3A_258 = arith.addi %scan3A_256, %scan3A_257 : i32
    %scan3A_259 = arith.constant 1 : i32
    %scan3A_260 = scf.for %scan3A_279 = %scan3A_256 to %scan3A_258 step %scan3A_259 iter_args(%scan3A_280 = %broadcast_in_dim3A_3) -> (vector<16xi32>)  : i32 {
      %mul3A_281 = arith.constant 4 : i32
      %mul3A_282 = arith.muli %scan3A_279, %mul3A_281 : i32
      %add3A_283 = arith.constant 0 : i32
      %add3A_284 = arith.addi %mul3A_282, %add3A_283 : i32
      %mul3A_285 = arith.constant 16 : i32
      %mul3A_286 = arith.muli %add3A_284, %mul3A_285 : i32
      %multiple_of3A = tpu.assume_multiple %mul3A_286, 16 : i32
      %get3A = arith.index_cast %multiple_of3A : i32 to index
      %get3A_287 = tpu.vector_load %arg11[%get3A] {strides = array<i32>} : memref<16384xi32, #tpu.memory_space<vmem>>, vector<16xi32>,
      %shift_right_arithmetic3A = arith.constant 10 : i32
      %shift_right_arithmetic3A_288 = vector.broadcast %shift_right_arithmetic3A : i32 to vector<16xi32>
      %shift_right_arithmetic3A_289 = arith.shrsi %get3A_287, %shift_right_arithmetic3A_288 : vector<16xi32>
      %and3A_290 = arith.constant 31 : i32
      %and3A_291 = vector.broadcast %and3A_290 : i32 to vector<16xi32>
      %and3A_292 = arith.andi %shift_right_arithmetic3A_289, %and3A_291 : vector<16xi32>
      %eq3A_293 = vector.broadcast %add3A : i32 to vector<16xi32>
      %eq3A_294 = arith.cmpi eq, %and3A_292, %eq3A_293 : vector<16xi32>
      %shift_right_arithmetic3A_295 = arith.constant 5 : i32
      %shift_right_arithmetic3A_296 = vector.broadcast %shift_right_arithmetic3A_295 : i32 to vector<16xi32>
      %shift_right_arithmetic3A_297 = arith.shrsi %shift_right_arithmetic3A_289, %shift_right_arithmetic3A_296 : vector<16xi32>
      %shift_left3A = arith.constant 24 : i32
      %shift_left3A_298 = vector.broadcast %shift_left3A : i32 to vector<16xi32>
      %shift_left3A_299 = arith.shli %shift_right_arithmetic3A_297, %shift_left3A_298 : vector<16xi32>
      %and3A_300 = arith.constant 1023 : i32
      %and3A_301 = vector.broadcast %and3A_300 : i32 to vector<16xi32>
      %and3A_302 = arith.andi %get3A_287, %and3A_301 : vector<16xi32>
      %shift_left3A_303 = arith.constant 14 : i32
      %shift_left3A_304 = vector.broadcast %shift_left3A_303 : i32 to vector<16xi32>
      %shift_left3A_305 = arith.shli %and3A_302, %shift_left3A_304 : vector<16xi32>
      %or3A = arith.ori %shift_left3A_299, %shift_left3A_305 : vector<16xi32>
      %mul3A_306 = arith.constant 16 : i32
      %mul3A_307 = arith.muli %add3A_284, %mul3A_306 : i32
      %add3A_308 = vector.broadcast %mul3A_307 : i32 to vector<16xi32>
      %add3A_309 = arith.addi %add3A_308, %iota3A : vector<16xi32>
      %or3A_310 = arith.ori %or3A, %add3A_309 : vector<16xi32>
      %convert_element_type3A_311 = arith.extui %eq3A_294 : vector<16xi1> to vector<16xi32>
      %broadcast_in_dim3A_312 = arith.constant true
      %broadcast_in_dim3A_313 = vector.broadcast %broadcast_in_dim3A_312 : i1 to vector<16xi1>
      %masked_cumsum3A = tpu.scan <sum>, %convert_element_type3A_311 masked %broadcast_in_dim3A_313 : vector<16xi32>, vector<16xi1> -> vector<16xi32>
      %add3A_314 = arith.addi %scan3A_280, %masked_cumsum3A : vector<16xi32>
      %sub3A_315 = arith.constant 1 : i32
      %sub3A_316 = vector.broadcast %sub3A_315 : i32 to vector<16xi32>
      %sub3A_317 = arith.subi %add3A_314, %sub3A_316 : vector<16xi32>
      tpu.vector_store_idx %arg12[%sub3A_317], %or3A_310 masked %eq3A_294 : memref<16384xi32, #tpu.memory_space<vmem>>[vector<16xi32>], vector<16xi32>, vector<16xi1>
      %all_reduce_population_count3A = tpu.all_reduce %eq3A_294 {dim = 0 : i64, kind = #tpu.reduction_kind<sum>} : vector<16xi1> -> vector<16xi32>
      %add3A_318 = arith.addi %scan3A_280, %all_reduce_population_count3A : vector<16xi32>
      %mul3A_319 = arith.constant 4 : i32
      %mul3A_320 = arith.muli %scan3A_279, %mul3A_319 : i32
      %add3A_321 = arith.constant 1 : i32
      %add3A_322 = arith.addi %mul3A_320, %add3A_321 : i32
      %mul3A_323 = arith.constant 16 : i32
      %mul3A_324 = arith.muli %add3A_322, %mul3A_323 : i32
      %multiple_of3A_325 = tpu.assume_multiple %mul3A_324, 16 : i32
      %get3A_326 = arith.index_cast %multiple_of3A_325 : i32 to index
      %get3A_327 = tpu.vector_load %arg11[%get3A_326] {strides = array<i32>} : memref<16384xi32, #tpu.memory_space<vmem>>, vector<16xi32>,
      %shift_right_arithmetic3A_328 = arith.constant 10 : i32
      %shift_right_arithmetic3A_329 = vector.broadcast %shift_right_arithmetic3A_328 : i32 to vector<16xi32>
      %shift_right_arithmetic3A_330 = arith.shrsi %get3A_327, %shift_right_arithmetic3A_329 : vector<16xi32>
      %and3A_331 = arith.constant 31 : i32
      %and3A_332 = vector.broadcast %and3A_331 : i32 to vector<16xi32>
      %and3A_333 = arith.andi %shift_right_arithmetic3A_330, %and3A_332 : vector<16xi32>
      %eq3A_334 = vector.broadcast %add3A : i32 to vector<16xi32>
      %eq3A_335 = arith.cmpi eq, %and3A_333, %eq3A_334 : vector<16xi32>
      %shift_right_arithmetic3A_336 = arith.constant 5 : i32
      %shift_right_arithmetic3A_337 = vector.broadcast %shift_right_arithmetic3A_336 : i32 to vector<16xi32>
      %shift_right_arithmetic3A_338 = arith.shrsi %shift_right_arithmetic3A_330, %shift_right_arithmetic3A_337 : vector<16xi32>
      %shift_left3A_339 = arith.constant 24 : i32
      %shift_left3A_340 = vector.broadcast %shift_left3A_339 : i32 to vector<16xi32>
      %shift_left3A_341 = arith.shli %shift_right_arithmetic3A_338, %shift_left3A_340 : vector<16xi32>
      %and3A_342 = arith.constant 1023 : i32
      %and3A_343 = vector.broadcast %and3A_342 : i32 to vector<16xi32>
      %and3A_344 = arith.andi %get3A_327, %and3A_343 : vector<16xi32>
      %shift_left3A_345 = arith.constant 14 : i32
      %shift_left3A_346 = vector.broadcast %shift_left3A_345 : i32 to vector<16xi32>
      %shift_left3A_347 = arith.shli %and3A_344, %shift_left3A_346 : vector<16xi32>
      %or3A_348 = arith.ori %shift_left3A_341, %shift_left3A_347 : vector<16xi32>
      %mul3A_349 = arith.constant 16 : i32
      %mul3A_350 = arith.muli %add3A_322, %mul3A_349 : i32
      %add3A_351 = vector.broadcast %mul3A_350 : i32 to vector<16xi32>
      %add3A_352 = arith.addi %add3A_351, %iota3A : vector<16xi32>
      %or3A_353 = arith.ori %or3A_348, %add3A_352 : vector<16xi32>
      %convert_element_type3A_354 = arith.extui %eq3A_335 : vector<16xi1> to vector<16xi32>
      %broadcast_in_dim3A_355 = arith.constant true
      %broadcast_in_dim3A_356 = vector.broadcast %broadcast_in_dim3A_355 : i1 to vector<16xi1>
      %masked_cumsum3A_357 = tpu.scan <sum>, %convert_element_type3A_354 masked %broadcast_in_dim3A_356 : vector<16xi32>, vector<16xi1> -> vector<16xi32>
      %add3A_358 = arith.addi %add3A_318, %masked_cumsum3A_357 : vector<16xi32>
      %sub3A_359 = arith.constant 1 : i32
      %sub3A_360 = vector.broadcast %sub3A_359 : i32 to vector<16xi32>
      %sub3A_361 = arith.subi %add3A_358, %sub3A_360 : vector<16xi32>
      tpu.vector_store_idx %arg12[%sub3A_361], %or3A_353 masked %eq3A_335 : memref<16384xi32, #tpu.memory_space<vmem>>[vector<16xi32>], vector<16xi32>, vector<16xi1>
      %all_reduce_population_count3A_362 = tpu.all_reduce %eq3A_335 {dim = 0 : i64, kind = #tpu.reduction_kind<sum>} : vector<16xi1> -> vector<16xi32>
      %add3A_363 = arith.addi %add3A_318, %all_reduce_population_count3A_362 : vector<16xi32>
      %mul3A_364 = arith.constant 4 : i32
      %mul3A_365 = arith.muli %scan3A_279, %mul3A_364 : i32
      %add3A_366 = arith.constant 2 : i32
      %add3A_367 = arith.addi %mul3A_365, %add3A_366 : i32
      %mul3A_368 = arith.constant 16 : i32
      %mul3A_369 = arith.muli %add3A_367, %mul3A_368 : i32
      %multiple_of3A_370 = tpu.assume_multiple %mul3A_369, 16 : i32
      %get3A_371 = arith.index_cast %multiple_of3A_370 : i32 to index
      %get3A_372 = tpu.vector_load %arg11[%get3A_371] {strides = array<i32>} : memref<16384xi32, #tpu.memory_space<vmem>>, vector<16xi32>,
      %shift_right_arithmetic3A_373 = arith.constant 10 : i32
      %shift_right_arithmetic3A_374 = vector.broadcast %shift_right_arithmetic3A_373 : i32 to vector<16xi32>
      %shift_right_arithmetic3A_375 = arith.shrsi %get3A_372, %shift_right_arithmetic3A_374 : vector<16xi32>
      %and3A_376 = arith.constant 31 : i32
      %and3A_377 = vector.broadcast %and3A_376 : i32 to vector<16xi32>
      %and3A_378 = arith.andi %shift_right_arithmetic3A_375, %and3A_377 : vector<16xi32>
      %eq3A_379 = vector.broadcast %add3A : i32 to vector<16xi32>
      %eq3A_380 = arith.cmpi eq, %and3A_378, %eq3A_379 : vector<16xi32>
      %shift_right_arithmetic3A_381 = arith.constant 5 : i32
      %shift_right_arithmetic3A_382 = vector.broadcast %shift_right_arithmetic3A_381 : i32 to vector<16xi32>
      %shift_right_arithmetic3A_383 = arith.shrsi %shift_right_arithmetic3A_375, %shift_right_arithmetic3A_382 : vector<16xi32>
      %shift_left3A_384 = arith.constant 24 : i32
      %shift_left3A_385 = vector.broadcast %shift_left3A_384 : i32 to vector<16xi32>
      %shift_left3A_386 = arith.shli %shift_right_arithmetic3A_383, %shift_left3A_385 : vector<16xi32>
      %and3A_387 = arith.constant 1023 : i32
      %and3A_388 = vector.broadcast %and3A_387 : i32 to vector<16xi32>
      %and3A_389 = arith.andi %get3A_372, %and3A_388 : vector<16xi32>
      %shift_left3A_390 = arith.constant 14 : i32
      %shift_left3A_391 = vector.broadcast %shift_left3A_390 : i32 to vector<16xi32>
      %shift_left3A_392 = arith.shli %and3A_389, %shift_left3A_391 : vector<16xi32>
      %or3A_393 = arith.ori %shift_left3A_386, %shift_left3A_392 : vector<16xi32>
      %mul3A_394 = arith.constant 16 : i32
      %mul3A_395 = arith.muli %add3A_367, %mul3A_394 : i32
      %add3A_396 = vector.broadcast %mul3A_395 : i32 to vector<16xi32>
      %add3A_397 = arith.addi %add3A_396, %iota3A : vector<16xi32>
      %or3A_398 = arith.ori %or3A_393, %add3A_397 : vector<16xi32>
      %convert_element_type3A_399 = arith.extui %eq3A_380 : vector<16xi1> to vector<16xi32>
      %broadcast_in_dim3A_400 = arith.constant true
      %broadcast_in_dim3A_401 = vector.broadcast %broadcast_in_dim3A_400 : i1 to vector<16xi1>
      %masked_cumsum3A_402 = tpu.scan <sum>, %convert_element_type3A_399 masked %broadcast_in_dim3A_401 : vector<16xi32>, vector<16xi1> -> vector<16xi32>
      %add3A_403 = arith.addi %add3A_363, %masked_cumsum3A_402 : vector<16xi32>
      %sub3A_404 = arith.constant 1 : i32
      %sub3A_405 = vector.broadcast %sub3A_404 : i32 to vector<16xi32>
      %sub3A_406 = arith.subi %add3A_403, %sub3A_405 : vector<16xi32>
      tpu.vector_store_idx %arg12[%sub3A_406], %or3A_398 masked %eq3A_380 : memref<16384xi32, #tpu.memory_space<vmem>>[vector<16xi32>], vector<16xi32>, vector<16xi1>
      %all_reduce_population_count3A_407 = tpu.all_reduce %eq3A_380 {dim = 0 : i64, kind = #tpu.reduction_kind<sum>} : vector<16xi1> -> vector<16xi32>
      %add3A_408 = arith.addi %add3A_363, %all_reduce_population_count3A_407 : vector<16xi32>
      %mul3A_409 = arith.constant 4 : i32
      %mul3A_410 = arith.muli %scan3A_279, %mul3A_409 : i32
      %add3A_411 = arith.constant 3 : i32
      %add3A_412 = arith.addi %mul3A_410, %add3A_411 : i32
      %mul3A_413 = arith.constant 16 : i32
      %mul3A_414 = arith.muli %add3A_412, %mul3A_413 : i32
      %multiple_of3A_415 = tpu.assume_multiple %mul3A_414, 16 : i32
      %get3A_416 = arith.index_cast %multiple_of3A_415 : i32 to index
      %get3A_417 = tpu.vector_load %arg11[%get3A_416] {strides = array<i32>} : memref<16384xi32, #tpu.memory_space<vmem>>, vector<16xi32>,
      %shift_right_arithmetic3A_418 = arith.constant 10 : i32
      %shift_right_arithmetic3A_419 = vector.broadcast %shift_right_arithmetic3A_418 : i32 to vector<16xi32>
      %shift_right_arithmetic3A_420 = arith.shrsi %get3A_417, %shift_right_arithmetic3A_419 : vector<16xi32>
      %and3A_421 = arith.constant 31 : i32
      %and3A_422 = vector.broadcast %and3A_421 : i32 to vector<16xi32>
      %and3A_423 = arith.andi %shift_right_arithmetic3A_420, %and3A_422 : vector<16xi32>
      %eq3A_424 = vector.broadcast %add3A : i32 to vector<16xi32>
      %eq3A_425 = arith.cmpi eq, %and3A_423, %eq3A_424 : vector<16xi32>
      %shift_right_arithmetic3A_426 = arith.constant 5 : i32
      %shift_right_arithmetic3A_427 = vector.broadcast %shift_right_arithmetic3A_426 : i32 to vector<16xi32>
      %shift_right_arithmetic3A_428 = arith.shrsi %shift_right_arithmetic3A_420, %shift_right_arithmetic3A_427 : vector<16xi32>
      %shift_left3A_429 = arith.constant 24 : i32
      %shift_left3A_430 = vector.broadcast %shift_left3A_429 : i32 to vector<16xi32>
      %shift_left3A_431 = arith.shli %shift_right_arithmetic3A_428, %shift_left3A_430 : vector<16xi32>
      %and3A_432 = arith.constant 1023 : i32
      %and3A_433 = vector.broadcast %and3A_432 : i32 to vector<16xi32>
      %and3A_434 = arith.andi %get3A_417, %and3A_433 : vector<16xi32>
      %shift_left3A_435 = arith.constant 14 : i32
      %shift_left3A_436 = vector.broadcast %shift_left3A_435 : i32 to vector<16xi32>
      %shift_left3A_437 = arith.shli %and3A_434, %shift_left3A_436 : vector<16xi32>
      %or3A_438 = arith.ori %shift_left3A_431, %shift_left3A_437 : vector<16xi32>
      %mul3A_439 = arith.constant 16 : i32
      %mul3A_440 = arith.muli %add3A_412, %mul3A_439 : i32
      %add3A_441 = vector.broadcast %mul3A_440 : i32 to vector<16xi32>
      %add3A_442 = arith.addi %add3A_441, %iota3A : vector<16xi32>
      %or3A_443 = arith.ori %or3A_438, %add3A_442 : vector<16xi32>
      %convert_element_type3A_444 = arith.extui %eq3A_425 : vector<16xi1> to vector<16xi32>
      %broadcast_in_dim3A_445 = arith.constant true
      %broadcast_in_dim3A_446 = vector.broadcast %broadcast_in_dim3A_445 : i1 to vector<16xi1>
      %masked_cumsum3A_447 = tpu.scan <sum>, %convert_element_type3A_444 masked %broadcast_in_dim3A_446 : vector<16xi32>, vector<16xi1> -> vector<16xi32>
      %add3A_448 = arith.addi %add3A_408, %masked_cumsum3A_447 : vector<16xi32>
      %sub3A_449 = arith.constant 1 : i32
      %sub3A_450 = vector.broadcast %sub3A_449 : i32 to vector<16xi32>
      %sub3A_451 = arith.subi %add3A_448, %sub3A_450 : vector<16xi32>
      tpu.vector_store_idx %arg12[%sub3A_451], %or3A_443 masked %eq3A_425 : memref<16384xi32, #tpu.memory_space<vmem>>[vector<16xi32>], vector<16xi32>, vector<16xi1>
      %all_reduce_population_count3A_452 = tpu.all_reduce %eq3A_425 {dim = 0 : i64, kind = #tpu.reduction_kind<sum>} : vector<16xi1> -> vector<16xi32>
      %add3A_453 = arith.addi %add3A_408, %all_reduce_population_count3A_452 : vector<16xi32>
      scf.yield %add3A_453 : vector<16xi32>
    }
    %scan3A_261 = arith.constant 256 : i32
    %while3A_262 = arith.constant 0 : i32
    %while3A_263 = arith.constant 0 : i32
    %while3A_264 = arith.subi %add3A_187, %while3A_262 : i32
    %while3A_265 = arith.addi %while3A_262, %while3A_264 : i32
    %while3A_266 = arith.constant 1 : i32
    %while3A_267 = arith.divsi %while3A_264, %while3A_266 : i32
    %while3A_268 = arith.muli %while3A_267, %while3A_266 : i32
    %while3A_269 = arith.addi %while3A_262, %while3A_268 : i32
    %while3A_270 = arith.constant 1 : i32
    %while3A_271 = scf.for %while3A_279 = %while3A_262 to %while3A_269 step %while3A_270 iter_args(%while3A_280 = %while3A_263) -> (i32)  : i32 {
      %and3A_281 = arith.constant 1 : i32
      %and3A_282 = arith.andi %while3A_279, %and3A_281 : i32
      %eq3A_283 = arith.constant 0 : i32
      %eq3A_284 = arith.cmpi eq, %and3A_282, %eq3A_283 : i32
      %convert_element_type3A_285 = arith.extui %eq3A_284 : i1 to i32
      %cond3A_286 = arith.constant 0 : i32
      %cond3A_287 = arith.cmpi ne, %convert_element_type3A_285, %cond3A_286 : i32
      scf.if %cond3A_287 {
        %dma_wait3A = arith.constant 0 : i32
        %dma_wait3A_388 = arith.constant 0 : i32
        %dma_wait3A_389 = arith.constant 0 : i32
        %dma_wait3A_390 = tpu.memref_slice %arg10[%dma_wait3A, %dma_wait3A_388, %dma_wait3A_389] : memref<2x32x1024xf32, #tpu.memory_space<vmem>> -> memref<1x32x1024xf32, #tpu.memory_space<vmem>>
        %dma_wait3A_391 = tpu.memref_squeeze %dma_wait3A_390 : memref<1x32x1024xf32, #tpu.memory_space<vmem>> -> memref<32x1024xf32, #tpu.memory_space<vmem>>
        %dma_wait3A_392 = arith.constant 0 : i32
        %dma_wait3A_393 = arith.constant 0 : i32
        %dma_wait3A_394 = tpu.memref_slice %arg2[%dma_wait3A_392, %dma_wait3A_393] : memref<32x1000000xf32, #tpu.memory_space<hbm>> -> memref<32x1024xf32, #tpu.memory_space<hbm>>
        %dma_wait3A_395 = arith.constant 0 : i32
        %dma_wait3A_396 = arith.constant 0 : i32
        %dma_wait3A_397 = tpu.memref_slice %arg10[%dma_wait3A, %dma_wait3A_395, %dma_wait3A_396] : memref<2x32x1024xf32, #tpu.memory_space<vmem>> -> memref<1x32x1024xf32, #tpu.memory_space<vmem>>
        %dma_wait3A_398 = tpu.memref_squeeze %dma_wait3A_397 : memref<1x32x1024xf32, #tpu.memory_space<vmem>> -> memref<32x1024xf32, #tpu.memory_space<vmem>>
        %dma_wait3A_399 = arith.constant 0 : i32
        %dma_wait3A_400 = arith.constant 0 : i32
        %dma_wait3A_401 = tpu.memref_slice %arg2[%dma_wait3A_399, %dma_wait3A_400] : memref<32x1000000xf32, #tpu.memory_space<hbm>> -> memref<32x1024xf32, #tpu.memory_space<hbm>>
        tpu.wait_dma2 semaphore(%arg16 : memref<!tpu.dma_semaphore, #tpu.memory_space<semaphore_mem>>) src(%dma_wait3A_401 : memref<32x1024xf32, #tpu.memory_space<hbm>>) dst(%dma_wait3A_398 : memref<32x1024xf32, #tpu.memory_space<vmem>>)
      } else {
      }
      %eq3A_288 = arith.constant 1 : i32
      %eq3A_289 = arith.cmpi eq, %and3A_282, %eq3A_288 : i32
      %convert_element_type3A_290 = arith.extui %eq3A_289 : i1 to i32
      %cond3A_291 = arith.constant 0 : i32
      %cond3A_292 = arith.cmpi ne, %convert_element_type3A_290, %cond3A_291 : i32
      scf.if %cond3A_292 {
        %dma_wait3A = arith.constant 1 : i32
        %dma_wait3A_388 = arith.constant 0 : i32
        %dma_wait3A_389 = arith.constant 0 : i32
        %dma_wait3A_390 = tpu.memref_slice %arg10[%dma_wait3A, %dma_wait3A_388, %dma_wait3A_389] : memref<2x32x1024xf32, #tpu.memory_space<vmem>> -> memref<1x32x1024xf32, #tpu.memory_space<vmem>>
        %dma_wait3A_391 = tpu.memref_squeeze %dma_wait3A_390 : memref<1x32x1024xf32, #tpu.memory_space<vmem>> -> memref<32x1024xf32, #tpu.memory_space<vmem>>
        %dma_wait3A_392 = arith.constant 0 : i32
        %dma_wait3A_393 = arith.constant 0 : i32
        %dma_wait3A_394 = tpu.memref_slice %arg2[%dma_wait3A_392, %dma_wait3A_393] : memref<32x1000000xf32, #tpu.memory_space<hbm>> -> memref<32x1024xf32, #tpu.memory_space<hbm>>
        %dma_wait3A_395 = arith.constant 0 : i32
        %dma_wait3A_396 = arith.constant 0 : i32
        %dma_wait3A_397 = tpu.memref_slice %arg10[%dma_wait3A, %dma_wait3A_395, %dma_wait3A_396] : memref<2x32x1024xf32, #tpu.memory_space<vmem>> -> memref<1x32x1024xf32, #tpu.memory_space<vmem>>
        %dma_wait3A_398 = tpu.memref_squeeze %dma_wait3A_397 : memref<1x32x1024xf32, #tpu.memory_space<vmem>> -> memref<32x1024xf32, #tpu.memory_space<vmem>>
        %dma_wait3A_399 = arith.constant 0 : i32
        %dma_wait3A_400 = arith.constant 0 : i32
        %dma_wait3A_401 = tpu.memref_slice %arg2[%dma_wait3A_399, %dma_wait3A_400] : memref<32x1000000xf32, #tpu.memory_space<hbm>> -> memref<32x1024xf32, #tpu.memory_space<hbm>>
        tpu.wait_dma2 semaphore(%arg17 : memref<!tpu.dma_semaphore, #tpu.memory_space<semaphore_mem>>) src(%dma_wait3A_401 : memref<32x1024xf32, #tpu.memory_space<hbm>>) dst(%dma_wait3A_398 : memref<32x1024xf32, #tpu.memory_space<vmem>>)
      } else {
      }
      %eq3A_293 = arith.cmpi eq, %while3A_279, %select_n3A_183 : i32
      %mul3A_294 = arith.constant 32 : i32
      %mul3A_295 = arith.muli %mul3A_294, %while3A_279 : i32
      %add3A_296 = arith.addi %add3A, %mul3A_295 : i32
      %jit3A_297 = arith.constant 97 : i32
      %select_n3A_298 = arith.select %eq3A_293, %jit3A_297, %add3A_296 : i32
      %shift_right_arithmetic3A = arith.constant 5 : i32
      %shift_right_arithmetic3A_299 = arith.shrsi %select_n3A_298, %shift_right_arithmetic3A : i32
      %add3A_300 = arith.constant 31 : i32
      %add3A_301 = vector.broadcast %add3A_300 : i32 to vector<16xi32>
      %add3A_302 = arith.addi %scan3A_260, %add3A_301 : vector<16xi32>
      %shift_right_arithmetic3A_303 = arith.constant 5 : i32
      %shift_right_arithmetic3A_304 = vector.broadcast %shift_right_arithmetic3A_303 : i32 to vector<16xi32>
      %shift_right_arithmetic3A_305 = arith.shrsi %add3A_302, %shift_right_arithmetic3A_304 : vector<16xi32>
      %reduce_max3A = arith.constant true
      %reduce_max3A_306 = vector.broadcast %reduce_max3A : i1 to vector<16xi1>
      %reduce_max3A_307 = arith.constant -2147483648 : i32
      %reduce_max3A_308 = vector.broadcast %reduce_max3A_307 : i32 to vector<16xi32>
      %reduce_max3A_309 = arith.xori %shift_right_arithmetic3A_305, %reduce_max3A_308 : vector<16xi32>
      %reduce_max3A_310 = tpu.scan <max>, %reduce_max3A_309 masked %reduce_max3A_306 : vector<16xi32>, vector<16xi1> -> vector<16xi32>
      %reduce_max3A_311 = arith.xori %reduce_max3A_310, %reduce_max3A_308 : vector<16xi32>
      %reduce_max3A_312 = vector.extract %reduce_max3A_311[15] : i32 from vector<16xi32>
      %while3A_313 = arith.constant 0 : i32
      %while3A_314 = arith.subi %reduce_max3A_312, %while3A_313 : i32
      %while3A_315 = arith.addi %while3A_313, %while3A_314 : i32
      %while3A_316 = arith.constant 1 : i32
      %while3A_317 = arith.divsi %while3A_314, %while3A_316 : i32
      %while3A_318 = arith.muli %while3A_317, %while3A_316 : i32
      %while3A_319 = arith.addi %while3A_313, %while3A_318 : i32
      %while3A_320 = arith.constant 1 : i32
      %while3A_321 = scf.for %while3A_388 = %while3A_313 to %while3A_319 step %while3A_320 iter_args(%while3A_389 = %broadcast_in_dim3A_3) -> (vector<16xi32>)  : i32 {
        %mul3A_390 = arith.constant 2 : i32
        %mul3A_391 = arith.muli %while3A_388, %mul3A_390 : i32
        %add3A_392 = arith.constant 0 : i32
        %add3A_393 = arith.addi %mul3A_391, %add3A_392 : i32
        %mul3A_394 = arith.constant 16 : i32
        %mul3A_395 = arith.muli %add3A_393, %mul3A_394 : i32
        %multiple_of3A = tpu.assume_multiple %mul3A_395, 16 : i32
        %get3A = arith.index_cast %multiple_of3A : i32 to index
        %get3A_396 = tpu.vector_load %arg12[%get3A] {strides = array<i32>} : memref<16384xi32, #tpu.memory_space<vmem>>, vector<16xi32>,
        %mul3A_397 = arith.constant 16 : i32
        %mul3A_398 = arith.muli %add3A_393, %mul3A_397 : i32
        %add3A_399 = vector.broadcast %mul3A_398 : i32 to vector<16xi32>
        %add3A_400 = arith.addi %add3A_399, %iota3A : vector<16xi32>
        %lt3A_401 = arith.cmpi slt, %add3A_400, %scan3A_260 : vector<16xi32>
        %shift_right_arithmetic3A_402 = arith.constant 24 : i32
        %shift_right_arithmetic3A_403 = vector.broadcast %shift_right_arithmetic3A_402 : i32 to vector<16xi32>
        %shift_right_arithmetic3A_404 = arith.shrsi %get3A_396, %shift_right_arithmetic3A_403 : vector<16xi32>
        %eq3A_405 = vector.broadcast %shift_right_arithmetic3A_299 : i32 to vector<16xi32>
        %eq3A_406 = arith.cmpi eq, %shift_right_arithmetic3A_404, %eq3A_405 : vector<16xi32>
        %and3A_407 = arith.andi %lt3A_401, %eq3A_406 : vector<16xi1>
        %convert_element_type3A_408 = arith.extui %and3A_407 : vector<16xi1> to vector<16xi32>
        %broadcast_in_dim3A_409 = arith.constant true
        %broadcast_in_dim3A_410 = vector.broadcast %broadcast_in_dim3A_409 : i1 to vector<16xi1>
        %masked_cumsum3A = tpu.scan <sum>, %convert_element_type3A_408 masked %broadcast_in_dim3A_410 : vector<16xi32>, vector<16xi1> -> vector<16xi32>
        %add3A_411 = arith.addi %while3A_389, %masked_cumsum3A : vector<16xi32>
        %sub3A_412 = arith.constant 1 : i32
        %sub3A_413 = vector.broadcast %sub3A_412 : i32 to vector<16xi32>
        %sub3A_414 = arith.subi %add3A_411, %sub3A_413 : vector<16xi32>
        tpu.vector_store_idx %arg13[%sub3A_414], %get3A_396 masked %and3A_407 : memref<16384xi32, #tpu.memory_space<vmem>>[vector<16xi32>], vector<16xi32>, vector<16xi1>
        %all_reduce_population_count3A = tpu.all_reduce %and3A_407 {dim = 0 : i64, kind = #tpu.reduction_kind<sum>} : vector<16xi1> -> vector<16xi32>
        %add3A_415 = arith.addi %while3A_389, %all_reduce_population_count3A : vector<16xi32>
        %mul3A_416 = arith.constant 2 : i32
        %mul3A_417 = arith.muli %while3A_388, %mul3A_416 : i32
        %add3A_418 = arith.constant 1 : i32
        %add3A_419 = arith.addi %mul3A_417, %add3A_418 : i32
        %mul3A_420 = arith.constant 16 : i32
        %mul3A_421 = arith.muli %add3A_419, %mul3A_420 : i32
        %multiple_of3A_422 = tpu.assume_multiple %mul3A_421, 16 : i32
        %get3A_423 = arith.index_cast %multiple_of3A_422 : i32 to index
        %get3A_424 = tpu.vector_load %arg12[%get3A_423] {strides = array<i32>} : memref<16384xi32, #tpu.memory_space<vmem>>, vector<16xi32>,
        %mul3A_425 = arith.constant 16 : i32
        %mul3A_426 = arith.muli %add3A_419, %mul3A_425 : i32
        %add3A_427 = vector.broadcast %mul3A_426 : i32 to vector<16xi32>
        %add3A_428 = arith.addi %add3A_427, %iota3A : vector<16xi32>
        %lt3A_429 = arith.cmpi slt, %add3A_428, %scan3A_260 : vector<16xi32>
        %shift_right_arithmetic3A_430 = arith.constant 24 : i32
        %shift_right_arithmetic3A_431 = vector.broadcast %shift_right_arithmetic3A_430 : i32 to vector<16xi32>
        %shift_right_arithmetic3A_432 = arith.shrsi %get3A_424, %shift_right_arithmetic3A_431 : vector<16xi32>
        %eq3A_433 = vector.broadcast %shift_right_arithmetic3A_299 : i32 to vector<16xi32>
        %eq3A_434 = arith.cmpi eq, %shift_right_arithmetic3A_432, %eq3A_433 : vector<16xi32>
        %and3A_435 = arith.andi %lt3A_429, %eq3A_434 : vector<16xi1>
        %convert_element_type3A_436 = arith.extui %and3A_435 : vector<16xi1> to vector<16xi32>
        %broadcast_in_dim3A_437 = arith.constant true
        %broadcast_in_dim3A_438 = vector.broadcast %broadcast_in_dim3A_437 : i1 to vector<16xi1>
        %masked_cumsum3A_439 = tpu.scan <sum>, %convert_element_type3A_436 masked %broadcast_in_dim3A_438 : vector<16xi32>, vector<16xi1> -> vector<16xi32>
        %add3A_440 = arith.addi %add3A_415, %masked_cumsum3A_439 : vector<16xi32>
        %sub3A_441 = arith.constant 1 : i32
        %sub3A_442 = vector.broadcast %sub3A_441 : i32 to vector<16xi32>
        %sub3A_443 = arith.subi %add3A_440, %sub3A_442 : vector<16xi32>
        tpu.vector_store_idx %arg13[%sub3A_443], %get3A_424 masked %and3A_435 : memref<16384xi32, #tpu.memory_space<vmem>>[vector<16xi32>], vector<16xi32>, vector<16xi1>
        %all_reduce_population_count3A_444 = tpu.all_reduce %and3A_435 {dim = 0 : i64, kind = #tpu.reduction_kind<sum>} : vector<16xi1> -> vector<16xi32>
        %add3A_445 = arith.addi %add3A_415, %all_reduce_population_count3A_444 : vector<16xi32>
        scf.yield %add3A_445 : vector<16xi32>
      }
      %while3A_322 = arith.constant 1 : i32
      %while3A_323 = scf.for %while3A_388 = %while3A_319 to %while3A_315 step %while3A_322 iter_args(%while3A_389 = %while3A_321) -> (vector<16xi32>)  : i32 {
        %mul3A_390 = arith.constant 2 : i32
        %mul3A_391 = arith.muli %while3A_388, %mul3A_390 : i32
        %add3A_392 = arith.constant 0 : i32
        %add3A_393 = arith.addi %mul3A_391, %add3A_392 : i32
        %mul3A_394 = arith.constant 16 : i32
        %mul3A_395 = arith.muli %add3A_393, %mul3A_394 : i32
        %multiple_of3A = tpu.assume_multiple %mul3A_395, 16 : i32
        %get3A = arith.index_cast %multiple_of3A : i32 to index
        %get3A_396 = tpu.vector_load %arg12[%get3A] {strides = array<i32>} : memref<16384xi32, #tpu.memory_space<vmem>>, vector<16xi32>,
        %mul3A_397 = arith.constant 16 : i32
        %mul3A_398 = arith.muli %add3A_393, %mul3A_397 : i32
        %add3A_399 = vector.broadcast %mul3A_398 : i32 to vector<16xi32>
        %add3A_400 = arith.addi %add3A_399, %iota3A : vector<16xi32>
        %lt3A_401 = arith.cmpi slt, %add3A_400, %scan3A_260 : vector<16xi32>
        %shift_right_arithmetic3A_402 = arith.constant 24 : i32
        %shift_right_arithmetic3A_403 = vector.broadcast %shift_right_arithmetic3A_402 : i32 to vector<16xi32>
        %shift_right_arithmetic3A_404 = arith.shrsi %get3A_396, %shift_right_arithmetic3A_403 : vector<16xi32>
        %eq3A_405 = vector.broadcast %shift_right_arithmetic3A_299 : i32 to vector<16xi32>
        %eq3A_406 = arith.cmpi eq, %shift_right_arithmetic3A_404, %eq3A_405 : vector<16xi32>
        %and3A_407 = arith.andi %lt3A_401, %eq3A_406 : vector<16xi1>
        %convert_element_type3A_408 = arith.extui %and3A_407 : vector<16xi1> to vector<16xi32>
        %broadcast_in_dim3A_409 = arith.constant true
        %broadcast_in_dim3A_410 = vector.broadcast %broadcast_in_dim3A_409 : i1 to vector<16xi1>
        %masked_cumsum3A = tpu.scan <sum>, %convert_element_type3A_408 masked %broadcast_in_dim3A_410 : vector<16xi32>, vector<16xi1> -> vector<16xi32>
        %add3A_411 = arith.addi %while3A_389, %masked_cumsum3A : vector<16xi32>
        %sub3A_412 = arith.constant 1 : i32
        %sub3A_413 = vector.broadcast %sub3A_412 : i32 to vector<16xi32>
        %sub3A_414 = arith.subi %add3A_411, %sub3A_413 : vector<16xi32>
        tpu.vector_store_idx %arg13[%sub3A_414], %get3A_396 masked %and3A_407 : memref<16384xi32, #tpu.memory_space<vmem>>[vector<16xi32>], vector<16xi32>, vector<16xi1>
        %all_reduce_population_count3A = tpu.all_reduce %and3A_407 {dim = 0 : i64, kind = #tpu.reduction_kind<sum>} : vector<16xi1> -> vector<16xi32>
        %add3A_415 = arith.addi %while3A_389, %all_reduce_population_count3A : vector<16xi32>
        %mul3A_416 = arith.constant 2 : i32
        %mul3A_417 = arith.muli %while3A_388, %mul3A_416 : i32
        %add3A_418 = arith.constant 1 : i32
        %add3A_419 = arith.addi %mul3A_417, %add3A_418 : i32
        %mul3A_420 = arith.constant 16 : i32
        %mul3A_421 = arith.muli %add3A_419, %mul3A_420 : i32
        %multiple_of3A_422 = tpu.assume_multiple %mul3A_421, 16 : i32
        %get3A_423 = arith.index_cast %multiple_of3A_422 : i32 to index
        %get3A_424 = tpu.vector_load %arg12[%get3A_423] {strides = array<i32>} : memref<16384xi32, #tpu.memory_space<vmem>>, vector<16xi32>,
        %mul3A_425 = arith.constant 16 : i32
        %mul3A_426 = arith.muli %add3A_419, %mul3A_425 : i32
        %add3A_427 = vector.broadcast %mul3A_426 : i32 to vector<16xi32>
        %add3A_428 = arith.addi %add3A_427, %iota3A : vector<16xi32>
        %lt3A_429 = arith.cmpi slt, %add3A_428, %scan3A_260 : vector<16xi32>
        %shift_right_arithmetic3A_430 = arith.constant 24 : i32
        %shift_right_arithmetic3A_431 = vector.broadcast %shift_right_arithmetic3A_430 : i32 to vector<16xi32>
        %shift_right_arithmetic3A_432 = arith.shrsi %get3A_424, %shift_right_arithmetic3A_431 : vector<16xi32>
        %eq3A_433 = vector.broadcast %shift_right_arithmetic3A_299 : i32 to vector<16xi32>
        %eq3A_434 = arith.cmpi eq, %shift_right_arithmetic3A_432, %eq3A_433 : vector<16xi32>
        %and3A_435 = arith.andi %lt3A_429, %eq3A_434 : vector<16xi1>
        %convert_element_type3A_436 = arith.extui %and3A_435 : vector<16xi1> to vector<16xi32>
        %broadcast_in_dim3A_437 = arith.constant true
        %broadcast_in_dim3A_438 = vector.broadcast %broadcast_in_dim3A_437 : i1 to vector<16xi1>
        %masked_cumsum3A_439 = tpu.scan <sum>, %convert_element_type3A_436 masked %broadcast_in_dim3A_438 : vector<16xi32>, vector<16xi1> -> vector<16xi32>
        %add3A_440 = arith.addi %add3A_415, %masked_cumsum3A_439 : vector<16xi32>
        %sub3A_441 = arith.constant 1 : i32
        %sub3A_442 = vector.broadcast %sub3A_441 : i32 to vector<16xi32>
        %sub3A_443 = arith.subi %add3A_440, %sub3A_442 : vector<16xi32>
        tpu.vector_store_idx %arg13[%sub3A_443], %get3A_424 masked %and3A_435 : memref<16384xi32, #tpu.memory_space<vmem>>[vector<16xi32>], vector<16xi32>, vector<16xi1>
        %all_reduce_population_count3A_444 = tpu.all_reduce %and3A_435 {dim = 0 : i64, kind = #tpu.reduction_kind<sum>} : vector<16xi1> -> vector<16xi32>
        %add3A_445 = arith.addi %add3A_415, %all_reduce_population_count3A_444 : vector<16xi32>
        scf.yield %add3A_445 : vector<16xi32>
      }
      %reduce_max3A_324 = arith.constant true
      %reduce_max3A_325 = vector.broadcast %reduce_max3A_324 : i1 to vector<16xi1>
      %reduce_max3A_326 = arith.constant -2147483648 : i32
      %reduce_max3A_327 = vector.broadcast %reduce_max3A_326 : i32 to vector<16xi32>
      %reduce_max3A_328 = arith.xori %while3A_323, %reduce_max3A_327 : vector<16xi32>
      %reduce_max3A_329 = tpu.scan <max>, %reduce_max3A_328 masked %reduce_max3A_325 : vector<16xi32>, vector<16xi1> -> vector<16xi32>
      %reduce_max3A_330 = arith.xori %reduce_max3A_329, %reduce_max3A_327 : vector<16xi32>
      %reduce_max3A_331 = vector.extract %reduce_max3A_330[15] : i32 from vector<16xi32>
      %broadcast_in_dim3A_332 = vector.broadcast %and3A_282 : i32 to vector<16xi32>
      %add3A_333 = arith.constant 15 : i32
      %add3A_334 = arith.addi %reduce_max3A_331, %add3A_333 : i32
      %shift_right_arithmetic3A_335 = arith.constant 4 : i32
      %shift_right_arithmetic3A_336 = arith.shrsi %add3A_334, %shift_right_arithmetic3A_335 : i32
      %while3A_337 = arith.constant 0 : i32
      %while3A_338 = arith.subi %shift_right_arithmetic3A_336, %while3A_337 : i32
      %while3A_339 = arith.addi %while3A_337, %while3A_338 : i32
      %while3A_340 = arith.constant 1 : i32
      %while3A_341 = arith.divsi %while3A_338, %while3A_340 : i32
      %while3A_342 = arith.muli %while3A_341, %while3A_340 : i32
      %while3A_343 = arith.addi %while3A_337, %while3A_342 : i32
      %while3A_344 = arith.constant 1 : i32
      %while3A_345 = scf.for %while3A_388 = %while3A_337 to %while3A_343 step %while3A_344 iter_args(%while3A_389 = %while3A_280) -> (i32)  : i32 {
        %mul3A_390 = arith.constant 16 : i32
        %mul3A_391 = arith.muli %while3A_388, %mul3A_390 : i32
        %multiple_of3A = tpu.assume_multiple %mul3A_391, 16 : i32
        %get3A = arith.index_cast %multiple_of3A : i32 to index
        %get3A_392 = tpu.vector_load %arg13[%get3A] {strides = array<i32>} : memref<16384xi32, #tpu.memory_space<vmem>>, vector<16xi32>,
        %mul3A_393 = arith.constant 16 : i32
        %mul3A_394 = arith.muli %while3A_388, %mul3A_393 : i32
        %add3A_395 = vector.broadcast %mul3A_394 : i32 to vector<16xi32>
        %add3A_396 = arith.addi %add3A_395, %iota3A : vector<16xi32>
        %lt3A_397 = arith.cmpi slt, %add3A_396, %while3A_323 : vector<16xi32>
        %shift_right_arithmetic3A_398 = arith.constant 14 : i32
        %shift_right_arithmetic3A_399 = vector.broadcast %shift_right_arithmetic3A_398 : i32 to vector<16xi32>
        %shift_right_arithmetic3A_400 = arith.shrsi %get3A_392, %shift_right_arithmetic3A_399 : vector<16xi32>
        %and3A_401 = arith.constant 1023 : i32
        %and3A_402 = vector.broadcast %and3A_401 : i32 to vector<16xi32>
        %and3A_403 = arith.andi %shift_right_arithmetic3A_400, %and3A_402 : vector<16xi32>
        %jit3A_404 = arith.constant 0 : i32
        %broadcast_in_dim3A_405 = vector.broadcast %jit3A_404 : i32 to vector<16xi32>
        %select_n3A_406 = arith.select %lt3A_397, %and3A_403, %broadcast_in_dim3A_405 : vector<16xi1>, vector<16xi32>
        %add3A_407 = vector.broadcast %while3A_389 : i32 to vector<16xi32>
        %add3A_408 = arith.addi %add3A_407, %iota3A : vector<16xi32>
        %broadcast_in_dim3A_409 = arith.constant 0 : i32
        %broadcast_in_dim3A_410 = vector.broadcast %broadcast_in_dim3A_409 : i32 to vector<16xi32>
        %gather3A = tpu.vector_load_idx %arg10[%broadcast_in_dim3A_332, %broadcast_in_dim3A_410, %select_n3A_406] : memref<2x32x1024xf32, #tpu.memory_space<vmem>>[vector<16xi32>, vector<16xi32>, vector<16xi32>], vector<16xf32>,
        tpu.vector_store_idx %arg14[%add3A_408, %broadcast_in_dim3A_410], %gather3A : memref<112x128xf32, #tpu.memory_space<vmem>>[vector<16xi32>, vector<16xi32>], vector<16xf32>,
        %broadcast_in_dim3A_411 = arith.constant 1 : i32
        %broadcast_in_dim3A_412 = vector.broadcast %broadcast_in_dim3A_411 : i32 to vector<16xi32>
        %gather3A_413 = tpu.vector_load_idx %arg10[%broadcast_in_dim3A_332, %broadcast_in_dim3A_412, %select_n3A_406] : memref<2x32x1024xf32, #tpu.memory_space<vmem>>[vector<16xi32>, vector<16xi32>, vector<16xi32>], vector<16xf32>,
        tpu.vector_store_idx %arg14[%add3A_408, %broadcast_in_dim3A_412], %gather3A_413 : memref<112x128xf32, #tpu.memory_space<vmem>>[vector<16xi32>, vector<16xi32>], vector<16xf32>,
        %broadcast_in_dim3A_414 = arith.constant 2 : i32
        %broadcast_in_dim3A_415 = vector.broadcast %broadcast_in_dim3A_414 : i32 to vector<16xi32>
        %gather3A_416 = tpu.vector_load_idx %arg10[%broadcast_in_dim3A_332, %broadcast_in_dim3A_415, %select_n3A_406] : memref<2x32x1024xf32, #tpu.memory_space<vmem>>[vector<16xi32>, vector<16xi32>, vector<16xi32>], vector<16xf32>,
        tpu.vector_store_idx %arg14[%add3A_408, %broadcast_in_dim3A_415], %gather3A_416 : memref<112x128xf32, #tpu.memory_space<vmem>>[vector<16xi32>, vector<16xi32>], vector<16xf32>,
        %broadcast_in_dim3A_417 = arith.constant 3 : i32
        %broadcast_in_dim3A_418 = vector.broadcast %broadcast_in_dim3A_417 : i32 to vector<16xi32>
        %gather3A_419 = tpu.vector_load_idx %arg10[%broadcast_in_dim3A_332, %broadcast_in_dim3A_418, %select_n3A_406] : memref<2x32x1024xf32, #tpu.memory_space<vmem>>[vector<16xi32>, vector<16xi32>, vector<16xi32>], vector<16xf32>,
        tpu.vector_store_idx %arg14[%add3A_408, %broadcast_in_dim3A_418], %gather3A_419 : memref<112x128xf32, #tpu.memory_space<vmem>>[vector<16xi32>, vector<16xi32>], vector<16xf32>,
        %broadcast_in_dim3A_420 = arith.constant 4 : i32
        %broadcast_in_dim3A_421 = vector.broadcast %broadcast_in_dim3A_420 : i32 to vector<16xi32>
        %gather3A_422 = tpu.vector_load_idx %arg10[%broadcast_in_dim3A_332, %broadcast_in_dim3A_421, %select_n3A_406] : memref<2x32x1024xf32, #tpu.memory_space<vmem>>[vector<16xi32>, vector<16xi32>, vector<16xi32>], vector<16xf32>,
        tpu.vector_store_idx %arg14[%add3A_408, %broadcast_in_dim3A_421], %gather3A_422 : memref<112x128xf32, #tpu.memory_space<vmem>>[vector<16xi32>, vector<16xi32>], vector<16xf32>,
        %broadcast_in_dim3A_423 = arith.constant 5 : i32
        %broadcast_in_dim3A_424 = vector.broadcast %broadcast_in_dim3A_423 : i32 to vector<16xi32>
        %gather3A_425 = tpu.vector_load_idx %arg10[%broadcast_in_dim3A_332, %broadcast_in_dim3A_424, %select_n3A_406] : memref<2x32x1024xf32, #tpu.memory_space<vmem>>[vector<16xi32>, vector<16xi32>, vector<16xi32>], vector<16xf32>,
        tpu.vector_store_idx %arg14[%add3A_408, %broadcast_in_dim3A_424], %gather3A_425 : memref<112x128xf32, #tpu.memory_space<vmem>>[vector<16xi32>, vector<16xi32>], vector<16xf32>,
        %broadcast_in_dim3A_426 = arith.constant 6 : i32
        %broadcast_in_dim3A_427 = vector.broadcast %broadcast_in_dim3A_426 : i32 to vector<16xi32>
        %gather3A_428 = tpu.vector_load_idx %arg10[%broadcast_in_dim3A_332, %broadcast_in_dim3A_427, %select_n3A_406] : memref<2x32x1024xf32, #tpu.memory_space<vmem>>[vector<16xi32>, vector<16xi32>, vector<16xi32>], vector<16xf32>,
        tpu.vector_store_idx %arg14[%add3A_408, %broadcast_in_dim3A_427], %gather3A_428 : memref<112x128xf32, #tpu.memory_space<vmem>>[vector<16xi32>, vector<16xi32>], vector<16xf32>,
        %broadcast_in_dim3A_429 = arith.constant 7 : i32
        %broadcast_in_dim3A_430 = vector.broadcast %broadcast_in_dim3A_429 : i32 to vector<16xi32>
        %gather3A_431 = tpu.vector_load_idx %arg10[%broadcast_in_dim3A_332, %broadcast_in_dim3A_430, %select_n3A_406] : memref<2x32x1024xf32, #tpu.memory_space<vmem>>[vector<16xi32>, vector<16xi32>, vector<16xi32>], vector<16xf32>,
        tpu.vector_store_idx %arg14[%add3A_408, %broadcast_in_dim3A_430], %gather3A_431 : memref<112x128xf32, #tpu.memory_space<vmem>>[vector<16xi32>, vector<16xi32>], vector<16xf32>,
        %broadcast_in_dim3A_432 = arith.constant 8 : i32
        %broadcast_in_dim3A_433 = vector.broadcast %broadcast_in_dim3A_432 : i32 to vector<16xi32>
        %gather3A_434 = tpu.vector_load_idx %arg10[%broadcast_in_dim3A_332, %broadcast_in_dim3A_433, %select_n3A_406] : memref<2x32x1024xf32, #tpu.memory_space<vmem>>[vector<16xi32>, vector<16xi32>, vector<16xi32>], vector<16xf32>,
        tpu.vector_store_idx %arg14[%add3A_408, %broadcast_in_dim3A_433], %gather3A_434 : memref<112x128xf32, #tpu.memory_space<vmem>>[vector<16xi32>, vector<16xi32>], vector<16xf32>,
        %broadcast_in_dim3A_435 = arith.constant 9 : i32
        %broadcast_in_dim3A_436 = vector.broadcast %broadcast_in_dim3A_435 : i32 to vector<16xi32>
        %gather3A_437 = tpu.vector_load_idx %arg10[%broadcast_in_dim3A_332, %broadcast_in_dim3A_436, %select_n3A_406] : memref<2x32x1024xf32, #tpu.memory_space<vmem>>[vector<16xi32>, vector<16xi32>, vector<16xi32>], vector<16xf32>,
        tpu.vector_store_idx %arg14[%add3A_408, %broadcast_in_dim3A_436], %gather3A_437 : memref<112x128xf32, #tpu.memory_space<vmem>>[vector<16xi32>, vector<16xi32>], vector<16xf32>,
        %broadcast_in_dim3A_438 = arith.constant 10 : i32
        %broadcast_in_dim3A_439 = vector.broadcast %broadcast_in_dim3A_438 : i32 to vector<16xi32>
        %gather3A_440 = tpu.vector_load_idx %arg10[%broadcast_in_dim3A_332, %broadcast_in_dim3A_439, %select_n3A_406] : memref<2x32x1024xf32, #tpu.memory_space<vmem>>[vector<16xi32>, vector<16xi32>, vector<16xi32>], vector<16xf32>,
        tpu.vector_store_idx %arg14[%add3A_408, %broadcast_in_dim3A_439], %gather3A_440 : memref<112x128xf32, #tpu.memory_space<vmem>>[vector<16xi32>, vector<16xi32>], vector<16xf32>,
        %broadcast_in_dim3A_441 = arith.constant 11 : i32
        %broadcast_in_dim3A_442 = vector.broadcast %broadcast_in_dim3A_441 : i32 to vector<16xi32>
        %gather3A_443 = tpu.vector_load_idx %arg10[%broadcast_in_dim3A_332, %broadcast_in_dim3A_442, %select_n3A_406] : memref<2x32x1024xf32, #tpu.memory_space<vmem>>[vector<16xi32>, vector<16xi32>, vector<16xi32>], vector<16xf32>,
        tpu.vector_store_idx %arg14[%add3A_408, %broadcast_in_dim3A_442], %gather3A_443 : memref<112x128xf32, #tpu.memory_space<vmem>>[vector<16xi32>, vector<16xi32>], vector<16xf32>,
        %broadcast_in_dim3A_444 = arith.constant 12 : i32
        %broadcast_in_dim3A_445 = vector.broadcast %broadcast_in_dim3A_444 : i32 to vector<16xi32>
        %gather3A_446 = tpu.vector_load_idx %arg10[%broadcast_in_dim3A_332, %broadcast_in_dim3A_445, %select_n3A_406] : memref<2x32x1024xf32, #tpu.memory_space<vmem>>[vector<16xi32>, vector<16xi32>, vector<16xi32>], vector<16xf32>,
        tpu.vector_store_idx %arg14[%add3A_408, %broadcast_in_dim3A_445], %gather3A_446 : memref<112x128xf32, #tpu.memory_space<vmem>>[vector<16xi32>, vector<16xi32>], vector<16xf32>,
        %broadcast_in_dim3A_447 = arith.constant 13 : i32
        %broadcast_in_dim3A_448 = vector.broadcast %broadcast_in_dim3A_447 : i32 to vector<16xi32>
        %gather3A_449 = tpu.vector_load_idx %arg10[%broadcast_in_dim3A_332, %broadcast_in_dim3A_448, %select_n3A_406] : memref<2x32x1024xf32, #tpu.memory_space<vmem>>[vector<16xi32>, vector<16xi32>, vector<16xi32>], vector<16xf32>,
        tpu.vector_store_idx %arg14[%add3A_408, %broadcast_in_dim3A_448], %gather3A_449 : memref<112x128xf32, #tpu.memory_space<vmem>>[vector<16xi32>, vector<16xi32>], vector<16xf32>,
        %broadcast_in_dim3A_450 = arith.constant 14 : i32
        %broadcast_in_dim3A_451 = vector.broadcast %broadcast_in_dim3A_450 : i32 to vector<16xi32>
        %gather3A_452 = tpu.vector_load_idx %arg10[%broadcast_in_dim3A_332, %broadcast_in_dim3A_451, %select_n3A_406] : memref<2x32x1024xf32, #tpu.memory_space<vmem>>[vector<16xi32>, vector<16xi32>, vector<16xi32>], vector<16xf32>,
        tpu.vector_store_idx %arg14[%add3A_408, %broadcast_in_dim3A_451], %gather3A_452 : memref<112x128xf32, #tpu.memory_space<vmem>>[vector<16xi32>, vector<16xi32>], vector<16xf32>,
        %broadcast_in_dim3A_453 = arith.constant 15 : i32
        %broadcast_in_dim3A_454 = vector.broadcast %broadcast_in_dim3A_453 : i32 to vector<16xi32>
        %gather3A_455 = tpu.vector_load_idx %arg10[%broadcast_in_dim3A_332, %broadcast_in_dim3A_454, %select_n3A_406] : memref<2x32x1024xf32, #tpu.memory_space<vmem>>[vector<16xi32>, vector<16xi32>, vector<16xi32>], vector<16xf32>,
        tpu.vector_store_idx %arg14[%add3A_408, %broadcast_in_dim3A_454], %gather3A_455 : memref<112x128xf32, #tpu.memory_space<vmem>>[vector<16xi32>, vector<16xi32>], vector<16xf32>,
        %broadcast_in_dim3A_456 = arith.constant 16 : i32
        %broadcast_in_dim3A_457 = vector.broadcast %broadcast_in_dim3A_456 : i32 to vector<16xi32>
        %gather3A_458 = tpu.vector_load_idx %arg10[%broadcast_in_dim3A_332, %broadcast_in_dim3A_457, %select_n3A_406] : memref<2x32x1024xf32, #tpu.memory_space<vmem>>[vector<16xi32>, vector<16xi32>, vector<16xi32>], vector<16xf32>,
        tpu.vector_store_idx %arg14[%add3A_408, %broadcast_in_dim3A_457], %gather3A_458 : memref<112x128xf32, #tpu.memory_space<vmem>>[vector<16xi32>, vector<16xi32>], vector<16xf32>,
        %broadcast_in_dim3A_459 = arith.constant 17 : i32
        %broadcast_in_dim3A_460 = vector.broadcast %broadcast_in_dim3A_459 : i32 to vector<16xi32>
        %gather3A_461 = tpu.vector_load_idx %arg10[%broadcast_in_dim3A_332, %broadcast_in_dim3A_460, %select_n3A_406] : memref<2x32x1024xf32, #tpu.memory_space<vmem>>[vector<16xi32>, vector<16xi32>, vector<16xi32>], vector<16xf32>,
        tpu.vector_store_idx %arg14[%add3A_408, %broadcast_in_dim3A_460], %gather3A_461 : memref<112x128xf32, #tpu.memory_space<vmem>>[vector<16xi32>, vector<16xi32>], vector<16xf32>,
        %broadcast_in_dim3A_462 = arith.constant 18 : i32
        %broadcast_in_dim3A_463 = vector.broadcast %broadcast_in_dim3A_462 : i32 to vector<16xi32>
        %gather3A_464 = tpu.vector_load_idx %arg10[%broadcast_in_dim3A_332, %broadcast_in_dim3A_463, %select_n3A_406] : memref<2x32x1024xf32, #tpu.memory_space<vmem>>[vector<16xi32>, vector<16xi32>, vector<16xi32>], vector<16xf32>,
        tpu.vector_store_idx %arg14[%add3A_408, %broadcast_in_dim3A_463], %gather3A_464 : memref<112x128xf32, #tpu.memory_space<vmem>>[vector<16xi32>, vector<16xi32>], vector<16xf32>,
        %broadcast_in_dim3A_465 = arith.constant 19 : i32
        %broadcast_in_dim3A_466 = vector.broadcast %broadcast_in_dim3A_465 : i32 to vector<16xi32>
        %gather3A_467 = tpu.vector_load_idx %arg10[%broadcast_in_dim3A_332, %broadcast_in_dim3A_466, %select_n3A_406] : memref<2x32x1024xf32, #tpu.memory_space<vmem>>[vector<16xi32>, vector<16xi32>, vector<16xi32>], vector<16xf32>,
        tpu.vector_store_idx %arg14[%add3A_408, %broadcast_in_dim3A_466], %gather3A_467 : memref<112x128xf32, #tpu.memory_space<vmem>>[vector<16xi32>, vector<16xi32>], vector<16xf32>,
        %broadcast_in_dim3A_468 = arith.constant 20 : i32
        %broadcast_in_dim3A_469 = vector.broadcast %broadcast_in_dim3A_468 : i32 to vector<16xi32>
        %gather3A_470 = tpu.vector_load_idx %arg10[%broadcast_in_dim3A_332, %broadcast_in_dim3A_469, %select_n3A_406] : memref<2x32x1024xf32, #tpu.memory_space<vmem>>[vector<16xi32>, vector<16xi32>, vector<16xi32>], vector<16xf32>,
        tpu.vector_store_idx %arg14[%add3A_408, %broadcast_in_dim3A_469], %gather3A_470 : memref<112x128xf32, #tpu.memory_space<vmem>>[vector<16xi32>, vector<16xi32>], vector<16xf32>,
        %broadcast_in_dim3A_471 = arith.constant 21 : i32
        %broadcast_in_dim3A_472 = vector.broadcast %broadcast_in_dim3A_471 : i32 to vector<16xi32>
        %gather3A_473 = tpu.vector_load_idx %arg10[%broadcast_in_dim3A_332, %broadcast_in_dim3A_472, %select_n3A_406] : memref<2x32x1024xf32, #tpu.memory_space<vmem>>[vector<16xi32>, vector<16xi32>, vector<16xi32>], vector<16xf32>,
        tpu.vector_store_idx %arg14[%add3A_408, %broadcast_in_dim3A_472], %gather3A_473 : memref<112x128xf32, #tpu.memory_space<vmem>>[vector<16xi32>, vector<16xi32>], vector<16xf32>,
        %broadcast_in_dim3A_474 = arith.constant 22 : i32
        %broadcast_in_dim3A_475 = vector.broadcast %broadcast_in_dim3A_474 : i32 to vector<16xi32>
        %gather3A_476 = tpu.vector_load_idx %arg10[%broadcast_in_dim3A_332, %broadcast_in_dim3A_475, %select_n3A_406] : memref<2x32x1024xf32, #tpu.memory_space<vmem>>[vector<16xi32>, vector<16xi32>, vector<16xi32>], vector<16xf32>,
        tpu.vector_store_idx %arg14[%add3A_408, %broadcast_in_dim3A_475], %gather3A_476 : memref<112x128xf32, #tpu.memory_space<vmem>>[vector<16xi32>, vector<16xi32>], vector<16xf32>,
        %broadcast_in_dim3A_477 = arith.constant 23 : i32
        %broadcast_in_dim3A_478 = vector.broadcast %broadcast_in_dim3A_477 : i32 to vector<16xi32>
        %gather3A_479 = tpu.vector_load_idx %arg10[%broadcast_in_dim3A_332, %broadcast_in_dim3A_478, %select_n3A_406] : memref<2x32x1024xf32, #tpu.memory_space<vmem>>[vector<16xi32>, vector<16xi32>, vector<16xi32>], vector<16xf32>,
        tpu.vector_store_idx %arg14[%add3A_408, %broadcast_in_dim3A_478], %gather3A_479 : memref<112x128xf32, #tpu.memory_space<vmem>>[vector<16xi32>, vector<16xi32>], vector<16xf32>,
        %broadcast_in_dim3A_480 = arith.constant 24 : i32
        %broadcast_in_dim3A_481 = vector.broadcast %broadcast_in_dim3A_480 : i32 to vector<16xi32>
        %gather3A_482 = tpu.vector_load_idx %arg10[%broadcast_in_dim3A_332, %broadcast_in_dim3A_481, %select_n3A_406] : memref<2x32x1024xf32, #tpu.memory_space<vmem>>[vector<16xi32>, vector<16xi32>, vector<16xi32>], vector<16xf32>,
        tpu.vector_store_idx %arg14[%add3A_408, %broadcast_in_dim3A_481], %gather3A_482 : memref<112x128xf32, #tpu.memory_space<vmem>>[vector<16xi32>, vector<16xi32>], vector<16xf32>,
        %broadcast_in_dim3A_483 = arith.constant 25 : i32
        %broadcast_in_dim3A_484 = vector.broadcast %broadcast_in_dim3A_483 : i32 to vector<16xi32>
        %gather3A_485 = tpu.vector_load_idx %arg10[%broadcast_in_dim3A_332, %broadcast_in_dim3A_484, %select_n3A_406] : memref<2x32x1024xf32, #tpu.memory_space<vmem>>[vector<16xi32>, vector<16xi32>, vector<16xi32>], vector<16xf32>,
        tpu.vector_store_idx %arg14[%add3A_408, %broadcast_in_dim3A_484], %gather3A_485 : memref<112x128xf32, #tpu.memory_space<vmem>>[vector<16xi32>, vector<16xi32>], vector<16xf32>,
        %broadcast_in_dim3A_486 = arith.constant 26 : i32
        %broadcast_in_dim3A_487 = vector.broadcast %broadcast_in_dim3A_486 : i32 to vector<16xi32>
        %gather3A_488 = tpu.vector_load_idx %arg10[%broadcast_in_dim3A_332, %broadcast_in_dim3A_487, %select_n3A_406] : memref<2x32x1024xf32, #tpu.memory_space<vmem>>[vector<16xi32>, vector<16xi32>, vector<16xi32>], vector<16xf32>,
        tpu.vector_store_idx %arg14[%add3A_408, %broadcast_in_dim3A_487], %gather3A_488 : memref<112x128xf32, #tpu.memory_space<vmem>>[vector<16xi32>, vector<16xi32>], vector<16xf32>,
        %broadcast_in_dim3A_489 = arith.constant 27 : i32
        %broadcast_in_dim3A_490 = vector.broadcast %broadcast_in_dim3A_489 : i32 to vector<16xi32>
        %gather3A_491 = tpu.vector_load_idx %arg10[%broadcast_in_dim3A_332, %broadcast_in_dim3A_490, %select_n3A_406] : memref<2x32x1024xf32, #tpu.memory_space<vmem>>[vector<16xi32>, vector<16xi32>, vector<16xi32>], vector<16xf32>,
        tpu.vector_store_idx %arg14[%add3A_408, %broadcast_in_dim3A_490], %gather3A_491 : memref<112x128xf32, #tpu.memory_space<vmem>>[vector<16xi32>, vector<16xi32>], vector<16xf32>,
        %broadcast_in_dim3A_492 = arith.constant 28 : i32
        %broadcast_in_dim3A_493 = vector.broadcast %broadcast_in_dim3A_492 : i32 to vector<16xi32>
        %gather3A_494 = tpu.vector_load_idx %arg10[%broadcast_in_dim3A_332, %broadcast_in_dim3A_493, %select_n3A_406] : memref<2x32x1024xf32, #tpu.memory_space<vmem>>[vector<16xi32>, vector<16xi32>, vector<16xi32>], vector<16xf32>,
        tpu.vector_store_idx %arg14[%add3A_408, %broadcast_in_dim3A_493], %gather3A_494 : memref<112x128xf32, #tpu.memory_space<vmem>>[vector<16xi32>, vector<16xi32>], vector<16xf32>,
        %broadcast_in_dim3A_495 = arith.constant 29 : i32
        %broadcast_in_dim3A_496 = vector.broadcast %broadcast_in_dim3A_495 : i32 to vector<16xi32>
        %gather3A_497 = tpu.vector_load_idx %arg10[%broadcast_in_dim3A_332, %broadcast_in_dim3A_496, %select_n3A_406] : memref<2x32x1024xf32, #tpu.memory_space<vmem>>[vector<16xi32>, vector<16xi32>, vector<16xi32>], vector<16xf32>,
        tpu.vector_store_idx %arg14[%add3A_408, %broadcast_in_dim3A_496], %gather3A_497 : memref<112x128xf32, #tpu.memory_space<vmem>>[vector<16xi32>, vector<16xi32>], vector<16xf32>,
        %broadcast_in_dim3A_498 = arith.constant 30 : i32
        %broadcast_in_dim3A_499 = vector.broadcast %broadcast_in_dim3A_498 : i32 to vector<16xi32>
        %gather3A_500 = tpu.vector_load_idx %arg10[%broadcast_in_dim3A_332, %broadcast_in_dim3A_499, %select_n3A_406] : memref<2x32x1024xf32, #tpu.memory_space<vmem>>[vector<16xi32>, vector<16xi32>, vector<16xi32>], vector<16xf32>,
        tpu.vector_store_idx %arg14[%add3A_408, %broadcast_in_dim3A_499], %gather3A_500 : memref<112x128xf32, #tpu.memory_space<vmem>>[vector<16xi32>, vector<16xi32>], vector<16xf32>,
        %broadcast_in_dim3A_501 = arith.constant 31 : i32
        %broadcast_in_dim3A_502 = vector.broadcast %broadcast_in_dim3A_501 : i32 to vector<16xi32>
        %gather3A_503 = tpu.vector_load_idx %arg10[%broadcast_in_dim3A_332, %broadcast_in_dim3A_502, %select_n3A_406] : memref<2x32x1024xf32, #tpu.memory_space<vmem>>[vector<16xi32>, vector<16xi32>, vector<16xi32>], vector<16xf32>,
        tpu.vector_store_idx %arg14[%add3A_408, %broadcast_in_dim3A_502], %gather3A_503 : memref<112x128xf32, #tpu.memory_space<vmem>>[vector<16xi32>, vector<16xi32>], vector<16xf32>,
        %and3A_504 = arith.constant 16383 : i32
        %and3A_505 = vector.broadcast %and3A_504 : i32 to vector<16xi32>
        %and3A_506 = arith.andi %get3A_392, %and3A_505 : vector<16xi32>
        %broadcast_in_dim3A_507 = vector.broadcast %add3A_2 : i32 to vector<16xi32>
        %select_n3A_508 = arith.select %lt3A_397, %and3A_506, %broadcast_in_dim3A_507 : vector<16xi1>, vector<16xi32>
        tpu.vector_store_idx %arg15[%broadcast_in_dim3A_3, %add3A_408], %select_n3A_508 : memref<1x112xi32, #tpu.memory_space<vmem>>[vector<16xi32>, vector<16xi32>], vector<16xi32>,
        %add3A_509 = arith.constant 16 : i32
        %add3A_510 = arith.addi %while3A_389, %add3A_509 : i32
        %eq3A_511 = arith.constant 112 : i32
        %eq3A_512 = arith.cmpi eq, %add3A_510, %eq3A_511 : i32
        %convert_element_type3A_513 = arith.extui %eq3A_512 : i1 to i32
        %cond3A_514 = arith.constant 0 : i32
        %cond3A_515 = arith.cmpi ne, %convert_element_type3A_513, %cond3A_514 : i32
        scf.if %cond3A_515 {
          %dma_start3A = arith.constant 0 : i32
          %dma_start3A_520 = arith.constant 0 : i32
          %dma_start3A_521 = tpu.memref_slice %arg15[%dma_start3A, %dma_start3A_520] : memref<1x112xi32, #tpu.memory_space<vmem>> -> memref<1x112xi32, #tpu.memory_space<vmem>>
          %dma_start3A_522 = tpu.memref_squeeze %dma_start3A_521 : memref<1x112xi32, #tpu.memory_space<vmem>> -> memref<112xi32, #tpu.memory_space<vmem>>
          %dma_start3A_523 = arith.constant 0 : i32
          %dma_start3A_524 = arith.constant 0 : i32
          %dma_start3A_525 = tpu.memref_slice %arg9[%dma_start3A_523, %dma_start3A_524] : memref<16416x128xf32, #tpu.memory_space<hbm>> -> memref<16416x128xf32, #tpu.memory_space<hbm>>
          tpu.enqueue_indirect_dma source(%arg14 : memref<112x128xf32, #tpu.memory_space<vmem>>) target(%dma_start3A_525 : memref<16416x128xf32, #tpu.memory_space<hbm>>) offsets(%dma_start3A_522 : memref<112xi32, #tpu.memory_space<vmem>>) semaphore(%arg18 : memref<!tpu.dma_semaphore, #tpu.memory_space<semaphore_mem>>)
          %dma_wait3A = arith.constant 0 : i32
          %dma_wait3A_526 = arith.constant 0 : i32
          %dma_wait3A_527 = tpu.memref_slice %arg15[%dma_wait3A, %dma_wait3A_526] : memref<1x112xi32, #tpu.memory_space<vmem>> -> memref<1x112xi32, #tpu.memory_space<vmem>>
          %dma_wait3A_528 = tpu.memref_squeeze %dma_wait3A_527 : memref<1x112xi32, #tpu.memory_space<vmem>> -> memref<112xi32, #tpu.memory_space<vmem>>
          %dma_wait3A_529 = arith.constant 0 : i32
          %dma_wait3A_530 = arith.constant 0 : i32
          %dma_wait3A_531 = tpu.memref_slice %arg9[%dma_wait3A_529, %dma_wait3A_530] : memref<16416x128xf32, #tpu.memory_space<hbm>> -> memref<16416x128xf32, #tpu.memory_space<hbm>>
          tpu.wait_indirect_dma semaphore(%arg18 : memref<!tpu.dma_semaphore, #tpu.memory_space<semaphore_mem>>) src(%arg14 : memref<112x128xf32, #tpu.memory_space<vmem>>) dst(%dma_wait3A_531 : memref<16416x128xf32, #tpu.memory_space<hbm>>)
        } else {
        }
        %eq3A_516 = arith.constant 112 : i32
        %eq3A_517 = arith.cmpi eq, %add3A_510, %eq3A_516 : i32
        %jit3A_518 = arith.constant 0 : i32
        %select_n3A_519 = arith.select %eq3A_517, %jit3A_518, %add3A_510 : i32
        scf.yield %select_n3A_519 : i32
      }
      %while3A_346 = arith.constant 1 : i32
      %while3A_347 = scf.for %while3A_388 = %while3A_343 to %while3A_339 step %while3A_346 iter_args(%while3A_389 = %while3A_345) -> (i32)  : i32 {
        %mul3A_390 = arith.constant 16 : i32
        %mul3A_391 = arith.muli %while3A_388, %mul3A_390 : i32
        %multiple_of3A = tpu.assume_multiple %mul3A_391, 16 : i32
        %get3A = arith.index_cast %multiple_of3A : i32 to index
        %get3A_392 = tpu.vector_load %arg13[%get3A] {strides = array<i32>} : memref<16384xi32, #tpu.memory_space<vmem>>, vector<16xi32>,
        %mul3A_393 = arith.constant 16 : i32
        %mul3A_394 = arith.muli %while3A_388, %mul3A_393 : i32
        %add3A_395 = vector.broadcast %mul3A_394 : i32 to vector<16xi32>
        %add3A_396 = arith.addi %add3A_395, %iota3A : vector<16xi32>
        %lt3A_397 = arith.cmpi slt, %add3A_396, %while3A_323 : vector<16xi32>
        %shift_right_arithmetic3A_398 = arith.constant 14 : i32
        %shift_right_arithmetic3A_399 = vector.broadcast %shift_right_arithmetic3A_398 : i32 to vector<16xi32>
        %shift_right_arithmetic3A_400 = arith.shrsi %get3A_392, %shift_right_arithmetic3A_399 : vector<16xi32>
        %and3A_401 = arith.constant 1023 : i32
        %and3A_402 = vector.broadcast %and3A_401 : i32 to vector<16xi32>
        %and3A_403 = arith.andi %shift_right_arithmetic3A_400, %and3A_402 : vector<16xi32>
        %jit3A_404 = arith.constant 0 : i32
        %broadcast_in_dim3A_405 = vector.broadcast %jit3A_404 : i32 to vector<16xi32>
        %select_n3A_406 = arith.select %lt3A_397, %and3A_403, %broadcast_in_dim3A_405 : vector<16xi1>, vector<16xi32>
        %add3A_407 = vector.broadcast %while3A_389 : i32 to vector<16xi32>
        %add3A_408 = arith.addi %add3A_407, %iota3A : vector<16xi32>
        %broadcast_in_dim3A_409 = arith.constant 0 : i32
        %broadcast_in_dim3A_410 = vector.broadcast %broadcast_in_dim3A_409 : i32 to vector<16xi32>
        %gather3A = tpu.vector_load_idx %arg10[%broadcast_in_dim3A_332, %broadcast_in_dim3A_410, %select_n3A_406] : memref<2x32x1024xf32, #tpu.memory_space<vmem>>[vector<16xi32>, vector<16xi32>, vector<16xi32>], vector<16xf32>,
        tpu.vector_store_idx %arg14[%add3A_408, %broadcast_in_dim3A_410], %gather3A : memref<112x128xf32, #tpu.memory_space<vmem>>[vector<16xi32>, vector<16xi32>], vector<16xf32>,
        %broadcast_in_dim3A_411 = arith.constant 1 : i32
        %broadcast_in_dim3A_412 = vector.broadcast %broadcast_in_dim3A_411 : i32 to vector<16xi32>
        %gather3A_413 = tpu.vector_load_idx %arg10[%broadcast_in_dim3A_332, %broadcast_in_dim3A_412, %select_n3A_406] : memref<2x32x1024xf32, #tpu.memory_space<vmem>>[vector<16xi32>, vector<16xi32>, vector<16xi32>], vector<16xf32>,
        tpu.vector_store_idx %arg14[%add3A_408, %broadcast_in_dim3A_412], %gather3A_413 : memref<112x128xf32, #tpu.memory_space<vmem>>[vector<16xi32>, vector<16xi32>], vector<16xf32>,
        %broadcast_in_dim3A_414 = arith.constant 2 : i32
        %broadcast_in_dim3A_415 = vector.broadcast %broadcast_in_dim3A_414 : i32 to vector<16xi32>
        %gather3A_416 = tpu.vector_load_idx %arg10[%broadcast_in_dim3A_332, %broadcast_in_dim3A_415, %select_n3A_406] : memref<2x32x1024xf32, #tpu.memory_space<vmem>>[vector<16xi32>, vector<16xi32>, vector<16xi32>], vector<16xf32>,
        tpu.vector_store_idx %arg14[%add3A_408, %broadcast_in_dim3A_415], %gather3A_416 : memref<112x128xf32, #tpu.memory_space<vmem>>[vector<16xi32>, vector<16xi32>], vector<16xf32>,
        %broadcast_in_dim3A_417 = arith.constant 3 : i32
        %broadcast_in_dim3A_418 = vector.broadcast %broadcast_in_dim3A_417 : i32 to vector<16xi32>
        %gather3A_419 = tpu.vector_load_idx %arg10[%broadcast_in_dim3A_332, %broadcast_in_dim3A_418, %select_n3A_406] : memref<2x32x1024xf32, #tpu.memory_space<vmem>>[vector<16xi32>, vector<16xi32>, vector<16xi32>], vector<16xf32>,
        tpu.vector_store_idx %arg14[%add3A_408, %broadcast_in_dim3A_418], %gather3A_419 : memref<112x128xf32, #tpu.memory_space<vmem>>[vector<16xi32>, vector<16xi32>], vector<16xf32>,
        %broadcast_in_dim3A_420 = arith.constant 4 : i32
        %broadcast_in_dim3A_421 = vector.broadcast %broadcast_in_dim3A_420 : i32 to vector<16xi32>
        %gather3A_422 = tpu.vector_load_idx %arg10[%broadcast_in_dim3A_332, %broadcast_in_dim3A_421, %select_n3A_406] : memref<2x32x1024xf32, #tpu.memory_space<vmem>>[vector<16xi32>, vector<16xi32>, vector<16xi32>], vector<16xf32>,
        tpu.vector_store_idx %arg14[%add3A_408, %broadcast_in_dim3A_421], %gather3A_422 : memref<112x128xf32, #tpu.memory_space<vmem>>[vector<16xi32>, vector<16xi32>], vector<16xf32>,
        %broadcast_in_dim3A_423 = arith.constant 5 : i32
        %broadcast_in_dim3A_424 = vector.broadcast %broadcast_in_dim3A_423 : i32 to vector<16xi32>
        %gather3A_425 = tpu.vector_load_idx %arg10[%broadcast_in_dim3A_332, %broadcast_in_dim3A_424, %select_n3A_406] : memref<2x32x1024xf32, #tpu.memory_space<vmem>>[vector<16xi32>, vector<16xi32>, vector<16xi32>], vector<16xf32>,
        tpu.vector_store_idx %arg14[%add3A_408, %broadcast_in_dim3A_424], %gather3A_425 : memref<112x128xf32, #tpu.memory_space<vmem>>[vector<16xi32>, vector<16xi32>], vector<16xf32>,
        %broadcast_in_dim3A_426 = arith.constant 6 : i32
        %broadcast_in_dim3A_427 = vector.broadcast %broadcast_in_dim3A_426 : i32 to vector<16xi32>
        %gather3A_428 = tpu.vector_load_idx %arg10[%broadcast_in_dim3A_332, %broadcast_in_dim3A_427, %select_n3A_406] : memref<2x32x1024xf32, #tpu.memory_space<vmem>>[vector<16xi32>, vector<16xi32>, vector<16xi32>], vector<16xf32>,
        tpu.vector_store_idx %arg14[%add3A_408, %broadcast_in_dim3A_427], %gather3A_428 : memref<112x128xf32, #tpu.memory_space<vmem>>[vector<16xi32>, vector<16xi32>], vector<16xf32>,
        %broadcast_in_dim3A_429 = arith.constant 7 : i32
        %broadcast_in_dim3A_430 = vector.broadcast %broadcast_in_dim3A_429 : i32 to vector<16xi32>
        %gather3A_431 = tpu.vector_load_idx %arg10[%broadcast_in_dim3A_332, %broadcast_in_dim3A_430, %select_n3A_406] : memref<2x32x1024xf32, #tpu.memory_space<vmem>>[vector<16xi32>, vector<16xi32>, vector<16xi32>], vector<16xf32>,
        tpu.vector_store_idx %arg14[%add3A_408, %broadcast_in_dim3A_430], %gather3A_431 : memref<112x128xf32, #tpu.memory_space<vmem>>[vector<16xi32>, vector<16xi32>], vector<16xf32>,
        %broadcast_in_dim3A_432 = arith.constant 8 : i32
        %broadcast_in_dim3A_433 = vector.broadcast %broadcast_in_dim3A_432 : i32 to vector<16xi32>
        %gather3A_434 = tpu.vector_load_idx %arg10[%broadcast_in_dim3A_332, %broadcast_in_dim3A_433, %select_n3A_406] : memref<2x32x1024xf32, #tpu.memory_space<vmem>>[vector<16xi32>, vector<16xi32>, vector<16xi32>], vector<16xf32>,
        tpu.vector_store_idx %arg14[%add3A_408, %broadcast_in_dim3A_433], %gather3A_434 : memref<112x128xf32, #tpu.memory_space<vmem>>[vector<16xi32>, vector<16xi32>], vector<16xf32>,
        %broadcast_in_dim3A_435 = arith.constant 9 : i32
        %broadcast_in_dim3A_436 = vector.broadcast %broadcast_in_dim3A_435 : i32 to vector<16xi32>
        %gather3A_437 = tpu.vector_load_idx %arg10[%broadcast_in_dim3A_332, %broadcast_in_dim3A_436, %select_n3A_406] : memref<2x32x1024xf32, #tpu.memory_space<vmem>>[vector<16xi32>, vector<16xi32>, vector<16xi32>], vector<16xf32>,
        tpu.vector_store_idx %arg14[%add3A_408, %broadcast_in_dim3A_436], %gather3A_437 : memref<112x128xf32, #tpu.memory_space<vmem>>[vector<16xi32>, vector<16xi32>], vector<16xf32>,
        %broadcast_in_dim3A_438 = arith.constant 10 : i32
        %broadcast_in_dim3A_439 = vector.broadcast %broadcast_in_dim3A_438 : i32 to vector<16xi32>
        %gather3A_440 = tpu.vector_load_idx %arg10[%broadcast_in_dim3A_332, %broadcast_in_dim3A_439, %select_n3A_406] : memref<2x32x1024xf32, #tpu.memory_space<vmem>>[vector<16xi32>, vector<16xi32>, vector<16xi32>], vector<16xf32>,
        tpu.vector_store_idx %arg14[%add3A_408, %broadcast_in_dim3A_439], %gather3A_440 : memref<112x128xf32, #tpu.memory_space<vmem>>[vector<16xi32>, vector<16xi32>], vector<16xf32>,
        %broadcast_in_dim3A_441 = arith.constant 11 : i32
        %broadcast_in_dim3A_442 = vector.broadcast %broadcast_in_dim3A_441 : i32 to vector<16xi32>
        %gather3A_443 = tpu.vector_load_idx %arg10[%broadcast_in_dim3A_332, %broadcast_in_dim3A_442, %select_n3A_406] : memref<2x32x1024xf32, #tpu.memory_space<vmem>>[vector<16xi32>, vector<16xi32>, vector<16xi32>], vector<16xf32>,
        tpu.vector_store_idx %arg14[%add3A_408, %broadcast_in_dim3A_442], %gather3A_443 : memref<112x128xf32, #tpu.memory_space<vmem>>[vector<16xi32>, vector<16xi32>], vector<16xf32>,
        %broadcast_in_dim3A_444 = arith.constant 12 : i32
        %broadcast_in_dim3A_445 = vector.broadcast %broadcast_in_dim3A_444 : i32 to vector<16xi32>
        %gather3A_446 = tpu.vector_load_idx %arg10[%broadcast_in_dim3A_332, %broadcast_in_dim3A_445, %select_n3A_406] : memref<2x32x1024xf32, #tpu.memory_space<vmem>>[vector<16xi32>, vector<16xi32>, vector<16xi32>], vector<16xf32>,
        tpu.vector_store_idx %arg14[%add3A_408, %broadcast_in_dim3A_445], %gather3A_446 : memref<112x128xf32, #tpu.memory_space<vmem>>[vector<16xi32>, vector<16xi32>], vector<16xf32>,
        %broadcast_in_dim3A_447 = arith.constant 13 : i32
        %broadcast_in_dim3A_448 = vector.broadcast %broadcast_in_dim3A_447 : i32 to vector<16xi32>
        %gather3A_449 = tpu.vector_load_idx %arg10[%broadcast_in_dim3A_332, %broadcast_in_dim3A_448, %select_n3A_406] : memref<2x32x1024xf32, #tpu.memory_space<vmem>>[vector<16xi32>, vector<16xi32>, vector<16xi32>], vector<16xf32>,
        tpu.vector_store_idx %arg14[%add3A_408, %broadcast_in_dim3A_448], %gather3A_449 : memref<112x128xf32, #tpu.memory_space<vmem>>[vector<16xi32>, vector<16xi32>], vector<16xf32>,
        %broadcast_in_dim3A_450 = arith.constant 14 : i32
        %broadcast_in_dim3A_451 = vector.broadcast %broadcast_in_dim3A_450 : i32 to vector<16xi32>
        %gather3A_452 = tpu.vector_load_idx %arg10[%broadcast_in_dim3A_332, %broadcast_in_dim3A_451, %select_n3A_406] : memref<2x32x1024xf32, #tpu.memory_space<vmem>>[vector<16xi32>, vector<16xi32>, vector<16xi32>], vector<16xf32>,
        tpu.vector_store_idx %arg14[%add3A_408, %broadcast_in_dim3A_451], %gather3A_452 : memref<112x128xf32, #tpu.memory_space<vmem>>[vector<16xi32>, vector<16xi32>], vector<16xf32>,
        %broadcast_in_dim3A_453 = arith.constant 15 : i32
        %broadcast_in_dim3A_454 = vector.broadcast %broadcast_in_dim3A_453 : i32 to vector<16xi32>
        %gather3A_455 = tpu.vector_load_idx %arg10[%broadcast_in_dim3A_332, %broadcast_in_dim3A_454, %select_n3A_406] : memref<2x32x1024xf32, #tpu.memory_space<vmem>>[vector<16xi32>, vector<16xi32>, vector<16xi32>], vector<16xf32>,
        tpu.vector_store_idx %arg14[%add3A_408, %broadcast_in_dim3A_454], %gather3A_455 : memref<112x128xf32, #tpu.memory_space<vmem>>[vector<16xi32>, vector<16xi32>], vector<16xf32>,
        %broadcast_in_dim3A_456 = arith.constant 16 : i32
        %broadcast_in_dim3A_457 = vector.broadcast %broadcast_in_dim3A_456 : i32 to vector<16xi32>
        %gather3A_458 = tpu.vector_load_idx %arg10[%broadcast_in_dim3A_332, %broadcast_in_dim3A_457, %select_n3A_406] : memref<2x32x1024xf32, #tpu.memory_space<vmem>>[vector<16xi32>, vector<16xi32>, vector<16xi32>], vector<16xf32>,
        tpu.vector_store_idx %arg14[%add3A_408, %broadcast_in_dim3A_457], %gather3A_458 : memref<112x128xf32, #tpu.memory_space<vmem>>[vector<16xi32>, vector<16xi32>], vector<16xf32>,
        %broadcast_in_dim3A_459 = arith.constant 17 : i32
        %broadcast_in_dim3A_460 = vector.broadcast %broadcast_in_dim3A_459 : i32 to vector<16xi32>
        %gather3A_461 = tpu.vector_load_idx %arg10[%broadcast_in_dim3A_332, %broadcast_in_dim3A_460, %select_n3A_406] : memref<2x32x1024xf32, #tpu.memory_space<vmem>>[vector<16xi32>, vector<16xi32>, vector<16xi32>], vector<16xf32>,
        tpu.vector_store_idx %arg14[%add3A_408, %broadcast_in_dim3A_460], %gather3A_461 : memref<112x128xf32, #tpu.memory_space<vmem>>[vector<16xi32>, vector<16xi32>], vector<16xf32>,
        %broadcast_in_dim3A_462 = arith.constant 18 : i32
        %broadcast_in_dim3A_463 = vector.broadcast %broadcast_in_dim3A_462 : i32 to vector<16xi32>
        %gather3A_464 = tpu.vector_load_idx %arg10[%broadcast_in_dim3A_332, %broadcast_in_dim3A_463, %select_n3A_406] : memref<2x32x1024xf32, #tpu.memory_space<vmem>>[vector<16xi32>, vector<16xi32>, vector<16xi32>], vector<16xf32>,
        tpu.vector_store_idx %arg14[%add3A_408, %broadcast_in_dim3A_463], %gather3A_464 : memref<112x128xf32, #tpu.memory_space<vmem>>[vector<16xi32>, vector<16xi32>], vector<16xf32>,
        %broadcast_in_dim3A_465 = arith.constant 19 : i32
        %broadcast_in_dim3A_466 = vector.broadcast %broadcast_in_dim3A_465 : i32 to vector<16xi32>
        %gather3A_467 = tpu.vector_load_idx %arg10[%broadcast_in_dim3A_332, %broadcast_in_dim3A_466, %select_n3A_406] : memref<2x32x1024xf32, #tpu.memory_space<vmem>>[vector<16xi32>, vector<16xi32>, vector<16xi32>], vector<16xf32>,
        tpu.vector_store_idx %arg14[%add3A_408, %broadcast_in_dim3A_466], %gather3A_467 : memref<112x128xf32, #tpu.memory_space<vmem>>[vector<16xi32>, vector<16xi32>], vector<16xf32>,
        %broadcast_in_dim3A_468 = arith.constant 20 : i32
        %broadcast_in_dim3A_469 = vector.broadcast %broadcast_in_dim3A_468 : i32 to vector<16xi32>
        %gather3A_470 = tpu.vector_load_idx %arg10[%broadcast_in_dim3A_332, %broadcast_in_dim3A_469, %select_n3A_406] : memref<2x32x1024xf32, #tpu.memory_space<vmem>>[vector<16xi32>, vector<16xi32>, vector<16xi32>], vector<16xf32>,
        tpu.vector_store_idx %arg14[%add3A_408, %broadcast_in_dim3A_469], %gather3A_470 : memref<112x128xf32, #tpu.memory_space<vmem>>[vector<16xi32>, vector<16xi32>], vector<16xf32>,
        %broadcast_in_dim3A_471 = arith.constant 21 : i32
        %broadcast_in_dim3A_472 = vector.broadcast %broadcast_in_dim3A_471 : i32 to vector<16xi32>
        %gather3A_473 = tpu.vector_load_idx %arg10[%broadcast_in_dim3A_332, %broadcast_in_dim3A_472, %select_n3A_406] : memref<2x32x1024xf32, #tpu.memory_space<vmem>>[vector<16xi32>, vector<16xi32>, vector<16xi32>], vector<16xf32>,
        tpu.vector_store_idx %arg14[%add3A_408, %broadcast_in_dim3A_472], %gather3A_473 : memref<112x128xf32, #tpu.memory_space<vmem>>[vector<16xi32>, vector<16xi32>], vector<16xf32>,
        %broadcast_in_dim3A_474 = arith.constant 22 : i32
        %broadcast_in_dim3A_475 = vector.broadcast %broadcast_in_dim3A_474 : i32 to vector<16xi32>
        %gather3A_476 = tpu.vector_load_idx %arg10[%broadcast_in_dim3A_332, %broadcast_in_dim3A_475, %select_n3A_406] : memref<2x32x1024xf32, #tpu.memory_space<vmem>>[vector<16xi32>, vector<16xi32>, vector<16xi32>], vector<16xf32>,
        tpu.vector_store_idx %arg14[%add3A_408, %broadcast_in_dim3A_475], %gather3A_476 : memref<112x128xf32, #tpu.memory_space<vmem>>[vector<16xi32>, vector<16xi32>], vector<16xf32>,
        %broadcast_in_dim3A_477 = arith.constant 23 : i32
        %broadcast_in_dim3A_478 = vector.broadcast %broadcast_in_dim3A_477 : i32 to vector<16xi32>
        %gather3A_479 = tpu.vector_load_idx %arg10[%broadcast_in_dim3A_332, %broadcast_in_dim3A_478, %select_n3A_406] : memref<2x32x1024xf32, #tpu.memory_space<vmem>>[vector<16xi32>, vector<16xi32>, vector<16xi32>], vector<16xf32>,
        tpu.vector_store_idx %arg14[%add3A_408, %broadcast_in_dim3A_478], %gather3A_479 : memref<112x128xf32, #tpu.memory_space<vmem>>[vector<16xi32>, vector<16xi32>], vector<16xf32>,
        %broadcast_in_dim3A_480 = arith.constant 24 : i32
        %broadcast_in_dim3A_481 = vector.broadcast %broadcast_in_dim3A_480 : i32 to vector<16xi32>
        %gather3A_482 = tpu.vector_load_idx %arg10[%broadcast_in_dim3A_332, %broadcast_in_dim3A_481, %select_n3A_406] : memref<2x32x1024xf32, #tpu.memory_space<vmem>>[vector<16xi32>, vector<16xi32>, vector<16xi32>], vector<16xf32>,
        tpu.vector_store_idx %arg14[%add3A_408, %broadcast_in_dim3A_481], %gather3A_482 : memref<112x128xf32, #tpu.memory_space<vmem>>[vector<16xi32>, vector<16xi32>], vector<16xf32>,
        %broadcast_in_dim3A_483 = arith.constant 25 : i32
        %broadcast_in_dim3A_484 = vector.broadcast %broadcast_in_dim3A_483 : i32 to vector<16xi32>
        %gather3A_485 = tpu.vector_load_idx %arg10[%broadcast_in_dim3A_332, %broadcast_in_dim3A_484, %select_n3A_406] : memref<2x32x1024xf32, #tpu.memory_space<vmem>>[vector<16xi32>, vector<16xi32>, vector<16xi32>], vector<16xf32>,
        tpu.vector_store_idx %arg14[%add3A_408, %broadcast_in_dim3A_484], %gather3A_485 : memref<112x128xf32, #tpu.memory_space<vmem>>[vector<16xi32>, vector<16xi32>], vector<16xf32>,
        %broadcast_in_dim3A_486 = arith.constant 26 : i32
        %broadcast_in_dim3A_487 = vector.broadcast %broadcast_in_dim3A_486 : i32 to vector<16xi32>
        %gather3A_488 = tpu.vector_load_idx %arg10[%broadcast_in_dim3A_332, %broadcast_in_dim3A_487, %select_n3A_406] : memref<2x32x1024xf32, #tpu.memory_space<vmem>>[vector<16xi32>, vector<16xi32>, vector<16xi32>], vector<16xf32>,
        tpu.vector_store_idx %arg14[%add3A_408, %broadcast_in_dim3A_487], %gather3A_488 : memref<112x128xf32, #tpu.memory_space<vmem>>[vector<16xi32>, vector<16xi32>], vector<16xf32>,
        %broadcast_in_dim3A_489 = arith.constant 27 : i32
        %broadcast_in_dim3A_490 = vector.broadcast %broadcast_in_dim3A_489 : i32 to vector<16xi32>
        %gather3A_491 = tpu.vector_load_idx %arg10[%broadcast_in_dim3A_332, %broadcast_in_dim3A_490, %select_n3A_406] : memref<2x32x1024xf32, #tpu.memory_space<vmem>>[vector<16xi32>, vector<16xi32>, vector<16xi32>], vector<16xf32>,
        tpu.vector_store_idx %arg14[%add3A_408, %broadcast_in_dim3A_490], %gather3A_491 : memref<112x128xf32, #tpu.memory_space<vmem>>[vector<16xi32>, vector<16xi32>], vector<16xf32>,
        %broadcast_in_dim3A_492 = arith.constant 28 : i32
        %broadcast_in_dim3A_493 = vector.broadcast %broadcast_in_dim3A_492 : i32 to vector<16xi32>
        %gather3A_494 = tpu.vector_load_idx %arg10[%broadcast_in_dim3A_332, %broadcast_in_dim3A_493, %select_n3A_406] : memref<2x32x1024xf32, #tpu.memory_space<vmem>>[vector<16xi32>, vector<16xi32>, vector<16xi32>], vector<16xf32>,
        tpu.vector_store_idx %arg14[%add3A_408, %broadcast_in_dim3A_493], %gather3A_494 : memref<112x128xf32, #tpu.memory_space<vmem>>[vector<16xi32>, vector<16xi32>], vector<16xf32>,
        %broadcast_in_dim3A_495 = arith.constant 29 : i32
        %broadcast_in_dim3A_496 = vector.broadcast %broadcast_in_dim3A_495 : i32 to vector<16xi32>
        %gather3A_497 = tpu.vector_load_idx %arg10[%broadcast_in_dim3A_332, %broadcast_in_dim3A_496, %select_n3A_406] : memref<2x32x1024xf32, #tpu.memory_space<vmem>>[vector<16xi32>, vector<16xi32>, vector<16xi32>], vector<16xf32>,
        tpu.vector_store_idx %arg14[%add3A_408, %broadcast_in_dim3A_496], %gather3A_497 : memref<112x128xf32, #tpu.memory_space<vmem>>[vector<16xi32>, vector<16xi32>], vector<16xf32>,
        %broadcast_in_dim3A_498 = arith.constant 30 : i32
        %broadcast_in_dim3A_499 = vector.broadcast %broadcast_in_dim3A_498 : i32 to vector<16xi32>
        %gather3A_500 = tpu.vector_load_idx %arg10[%broadcast_in_dim3A_332, %broadcast_in_dim3A_499, %select_n3A_406] : memref<2x32x1024xf32, #tpu.memory_space<vmem>>[vector<16xi32>, vector<16xi32>, vector<16xi32>], vector<16xf32>,
        tpu.vector_store_idx %arg14[%add3A_408, %broadcast_in_dim3A_499], %gather3A_500 : memref<112x128xf32, #tpu.memory_space<vmem>>[vector<16xi32>, vector<16xi32>], vector<16xf32>,
        %broadcast_in_dim3A_501 = arith.constant 31 : i32
        %broadcast_in_dim3A_502 = vector.broadcast %broadcast_in_dim3A_501 : i32 to vector<16xi32>
        %gather3A_503 = tpu.vector_load_idx %arg10[%broadcast_in_dim3A_332, %broadcast_in_dim3A_502, %select_n3A_406] : memref<2x32x1024xf32, #tpu.memory_space<vmem>>[vector<16xi32>, vector<16xi32>, vector<16xi32>], vector<16xf32>,
        tpu.vector_store_idx %arg14[%add3A_408, %broadcast_in_dim3A_502], %gather3A_503 : memref<112x128xf32, #tpu.memory_space<vmem>>[vector<16xi32>, vector<16xi32>], vector<16xf32>,
        %and3A_504 = arith.constant 16383 : i32
        %and3A_505 = vector.broadcast %and3A_504 : i32 to vector<16xi32>
        %and3A_506 = arith.andi %get3A_392, %and3A_505 : vector<16xi32>
        %broadcast_in_dim3A_507 = vector.broadcast %add3A_2 : i32 to vector<16xi32>
        %select_n3A_508 = arith.select %lt3A_397, %and3A_506, %broadcast_in_dim3A_507 : vector<16xi1>, vector<16xi32>
        tpu.vector_store_idx %arg15[%broadcast_in_dim3A_3, %add3A_408], %select_n3A_508 : memref<1x112xi32, #tpu.memory_space<vmem>>[vector<16xi32>, vector<16xi32>], vector<16xi32>,
        %add3A_509 = arith.constant 16 : i32
        %add3A_510 = arith.addi %while3A_389, %add3A_509 : i32
        %eq3A_511 = arith.constant 112 : i32
        %eq3A_512 = arith.cmpi eq, %add3A_510, %eq3A_511 : i32
        %convert_element_type3A_513 = arith.extui %eq3A_512 : i1 to i32
        %cond3A_514 = arith.constant 0 : i32
        %cond3A_515 = arith.cmpi ne, %convert_element_type3A_513, %cond3A_514 : i32
        scf.if %cond3A_515 {
          %dma_start3A = arith.constant 0 : i32
          %dma_start3A_520 = arith.constant 0 : i32
          %dma_start3A_521 = tpu.memref_slice %arg15[%dma_start3A, %dma_start3A_520] : memref<1x112xi32, #tpu.memory_space<vmem>> -> memref<1x112xi32, #tpu.memory_space<vmem>>
          %dma_start3A_522 = tpu.memref_squeeze %dma_start3A_521 : memref<1x112xi32, #tpu.memory_space<vmem>> -> memref<112xi32, #tpu.memory_space<vmem>>
          %dma_start3A_523 = arith.constant 0 : i32
          %dma_start3A_524 = arith.constant 0 : i32
          %dma_start3A_525 = tpu.memref_slice %arg9[%dma_start3A_523, %dma_start3A_524] : memref<16416x128xf32, #tpu.memory_space<hbm>> -> memref<16416x128xf32, #tpu.memory_space<hbm>>
          tpu.enqueue_indirect_dma source(%arg14 : memref<112x128xf32, #tpu.memory_space<vmem>>) target(%dma_start3A_525 : memref<16416x128xf32, #tpu.memory_space<hbm>>) offsets(%dma_start3A_522 : memref<112xi32, #tpu.memory_space<vmem>>) semaphore(%arg18 : memref<!tpu.dma_semaphore, #tpu.memory_space<semaphore_mem>>)
          %dma_wait3A = arith.constant 0 : i32
          %dma_wait3A_526 = arith.constant 0 : i32
          %dma_wait3A_527 = tpu.memref_slice %arg15[%dma_wait3A, %dma_wait3A_526] : memref<1x112xi32, #tpu.memory_space<vmem>> -> memref<1x112xi32, #tpu.memory_space<vmem>>
          %dma_wait3A_528 = tpu.memref_squeeze %dma_wait3A_527 : memref<1x112xi32, #tpu.memory_space<vmem>> -> memref<112xi32, #tpu.memory_space<vmem>>
          %dma_wait3A_529 = arith.constant 0 : i32
          %dma_wait3A_530 = arith.constant 0 : i32
          %dma_wait3A_531 = tpu.memref_slice %arg9[%dma_wait3A_529, %dma_wait3A_530] : memref<16416x128xf32, #tpu.memory_space<hbm>> -> memref<16416x128xf32, #tpu.memory_space<hbm>>
          tpu.wait_indirect_dma semaphore(%arg18 : memref<!tpu.dma_semaphore, #tpu.memory_space<semaphore_mem>>) src(%arg14 : memref<112x128xf32, #tpu.memory_space<vmem>>) dst(%dma_wait3A_531 : memref<16416x128xf32, #tpu.memory_space<hbm>>)
        } else {
        }
        %eq3A_516 = arith.constant 112 : i32
        %eq3A_517 = arith.cmpi eq, %add3A_510, %eq3A_516 : i32
        %jit3A_518 = arith.constant 0 : i32
        %select_n3A_519 = arith.select %eq3A_517, %jit3A_518, %add3A_510 : i32
        scf.yield %select_n3A_519 : i32
      }
      %add3A_348 = arith.constant 2 : i32
      %add3A_349 = arith.addi %while3A_279, %add3A_348 : i32
      %and3A_350 = arith.constant 1 : i32
      %and3A_351 = arith.andi %add3A_349, %and3A_350 : i32
      %lt3A = arith.cmpi slt, %add3A_349, %add3A_187 : i32
      %eq3A_352 = arith.cmpi eq, %add3A_349, %select_n3A_183 : i32
      %mul3A_353 = arith.constant 32 : i32
      %mul3A_354 = arith.muli %mul3A_353, %add3A_349 : i32
      %add3A_355 = arith.addi %add3A, %mul3A_354 : i32
      %eq3A_356 = arith.constant 0 : i32
      %eq3A_357 = arith.cmpi eq, %and3A_351, %eq3A_356 : i32
      %and3A_358 = arith.andi %lt3A, %eq3A_357 : i1
      %not3A_359 = arith.constant true
      %not3A_360 = arith.xori %eq3A_352, %not3A_359 : i1
      %and3A_361 = arith.andi %and3A_358, %not3A_360 : i1
      %convert_element_type3A_362 = arith.extui %and3A_361 : i1 to i32
      %cond3A_363 = arith.constant 0 : i32
      %cond3A_364 = arith.cmpi ne, %convert_element_type3A_362, %cond3A_363 : i32
      scf.if %cond3A_364 {
        %mul3A_388 = arith.constant 1024 : i32
        %mul3A_389 = arith.muli %add3A_355, %mul3A_388 : i32
        %multiple_of3A = tpu.assume_multiple %mul3A_389, 1024 : i32
        %dma_start3A = arith.constant 0 : i32
        %dma_start3A_390 = arith.constant 0 : i32
        %dma_start3A_391 = arith.constant 0 : i32
        %dma_start3A_392 = tpu.memref_slice %arg10[%dma_start3A, %dma_start3A_390, %dma_start3A_391] : memref<2x32x1024xf32, #tpu.memory_space<vmem>> -> memref<1x32x1024xf32, #tpu.memory_space<vmem>>
        %dma_start3A_393 = tpu.memref_squeeze %dma_start3A_392 : memref<1x32x1024xf32, #tpu.memory_space<vmem>> -> memref<32x1024xf32, #tpu.memory_space<vmem>>
        %dma_start3A_394 = arith.constant 0 : i32
        %dma_start3A_395 = tpu.memref_slice %arg3[%dma_start3A_394, %multiple_of3A] : memref<32x100000xf32, #tpu.memory_space<hbm>> -> memref<32x1024xf32, #tpu.memory_space<hbm>>
        %dma_start3A_396 = arith.constant 0 : i32
        %dma_start3A_397 = arith.constant 0 : i32
        %dma_start3A_398 = tpu.memref_slice %arg10[%dma_start3A, %dma_start3A_396, %dma_start3A_397] : memref<2x32x1024xf32, #tpu.memory_space<vmem>> -> memref<1x32x1024xf32, #tpu.memory_space<vmem>>
        %dma_start3A_399 = tpu.memref_squeeze %dma_start3A_398 : memref<1x32x1024xf32, #tpu.memory_space<vmem>> -> memref<32x1024xf32, #tpu.memory_space<vmem>>
        %dma_start3A_400 = arith.constant 0 : i32
        %dma_start3A_401 = tpu.memref_slice %arg3[%dma_start3A_400, %multiple_of3A] : memref<32x100000xf32, #tpu.memory_space<hbm>> -> memref<32x1024xf32, #tpu.memory_space<hbm>>
        tpu.enqueue_dma source(%dma_start3A_401 : memref<32x1024xf32, #tpu.memory_space<hbm>>) target(%dma_start3A_399 : memref<32x1024xf32, #tpu.memory_space<vmem>>) target_semaphore(%arg16 : memref<!tpu.dma_semaphore, #tpu.memory_space<semaphore_mem>>)
      } else {
      }
      %eq3A_365 = arith.constant 0 : i32
      %eq3A_366 = arith.cmpi eq, %and3A_351, %eq3A_365 : i32
      %and3A_367 = arith.andi %lt3A, %eq3A_366 : i1
      %and3A_368 = arith.andi %and3A_367, %eq3A_352 : i1
      %convert_element_type3A_369 = arith.extui %and3A_368 : i1 to i32
      %cond3A_370 = arith.constant 0 : i32
      %cond3A_371 = arith.cmpi ne, %convert_element_type3A_369, %cond3A_370 : i32
      scf.if %cond3A_371 {
        %dma_start3A = arith.constant 0 : i32
        %dma_start3A_388 = arith.constant 0 : i32
        %dma_start3A_389 = arith.constant 0 : i32
        %dma_start3A_390 = tpu.memref_slice %arg10[%dma_start3A, %dma_start3A_388, %dma_start3A_389] : memref<2x32x1024xf32, #tpu.memory_space<vmem>> -> memref<1x32x1024xf32, #tpu.memory_space<vmem>>
        %dma_start3A_391 = tpu.memref_squeeze %dma_start3A_390 : memref<1x32x1024xf32, #tpu.memory_space<vmem>> -> memref<32x1024xf32, #tpu.memory_space<vmem>>
        %dma_start3A_392 = arith.constant 0 : i32
        %dma_start3A_393 = arith.constant 0 : i32
        %dma_start3A_394 = tpu.memref_slice %arg10[%dma_start3A, %dma_start3A_392, %dma_start3A_393] : memref<2x32x1024xf32, #tpu.memory_space<vmem>> -> memref<1x32x1024xf32, #tpu.memory_space<vmem>>
        %dma_start3A_395 = tpu.memref_squeeze %dma_start3A_394 : memref<1x32x1024xf32, #tpu.memory_space<vmem>> -> memref<32x1024xf32, #tpu.memory_space<vmem>>
        tpu.enqueue_dma source(%arg5 : memref<32x1024xf32, #tpu.memory_space<hbm>>) target(%dma_start3A_395 : memref<32x1024xf32, #tpu.memory_space<vmem>>) target_semaphore(%arg16 : memref<!tpu.dma_semaphore, #tpu.memory_space<semaphore_mem>>)
      } else {
      }
      %eq3A_372 = arith.constant 1 : i32
      %eq3A_373 = arith.cmpi eq, %and3A_351, %eq3A_372 : i32
      %and3A_374 = arith.andi %lt3A, %eq3A_373 : i1
      %not3A_375 = arith.constant true
      %not3A_376 = arith.xori %eq3A_352, %not3A_375 : i1
      %and3A_377 = arith.andi %and3A_374, %not3A_376 : i1
      %convert_element_type3A_378 = arith.extui %and3A_377 : i1 to i32
      %cond3A_379 = arith.constant 0 : i32
      %cond3A_380 = arith.cmpi ne, %convert_element_type3A_378, %cond3A_379 : i32
      scf.if %cond3A_380 {
        %mul3A_388 = arith.constant 1024 : i32
        %mul3A_389 = arith.muli %add3A_355, %mul3A_388 : i32
        %multiple_of3A = tpu.assume_multiple %mul3A_389, 1024 : i32
        %dma_start3A = arith.constant 1 : i32
        %dma_start3A_390 = arith.constant 0 : i32
        %dma_start3A_391 = arith.constant 0 : i32
        %dma_start3A_392 = tpu.memref_slice %arg10[%dma_start3A, %dma_start3A_390, %dma_start3A_391] : memref<2x32x1024xf32, #tpu.memory_space<vmem>> -> memref<1x32x1024xf32, #tpu.memory_space<vmem>>
        %dma_start3A_393 = tpu.memref_squeeze %dma_start3A_392 : memref<1x32x1024xf32, #tpu.memory_space<vmem>> -> memref<32x1024xf32, #tpu.memory_space<vmem>>
        %dma_start3A_394 = arith.constant 0 : i32
        %dma_start3A_395 = tpu.memref_slice %arg3[%dma_start3A_394, %multiple_of3A] : memref<32x100000xf32, #tpu.memory_space<hbm>> -> memref<32x1024xf32, #tpu.memory_space<hbm>>
        %dma_start3A_396 = arith.constant 0 : i32
        %dma_start3A_397 = arith.constant 0 : i32
        %dma_start3A_398 = tpu.memref_slice %arg10[%dma_start3A, %dma_start3A_396, %dma_start3A_397] : memref<2x32x1024xf32, #tpu.memory_space<vmem>> -> memref<1x32x1024xf32, #tpu.memory_space<vmem>>
        %dma_start3A_399 = tpu.memref_squeeze %dma_start3A_398 : memref<1x32x1024xf32, #tpu.memory_space<vmem>> -> memref<32x1024xf32, #tpu.memory_space<vmem>>
        %dma_start3A_400 = arith.constant 0 : i32
        %dma_start3A_401 = tpu.memref_slice %arg3[%dma_start3A_400, %multiple_of3A] : memref<32x100000xf32, #tpu.memory_space<hbm>> -> memref<32x1024xf32, #tpu.memory_space<hbm>>
        tpu.enqueue_dma source(%dma_start3A_401 : memref<32x1024xf32, #tpu.memory_space<hbm>>) target(%dma_start3A_399 : memref<32x1024xf32, #tpu.memory_space<vmem>>) target_semaphore(%arg17 : memref<!tpu.dma_semaphore, #tpu.memory_space<semaphore_mem>>)
      } else {
      }
      %eq3A_381 = arith.constant 1 : i32
      %eq3A_382 = arith.cmpi eq, %and3A_351, %eq3A_381 : i32
      %and3A_383 = arith.andi %lt3A, %eq3A_382 : i1
      %and3A_384 = arith.andi %and3A_383, %eq3A_352 : i1
      %convert_element_type3A_385 = arith.extui %and3A_384 : i1 to i32
      %cond3A_386 = arith.constant 0 : i32
      %cond3A_387 = arith.cmpi ne, %convert_element_type3A_385, %cond3A_386 : i32
      scf.if %cond3A_387 {
        %dma_start3A = arith.constant 1 : i32
        %dma_start3A_388 = arith.constant 0 : i32
        %dma_start3A_389 = arith.constant 0 : i32
        %dma_start3A_390 = tpu.memref_slice %arg10[%dma_start3A, %dma_start3A_388, %dma_start3A_389] : memref<2x32x1024xf32, #tpu.memory_space<vmem>> -> memref<1x32x1024xf32, #tpu.memory_space<vmem>>
        %dma_start3A_391 = tpu.memref_squeeze %dma_start3A_390 : memref<1x32x1024xf32, #tpu.memory_space<vmem>> -> memref<32x1024xf32, #tpu.memory_space<vmem>>
        %dma_start3A_392 = arith.constant 0 : i32
        %dma_start3A_393 = arith.constant 0 : i32
        %dma_start3A_394 = tpu.memref_slice %arg10[%dma_start3A, %dma_start3A_392, %dma_start3A_393] : memref<2x32x1024xf32, #tpu.memory_space<vmem>> -> memref<1x32x1024xf32, #tpu.memory_space<vmem>>
        %dma_start3A_395 = tpu.memref_squeeze %dma_start3A_394 : memref<1x32x1024xf32, #tpu.memory_space<vmem>> -> memref<32x1024xf32, #tpu.memory_space<vmem>>
        tpu.enqueue_dma source(%arg5 : memref<32x1024xf32, #tpu.memory_space<hbm>>) target(%dma_start3A_395 : memref<32x1024xf32, #tpu.memory_space<vmem>>) target_semaphore(%arg17 : memref<!tpu.dma_semaphore, #tpu.memory_space<semaphore_mem>>)
      } else {
      }
      scf.yield %while3A_347 : i32
    }
    %while3A_272 = arith.constant 1 : i32
    %while3A_273 = scf.for %while3A_279 = %while3A_269 to %while3A_265 step %while3A_272 iter_args(%while3A_280 = %while3A_271) -> (i32)  : i32 {
      %and3A_281 = arith.constant 1 : i32
      %and3A_282 = arith.andi %while3A_279, %and3A_281 : i32
      %eq3A_283 = arith.constant 0 : i32
      %eq3A_284 = arith.cmpi eq, %and3A_282, %eq3A_283 : i32
      %convert_element_type3A_285 = arith.extui %eq3A_284 : i1 to i32
      %cond3A_286 = arith.constant 0 : i32
      %cond3A_287 = arith.cmpi ne, %convert_element_type3A_285, %cond3A_286 : i32
      scf.if %cond3A_287 {
        %dma_wait3A = arith.constant 0 : i32
        %dma_wait3A_388 = arith.constant 0 : i32
        %dma_wait3A_389 = arith.constant 0 : i32
        %dma_wait3A_390 = tpu.memref_slice %arg10[%dma_wait3A, %dma_wait3A_388, %dma_wait3A_389] : memref<2x32x1024xf32, #tpu.memory_space<vmem>> -> memref<1x32x1024xf32, #tpu.memory_space<vmem>>
        %dma_wait3A_391 = tpu.memref_squeeze %dma_wait3A_390 : memref<1x32x1024xf32, #tpu.memory_space<vmem>> -> memref<32x1024xf32, #tpu.memory_space<vmem>>
        %dma_wait3A_392 = arith.constant 0 : i32
        %dma_wait3A_393 = arith.constant 0 : i32
        %dma_wait3A_394 = tpu.memref_slice %arg2[%dma_wait3A_392, %dma_wait3A_393] : memref<32x1000000xf32, #tpu.memory_space<hbm>> -> memref<32x1024xf32, #tpu.memory_space<hbm>>
        %dma_wait3A_395 = arith.constant 0 : i32
        %dma_wait3A_396 = arith.constant 0 : i32
        %dma_wait3A_397 = tpu.memref_slice %arg10[%dma_wait3A, %dma_wait3A_395, %dma_wait3A_396] : memref<2x32x1024xf32, #tpu.memory_space<vmem>> -> memref<1x32x1024xf32, #tpu.memory_space<vmem>>
        %dma_wait3A_398 = tpu.memref_squeeze %dma_wait3A_397 : memref<1x32x1024xf32, #tpu.memory_space<vmem>> -> memref<32x1024xf32, #tpu.memory_space<vmem>>
        %dma_wait3A_399 = arith.constant 0 : i32
        %dma_wait3A_400 = arith.constant 0 : i32
        %dma_wait3A_401 = tpu.memref_slice %arg2[%dma_wait3A_399, %dma_wait3A_400] : memref<32x1000000xf32, #tpu.memory_space<hbm>> -> memref<32x1024xf32, #tpu.memory_space<hbm>>
        tpu.wait_dma2 semaphore(%arg16 : memref<!tpu.dma_semaphore, #tpu.memory_space<semaphore_mem>>) src(%dma_wait3A_401 : memref<32x1024xf32, #tpu.memory_space<hbm>>) dst(%dma_wait3A_398 : memref<32x1024xf32, #tpu.memory_space<vmem>>)
      } else {
      }
      %eq3A_288 = arith.constant 1 : i32
      %eq3A_289 = arith.cmpi eq, %and3A_282, %eq3A_288 : i32
      %convert_element_type3A_290 = arith.extui %eq3A_289 : i1 to i32
      %cond3A_291 = arith.constant 0 : i32
      %cond3A_292 = arith.cmpi ne, %convert_element_type3A_290, %cond3A_291 : i32
      scf.if %cond3A_292 {
        %dma_wait3A = arith.constant 1 : i32
        %dma_wait3A_388 = arith.constant 0 : i32
        %dma_wait3A_389 = arith.constant 0 : i32
        %dma_wait3A_390 = tpu.memref_slice %arg10[%dma_wait3A, %dma_wait3A_388, %dma_wait3A_389] : memref<2x32x1024xf32, #tpu.memory_space<vmem>> -> memref<1x32x1024xf32, #tpu.memory_space<vmem>>
        %dma_wait3A_391 = tpu.memref_squeeze %dma_wait3A_390 : memref<1x32x1024xf32, #tpu.memory_space<vmem>> -> memref<32x1024xf32, #tpu.memory_space<vmem>>
        %dma_wait3A_392 = arith.constant 0 : i32
        %dma_wait3A_393 = arith.constant 0 : i32
        %dma_wait3A_394 = tpu.memref_slice %arg2[%dma_wait3A_392, %dma_wait3A_393] : memref<32x1000000xf32, #tpu.memory_space<hbm>> -> memref<32x1024xf32, #tpu.memory_space<hbm>>
        %dma_wait3A_395 = arith.constant 0 : i32
        %dma_wait3A_396 = arith.constant 0 : i32
        %dma_wait3A_397 = tpu.memref_slice %arg10[%dma_wait3A, %dma_wait3A_395, %dma_wait3A_396] : memref<2x32x1024xf32, #tpu.memory_space<vmem>> -> memref<1x32x1024xf32, #tpu.memory_space<vmem>>
        %dma_wait3A_398 = tpu.memref_squeeze %dma_wait3A_397 : memref<1x32x1024xf32, #tpu.memory_space<vmem>> -> memref<32x1024xf32, #tpu.memory_space<vmem>>
        %dma_wait3A_399 = arith.constant 0 : i32
        %dma_wait3A_400 = arith.constant 0 : i32
        %dma_wait3A_401 = tpu.memref_slice %arg2[%dma_wait3A_399, %dma_wait3A_400] : memref<32x1000000xf32, #tpu.memory_space<hbm>> -> memref<32x1024xf32, #tpu.memory_space<hbm>>
        tpu.wait_dma2 semaphore(%arg17 : memref<!tpu.dma_semaphore, #tpu.memory_space<semaphore_mem>>) src(%dma_wait3A_401 : memref<32x1024xf32, #tpu.memory_space<hbm>>) dst(%dma_wait3A_398 : memref<32x1024xf32, #tpu.memory_space<vmem>>)
      } else {
      }
      %eq3A_293 = arith.cmpi eq, %while3A_279, %select_n3A_183 : i32
      %mul3A_294 = arith.constant 32 : i32
      %mul3A_295 = arith.muli %mul3A_294, %while3A_279 : i32
      %add3A_296 = arith.addi %add3A, %mul3A_295 : i32
      %jit3A_297 = arith.constant 97 : i32
      %select_n3A_298 = arith.select %eq3A_293, %jit3A_297, %add3A_296 : i32
      %shift_right_arithmetic3A = arith.constant 5 : i32
      %shift_right_arithmetic3A_299 = arith.shrsi %select_n3A_298, %shift_right_arithmetic3A : i32
      %add3A_300 = arith.constant 31 : i32
      %add3A_301 = vector.broadcast %add3A_300 : i32 to vector<16xi32>
      %add3A_302 = arith.addi %scan3A_260, %add3A_301 : vector<16xi32>
      %shift_right_arithmetic3A_303 = arith.constant 5 : i32
      %shift_right_arithmetic3A_304 = vector.broadcast %shift_right_arithmetic3A_303 : i32 to vector<16xi32>
      %shift_right_arithmetic3A_305 = arith.shrsi %add3A_302, %shift_right_arithmetic3A_304 : vector<16xi32>
      %reduce_max3A = arith.constant true
      %reduce_max3A_306 = vector.broadcast %reduce_max3A : i1 to vector<16xi1>
      %reduce_max3A_307 = arith.constant -2147483648 : i32
      %reduce_max3A_308 = vector.broadcast %reduce_max3A_307 : i32 to vector<16xi32>
      %reduce_max3A_309 = arith.xori %shift_right_arithmetic3A_305, %reduce_max3A_308 : vector<16xi32>
      %reduce_max3A_310 = tpu.scan <max>, %reduce_max3A_309 masked %reduce_max3A_306 : vector<16xi32>, vector<16xi1> -> vector<16xi32>
      %reduce_max3A_311 = arith.xori %reduce_max3A_310, %reduce_max3A_308 : vector<16xi32>
      %reduce_max3A_312 = vector.extract %reduce_max3A_311[15] : i32 from vector<16xi32>
      %while3A_313 = arith.constant 0 : i32
      %while3A_314 = arith.subi %reduce_max3A_312, %while3A_313 : i32
      %while3A_315 = arith.addi %while3A_313, %while3A_314 : i32
      %while3A_316 = arith.constant 1 : i32
      %while3A_317 = arith.divsi %while3A_314, %while3A_316 : i32
      %while3A_318 = arith.muli %while3A_317, %while3A_316 : i32
      %while3A_319 = arith.addi %while3A_313, %while3A_318 : i32
      %while3A_320 = arith.constant 1 : i32
      %while3A_321 = scf.for %while3A_388 = %while3A_313 to %while3A_319 step %while3A_320 iter_args(%while3A_389 = %broadcast_in_dim3A_3) -> (vector<16xi32>)  : i32 {
        %mul3A_390 = arith.constant 2 : i32
        %mul3A_391 = arith.muli %while3A_388, %mul3A_390 : i32
        %add3A_392 = arith.constant 0 : i32
        %add3A_393 = arith.addi %mul3A_391, %add3A_392 : i32
        %mul3A_394 = arith.constant 16 : i32
        %mul3A_395 = arith.muli %add3A_393, %mul3A_394 : i32
        %multiple_of3A = tpu.assume_multiple %mul3A_395, 16 : i32
        %get3A = arith.index_cast %multiple_of3A : i32 to index
        %get3A_396 = tpu.vector_load %arg12[%get3A] {strides = array<i32>} : memref<16384xi32, #tpu.memory_space<vmem>>, vector<16xi32>,
        %mul3A_397 = arith.constant 16 : i32
        %mul3A_398 = arith.muli %add3A_393, %mul3A_397 : i32
        %add3A_399 = vector.broadcast %mul3A_398 : i32 to vector<16xi32>
        %add3A_400 = arith.addi %add3A_399, %iota3A : vector<16xi32>
        %lt3A_401 = arith.cmpi slt, %add3A_400, %scan3A_260 : vector<16xi32>
        %shift_right_arithmetic3A_402 = arith.constant 24 : i32
        %shift_right_arithmetic3A_403 = vector.broadcast %shift_right_arithmetic3A_402 : i32 to vector<16xi32>
        %shift_right_arithmetic3A_404 = arith.shrsi %get3A_396, %shift_right_arithmetic3A_403 : vector<16xi32>
        %eq3A_405 = vector.broadcast %shift_right_arithmetic3A_299 : i32 to vector<16xi32>
        %eq3A_406 = arith.cmpi eq, %shift_right_arithmetic3A_404, %eq3A_405 : vector<16xi32>
        %and3A_407 = arith.andi %lt3A_401, %eq3A_406 : vector<16xi1>
        %convert_element_type3A_408 = arith.extui %and3A_407 : vector<16xi1> to vector<16xi32>
        %broadcast_in_dim3A_409 = arith.constant true
        %broadcast_in_dim3A_410 = vector.broadcast %broadcast_in_dim3A_409 : i1 to vector<16xi1>
        %masked_cumsum3A = tpu.scan <sum>, %convert_element_type3A_408 masked %broadcast_in_dim3A_410 : vector<16xi32>, vector<16xi1> -> vector<16xi32>
        %add3A_411 = arith.addi %while3A_389, %masked_cumsum3A : vector<16xi32>
        %sub3A_412 = arith.constant 1 : i32
        %sub3A_413 = vector.broadcast %sub3A_412 : i32 to vector<16xi32>
        %sub3A_414 = arith.subi %add3A_411, %sub3A_413 : vector<16xi32>
        tpu.vector_store_idx %arg13[%sub3A_414], %get3A_396 masked %and3A_407 : memref<16384xi32, #tpu.memory_space<vmem>>[vector<16xi32>], vector<16xi32>, vector<16xi1>
        %all_reduce_population_count3A = tpu.all_reduce %and3A_407 {dim = 0 : i64, kind = #tpu.reduction_kind<sum>} : vector<16xi1> -> vector<16xi32>
        %add3A_415 = arith.addi %while3A_389, %all_reduce_population_count3A : vector<16xi32>
        %mul3A_416 = arith.constant 2 : i32
        %mul3A_417 = arith.muli %while3A_388, %mul3A_416 : i32
        %add3A_418 = arith.constant 1 : i32
        %add3A_419 = arith.addi %mul3A_417, %add3A_418 : i32
        %mul3A_420 = arith.constant 16 : i32
        %mul3A_421 = arith.muli %add3A_419, %mul3A_420 : i32
        %multiple_of3A_422 = tpu.assume_multiple %mul3A_421, 16 : i32
        %get3A_423 = arith.index_cast %multiple_of3A_422 : i32 to index
        %get3A_424 = tpu.vector_load %arg12[%get3A_423] {strides = array<i32>} : memref<16384xi32, #tpu.memory_space<vmem>>, vector<16xi32>,
        %mul3A_425 = arith.constant 16 : i32
        %mul3A_426 = arith.muli %add3A_419, %mul3A_425 : i32
        %add3A_427 = vector.broadcast %mul3A_426 : i32 to vector<16xi32>
        %add3A_428 = arith.addi %add3A_427, %iota3A : vector<16xi32>
        %lt3A_429 = arith.cmpi slt, %add3A_428, %scan3A_260 : vector<16xi32>
        %shift_right_arithmetic3A_430 = arith.constant 24 : i32
        %shift_right_arithmetic3A_431 = vector.broadcast %shift_right_arithmetic3A_430 : i32 to vector<16xi32>
        %shift_right_arithmetic3A_432 = arith.shrsi %get3A_424, %shift_right_arithmetic3A_431 : vector<16xi32>
        %eq3A_433 = vector.broadcast %shift_right_arithmetic3A_299 : i32 to vector<16xi32>
        %eq3A_434 = arith.cmpi eq, %shift_right_arithmetic3A_432, %eq3A_433 : vector<16xi32>
        %and3A_435 = arith.andi %lt3A_429, %eq3A_434 : vector<16xi1>
        %convert_element_type3A_436 = arith.extui %and3A_435 : vector<16xi1> to vector<16xi32>
        %broadcast_in_dim3A_437 = arith.constant true
        %broadcast_in_dim3A_438 = vector.broadcast %broadcast_in_dim3A_437 : i1 to vector<16xi1>
        %masked_cumsum3A_439 = tpu.scan <sum>, %convert_element_type3A_436 masked %broadcast_in_dim3A_438 : vector<16xi32>, vector<16xi1> -> vector<16xi32>
        %add3A_440 = arith.addi %add3A_415, %masked_cumsum3A_439 : vector<16xi32>
        %sub3A_441 = arith.constant 1 : i32
        %sub3A_442 = vector.broadcast %sub3A_441 : i32 to vector<16xi32>
        %sub3A_443 = arith.subi %add3A_440, %sub3A_442 : vector<16xi32>
        tpu.vector_store_idx %arg13[%sub3A_443], %get3A_424 masked %and3A_435 : memref<16384xi32, #tpu.memory_space<vmem>>[vector<16xi32>], vector<16xi32>, vector<16xi1>
        %all_reduce_population_count3A_444 = tpu.all_reduce %and3A_435 {dim = 0 : i64, kind = #tpu.reduction_kind<sum>} : vector<16xi1> -> vector<16xi32>
        %add3A_445 = arith.addi %add3A_415, %all_reduce_population_count3A_444 : vector<16xi32>
        scf.yield %add3A_445 : vector<16xi32>
      }
      %while3A_322 = arith.constant 1 : i32
      %while3A_323 = scf.for %while3A_388 = %while3A_319 to %while3A_315 step %while3A_322 iter_args(%while3A_389 = %while3A_321) -> (vector<16xi32>)  : i32 {
        %mul3A_390 = arith.constant 2 : i32
        %mul3A_391 = arith.muli %while3A_388, %mul3A_390 : i32
        %add3A_392 = arith.constant 0 : i32
        %add3A_393 = arith.addi %mul3A_391, %add3A_392 : i32
        %mul3A_394 = arith.constant 16 : i32
        %mul3A_395 = arith.muli %add3A_393, %mul3A_394 : i32
        %multiple_of3A = tpu.assume_multiple %mul3A_395, 16 : i32
        %get3A = arith.index_cast %multiple_of3A : i32 to index
        %get3A_396 = tpu.vector_load %arg12[%get3A] {strides = array<i32>} : memref<16384xi32, #tpu.memory_space<vmem>>, vector<16xi32>,
        %mul3A_397 = arith.constant 16 : i32
        %mul3A_398 = arith.muli %add3A_393, %mul3A_397 : i32
        %add3A_399 = vector.broadcast %mul3A_398 : i32 to vector<16xi32>
        %add3A_400 = arith.addi %add3A_399, %iota3A : vector<16xi32>
        %lt3A_401 = arith.cmpi slt, %add3A_400, %scan3A_260 : vector<16xi32>
        %shift_right_arithmetic3A_402 = arith.constant 24 : i32
        %shift_right_arithmetic3A_403 = vector.broadcast %shift_right_arithmetic3A_402 : i32 to vector<16xi32>
        %shift_right_arithmetic3A_404 = arith.shrsi %get3A_396, %shift_right_arithmetic3A_403 : vector<16xi32>
        %eq3A_405 = vector.broadcast %shift_right_arithmetic3A_299 : i32 to vector<16xi32>
        %eq3A_406 = arith.cmpi eq, %shift_right_arithmetic3A_404, %eq3A_405 : vector<16xi32>
        %and3A_407 = arith.andi %lt3A_401, %eq3A_406 : vector<16xi1>
        %convert_element_type3A_408 = arith.extui %and3A_407 : vector<16xi1> to vector<16xi32>
        %broadcast_in_dim3A_409 = arith.constant true
        %broadcast_in_dim3A_410 = vector.broadcast %broadcast_in_dim3A_409 : i1 to vector<16xi1>
        %masked_cumsum3A = tpu.scan <sum>, %convert_element_type3A_408 masked %broadcast_in_dim3A_410 : vector<16xi32>, vector<16xi1> -> vector<16xi32>
        %add3A_411 = arith.addi %while3A_389, %masked_cumsum3A : vector<16xi32>
        %sub3A_412 = arith.constant 1 : i32
        %sub3A_413 = vector.broadcast %sub3A_412 : i32 to vector<16xi32>
        %sub3A_414 = arith.subi %add3A_411, %sub3A_413 : vector<16xi32>
        tpu.vector_store_idx %arg13[%sub3A_414], %get3A_396 masked %and3A_407 : memref<16384xi32, #tpu.memory_space<vmem>>[vector<16xi32>], vector<16xi32>, vector<16xi1>
        %all_reduce_population_count3A = tpu.all_reduce %and3A_407 {dim = 0 : i64, kind = #tpu.reduction_kind<sum>} : vector<16xi1> -> vector<16xi32>
        %add3A_415 = arith.addi %while3A_389, %all_reduce_population_count3A : vector<16xi32>
        %mul3A_416 = arith.constant 2 : i32
        %mul3A_417 = arith.muli %while3A_388, %mul3A_416 : i32
        %add3A_418 = arith.constant 1 : i32
        %add3A_419 = arith.addi %mul3A_417, %add3A_418 : i32
        %mul3A_420 = arith.constant 16 : i32
        %mul3A_421 = arith.muli %add3A_419, %mul3A_420 : i32
        %multiple_of3A_422 = tpu.assume_multiple %mul3A_421, 16 : i32
        %get3A_423 = arith.index_cast %multiple_of3A_422 : i32 to index
        %get3A_424 = tpu.vector_load %arg12[%get3A_423] {strides = array<i32>} : memref<16384xi32, #tpu.memory_space<vmem>>, vector<16xi32>,
        %mul3A_425 = arith.constant 16 : i32
        %mul3A_426 = arith.muli %add3A_419, %mul3A_425 : i32
        %add3A_427 = vector.broadcast %mul3A_426 : i32 to vector<16xi32>
        %add3A_428 = arith.addi %add3A_427, %iota3A : vector<16xi32>
        %lt3A_429 = arith.cmpi slt, %add3A_428, %scan3A_260 : vector<16xi32>
        %shift_right_arithmetic3A_430 = arith.constant 24 : i32
        %shift_right_arithmetic3A_431 = vector.broadcast %shift_right_arithmetic3A_430 : i32 to vector<16xi32>
        %shift_right_arithmetic3A_432 = arith.shrsi %get3A_424, %shift_right_arithmetic3A_431 : vector<16xi32>
        %eq3A_433 = vector.broadcast %shift_right_arithmetic3A_299 : i32 to vector<16xi32>
        %eq3A_434 = arith.cmpi eq, %shift_right_arithmetic3A_432, %eq3A_433 : vector<16xi32>
        %and3A_435 = arith.andi %lt3A_429, %eq3A_434 : vector<16xi1>
        %convert_element_type3A_436 = arith.extui %and3A_435 : vector<16xi1> to vector<16xi32>
        %broadcast_in_dim3A_437 = arith.constant true
        %broadcast_in_dim3A_438 = vector.broadcast %broadcast_in_dim3A_437 : i1 to vector<16xi1>
        %masked_cumsum3A_439 = tpu.scan <sum>, %convert_element_type3A_436 masked %broadcast_in_dim3A_438 : vector<16xi32>, vector<16xi1> -> vector<16xi32>
        %add3A_440 = arith.addi %add3A_415, %masked_cumsum3A_439 : vector<16xi32>
        %sub3A_441 = arith.constant 1 : i32
        %sub3A_442 = vector.broadcast %sub3A_441 : i32 to vector<16xi32>
        %sub3A_443 = arith.subi %add3A_440, %sub3A_442 : vector<16xi32>
        tpu.vector_store_idx %arg13[%sub3A_443], %get3A_424 masked %and3A_435 : memref<16384xi32, #tpu.memory_space<vmem>>[vector<16xi32>], vector<16xi32>, vector<16xi1>
        %all_reduce_population_count3A_444 = tpu.all_reduce %and3A_435 {dim = 0 : i64, kind = #tpu.reduction_kind<sum>} : vector<16xi1> -> vector<16xi32>
        %add3A_445 = arith.addi %add3A_415, %all_reduce_population_count3A_444 : vector<16xi32>
        scf.yield %add3A_445 : vector<16xi32>
      }
      %reduce_max3A_324 = arith.constant true
      %reduce_max3A_325 = vector.broadcast %reduce_max3A_324 : i1 to vector<16xi1>
      %reduce_max3A_326 = arith.constant -2147483648 : i32
      %reduce_max3A_327 = vector.broadcast %reduce_max3A_326 : i32 to vector<16xi32>
      %reduce_max3A_328 = arith.xori %while3A_323, %reduce_max3A_327 : vector<16xi32>
      %reduce_max3A_329 = tpu.scan <max>, %reduce_max3A_328 masked %reduce_max3A_325 : vector<16xi32>, vector<16xi1> -> vector<16xi32>
      %reduce_max3A_330 = arith.xori %reduce_max3A_329, %reduce_max3A_327 : vector<16xi32>
      %reduce_max3A_331 = vector.extract %reduce_max3A_330[15] : i32 from vector<16xi32>
      %broadcast_in_dim3A_332 = vector.broadcast %and3A_282 : i32 to vector<16xi32>
      %add3A_333 = arith.constant 15 : i32
      %add3A_334 = arith.addi %reduce_max3A_331, %add3A_333 : i32
      %shift_right_arithmetic3A_335 = arith.constant 4 : i32
      %shift_right_arithmetic3A_336 = arith.shrsi %add3A_334, %shift_right_arithmetic3A_335 : i32
      %while3A_337 = arith.constant 0 : i32
      %while3A_338 = arith.subi %shift_right_arithmetic3A_336, %while3A_337 : i32
      %while3A_339 = arith.addi %while3A_337, %while3A_338 : i32
      %while3A_340 = arith.constant 1 : i32
      %while3A_341 = arith.divsi %while3A_338, %while3A_340 : i32
      %while3A_342 = arith.muli %while3A_341, %while3A_340 : i32
      %while3A_343 = arith.addi %while3A_337, %while3A_342 : i32
      %while3A_344 = arith.constant 1 : i32
      %while3A_345 = scf.for %while3A_388 = %while3A_337 to %while3A_343 step %while3A_344 iter_args(%while3A_389 = %while3A_280) -> (i32)  : i32 {
        %mul3A_390 = arith.constant 16 : i32
        %mul3A_391 = arith.muli %while3A_388, %mul3A_390 : i32
        %multiple_of3A = tpu.assume_multiple %mul3A_391, 16 : i32
        %get3A = arith.index_cast %multiple_of3A : i32 to index
        %get3A_392 = tpu.vector_load %arg13[%get3A] {strides = array<i32>} : memref<16384xi32, #tpu.memory_space<vmem>>, vector<16xi32>,
        %mul3A_393 = arith.constant 16 : i32
        %mul3A_394 = arith.muli %while3A_388, %mul3A_393 : i32
        %add3A_395 = vector.broadcast %mul3A_394 : i32 to vector<16xi32>
        %add3A_396 = arith.addi %add3A_395, %iota3A : vector<16xi32>
        %lt3A_397 = arith.cmpi slt, %add3A_396, %while3A_323 : vector<16xi32>
        %shift_right_arithmetic3A_398 = arith.constant 14 : i32
        %shift_right_arithmetic3A_399 = vector.broadcast %shift_right_arithmetic3A_398 : i32 to vector<16xi32>
        %shift_right_arithmetic3A_400 = arith.shrsi %get3A_392, %shift_right_arithmetic3A_399 : vector<16xi32>
        %and3A_401 = arith.constant 1023 : i32
        %and3A_402 = vector.broadcast %and3A_401 : i32 to vector<16xi32>
        %and3A_403 = arith.andi %shift_right_arithmetic3A_400, %and3A_402 : vector<16xi32>
        %jit3A_404 = arith.constant 0 : i32
        %broadcast_in_dim3A_405 = vector.broadcast %jit3A_404 : i32 to vector<16xi32>
        %select_n3A_406 = arith.select %lt3A_397, %and3A_403, %broadcast_in_dim3A_405 : vector<16xi1>, vector<16xi32>
        %add3A_407 = vector.broadcast %while3A_389 : i32 to vector<16xi32>
        %add3A_408 = arith.addi %add3A_407, %iota3A : vector<16xi32>
        %broadcast_in_dim3A_409 = arith.constant 0 : i32
        %broadcast_in_dim3A_410 = vector.broadcast %broadcast_in_dim3A_409 : i32 to vector<16xi32>
        %gather3A = tpu.vector_load_idx %arg10[%broadcast_in_dim3A_332, %broadcast_in_dim3A_410, %select_n3A_406] : memref<2x32x1024xf32, #tpu.memory_space<vmem>>[vector<16xi32>, vector<16xi32>, vector<16xi32>], vector<16xf32>,
        tpu.vector_store_idx %arg14[%add3A_408, %broadcast_in_dim3A_410], %gather3A : memref<112x128xf32, #tpu.memory_space<vmem>>[vector<16xi32>, vector<16xi32>], vector<16xf32>,
        %broadcast_in_dim3A_411 = arith.constant 1 : i32
        %broadcast_in_dim3A_412 = vector.broadcast %broadcast_in_dim3A_411 : i32 to vector<16xi32>
        %gather3A_413 = tpu.vector_load_idx %arg10[%broadcast_in_dim3A_332, %broadcast_in_dim3A_412, %select_n3A_406] : memref<2x32x1024xf32, #tpu.memory_space<vmem>>[vector<16xi32>, vector<16xi32>, vector<16xi32>], vector<16xf32>,
        tpu.vector_store_idx %arg14[%add3A_408, %broadcast_in_dim3A_412], %gather3A_413 : memref<112x128xf32, #tpu.memory_space<vmem>>[vector<16xi32>, vector<16xi32>], vector<16xf32>,
        %broadcast_in_dim3A_414 = arith.constant 2 : i32
        %broadcast_in_dim3A_415 = vector.broadcast %broadcast_in_dim3A_414 : i32 to vector<16xi32>
        %gather3A_416 = tpu.vector_load_idx %arg10[%broadcast_in_dim3A_332, %broadcast_in_dim3A_415, %select_n3A_406] : memref<2x32x1024xf32, #tpu.memory_space<vmem>>[vector<16xi32>, vector<16xi32>, vector<16xi32>], vector<16xf32>,
        tpu.vector_store_idx %arg14[%add3A_408, %broadcast_in_dim3A_415], %gather3A_416 : memref<112x128xf32, #tpu.memory_space<vmem>>[vector<16xi32>, vector<16xi32>], vector<16xf32>,
        %broadcast_in_dim3A_417 = arith.constant 3 : i32
        %broadcast_in_dim3A_418 = vector.broadcast %broadcast_in_dim3A_417 : i32 to vector<16xi32>
        %gather3A_419 = tpu.vector_load_idx %arg10[%broadcast_in_dim3A_332, %broadcast_in_dim3A_418, %select_n3A_406] : memref<2x32x1024xf32, #tpu.memory_space<vmem>>[vector<16xi32>, vector<16xi32>, vector<16xi32>], vector<16xf32>,
        tpu.vector_store_idx %arg14[%add3A_408, %broadcast_in_dim3A_418], %gather3A_419 : memref<112x128xf32, #tpu.memory_space<vmem>>[vector<16xi32>, vector<16xi32>], vector<16xf32>,
        %broadcast_in_dim3A_420 = arith.constant 4 : i32
        %broadcast_in_dim3A_421 = vector.broadcast %broadcast_in_dim3A_420 : i32 to vector<16xi32>
        %gather3A_422 = tpu.vector_load_idx %arg10[%broadcast_in_dim3A_332, %broadcast_in_dim3A_421, %select_n3A_406] : memref<2x32x1024xf32, #tpu.memory_space<vmem>>[vector<16xi32>, vector<16xi32>, vector<16xi32>], vector<16xf32>,
        tpu.vector_store_idx %arg14[%add3A_408, %broadcast_in_dim3A_421], %gather3A_422 : memref<112x128xf32, #tpu.memory_space<vmem>>[vector<16xi32>, vector<16xi32>], vector<16xf32>,
        %broadcast_in_dim3A_423 = arith.constant 5 : i32
        %broadcast_in_dim3A_424 = vector.broadcast %broadcast_in_dim3A_423 : i32 to vector<16xi32>
        %gather3A_425 = tpu.vector_load_idx %arg10[%broadcast_in_dim3A_332, %broadcast_in_dim3A_424, %select_n3A_406] : memref<2x32x1024xf32, #tpu.memory_space<vmem>>[vector<16xi32>, vector<16xi32>, vector<16xi32>], vector<16xf32>,
        tpu.vector_store_idx %arg14[%add3A_408, %broadcast_in_dim3A_424], %gather3A_425 : memref<112x128xf32, #tpu.memory_space<vmem>>[vector<16xi32>, vector<16xi32>], vector<16xf32>,
        %broadcast_in_dim3A_426 = arith.constant 6 : i32
        %broadcast_in_dim3A_427 = vector.broadcast %broadcast_in_dim3A_426 : i32 to vector<16xi32>
        %gather3A_428 = tpu.vector_load_idx %arg10[%broadcast_in_dim3A_332, %broadcast_in_dim3A_427, %select_n3A_406] : memref<2x32x1024xf32, #tpu.memory_space<vmem>>[vector<16xi32>, vector<16xi32>, vector<16xi32>], vector<16xf32>,
        tpu.vector_store_idx %arg14[%add3A_408, %broadcast_in_dim3A_427], %gather3A_428 : memref<112x128xf32, #tpu.memory_space<vmem>>[vector<16xi32>, vector<16xi32>], vector<16xf32>,
        %broadcast_in_dim3A_429 = arith.constant 7 : i32
        %broadcast_in_dim3A_430 = vector.broadcast %broadcast_in_dim3A_429 : i32 to vector<16xi32>
        %gather3A_431 = tpu.vector_load_idx %arg10[%broadcast_in_dim3A_332, %broadcast_in_dim3A_430, %select_n3A_406] : memref<2x32x1024xf32, #tpu.memory_space<vmem>>[vector<16xi32>, vector<16xi32>, vector<16xi32>], vector<16xf32>,
        tpu.vector_store_idx %arg14[%add3A_408, %broadcast_in_dim3A_430], %gather3A_431 : memref<112x128xf32, #tpu.memory_space<vmem>>[vector<16xi32>, vector<16xi32>], vector<16xf32>,
        %broadcast_in_dim3A_432 = arith.constant 8 : i32
        %broadcast_in_dim3A_433 = vector.broadcast %broadcast_in_dim3A_432 : i32 to vector<16xi32>
        %gather3A_434 = tpu.vector_load_idx %arg10[%broadcast_in_dim3A_332, %broadcast_in_dim3A_433, %select_n3A_406] : memref<2x32x1024xf32, #tpu.memory_space<vmem>>[vector<16xi32>, vector<16xi32>, vector<16xi32>], vector<16xf32>,
        tpu.vector_store_idx %arg14[%add3A_408, %broadcast_in_dim3A_433], %gather3A_434 : memref<112x128xf32, #tpu.memory_space<vmem>>[vector<16xi32>, vector<16xi32>], vector<16xf32>,
        %broadcast_in_dim3A_435 = arith.constant 9 : i32
        %broadcast_in_dim3A_436 = vector.broadcast %broadcast_in_dim3A_435 : i32 to vector<16xi32>
        %gather3A_437 = tpu.vector_load_idx %arg10[%broadcast_in_dim3A_332, %broadcast_in_dim3A_436, %select_n3A_406] : memref<2x32x1024xf32, #tpu.memory_space<vmem>>[vector<16xi32>, vector<16xi32>, vector<16xi32>], vector<16xf32>,
        tpu.vector_store_idx %arg14[%add3A_408, %broadcast_in_dim3A_436], %gather3A_437 : memref<112x128xf32, #tpu.memory_space<vmem>>[vector<16xi32>, vector<16xi32>], vector<16xf32>,
        %broadcast_in_dim3A_438 = arith.constant 10 : i32
        %broadcast_in_dim3A_439 = vector.broadcast %broadcast_in_dim3A_438 : i32 to vector<16xi32>
        %gather3A_440 = tpu.vector_load_idx %arg10[%broadcast_in_dim3A_332, %broadcast_in_dim3A_439, %select_n3A_406] : memref<2x32x1024xf32, #tpu.memory_space<vmem>>[vector<16xi32>, vector<16xi32>, vector<16xi32>], vector<16xf32>,
        tpu.vector_store_idx %arg14[%add3A_408, %broadcast_in_dim3A_439], %gather3A_440 : memref<112x128xf32, #tpu.memory_space<vmem>>[vector<16xi32>, vector<16xi32>], vector<16xf32>,
        %broadcast_in_dim3A_441 = arith.constant 11 : i32
        %broadcast_in_dim3A_442 = vector.broadcast %broadcast_in_dim3A_441 : i32 to vector<16xi32>
        %gather3A_443 = tpu.vector_load_idx %arg10[%broadcast_in_dim3A_332, %broadcast_in_dim3A_442, %select_n3A_406] : memref<2x32x1024xf32, #tpu.memory_space<vmem>>[vector<16xi32>, vector<16xi32>, vector<16xi32>], vector<16xf32>,
        tpu.vector_store_idx %arg14[%add3A_408, %broadcast_in_dim3A_442], %gather3A_443 : memref<112x128xf32, #tpu.memory_space<vmem>>[vector<16xi32>, vector<16xi32>], vector<16xf32>,
        %broadcast_in_dim3A_444 = arith.constant 12 : i32
        %broadcast_in_dim3A_445 = vector.broadcast %broadcast_in_dim3A_444 : i32 to vector<16xi32>
        %gather3A_446 = tpu.vector_load_idx %arg10[%broadcast_in_dim3A_332, %broadcast_in_dim3A_445, %select_n3A_406] : memref<2x32x1024xf32, #tpu.memory_space<vmem>>[vector<16xi32>, vector<16xi32>, vector<16xi32>], vector<16xf32>,
        tpu.vector_store_idx %arg14[%add3A_408, %broadcast_in_dim3A_445], %gather3A_446 : memref<112x128xf32, #tpu.memory_space<vmem>>[vector<16xi32>, vector<16xi32>], vector<16xf32>,
        %broadcast_in_dim3A_447 = arith.constant 13 : i32
        %broadcast_in_dim3A_448 = vector.broadcast %broadcast_in_dim3A_447 : i32 to vector<16xi32>
        %gather3A_449 = tpu.vector_load_idx %arg10[%broadcast_in_dim3A_332, %broadcast_in_dim3A_448, %select_n3A_406] : memref<2x32x1024xf32, #tpu.memory_space<vmem>>[vector<16xi32>, vector<16xi32>, vector<16xi32>], vector<16xf32>,
        tpu.vector_store_idx %arg14[%add3A_408, %broadcast_in_dim3A_448], %gather3A_449 : memref<112x128xf32, #tpu.memory_space<vmem>>[vector<16xi32>, vector<16xi32>], vector<16xf32>,
        %broadcast_in_dim3A_450 = arith.constant 14 : i32
        %broadcast_in_dim3A_451 = vector.broadcast %broadcast_in_dim3A_450 : i32 to vector<16xi32>
        %gather3A_452 = tpu.vector_load_idx %arg10[%broadcast_in_dim3A_332, %broadcast_in_dim3A_451, %select_n3A_406] : memref<2x32x1024xf32, #tpu.memory_space<vmem>>[vector<16xi32>, vector<16xi32>, vector<16xi32>], vector<16xf32>,
        tpu.vector_store_idx %arg14[%add3A_408, %broadcast_in_dim3A_451], %gather3A_452 : memref<112x128xf32, #tpu.memory_space<vmem>>[vector<16xi32>, vector<16xi32>], vector<16xf32>,
        %broadcast_in_dim3A_453 = arith.constant 15 : i32
        %broadcast_in_dim3A_454 = vector.broadcast %broadcast_in_dim3A_453 : i32 to vector<16xi32>
        %gather3A_455 = tpu.vector_load_idx %arg10[%broadcast_in_dim3A_332, %broadcast_in_dim3A_454, %select_n3A_406] : memref<2x32x1024xf32, #tpu.memory_space<vmem>>[vector<16xi32>, vector<16xi32>, vector<16xi32>], vector<16xf32>,
        tpu.vector_store_idx %arg14[%add3A_408, %broadcast_in_dim3A_454], %gather3A_455 : memref<112x128xf32, #tpu.memory_space<vmem>>[vector<16xi32>, vector<16xi32>], vector<16xf32>,
        %broadcast_in_dim3A_456 = arith.constant 16 : i32
        %broadcast_in_dim3A_457 = vector.broadcast %broadcast_in_dim3A_456 : i32 to vector<16xi32>
        %gather3A_458 = tpu.vector_load_idx %arg10[%broadcast_in_dim3A_332, %broadcast_in_dim3A_457, %select_n3A_406] : memref<2x32x1024xf32, #tpu.memory_space<vmem>>[vector<16xi32>, vector<16xi32>, vector<16xi32>], vector<16xf32>,
        tpu.vector_store_idx %arg14[%add3A_408, %broadcast_in_dim3A_457], %gather3A_458 : memref<112x128xf32, #tpu.memory_space<vmem>>[vector<16xi32>, vector<16xi32>], vector<16xf32>,
        %broadcast_in_dim3A_459 = arith.constant 17 : i32
        %broadcast_in_dim3A_460 = vector.broadcast %broadcast_in_dim3A_459 : i32 to vector<16xi32>
        %gather3A_461 = tpu.vector_load_idx %arg10[%broadcast_in_dim3A_332, %broadcast_in_dim3A_460, %select_n3A_406] : memref<2x32x1024xf32, #tpu.memory_space<vmem>>[vector<16xi32>, vector<16xi32>, vector<16xi32>], vector<16xf32>,
        tpu.vector_store_idx %arg14[%add3A_408, %broadcast_in_dim3A_460], %gather3A_461 : memref<112x128xf32, #tpu.memory_space<vmem>>[vector<16xi32>, vector<16xi32>], vector<16xf32>,
        %broadcast_in_dim3A_462 = arith.constant 18 : i32
        %broadcast_in_dim3A_463 = vector.broadcast %broadcast_in_dim3A_462 : i32 to vector<16xi32>
        %gather3A_464 = tpu.vector_load_idx %arg10[%broadcast_in_dim3A_332, %broadcast_in_dim3A_463, %select_n3A_406] : memref<2x32x1024xf32, #tpu.memory_space<vmem>>[vector<16xi32>, vector<16xi32>, vector<16xi32>], vector<16xf32>,
        tpu.vector_store_idx %arg14[%add3A_408, %broadcast_in_dim3A_463], %gather3A_464 : memref<112x128xf32, #tpu.memory_space<vmem>>[vector<16xi32>, vector<16xi32>], vector<16xf32>,
        %broadcast_in_dim3A_465 = arith.constant 19 : i32
        %broadcast_in_dim3A_466 = vector.broadcast %broadcast_in_dim3A_465 : i32 to vector<16xi32>
        %gather3A_467 = tpu.vector_load_idx %arg10[%broadcast_in_dim3A_332, %broadcast_in_dim3A_466, %select_n3A_406] : memref<2x32x1024xf32, #tpu.memory_space<vmem>>[vector<16xi32>, vector<16xi32>, vector<16xi32>], vector<16xf32>,
        tpu.vector_store_idx %arg14[%add3A_408, %broadcast_in_dim3A_466], %gather3A_467 : memref<112x128xf32, #tpu.memory_space<vmem>>[vector<16xi32>, vector<16xi32>], vector<16xf32>,
        %broadcast_in_dim3A_468 = arith.constant 20 : i32
        %broadcast_in_dim3A_469 = vector.broadcast %broadcast_in_dim3A_468 : i32 to vector<16xi32>
        %gather3A_470 = tpu.vector_load_idx %arg10[%broadcast_in_dim3A_332, %broadcast_in_dim3A_469, %select_n3A_406] : memref<2x32x1024xf32, #tpu.memory_space<vmem>>[vector<16xi32>, vector<16xi32>, vector<16xi32>], vector<16xf32>,
        tpu.vector_store_idx %arg14[%add3A_408, %broadcast_in_dim3A_469], %gather3A_470 : memref<112x128xf32, #tpu.memory_space<vmem>>[vector<16xi32>, vector<16xi32>], vector<16xf32>,
        %broadcast_in_dim3A_471 = arith.constant 21 : i32
        %broadcast_in_dim3A_472 = vector.broadcast %broadcast_in_dim3A_471 : i32 to vector<16xi32>
        %gather3A_473 = tpu.vector_load_idx %arg10[%broadcast_in_dim3A_332, %broadcast_in_dim3A_472, %select_n3A_406] : memref<2x32x1024xf32, #tpu.memory_space<vmem>>[vector<16xi32>, vector<16xi32>, vector<16xi32>], vector<16xf32>,
        tpu.vector_store_idx %arg14[%add3A_408, %broadcast_in_dim3A_472], %gather3A_473 : memref<112x128xf32, #tpu.memory_space<vmem>>[vector<16xi32>, vector<16xi32>], vector<16xf32>,
        %broadcast_in_dim3A_474 = arith.constant 22 : i32
        %broadcast_in_dim3A_475 = vector.broadcast %broadcast_in_dim3A_474 : i32 to vector<16xi32>
        %gather3A_476 = tpu.vector_load_idx %arg10[%broadcast_in_dim3A_332, %broadcast_in_dim3A_475, %select_n3A_406] : memref<2x32x1024xf32, #tpu.memory_space<vmem>>[vector<16xi32>, vector<16xi32>, vector<16xi32>], vector<16xf32>,
        tpu.vector_store_idx %arg14[%add3A_408, %broadcast_in_dim3A_475], %gather3A_476 : memref<112x128xf32, #tpu.memory_space<vmem>>[vector<16xi32>, vector<16xi32>], vector<16xf32>,
        %broadcast_in_dim3A_477 = arith.constant 23 : i32
        %broadcast_in_dim3A_478 = vector.broadcast %broadcast_in_dim3A_477 : i32 to vector<16xi32>
        %gather3A_479 = tpu.vector_load_idx %arg10[%broadcast_in_dim3A_332, %broadcast_in_dim3A_478, %select_n3A_406] : memref<2x32x1024xf32, #tpu.memory_space<vmem>>[vector<16xi32>, vector<16xi32>, vector<16xi32>], vector<16xf32>,
        tpu.vector_store_idx %arg14[%add3A_408, %broadcast_in_dim3A_478], %gather3A_479 : memref<112x128xf32, #tpu.memory_space<vmem>>[vector<16xi32>, vector<16xi32>], vector<16xf32>,
        %broadcast_in_dim3A_480 = arith.constant 24 : i32
        %broadcast_in_dim3A_481 = vector.broadcast %broadcast_in_dim3A_480 : i32 to vector<16xi32>
        %gather3A_482 = tpu.vector_load_idx %arg10[%broadcast_in_dim3A_332, %broadcast_in_dim3A_481, %select_n3A_406] : memref<2x32x1024xf32, #tpu.memory_space<vmem>>[vector<16xi32>, vector<16xi32>, vector<16xi32>], vector<16xf32>,
        tpu.vector_store_idx %arg14[%add3A_408, %broadcast_in_dim3A_481], %gather3A_482 : memref<112x128xf32, #tpu.memory_space<vmem>>[vector<16xi32>, vector<16xi32>], vector<16xf32>,
        %broadcast_in_dim3A_483 = arith.constant 25 : i32
        %broadcast_in_dim3A_484 = vector.broadcast %broadcast_in_dim3A_483 : i32 to vector<16xi32>
        %gather3A_485 = tpu.vector_load_idx %arg10[%broadcast_in_dim3A_332, %broadcast_in_dim3A_484, %select_n3A_406] : memref<2x32x1024xf32, #tpu.memory_space<vmem>>[vector<16xi32>, vector<16xi32>, vector<16xi32>], vector<16xf32>,
        tpu.vector_store_idx %arg14[%add3A_408, %broadcast_in_dim3A_484], %gather3A_485 : memref<112x128xf32, #tpu.memory_space<vmem>>[vector<16xi32>, vector<16xi32>], vector<16xf32>,
        %broadcast_in_dim3A_486 = arith.constant 26 : i32
        %broadcast_in_dim3A_487 = vector.broadcast %broadcast_in_dim3A_486 : i32 to vector<16xi32>
        %gather3A_488 = tpu.vector_load_idx %arg10[%broadcast_in_dim3A_332, %broadcast_in_dim3A_487, %select_n3A_406] : memref<2x32x1024xf32, #tpu.memory_space<vmem>>[vector<16xi32>, vector<16xi32>, vector<16xi32>], vector<16xf32>,
        tpu.vector_store_idx %arg14[%add3A_408, %broadcast_in_dim3A_487], %gather3A_488 : memref<112x128xf32, #tpu.memory_space<vmem>>[vector<16xi32>, vector<16xi32>], vector<16xf32>,
        %broadcast_in_dim3A_489 = arith.constant 27 : i32
        %broadcast_in_dim3A_490 = vector.broadcast %broadcast_in_dim3A_489 : i32 to vector<16xi32>
        %gather3A_491 = tpu.vector_load_idx %arg10[%broadcast_in_dim3A_332, %broadcast_in_dim3A_490, %select_n3A_406] : memref<2x32x1024xf32, #tpu.memory_space<vmem>>[vector<16xi32>, vector<16xi32>, vector<16xi32>], vector<16xf32>,
        tpu.vector_store_idx %arg14[%add3A_408, %broadcast_in_dim3A_490], %gather3A_491 : memref<112x128xf32, #tpu.memory_space<vmem>>[vector<16xi32>, vector<16xi32>], vector<16xf32>,
        %broadcast_in_dim3A_492 = arith.constant 28 : i32
        %broadcast_in_dim3A_493 = vector.broadcast %broadcast_in_dim3A_492 : i32 to vector<16xi32>
        %gather3A_494 = tpu.vector_load_idx %arg10[%broadcast_in_dim3A_332, %broadcast_in_dim3A_493, %select_n3A_406] : memref<2x32x1024xf32, #tpu.memory_space<vmem>>[vector<16xi32>, vector<16xi32>, vector<16xi32>], vector<16xf32>,
        tpu.vector_store_idx %arg14[%add3A_408, %broadcast_in_dim3A_493], %gather3A_494 : memref<112x128xf32, #tpu.memory_space<vmem>>[vector<16xi32>, vector<16xi32>], vector<16xf32>,
        %broadcast_in_dim3A_495 = arith.constant 29 : i32
        %broadcast_in_dim3A_496 = vector.broadcast %broadcast_in_dim3A_495 : i32 to vector<16xi32>
        %gather3A_497 = tpu.vector_load_idx %arg10[%broadcast_in_dim3A_332, %broadcast_in_dim3A_496, %select_n3A_406] : memref<2x32x1024xf32, #tpu.memory_space<vmem>>[vector<16xi32>, vector<16xi32>, vector<16xi32>], vector<16xf32>,
        tpu.vector_store_idx %arg14[%add3A_408, %broadcast_in_dim3A_496], %gather3A_497 : memref<112x128xf32, #tpu.memory_space<vmem>>[vector<16xi32>, vector<16xi32>], vector<16xf32>,
        %broadcast_in_dim3A_498 = arith.constant 30 : i32
        %broadcast_in_dim3A_499 = vector.broadcast %broadcast_in_dim3A_498 : i32 to vector<16xi32>
        %gather3A_500 = tpu.vector_load_idx %arg10[%broadcast_in_dim3A_332, %broadcast_in_dim3A_499, %select_n3A_406] : memref<2x32x1024xf32, #tpu.memory_space<vmem>>[vector<16xi32>, vector<16xi32>, vector<16xi32>], vector<16xf32>,
        tpu.vector_store_idx %arg14[%add3A_408, %broadcast_in_dim3A_499], %gather3A_500 : memref<112x128xf32, #tpu.memory_space<vmem>>[vector<16xi32>, vector<16xi32>], vector<16xf32>,
        %broadcast_in_dim3A_501 = arith.constant 31 : i32
        %broadcast_in_dim3A_502 = vector.broadcast %broadcast_in_dim3A_501 : i32 to vector<16xi32>
        %gather3A_503 = tpu.vector_load_idx %arg10[%broadcast_in_dim3A_332, %broadcast_in_dim3A_502, %select_n3A_406] : memref<2x32x1024xf32, #tpu.memory_space<vmem>>[vector<16xi32>, vector<16xi32>, vector<16xi32>], vector<16xf32>,
        tpu.vector_store_idx %arg14[%add3A_408, %broadcast_in_dim3A_502], %gather3A_503 : memref<112x128xf32, #tpu.memory_space<vmem>>[vector<16xi32>, vector<16xi32>], vector<16xf32>,
        %and3A_504 = arith.constant 16383 : i32
        %and3A_505 = vector.broadcast %and3A_504 : i32 to vector<16xi32>
        %and3A_506 = arith.andi %get3A_392, %and3A_505 : vector<16xi32>
        %broadcast_in_dim3A_507 = vector.broadcast %add3A_2 : i32 to vector<16xi32>
        %select_n3A_508 = arith.select %lt3A_397, %and3A_506, %broadcast_in_dim3A_507 : vector<16xi1>, vector<16xi32>
        tpu.vector_store_idx %arg15[%broadcast_in_dim3A_3, %add3A_408], %select_n3A_508 : memref<1x112xi32, #tpu.memory_space<vmem>>[vector<16xi32>, vector<16xi32>], vector<16xi32>,
        %add3A_509 = arith.constant 16 : i32
        %add3A_510 = arith.addi %while3A_389, %add3A_509 : i32
        %eq3A_511 = arith.constant 112 : i32
        %eq3A_512 = arith.cmpi eq, %add3A_510, %eq3A_511 : i32
        %convert_element_type3A_513 = arith.extui %eq3A_512 : i1 to i32
        %cond3A_514 = arith.constant 0 : i32
        %cond3A_515 = arith.cmpi ne, %convert_element_type3A_513, %cond3A_514 : i32
        scf.if %cond3A_515 {
          %dma_start3A = arith.constant 0 : i32
          %dma_start3A_520 = arith.constant 0 : i32
          %dma_start3A_521 = tpu.memref_slice %arg15[%dma_start3A, %dma_start3A_520] : memref<1x112xi32, #tpu.memory_space<vmem>> -> memref<1x112xi32, #tpu.memory_space<vmem>>
          %dma_start3A_522 = tpu.memref_squeeze %dma_start3A_521 : memref<1x112xi32, #tpu.memory_space<vmem>> -> memref<112xi32, #tpu.memory_space<vmem>>
          %dma_start3A_523 = arith.constant 0 : i32
          %dma_start3A_524 = arith.constant 0 : i32
          %dma_start3A_525 = tpu.memref_slice %arg9[%dma_start3A_523, %dma_start3A_524] : memref<16416x128xf32, #tpu.memory_space<hbm>> -> memref<16416x128xf32, #tpu.memory_space<hbm>>
          tpu.enqueue_indirect_dma source(%arg14 : memref<112x128xf32, #tpu.memory_space<vmem>>) target(%dma_start3A_525 : memref<16416x128xf32, #tpu.memory_space<hbm>>) offsets(%dma_start3A_522 : memref<112xi32, #tpu.memory_space<vmem>>) semaphore(%arg18 : memref<!tpu.dma_semaphore, #tpu.memory_space<semaphore_mem>>)
          %dma_wait3A = arith.constant 0 : i32
          %dma_wait3A_526 = arith.constant 0 : i32
          %dma_wait3A_527 = tpu.memref_slice %arg15[%dma_wait3A, %dma_wait3A_526] : memref<1x112xi32, #tpu.memory_space<vmem>> -> memref<1x112xi32, #tpu.memory_space<vmem>>
          %dma_wait3A_528 = tpu.memref_squeeze %dma_wait3A_527 : memref<1x112xi32, #tpu.memory_space<vmem>> -> memref<112xi32, #tpu.memory_space<vmem>>
          %dma_wait3A_529 = arith.constant 0 : i32
          %dma_wait3A_530 = arith.constant 0 : i32
          %dma_wait3A_531 = tpu.memref_slice %arg9[%dma_wait3A_529, %dma_wait3A_530] : memref<16416x128xf32, #tpu.memory_space<hbm>> -> memref<16416x128xf32, #tpu.memory_space<hbm>>
          tpu.wait_indirect_dma semaphore(%arg18 : memref<!tpu.dma_semaphore, #tpu.memory_space<semaphore_mem>>) src(%arg14 : memref<112x128xf32, #tpu.memory_space<vmem>>) dst(%dma_wait3A_531 : memref<16416x128xf32, #tpu.memory_space<hbm>>)
        } else {
        }
        %eq3A_516 = arith.constant 112 : i32
        %eq3A_517 = arith.cmpi eq, %add3A_510, %eq3A_516 : i32
        %jit3A_518 = arith.constant 0 : i32
        %select_n3A_519 = arith.select %eq3A_517, %jit3A_518, %add3A_510 : i32
        scf.yield %select_n3A_519 : i32
      }
      %while3A_346 = arith.constant 1 : i32
      %while3A_347 = scf.for %while3A_388 = %while3A_343 to %while3A_339 step %while3A_346 iter_args(%while3A_389 = %while3A_345) -> (i32)  : i32 {
        %mul3A_390 = arith.constant 16 : i32
        %mul3A_391 = arith.muli %while3A_388, %mul3A_390 : i32
        %multiple_of3A = tpu.assume_multiple %mul3A_391, 16 : i32
        %get3A = arith.index_cast %multiple_of3A : i32 to index
        %get3A_392 = tpu.vector_load %arg13[%get3A] {strides = array<i32>} : memref<16384xi32, #tpu.memory_space<vmem>>, vector<16xi32>,
        %mul3A_393 = arith.constant 16 : i32
        %mul3A_394 = arith.muli %while3A_388, %mul3A_393 : i32
        %add3A_395 = vector.broadcast %mul3A_394 : i32 to vector<16xi32>
        %add3A_396 = arith.addi %add3A_395, %iota3A : vector<16xi32>
        %lt3A_397 = arith.cmpi slt, %add3A_396, %while3A_323 : vector<16xi32>
        %shift_right_arithmetic3A_398 = arith.constant 14 : i32
        %shift_right_arithmetic3A_399 = vector.broadcast %shift_right_arithmetic3A_398 : i32 to vector<16xi32>
        %shift_right_arithmetic3A_400 = arith.shrsi %get3A_392, %shift_right_arithmetic3A_399 : vector<16xi32>
        %and3A_401 = arith.constant 1023 : i32
        %and3A_402 = vector.broadcast %and3A_401 : i32 to vector<16xi32>
        %and3A_403 = arith.andi %shift_right_arithmetic3A_400, %and3A_402 : vector<16xi32>
        %jit3A_404 = arith.constant 0 : i32
        %broadcast_in_dim3A_405 = vector.broadcast %jit3A_404 : i32 to vector<16xi32>
        %select_n3A_406 = arith.select %lt3A_397, %and3A_403, %broadcast_in_dim3A_405 : vector<16xi1>, vector<16xi32>
        %add3A_407 = vector.broadcast %while3A_389 : i32 to vector<16xi32>
        %add3A_408 = arith.addi %add3A_407, %iota3A : vector<16xi32>
        %broadcast_in_dim3A_409 = arith.constant 0 : i32
        %broadcast_in_dim3A_410 = vector.broadcast %broadcast_in_dim3A_409 : i32 to vector<16xi32>
        %gather3A = tpu.vector_load_idx %arg10[%broadcast_in_dim3A_332, %broadcast_in_dim3A_410, %select_n3A_406] : memref<2x32x1024xf32, #tpu.memory_space<vmem>>[vector<16xi32>, vector<16xi32>, vector<16xi32>], vector<16xf32>,
        tpu.vector_store_idx %arg14[%add3A_408, %broadcast_in_dim3A_410], %gather3A : memref<112x128xf32, #tpu.memory_space<vmem>>[vector<16xi32>, vector<16xi32>], vector<16xf32>,
        %broadcast_in_dim3A_411 = arith.constant 1 : i32
        %broadcast_in_dim3A_412 = vector.broadcast %broadcast_in_dim3A_411 : i32 to vector<16xi32>
        %gather3A_413 = tpu.vector_load_idx %arg10[%broadcast_in_dim3A_332, %broadcast_in_dim3A_412, %select_n3A_406] : memref<2x32x1024xf32, #tpu.memory_space<vmem>>[vector<16xi32>, vector<16xi32>, vector<16xi32>], vector<16xf32>,
        tpu.vector_store_idx %arg14[%add3A_408, %broadcast_in_dim3A_412], %gather3A_413 : memref<112x128xf32, #tpu.memory_space<vmem>>[vector<16xi32>, vector<16xi32>], vector<16xf32>,
        %broadcast_in_dim3A_414 = arith.constant 2 : i32
        %broadcast_in_dim3A_415 = vector.broadcast %broadcast_in_dim3A_414 : i32 to vector<16xi32>
        %gather3A_416 = tpu.vector_load_idx %arg10[%broadcast_in_dim3A_332, %broadcast_in_dim3A_415, %select_n3A_406] : memref<2x32x1024xf32, #tpu.memory_space<vmem>>[vector<16xi32>, vector<16xi32>, vector<16xi32>], vector<16xf32>,
        tpu.vector_store_idx %arg14[%add3A_408, %broadcast_in_dim3A_415], %gather3A_416 : memref<112x128xf32, #tpu.memory_space<vmem>>[vector<16xi32>, vector<16xi32>], vector<16xf32>,
        %broadcast_in_dim3A_417 = arith.constant 3 : i32
        %broadcast_in_dim3A_418 = vector.broadcast %broadcast_in_dim3A_417 : i32 to vector<16xi32>
        %gather3A_419 = tpu.vector_load_idx %arg10[%broadcast_in_dim3A_332, %broadcast_in_dim3A_418, %select_n3A_406] : memref<2x32x1024xf32, #tpu.memory_space<vmem>>[vector<16xi32>, vector<16xi32>, vector<16xi32>], vector<16xf32>,
        tpu.vector_store_idx %arg14[%add3A_408, %broadcast_in_dim3A_418], %gather3A_419 : memref<112x128xf32, #tpu.memory_space<vmem>>[vector<16xi32>, vector<16xi32>], vector<16xf32>,
        %broadcast_in_dim3A_420 = arith.constant 4 : i32
        %broadcast_in_dim3A_421 = vector.broadcast %broadcast_in_dim3A_420 : i32 to vector<16xi32>
        %gather3A_422 = tpu.vector_load_idx %arg10[%broadcast_in_dim3A_332, %broadcast_in_dim3A_421, %select_n3A_406] : memref<2x32x1024xf32, #tpu.memory_space<vmem>>[vector<16xi32>, vector<16xi32>, vector<16xi32>], vector<16xf32>,
        tpu.vector_store_idx %arg14[%add3A_408, %broadcast_in_dim3A_421], %gather3A_422 : memref<112x128xf32, #tpu.memory_space<vmem>>[vector<16xi32>, vector<16xi32>], vector<16xf32>,
        %broadcast_in_dim3A_423 = arith.constant 5 : i32
        %broadcast_in_dim3A_424 = vector.broadcast %broadcast_in_dim3A_423 : i32 to vector<16xi32>
        %gather3A_425 = tpu.vector_load_idx %arg10[%broadcast_in_dim3A_332, %broadcast_in_dim3A_424, %select_n3A_406] : memref<2x32x1024xf32, #tpu.memory_space<vmem>>[vector<16xi32>, vector<16xi32>, vector<16xi32>], vector<16xf32>,
        tpu.vector_store_idx %arg14[%add3A_408, %broadcast_in_dim3A_424], %gather3A_425 : memref<112x128xf32, #tpu.memory_space<vmem>>[vector<16xi32>, vector<16xi32>], vector<16xf32>,
        %broadcast_in_dim3A_426 = arith.constant 6 : i32
        %broadcast_in_dim3A_427 = vector.broadcast %broadcast_in_dim3A_426 : i32 to vector<16xi32>
        %gather3A_428 = tpu.vector_load_idx %arg10[%broadcast_in_dim3A_332, %broadcast_in_dim3A_427, %select_n3A_406] : memref<2x32x1024xf32, #tpu.memory_space<vmem>>[vector<16xi32>, vector<16xi32>, vector<16xi32>], vector<16xf32>,
        tpu.vector_store_idx %arg14[%add3A_408, %broadcast_in_dim3A_427], %gather3A_428 : memref<112x128xf32, #tpu.memory_space<vmem>>[vector<16xi32>, vector<16xi32>], vector<16xf32>,
        %broadcast_in_dim3A_429 = arith.constant 7 : i32
        %broadcast_in_dim3A_430 = vector.broadcast %broadcast_in_dim3A_429 : i32 to vector<16xi32>
        %gather3A_431 = tpu.vector_load_idx %arg10[%broadcast_in_dim3A_332, %broadcast_in_dim3A_430, %select_n3A_406] : memref<2x32x1024xf32, #tpu.memory_space<vmem>>[vector<16xi32>, vector<16xi32>, vector<16xi32>], vector<16xf32>,
        tpu.vector_store_idx %arg14[%add3A_408, %broadcast_in_dim3A_430], %gather3A_431 : memref<112x128xf32, #tpu.memory_space<vmem>>[vector<16xi32>, vector<16xi32>], vector<16xf32>,
        %broadcast_in_dim3A_432 = arith.constant 8 : i32
        %broadcast_in_dim3A_433 = vector.broadcast %broadcast_in_dim3A_432 : i32 to vector<16xi32>
        %gather3A_434 = tpu.vector_load_idx %arg10[%broadcast_in_dim3A_332, %broadcast_in_dim3A_433, %select_n3A_406] : memref<2x32x1024xf32, #tpu.memory_space<vmem>>[vector<16xi32>, vector<16xi32>, vector<16xi32>], vector<16xf32>,
        tpu.vector_store_idx %arg14[%add3A_408, %broadcast_in_dim3A_433], %gather3A_434 : memref<112x128xf32, #tpu.memory_space<vmem>>[vector<16xi32>, vector<16xi32>], vector<16xf32>,
        %broadcast_in_dim3A_435 = arith.constant 9 : i32
        %broadcast_in_dim3A_436 = vector.broadcast %broadcast_in_dim3A_435 : i32 to vector<16xi32>
        %gather3A_437 = tpu.vector_load_idx %arg10[%broadcast_in_dim3A_332, %broadcast_in_dim3A_436, %select_n3A_406] : memref<2x32x1024xf32, #tpu.memory_space<vmem>>[vector<16xi32>, vector<16xi32>, vector<16xi32>], vector<16xf32>,
        tpu.vector_store_idx %arg14[%add3A_408, %broadcast_in_dim3A_436], %gather3A_437 : memref<112x128xf32, #tpu.memory_space<vmem>>[vector<16xi32>, vector<16xi32>], vector<16xf32>,
        %broadcast_in_dim3A_438 = arith.constant 10 : i32
        %broadcast_in_dim3A_439 = vector.broadcast %broadcast_in_dim3A_438 : i32 to vector<16xi32>
        %gather3A_440 = tpu.vector_load_idx %arg10[%broadcast_in_dim3A_332, %broadcast_in_dim3A_439, %select_n3A_406] : memref<2x32x1024xf32, #tpu.memory_space<vmem>>[vector<16xi32>, vector<16xi32>, vector<16xi32>], vector<16xf32>,
        tpu.vector_store_idx %arg14[%add3A_408, %broadcast_in_dim3A_439], %gather3A_440 : memref<112x128xf32, #tpu.memory_space<vmem>>[vector<16xi32>, vector<16xi32>], vector<16xf32>,
        %broadcast_in_dim3A_441 = arith.constant 11 : i32
        %broadcast_in_dim3A_442 = vector.broadcast %broadcast_in_dim3A_441 : i32 to vector<16xi32>
        %gather3A_443 = tpu.vector_load_idx %arg10[%broadcast_in_dim3A_332, %broadcast_in_dim3A_442, %select_n3A_406] : memref<2x32x1024xf32, #tpu.memory_space<vmem>>[vector<16xi32>, vector<16xi32>, vector<16xi32>], vector<16xf32>,
        tpu.vector_store_idx %arg14[%add3A_408, %broadcast_in_dim3A_442], %gather3A_443 : memref<112x128xf32, #tpu.memory_space<vmem>>[vector<16xi32>, vector<16xi32>], vector<16xf32>,
        %broadcast_in_dim3A_444 = arith.constant 12 : i32
        %broadcast_in_dim3A_445 = vector.broadcast %broadcast_in_dim3A_444 : i32 to vector<16xi32>
        %gather3A_446 = tpu.vector_load_idx %arg10[%broadcast_in_dim3A_332, %broadcast_in_dim3A_445, %select_n3A_406] : memref<2x32x1024xf32, #tpu.memory_space<vmem>>[vector<16xi32>, vector<16xi32>, vector<16xi32>], vector<16xf32>,
        tpu.vector_store_idx %arg14[%add3A_408, %broadcast_in_dim3A_445], %gather3A_446 : memref<112x128xf32, #tpu.memory_space<vmem>>[vector<16xi32>, vector<16xi32>], vector<16xf32>,
        %broadcast_in_dim3A_447 = arith.constant 13 : i32
        %broadcast_in_dim3A_448 = vector.broadcast %broadcast_in_dim3A_447 : i32 to vector<16xi32>
        %gather3A_449 = tpu.vector_load_idx %arg10[%broadcast_in_dim3A_332, %broadcast_in_dim3A_448, %select_n3A_406] : memref<2x32x1024xf32, #tpu.memory_space<vmem>>[vector<16xi32>, vector<16xi32>, vector<16xi32>], vector<16xf32>,
        tpu.vector_store_idx %arg14[%add3A_408, %broadcast_in_dim3A_448], %gather3A_449 : memref<112x128xf32, #tpu.memory_space<vmem>>[vector<16xi32>, vector<16xi32>], vector<16xf32>,
        %broadcast_in_dim3A_450 = arith.constant 14 : i32
        %broadcast_in_dim3A_451 = vector.broadcast %broadcast_in_dim3A_450 : i32 to vector<16xi32>
        %gather3A_452 = tpu.vector_load_idx %arg10[%broadcast_in_dim3A_332, %broadcast_in_dim3A_451, %select_n3A_406] : memref<2x32x1024xf32, #tpu.memory_space<vmem>>[vector<16xi32>, vector<16xi32>, vector<16xi32>], vector<16xf32>,
        tpu.vector_store_idx %arg14[%add3A_408, %broadcast_in_dim3A_451], %gather3A_452 : memref<112x128xf32, #tpu.memory_space<vmem>>[vector<16xi32>, vector<16xi32>], vector<16xf32>,
        %broadcast_in_dim3A_453 = arith.constant 15 : i32
        %broadcast_in_dim3A_454 = vector.broadcast %broadcast_in_dim3A_453 : i32 to vector<16xi32>
        %gather3A_455 = tpu.vector_load_idx %arg10[%broadcast_in_dim3A_332, %broadcast_in_dim3A_454, %select_n3A_406] : memref<2x32x1024xf32, #tpu.memory_space<vmem>>[vector<16xi32>, vector<16xi32>, vector<16xi32>], vector<16xf32>,
        tpu.vector_store_idx %arg14[%add3A_408, %broadcast_in_dim3A_454], %gather3A_455 : memref<112x128xf32, #tpu.memory_space<vmem>>[vector<16xi32>, vector<16xi32>], vector<16xf32>,
        %broadcast_in_dim3A_456 = arith.constant 16 : i32
        %broadcast_in_dim3A_457 = vector.broadcast %broadcast_in_dim3A_456 : i32 to vector<16xi32>
        %gather3A_458 = tpu.vector_load_idx %arg10[%broadcast_in_dim3A_332, %broadcast_in_dim3A_457, %select_n3A_406] : memref<2x32x1024xf32, #tpu.memory_space<vmem>>[vector<16xi32>, vector<16xi32>, vector<16xi32>], vector<16xf32>,
        tpu.vector_store_idx %arg14[%add3A_408, %broadcast_in_dim3A_457], %gather3A_458 : memref<112x128xf32, #tpu.memory_space<vmem>>[vector<16xi32>, vector<16xi32>], vector<16xf32>,
        %broadcast_in_dim3A_459 = arith.constant 17 : i32
        %broadcast_in_dim3A_460 = vector.broadcast %broadcast_in_dim3A_459 : i32 to vector<16xi32>
        %gather3A_461 = tpu.vector_load_idx %arg10[%broadcast_in_dim3A_332, %broadcast_in_dim3A_460, %select_n3A_406] : memref<2x32x1024xf32, #tpu.memory_space<vmem>>[vector<16xi32>, vector<16xi32>, vector<16xi32>], vector<16xf32>,
        tpu.vector_store_idx %arg14[%add3A_408, %broadcast_in_dim3A_460], %gather3A_461 : memref<112x128xf32, #tpu.memory_space<vmem>>[vector<16xi32>, vector<16xi32>], vector<16xf32>,
        %broadcast_in_dim3A_462 = arith.constant 18 : i32
        %broadcast_in_dim3A_463 = vector.broadcast %broadcast_in_dim3A_462 : i32 to vector<16xi32>
        %gather3A_464 = tpu.vector_load_idx %arg10[%broadcast_in_dim3A_332, %broadcast_in_dim3A_463, %select_n3A_406] : memref<2x32x1024xf32, #tpu.memory_space<vmem>>[vector<16xi32>, vector<16xi32>, vector<16xi32>], vector<16xf32>,
        tpu.vector_store_idx %arg14[%add3A_408, %broadcast_in_dim3A_463], %gather3A_464 : memref<112x128xf32, #tpu.memory_space<vmem>>[vector<16xi32>, vector<16xi32>], vector<16xf32>,
        %broadcast_in_dim3A_465 = arith.constant 19 : i32
        %broadcast_in_dim3A_466 = vector.broadcast %broadcast_in_dim3A_465 : i32 to vector<16xi32>
        %gather3A_467 = tpu.vector_load_idx %arg10[%broadcast_in_dim3A_332, %broadcast_in_dim3A_466, %select_n3A_406] : memref<2x32x1024xf32, #tpu.memory_space<vmem>>[vector<16xi32>, vector<16xi32>, vector<16xi32>], vector<16xf32>,
        tpu.vector_store_idx %arg14[%add3A_408, %broadcast_in_dim3A_466], %gather3A_467 : memref<112x128xf32, #tpu.memory_space<vmem>>[vector<16xi32>, vector<16xi32>], vector<16xf32>,
        %broadcast_in_dim3A_468 = arith.constant 20 : i32
        %broadcast_in_dim3A_469 = vector.broadcast %broadcast_in_dim3A_468 : i32 to vector<16xi32>
        %gather3A_470 = tpu.vector_load_idx %arg10[%broadcast_in_dim3A_332, %broadcast_in_dim3A_469, %select_n3A_406] : memref<2x32x1024xf32, #tpu.memory_space<vmem>>[vector<16xi32>, vector<16xi32>, vector<16xi32>], vector<16xf32>,
        tpu.vector_store_idx %arg14[%add3A_408, %broadcast_in_dim3A_469], %gather3A_470 : memref<112x128xf32, #tpu.memory_space<vmem>>[vector<16xi32>, vector<16xi32>], vector<16xf32>,
        %broadcast_in_dim3A_471 = arith.constant 21 : i32
        %broadcast_in_dim3A_472 = vector.broadcast %broadcast_in_dim3A_471 : i32 to vector<16xi32>
        %gather3A_473 = tpu.vector_load_idx %arg10[%broadcast_in_dim3A_332, %broadcast_in_dim3A_472, %select_n3A_406] : memref<2x32x1024xf32, #tpu.memory_space<vmem>>[vector<16xi32>, vector<16xi32>, vector<16xi32>], vector<16xf32>,
        tpu.vector_store_idx %arg14[%add3A_408, %broadcast_in_dim3A_472], %gather3A_473 : memref<112x128xf32, #tpu.memory_space<vmem>>[vector<16xi32>, vector<16xi32>], vector<16xf32>,
        %broadcast_in_dim3A_474 = arith.constant 22 : i32
        %broadcast_in_dim3A_475 = vector.broadcast %broadcast_in_dim3A_474 : i32 to vector<16xi32>
        %gather3A_476 = tpu.vector_load_idx %arg10[%broadcast_in_dim3A_332, %broadcast_in_dim3A_475, %select_n3A_406] : memref<2x32x1024xf32, #tpu.memory_space<vmem>>[vector<16xi32>, vector<16xi32>, vector<16xi32>], vector<16xf32>,
        tpu.vector_store_idx %arg14[%add3A_408, %broadcast_in_dim3A_475], %gather3A_476 : memref<112x128xf32, #tpu.memory_space<vmem>>[vector<16xi32>, vector<16xi32>], vector<16xf32>,
        %broadcast_in_dim3A_477 = arith.constant 23 : i32
        %broadcast_in_dim3A_478 = vector.broadcast %broadcast_in_dim3A_477 : i32 to vector<16xi32>
        %gather3A_479 = tpu.vector_load_idx %arg10[%broadcast_in_dim3A_332, %broadcast_in_dim3A_478, %select_n3A_406] : memref<2x32x1024xf32, #tpu.memory_space<vmem>>[vector<16xi32>, vector<16xi32>, vector<16xi32>], vector<16xf32>,
        tpu.vector_store_idx %arg14[%add3A_408, %broadcast_in_dim3A_478], %gather3A_479 : memref<112x128xf32, #tpu.memory_space<vmem>>[vector<16xi32>, vector<16xi32>], vector<16xf32>,
        %broadcast_in_dim3A_480 = arith.constant 24 : i32
        %broadcast_in_dim3A_481 = vector.broadcast %broadcast_in_dim3A_480 : i32 to vector<16xi32>
        %gather3A_482 = tpu.vector_load_idx %arg10[%broadcast_in_dim3A_332, %broadcast_in_dim3A_481, %select_n3A_406] : memref<2x32x1024xf32, #tpu.memory_space<vmem>>[vector<16xi32>, vector<16xi32>, vector<16xi32>], vector<16xf32>,
        tpu.vector_store_idx %arg14[%add3A_408, %broadcast_in_dim3A_481], %gather3A_482 : memref<112x128xf32, #tpu.memory_space<vmem>>[vector<16xi32>, vector<16xi32>], vector<16xf32>,
        %broadcast_in_dim3A_483 = arith.constant 25 : i32
        %broadcast_in_dim3A_484 = vector.broadcast %broadcast_in_dim3A_483 : i32 to vector<16xi32>
        %gather3A_485 = tpu.vector_load_idx %arg10[%broadcast_in_dim3A_332, %broadcast_in_dim3A_484, %select_n3A_406] : memref<2x32x1024xf32, #tpu.memory_space<vmem>>[vector<16xi32>, vector<16xi32>, vector<16xi32>], vector<16xf32>,
        tpu.vector_store_idx %arg14[%add3A_408, %broadcast_in_dim3A_484], %gather3A_485 : memref<112x128xf32, #tpu.memory_space<vmem>>[vector<16xi32>, vector<16xi32>], vector<16xf32>,
        %broadcast_in_dim3A_486 = arith.constant 26 : i32
        %broadcast_in_dim3A_487 = vector.broadcast %broadcast_in_dim3A_486 : i32 to vector<16xi32>
        %gather3A_488 = tpu.vector_load_idx %arg10[%broadcast_in_dim3A_332, %broadcast_in_dim3A_487, %select_n3A_406] : memref<2x32x1024xf32, #tpu.memory_space<vmem>>[vector<16xi32>, vector<16xi32>, vector<16xi32>], vector<16xf32>,
        tpu.vector_store_idx %arg14[%add3A_408, %broadcast_in_dim3A_487], %gather3A_488 : memref<112x128xf32, #tpu.memory_space<vmem>>[vector<16xi32>, vector<16xi32>], vector<16xf32>,
        %broadcast_in_dim3A_489 = arith.constant 27 : i32
        %broadcast_in_dim3A_490 = vector.broadcast %broadcast_in_dim3A_489 : i32 to vector<16xi32>
        %gather3A_491 = tpu.vector_load_idx %arg10[%broadcast_in_dim3A_332, %broadcast_in_dim3A_490, %select_n3A_406] : memref<2x32x1024xf32, #tpu.memory_space<vmem>>[vector<16xi32>, vector<16xi32>, vector<16xi32>], vector<16xf32>,
        tpu.vector_store_idx %arg14[%add3A_408, %broadcast_in_dim3A_490], %gather3A_491 : memref<112x128xf32, #tpu.memory_space<vmem>>[vector<16xi32>, vector<16xi32>], vector<16xf32>,
        %broadcast_in_dim3A_492 = arith.constant 28 : i32
        %broadcast_in_dim3A_493 = vector.broadcast %broadcast_in_dim3A_492 : i32 to vector<16xi32>
        %gather3A_494 = tpu.vector_load_idx %arg10[%broadcast_in_dim3A_332, %broadcast_in_dim3A_493, %select_n3A_406] : memref<2x32x1024xf32, #tpu.memory_space<vmem>>[vector<16xi32>, vector<16xi32>, vector<16xi32>], vector<16xf32>,
        tpu.vector_store_idx %arg14[%add3A_408, %broadcast_in_dim3A_493], %gather3A_494 : memref<112x128xf32, #tpu.memory_space<vmem>>[vector<16xi32>, vector<16xi32>], vector<16xf32>,
        %broadcast_in_dim3A_495 = arith.constant 29 : i32
        %broadcast_in_dim3A_496 = vector.broadcast %broadcast_in_dim3A_495 : i32 to vector<16xi32>
        %gather3A_497 = tpu.vector_load_idx %arg10[%broadcast_in_dim3A_332, %broadcast_in_dim3A_496, %select_n3A_406] : memref<2x32x1024xf32, #tpu.memory_space<vmem>>[vector<16xi32>, vector<16xi32>, vector<16xi32>], vector<16xf32>,
        tpu.vector_store_idx %arg14[%add3A_408, %broadcast_in_dim3A_496], %gather3A_497 : memref<112x128xf32, #tpu.memory_space<vmem>>[vector<16xi32>, vector<16xi32>], vector<16xf32>,
        %broadcast_in_dim3A_498 = arith.constant 30 : i32
        %broadcast_in_dim3A_499 = vector.broadcast %broadcast_in_dim3A_498 : i32 to vector<16xi32>
        %gather3A_500 = tpu.vector_load_idx %arg10[%broadcast_in_dim3A_332, %broadcast_in_dim3A_499, %select_n3A_406] : memref<2x32x1024xf32, #tpu.memory_space<vmem>>[vector<16xi32>, vector<16xi32>, vector<16xi32>], vector<16xf32>,
        tpu.vector_store_idx %arg14[%add3A_408, %broadcast_in_dim3A_499], %gather3A_500 : memref<112x128xf32, #tpu.memory_space<vmem>>[vector<16xi32>, vector<16xi32>], vector<16xf32>,
        %broadcast_in_dim3A_501 = arith.constant 31 : i32
        %broadcast_in_dim3A_502 = vector.broadcast %broadcast_in_dim3A_501 : i32 to vector<16xi32>
        %gather3A_503 = tpu.vector_load_idx %arg10[%broadcast_in_dim3A_332, %broadcast_in_dim3A_502, %select_n3A_406] : memref<2x32x1024xf32, #tpu.memory_space<vmem>>[vector<16xi32>, vector<16xi32>, vector<16xi32>], vector<16xf32>,
        tpu.vector_store_idx %arg14[%add3A_408, %broadcast_in_dim3A_502], %gather3A_503 : memref<112x128xf32, #tpu.memory_space<vmem>>[vector<16xi32>, vector<16xi32>], vector<16xf32>,
        %and3A_504 = arith.constant 16383 : i32
        %and3A_505 = vector.broadcast %and3A_504 : i32 to vector<16xi32>
        %and3A_506 = arith.andi %get3A_392, %and3A_505 : vector<16xi32>
        %broadcast_in_dim3A_507 = vector.broadcast %add3A_2 : i32 to vector<16xi32>
        %select_n3A_508 = arith.select %lt3A_397, %and3A_506, %broadcast_in_dim3A_507 : vector<16xi1>, vector<16xi32>
        tpu.vector_store_idx %arg15[%broadcast_in_dim3A_3, %add3A_408], %select_n3A_508 : memref<1x112xi32, #tpu.memory_space<vmem>>[vector<16xi32>, vector<16xi32>], vector<16xi32>,
        %add3A_509 = arith.constant 16 : i32
        %add3A_510 = arith.addi %while3A_389, %add3A_509 : i32
        %eq3A_511 = arith.constant 112 : i32
        %eq3A_512 = arith.cmpi eq, %add3A_510, %eq3A_511 : i32
        %convert_element_type3A_513 = arith.extui %eq3A_512 : i1 to i32
        %cond3A_514 = arith.constant 0 : i32
        %cond3A_515 = arith.cmpi ne, %convert_element_type3A_513, %cond3A_514 : i32
        scf.if %cond3A_515 {
          %dma_start3A = arith.constant 0 : i32
          %dma_start3A_520 = arith.constant 0 : i32
          %dma_start3A_521 = tpu.memref_slice %arg15[%dma_start3A, %dma_start3A_520] : memref<1x112xi32, #tpu.memory_space<vmem>> -> memref<1x112xi32, #tpu.memory_space<vmem>>
          %dma_start3A_522 = tpu.memref_squeeze %dma_start3A_521 : memref<1x112xi32, #tpu.memory_space<vmem>> -> memref<112xi32, #tpu.memory_space<vmem>>
          %dma_start3A_523 = arith.constant 0 : i32
          %dma_start3A_524 = arith.constant 0 : i32
          %dma_start3A_525 = tpu.memref_slice %arg9[%dma_start3A_523, %dma_start3A_524] : memref<16416x128xf32, #tpu.memory_space<hbm>> -> memref<16416x128xf32, #tpu.memory_space<hbm>>
          tpu.enqueue_indirect_dma source(%arg14 : memref<112x128xf32, #tpu.memory_space<vmem>>) target(%dma_start3A_525 : memref<16416x128xf32, #tpu.memory_space<hbm>>) offsets(%dma_start3A_522 : memref<112xi32, #tpu.memory_space<vmem>>) semaphore(%arg18 : memref<!tpu.dma_semaphore, #tpu.memory_space<semaphore_mem>>)
          %dma_wait3A = arith.constant 0 : i32
          %dma_wait3A_526 = arith.constant 0 : i32
          %dma_wait3A_527 = tpu.memref_slice %arg15[%dma_wait3A, %dma_wait3A_526] : memref<1x112xi32, #tpu.memory_space<vmem>> -> memref<1x112xi32, #tpu.memory_space<vmem>>
          %dma_wait3A_528 = tpu.memref_squeeze %dma_wait3A_527 : memref<1x112xi32, #tpu.memory_space<vmem>> -> memref<112xi32, #tpu.memory_space<vmem>>
          %dma_wait3A_529 = arith.constant 0 : i32
          %dma_wait3A_530 = arith.constant 0 : i32
          %dma_wait3A_531 = tpu.memref_slice %arg9[%dma_wait3A_529, %dma_wait3A_530] : memref<16416x128xf32, #tpu.memory_space<hbm>> -> memref<16416x128xf32, #tpu.memory_space<hbm>>
          tpu.wait_indirect_dma semaphore(%arg18 : memref<!tpu.dma_semaphore, #tpu.memory_space<semaphore_mem>>) src(%arg14 : memref<112x128xf32, #tpu.memory_space<vmem>>) dst(%dma_wait3A_531 : memref<16416x128xf32, #tpu.memory_space<hbm>>)
        } else {
        }
        %eq3A_516 = arith.constant 112 : i32
        %eq3A_517 = arith.cmpi eq, %add3A_510, %eq3A_516 : i32
        %jit3A_518 = arith.constant 0 : i32
        %select_n3A_519 = arith.select %eq3A_517, %jit3A_518, %add3A_510 : i32
        scf.yield %select_n3A_519 : i32
      }
      %add3A_348 = arith.constant 2 : i32
      %add3A_349 = arith.addi %while3A_279, %add3A_348 : i32
      %and3A_350 = arith.constant 1 : i32
      %and3A_351 = arith.andi %add3A_349, %and3A_350 : i32
      %lt3A = arith.cmpi slt, %add3A_349, %add3A_187 : i32
      %eq3A_352 = arith.cmpi eq, %add3A_349, %select_n3A_183 : i32
      %mul3A_353 = arith.constant 32 : i32
      %mul3A_354 = arith.muli %mul3A_353, %add3A_349 : i32
      %add3A_355 = arith.addi %add3A, %mul3A_354 : i32
      %eq3A_356 = arith.constant 0 : i32
      %eq3A_357 = arith.cmpi eq, %and3A_351, %eq3A_356 : i32
      %and3A_358 = arith.andi %lt3A, %eq3A_357 : i1
      %not3A_359 = arith.constant true
      %not3A_360 = arith.xori %eq3A_352, %not3A_359 : i1
      %and3A_361 = arith.andi %and3A_358, %not3A_360 : i1
      %convert_element_type3A_362 = arith.extui %and3A_361 : i1 to i32
      %cond3A_363 = arith.constant 0 : i32
      %cond3A_364 = arith.cmpi ne, %convert_element_type3A_362, %cond3A_363 : i32
      scf.if %cond3A_364 {
        %mul3A_388 = arith.constant 1024 : i32
        %mul3A_389 = arith.muli %add3A_355, %mul3A_388 : i32
        %multiple_of3A = tpu.assume_multiple %mul3A_389, 1024 : i32
        %dma_start3A = arith.constant 0 : i32
        %dma_start3A_390 = arith.constant 0 : i32
        %dma_start3A_391 = arith.constant 0 : i32
        %dma_start3A_392 = tpu.memref_slice %arg10[%dma_start3A, %dma_start3A_390, %dma_start3A_391] : memref<2x32x1024xf32, #tpu.memory_space<vmem>> -> memref<1x32x1024xf32, #tpu.memory_space<vmem>>
        %dma_start3A_393 = tpu.memref_squeeze %dma_start3A_392 : memref<1x32x1024xf32, #tpu.memory_space<vmem>> -> memref<32x1024xf32, #tpu.memory_space<vmem>>
        %dma_start3A_394 = arith.constant 0 : i32
        %dma_start3A_395 = tpu.memref_slice %arg3[%dma_start3A_394, %multiple_of3A] : memref<32x100000xf32, #tpu.memory_space<hbm>> -> memref<32x1024xf32, #tpu.memory_space<hbm>>
        %dma_start3A_396 = arith.constant 0 : i32
        %dma_start3A_397 = arith.constant 0 : i32
        %dma_start3A_398 = tpu.memref_slice %arg10[%dma_start3A, %dma_start3A_396, %dma_start3A_397] : memref<2x32x1024xf32, #tpu.memory_space<vmem>> -> memref<1x32x1024xf32, #tpu.memory_space<vmem>>
        %dma_start3A_399 = tpu.memref_squeeze %dma_start3A_398 : memref<1x32x1024xf32, #tpu.memory_space<vmem>> -> memref<32x1024xf32, #tpu.memory_space<vmem>>
        %dma_start3A_400 = arith.constant 0 : i32
        %dma_start3A_401 = tpu.memref_slice %arg3[%dma_start3A_400, %multiple_of3A] : memref<32x100000xf32, #tpu.memory_space<hbm>> -> memref<32x1024xf32, #tpu.memory_space<hbm>>
        tpu.enqueue_dma source(%dma_start3A_401 : memref<32x1024xf32, #tpu.memory_space<hbm>>) target(%dma_start3A_399 : memref<32x1024xf32, #tpu.memory_space<vmem>>) target_semaphore(%arg16 : memref<!tpu.dma_semaphore, #tpu.memory_space<semaphore_mem>>)
      } else {
      }
      %eq3A_365 = arith.constant 0 : i32
      %eq3A_366 = arith.cmpi eq, %and3A_351, %eq3A_365 : i32
      %and3A_367 = arith.andi %lt3A, %eq3A_366 : i1
      %and3A_368 = arith.andi %and3A_367, %eq3A_352 : i1
      %convert_element_type3A_369 = arith.extui %and3A_368 : i1 to i32
      %cond3A_370 = arith.constant 0 : i32
      %cond3A_371 = arith.cmpi ne, %convert_element_type3A_369, %cond3A_370 : i32
      scf.if %cond3A_371 {
        %dma_start3A = arith.constant 0 : i32
        %dma_start3A_388 = arith.constant 0 : i32
        %dma_start3A_389 = arith.constant 0 : i32
        %dma_start3A_390 = tpu.memref_slice %arg10[%dma_start3A, %dma_start3A_388, %dma_start3A_389] : memref<2x32x1024xf32, #tpu.memory_space<vmem>> -> memref<1x32x1024xf32, #tpu.memory_space<vmem>>
        %dma_start3A_391 = tpu.memref_squeeze %dma_start3A_390 : memref<1x32x1024xf32, #tpu.memory_space<vmem>> -> memref<32x1024xf32, #tpu.memory_space<vmem>>
        %dma_start3A_392 = arith.constant 0 : i32
        %dma_start3A_393 = arith.constant 0 : i32
        %dma_start3A_394 = tpu.memref_slice %arg10[%dma_start3A, %dma_start3A_392, %dma_start3A_393] : memref<2x32x1024xf32, #tpu.memory_space<vmem>> -> memref<1x32x1024xf32, #tpu.memory_space<vmem>>
        %dma_start3A_395 = tpu.memref_squeeze %dma_start3A_394 : memref<1x32x1024xf32, #tpu.memory_space<vmem>> -> memref<32x1024xf32, #tpu.memory_space<vmem>>
        tpu.enqueue_dma source(%arg5 : memref<32x1024xf32, #tpu.memory_space<hbm>>) target(%dma_start3A_395 : memref<32x1024xf32, #tpu.memory_space<vmem>>) target_semaphore(%arg16 : memref<!tpu.dma_semaphore, #tpu.memory_space<semaphore_mem>>)
      } else {
      }
      %eq3A_372 = arith.constant 1 : i32
      %eq3A_373 = arith.cmpi eq, %and3A_351, %eq3A_372 : i32
      %and3A_374 = arith.andi %lt3A, %eq3A_373 : i1
      %not3A_375 = arith.constant true
      %not3A_376 = arith.xori %eq3A_352, %not3A_375 : i1
      %and3A_377 = arith.andi %and3A_374, %not3A_376 : i1
      %convert_element_type3A_378 = arith.extui %and3A_377 : i1 to i32
      %cond3A_379 = arith.constant 0 : i32
      %cond3A_380 = arith.cmpi ne, %convert_element_type3A_378, %cond3A_379 : i32
      scf.if %cond3A_380 {
        %mul3A_388 = arith.constant 1024 : i32
        %mul3A_389 = arith.muli %add3A_355, %mul3A_388 : i32
        %multiple_of3A = tpu.assume_multiple %mul3A_389, 1024 : i32
        %dma_start3A = arith.constant 1 : i32
        %dma_start3A_390 = arith.constant 0 : i32
        %dma_start3A_391 = arith.constant 0 : i32
        %dma_start3A_392 = tpu.memref_slice %arg10[%dma_start3A, %dma_start3A_390, %dma_start3A_391] : memref<2x32x1024xf32, #tpu.memory_space<vmem>> -> memref<1x32x1024xf32, #tpu.memory_space<vmem>>
        %dma_start3A_393 = tpu.memref_squeeze %dma_start3A_392 : memref<1x32x1024xf32, #tpu.memory_space<vmem>> -> memref<32x1024xf32, #tpu.memory_space<vmem>>
        %dma_start3A_394 = arith.constant 0 : i32
        %dma_start3A_395 = tpu.memref_slice %arg3[%dma_start3A_394, %multiple_of3A] : memref<32x100000xf32, #tpu.memory_space<hbm>> -> memref<32x1024xf32, #tpu.memory_space<hbm>>
        %dma_start3A_396 = arith.constant 0 : i32
        %dma_start3A_397 = arith.constant 0 : i32
        %dma_start3A_398 = tpu.memref_slice %arg10[%dma_start3A, %dma_start3A_396, %dma_start3A_397] : memref<2x32x1024xf32, #tpu.memory_space<vmem>> -> memref<1x32x1024xf32, #tpu.memory_space<vmem>>
        %dma_start3A_399 = tpu.memref_squeeze %dma_start3A_398 : memref<1x32x1024xf32, #tpu.memory_space<vmem>> -> memref<32x1024xf32, #tpu.memory_space<vmem>>
        %dma_start3A_400 = arith.constant 0 : i32
        %dma_start3A_401 = tpu.memref_slice %arg3[%dma_start3A_400, %multiple_of3A] : memref<32x100000xf32, #tpu.memory_space<hbm>> -> memref<32x1024xf32, #tpu.memory_space<hbm>>
        tpu.enqueue_dma source(%dma_start3A_401 : memref<32x1024xf32, #tpu.memory_space<hbm>>) target(%dma_start3A_399 : memref<32x1024xf32, #tpu.memory_space<vmem>>) target_semaphore(%arg17 : memref<!tpu.dma_semaphore, #tpu.memory_space<semaphore_mem>>)
      } else {
      }
      %eq3A_381 = arith.constant 1 : i32
      %eq3A_382 = arith.cmpi eq, %and3A_351, %eq3A_381 : i32
      %and3A_383 = arith.andi %lt3A, %eq3A_382 : i1
      %and3A_384 = arith.andi %and3A_383, %eq3A_352 : i1
      %convert_element_type3A_385 = arith.extui %and3A_384 : i1 to i32
      %cond3A_386 = arith.constant 0 : i32
      %cond3A_387 = arith.cmpi ne, %convert_element_type3A_385, %cond3A_386 : i32
      scf.if %cond3A_387 {
        %dma_start3A = arith.constant 1 : i32
        %dma_start3A_388 = arith.constant 0 : i32
        %dma_start3A_389 = arith.constant 0 : i32
        %dma_start3A_390 = tpu.memref_slice %arg10[%dma_start3A, %dma_start3A_388, %dma_start3A_389] : memref<2x32x1024xf32, #tpu.memory_space<vmem>> -> memref<1x32x1024xf32, #tpu.memory_space<vmem>>
        %dma_start3A_391 = tpu.memref_squeeze %dma_start3A_390 : memref<1x32x1024xf32, #tpu.memory_space<vmem>> -> memref<32x1024xf32, #tpu.memory_space<vmem>>
        %dma_start3A_392 = arith.constant 0 : i32
        %dma_start3A_393 = arith.constant 0 : i32
        %dma_start3A_394 = tpu.memref_slice %arg10[%dma_start3A, %dma_start3A_392, %dma_start3A_393] : memref<2x32x1024xf32, #tpu.memory_space<vmem>> -> memref<1x32x1024xf32, #tpu.memory_space<vmem>>
        %dma_start3A_395 = tpu.memref_squeeze %dma_start3A_394 : memref<1x32x1024xf32, #tpu.memory_space<vmem>> -> memref<32x1024xf32, #tpu.memory_space<vmem>>
        tpu.enqueue_dma source(%arg5 : memref<32x1024xf32, #tpu.memory_space<hbm>>) target(%dma_start3A_395 : memref<32x1024xf32, #tpu.memory_space<vmem>>) target_semaphore(%arg17 : memref<!tpu.dma_semaphore, #tpu.memory_space<semaphore_mem>>)
      } else {
      }
      scf.yield %while3A_347 : i32
    }
    %gt3A_274 = arith.constant 0 : i32
    %gt3A_275 = arith.cmpi sgt, %while3A_273, %gt3A_274 : i32
    %convert_element_type3A_276 = arith.extui %gt3A_275 : i1 to i32
    %cond3A_277 = arith.constant 0 : i32
    %cond3A_278 = arith.cmpi ne, %convert_element_type3A_276, %cond3A_277 : i32
    scf.if %cond3A_278 {
      %dma_start3A = arith.constant 0 : i32
      %dma_start3A_279 = arith.constant 0 : i32
      %dma_start3A_280 = tpu.memref_slice %arg15[%dma_start3A, %dma_start3A_279] : memref<1x112xi32, #tpu.memory_space<vmem>> -> memref<1x112xi32, #tpu.memory_space<vmem>>
      %dma_start3A_281 = tpu.memref_squeeze %dma_start3A_280 : memref<1x112xi32, #tpu.memory_space<vmem>> -> memref<112xi32, #tpu.memory_space<vmem>>
      %dma_start3A_282 = arith.constant 0 : i32
      %dma_start3A_283 = arith.constant 0 : i32
      %dma_start3A_284 = tpu.memref_slice %arg9[%dma_start3A_282, %dma_start3A_283] : memref<16416x128xf32, #tpu.memory_space<hbm>> -> memref<16416x128xf32, #tpu.memory_space<hbm>>
      tpu.enqueue_indirect_dma source(%arg14 : memref<112x128xf32, #tpu.memory_space<vmem>>) target(%dma_start3A_284 : memref<16416x128xf32, #tpu.memory_space<hbm>>) offsets(%dma_start3A_281 : memref<112xi32, #tpu.memory_space<vmem>>) semaphore(%arg18 : memref<!tpu.dma_semaphore, #tpu.memory_space<semaphore_mem>>)
      %dma_wait3A = arith.constant 0 : i32
      %dma_wait3A_285 = arith.constant 0 : i32
      %dma_wait3A_286 = tpu.memref_slice %arg15[%dma_wait3A, %dma_wait3A_285] : memref<1x112xi32, #tpu.memory_space<vmem>> -> memref<1x112xi32, #tpu.memory_space<vmem>>
      %dma_wait3A_287 = tpu.memref_squeeze %dma_wait3A_286 : memref<1x112xi32, #tpu.memory_space<vmem>> -> memref<112xi32, #tpu.memory_space<vmem>>
      %dma_wait3A_288 = arith.constant 0 : i32
      %dma_wait3A_289 = arith.constant 0 : i32
      %dma_wait3A_290 = tpu.memref_slice %arg9[%dma_wait3A_288, %dma_wait3A_289] : memref<16416x128xf32, #tpu.memory_space<hbm>> -> memref<16416x128xf32, #tpu.memory_space<hbm>>
      tpu.wait_indirect_dma semaphore(%arg18 : memref<!tpu.dma_semaphore, #tpu.memory_space<semaphore_mem>>) src(%arg14 : memref<112x128xf32, #tpu.memory_space<vmem>>) dst(%dma_wait3A_290 : memref<16416x128xf32, #tpu.memory_space<hbm>>)
    } else {
    }
    return
  }
}

module attributes {stable_mosaic.version = 14 : i64} {
  func.func @_mlp_body(%arg0: i32, %arg1: memref<2048x128xf32, #tpu.memory_space<vmem>>, %arg2: memref<2048x128xf32, #tpu.memory_space<vmem>>, %arg3: memref<2048x20xf32, #tpu.memory_space<vmem>>, %arg4: memref<32x64xf32, #tpu.memory_space<vmem>>, %arg5: memref<32x64xf32, #tpu.memory_space<vmem>>, %arg6: memref<20x64xf32, #tpu.memory_space<vmem>>, %arg7: memref<1x64xf32, #tpu.memory_space<vmem>>, %arg8: memref<64x32xf32, #tpu.memory_space<vmem>>, %arg9: memref<1x32xf32, #tpu.memory_space<vmem>>, %arg10: memref<32x1xf32, #tpu.memory_space<vmem>>, %arg11: memref<1x1xf32, #tpu.memory_space<vmem>>, %arg12: memref<2048x1xf32, #tpu.memory_space<vmem>>) attributes {dimension_semantics = [#tpu.dimension_semantics<arbitrary>], iteration_bounds = array<i64: 8>, scalar_prefetch = 0 : i64, scratch_operands = 0 : i64, tpu.core_type = #tpu.core_type<tc>, window_params = [{transform_indices = @transform_0, window_bounds = array<i64: 2048, 128>}, {transform_indices = @transform_1, window_bounds = array<i64: 2048, 128>}, {transform_indices = @transform_2, window_bounds = array<i64: 2048, 20>}, {pipeline_mode = #tpu.pipeline_mode<synchronous>, transform_indices = @transform_3, window_bounds = array<i64: 32, 64>}, {pipeline_mode = #tpu.pipeline_mode<synchronous>, transform_indices = @transform_4, window_bounds = array<i64: 32, 64>}, {pipeline_mode = #tpu.pipeline_mode<synchronous>, transform_indices = @transform_5, window_bounds = array<i64: 20, 64>}, {pipeline_mode = #tpu.pipeline_mode<synchronous>, transform_indices = @transform_6, window_bounds = array<i64: 1, 64>}, {pipeline_mode = #tpu.pipeline_mode<synchronous>, transform_indices = @transform_7, window_bounds = array<i64: 64, 32>}, {pipeline_mode = #tpu.pipeline_mode<synchronous>, transform_indices = @transform_8, window_bounds = array<i64: 1, 32>}, {pipeline_mode = #tpu.pipeline_mode<synchronous>, transform_indices = @transform_9, window_bounds = array<i64: 32, 1>}, {pipeline_mode = #tpu.pipeline_mode<synchronous>, transform_indices = @transform_10, window_bounds = array<i64: 1, 1>}, {transform_indices = @transform_11, window_bounds = array<i64: 2048, 1>}]} {
    %get3A = arith.constant 0 : index
    %get3A_0 = arith.constant 0 : index
    %get3A_1 = vector.load %arg1[%get3A, %get3A_0] : memref<2048x128xf32, #tpu.memory_space<vmem>>, vector<2048x32xf32>
    %get3A_2 = arith.constant 0 : index
    %get3A_3 = arith.constant 0 : index
    %get3A_4 = vector.load %arg2[%get3A_2, %get3A_3] : memref<2048x128xf32, #tpu.memory_space<vmem>>, vector<2048x32xf32>
    %get3A_5 = arith.constant 0 : index
    %get3A_6 = arith.constant 0 : index
    %get3A_7 = vector.load %arg4[%get3A_5, %get3A_6] : memref<32x64xf32, #tpu.memory_space<vmem>>, vector<32x64xf32>
    %dot_general3A = arith.constant dense<0.000000e+00> : vector<2048x64xf32>
    %dot_general3A_8 = tpu.matmul %get3A_1, %get3A_7, %dot_general3A {dimension_numbers = #tpu.dot_dimension_numbers<[1], [0], [0], [1], [0, 0, 1, 1], [], []>, transpose_lhs_hint = false} : vector<2048x32xf32>, vector<32x64xf32>, vector<2048x64xf32> -> vector<2048x64xf32>
    %get3A_9 = arith.constant 0 : index
    %get3A_10 = arith.constant 0 : index
    %get3A_11 = vector.load %arg5[%get3A_9, %get3A_10] : memref<32x64xf32, #tpu.memory_space<vmem>>, vector<32x64xf32>
    %dot_general3A_12 = arith.constant dense<0.000000e+00> : vector<2048x64xf32>
    %dot_general3A_13 = tpu.matmul %get3A_4, %get3A_11, %dot_general3A_12 {dimension_numbers = #tpu.dot_dimension_numbers<[1], [0], [0], [1], [0, 0, 1, 1], [], []>, transpose_lhs_hint = false} : vector<2048x32xf32>, vector<32x64xf32>, vector<2048x64xf32> -> vector<2048x64xf32>
    %add3A = arith.addf %dot_general3A_8, %dot_general3A_13 : vector<2048x64xf32>
    %get3A_14 = arith.constant 0 : index
    %get3A_15 = arith.constant 0 : index
    %get3A_16 = vector.load %arg3[%get3A_14, %get3A_15] : memref<2048x20xf32, #tpu.memory_space<vmem>>, vector<2048x20xf32>
    %get3A_17 = arith.constant 0 : index
    %get3A_18 = arith.constant 0 : index
    %get3A_19 = vector.load %arg6[%get3A_17, %get3A_18] : memref<20x64xf32, #tpu.memory_space<vmem>>, vector<20x64xf32>
    %dot_general3A_20 = arith.constant dense<0.000000e+00> : vector<2048x64xf32>
    %dot_general3A_21 = tpu.matmul %get3A_16, %get3A_19, %dot_general3A_20 {dimension_numbers = #tpu.dot_dimension_numbers<[1], [0], [0], [1], [0, 0, 1, 1], [], []>, transpose_lhs_hint = false} : vector<2048x20xf32>, vector<20x64xf32>, vector<2048x64xf32> -> vector<2048x64xf32>
    %add3A_22 = arith.addf %add3A, %dot_general3A_21 : vector<2048x64xf32>
    %get3A_23 = arith.constant 0 : index
    %get3A_24 = arith.constant 0 : index
    %get3A_25 = vector.load %arg7[%get3A_23, %get3A_24] : memref<1x64xf32, #tpu.memory_space<vmem>>, vector<1x64xf32>
    %add3A_26 = vector.broadcast %get3A_25 : vector<1x64xf32> to vector<2048x64xf32>
    %add3A_27 = arith.addf %add3A_22, %add3A_26 : vector<2048x64xf32>
    %max3A = arith.constant 0.000000e+00 : f32
    %max3A_28 = vector.broadcast %max3A : f32 to vector<2048x64xf32>
    %max3A_29 = arith.maximumf %add3A_27, %max3A_28 : vector<2048x64xf32>
    %get3A_30 = arith.constant 0 : index
    %get3A_31 = arith.constant 0 : index
    %get3A_32 = vector.load %arg8[%get3A_30, %get3A_31] : memref<64x32xf32, #tpu.memory_space<vmem>>, vector<64x32xf32>
    %dot_general3A_33 = arith.constant dense<0.000000e+00> : vector<2048x32xf32>
    %dot_general3A_34 = tpu.matmul %max3A_29, %get3A_32, %dot_general3A_33 {dimension_numbers = #tpu.dot_dimension_numbers<[1], [0], [0], [1], [0, 0, 1, 1], [], []>, transpose_lhs_hint = false} : vector<2048x64xf32>, vector<64x32xf32>, vector<2048x32xf32> -> vector<2048x32xf32>
    %get3A_35 = arith.constant 0 : index
    %get3A_36 = arith.constant 0 : index
    %get3A_37 = vector.load %arg9[%get3A_35, %get3A_36] : memref<1x32xf32, #tpu.memory_space<vmem>>, vector<1x32xf32>
    %add3A_38 = vector.broadcast %get3A_37 : vector<1x32xf32> to vector<2048x32xf32>
    %add3A_39 = arith.addf %dot_general3A_34, %add3A_38 : vector<2048x32xf32>
    %max3A_40 = arith.constant 0.000000e+00 : f32
    %max3A_41 = vector.broadcast %max3A_40 : f32 to vector<2048x32xf32>
    %max3A_42 = arith.maximumf %add3A_39, %max3A_41 : vector<2048x32xf32>
    %get3A_43 = arith.constant 0 : index
    %get3A_44 = arith.constant 0 : index
    %get3A_45 = vector.load %arg10[%get3A_43, %get3A_44] : memref<32x1xf32, #tpu.memory_space<vmem>>, vector<32x1xf32>
    %dot_general3A_46 = arith.constant dense<0.000000e+00> : vector<2048x1xf32>
    %dot_general3A_47 = tpu.matmul %max3A_42, %get3A_45, %dot_general3A_46 {dimension_numbers = #tpu.dot_dimension_numbers<[1], [0], [0], [1], [0, 0, 1, 1], [], []>, transpose_lhs_hint = false} : vector<2048x32xf32>, vector<32x1xf32>, vector<2048x1xf32> -> vector<2048x1xf32>
    %get3A_48 = arith.constant 0 : index
    %get3A_49 = arith.constant 0 : index
    %get3A_50 = vector.load %arg11[%get3A_48, %get3A_49] : memref<1x1xf32, #tpu.memory_space<vmem>>, vector<1x1xf32>
    %add3A_51 = vector.broadcast %get3A_50 : vector<1x1xf32> to vector<2048x1xf32>
    %add3A_52 = arith.addf %dot_general3A_47, %add3A_51 : vector<2048x1xf32>
    %swap3A = arith.constant 0 : index
    %swap3A_53 = arith.constant 0 : index
    %swap3A_54 = vector.load %arg12[%swap3A, %swap3A_53] : memref<2048x1xf32, #tpu.memory_space<vmem>>, vector<2048x1xf32>
    tpu.vector_store %arg12[%swap3A, %swap3A_53], %add3A_52 {strides = array<i32>} : memref<2048x1xf32, #tpu.memory_space<vmem>>, vector<2048x1xf32>,
    return
  }
  func.func @transform_0(%arg0: i32) -> (i32, i32) {
    %c0_i32 = arith.constant 0 : i32
    %c0_i32_0 = arith.constant 0 : i32
    return %arg0, %c0_i32 : i32, i32
  }
  func.func @transform_1(%arg0: i32) -> (i32, i32) {
    %c0_i32 = arith.constant 0 : i32
    %c0_i32_0 = arith.constant 0 : i32
    return %arg0, %c0_i32 : i32, i32
  }
  func.func @transform_2(%arg0: i32) -> (i32, i32) {
    %c0_i32 = arith.constant 0 : i32
    %c0_i32_0 = arith.constant 0 : i32
    return %arg0, %c0_i32 : i32, i32
  }
  func.func @transform_3(%arg0: i32) -> (i32, i32) {
    %c0_i32 = arith.constant 0 : i32
    %c0_i32_0 = arith.constant 0 : i32
    %c0_i32_1 = arith.constant 0 : i32
    return %c0_i32, %c0_i32_0 : i32, i32
  }
  func.func @transform_4(%arg0: i32) -> (i32, i32) {
    %c0_i32 = arith.constant 0 : i32
    %c0_i32_0 = arith.constant 0 : i32
    %c0_i32_1 = arith.constant 0 : i32
    return %c0_i32, %c0_i32_0 : i32, i32
  }
  func.func @transform_5(%arg0: i32) -> (i32, i32) {
    %c0_i32 = arith.constant 0 : i32
    %c0_i32_0 = arith.constant 0 : i32
    %c0_i32_1 = arith.constant 0 : i32
    return %c0_i32, %c0_i32_0 : i32, i32
  }
  func.func @transform_6(%arg0: i32) -> (i32, i32) {
    %c0_i32 = arith.constant 0 : i32
    %c0_i32_0 = arith.constant 0 : i32
    %c0_i32_1 = arith.constant 0 : i32
    return %c0_i32, %c0_i32_0 : i32, i32
  }
  func.func @transform_7(%arg0: i32) -> (i32, i32) {
    %c0_i32 = arith.constant 0 : i32
    %c0_i32_0 = arith.constant 0 : i32
    %c0_i32_1 = arith.constant 0 : i32
    return %c0_i32, %c0_i32_0 : i32, i32
  }
  func.func @transform_8(%arg0: i32) -> (i32, i32) {
    %c0_i32 = arith.constant 0 : i32
    %c0_i32_0 = arith.constant 0 : i32
    %c0_i32_1 = arith.constant 0 : i32
    return %c0_i32, %c0_i32_0 : i32, i32
  }
  func.func @transform_9(%arg0: i32) -> (i32, i32) {
    %c0_i32 = arith.constant 0 : i32
    %c0_i32_0 = arith.constant 0 : i32
    %c0_i32_1 = arith.constant 0 : i32
    return %c0_i32, %c0_i32_0 : i32, i32
  }
  func.func @transform_10(%arg0: i32) -> (i32, i32) {
    %c0_i32 = arith.constant 0 : i32
    %c0_i32_0 = arith.constant 0 : i32
    %c0_i32_1 = arith.constant 0 : i32
    return %c0_i32, %c0_i32_0 : i32, i32
  }
  func.func @transform_11(%arg0: i32) -> (i32, i32) {
    %c0_i32 = arith.constant 0 : i32
    %c0_i32_0 = arith.constant 0 : i32
    return %arg0, %c0_i32 : i32, i32
  }
}

</mosaic_0001>

<sc_bundles>
// kernel: kernel.4.cloned.1.call-start
scs
__scs_entry_jumppad:
0x0: {  	(pc) =	sbr.rel $0x88, $3  }
0x1: {  	(tag) =	ssettag $0x0;
	lr =	simm.s32 $0x1  }
0x2: {  	[smem:$0x3F96] =	sst lr;
	_ =	strace $0xD0000000  }
0x3: {  	_ = 	snop  }
0x4: {  	_ = 	snop  }
0x5: {  	_ = 	snop  }
0x6: {  	_ = 	snop  }
0x7: {  	_ = 	snop  }
__scs_overlays_trampoline_lowered:
0x8: {  	[smem:$0x3FA5] =	sst s0  }
0x9: {  	[smem:$0x3FA6] =	sst s1  }
0xa: {  	[smem:$0x3FA7] =	sst s2  }
0xb: {  	[smem:$0x3FA8] =	sst s3  }
0xc: {  	[smem:$0x3FA9] =	sst s4  }
0xd: {  	[smem:$0x3FAA] =	sst s5  }
0xe: {  	[smem:$0x3FAB] =	sst s6  }
0xf: {  	[smem:$0x3FAC] =	sst s7  }
0x10: {  	[smem:$0x3FAD] =	sst s8  }
0x11: {  	[smem:$0x3FAE] =	sst s9;
	s0 =	simm.s32 @!p0 $0x0  }
0x12: {  	s1 =	sld [smem:$0x3F94];
	s0 =	simm.s32 @p0 $0x1  }
0x13: {  	[smem:$0x3FAF] =	sst s0;
	s0 =	simm.s32 @!p1 $0x0  }
0x14: {  	s2 =	sld [smem:$0x3F93];
	s0 =	simm.s32 @p1 $0x1  }
0x15: {  	[smem:$0x3FB0] =	sst s0;
	s0 =	simm.s32 @!p2 $0x0  }
0x16: {  	s3 =	sld [smem:$0x3FDB];
	s0 =	simm.s32 @p2 $0x1  }
0x17: {  	s4 =	simm.s32 $0x1BF5;
	[smem:$0x3FB2] =	sst s0  }
0x18: {  	s0 =	sld [smem:$0x3F95];
	_ =	swait.ge [sflag:s4], $0x0  }
0x19: {  	s7 =	sld [smem:$0x3F96]  }
0x1a: {  	s8 =	sadd.s32 $0xFFFFE003, lr  }
0x1b: {  	s9 =	sadd.s32 $0xFFFFFEF7, lr;
	s5 =	simm.s32 $0xFFFFFFFF;
	p2 =	slt.u32 s8, $0xFFFFF086  }
0x1c: {  	p1 =	slt.u32 s9, $0xF7A;
	s5 =	simm.s32 @!p2 $0x0  }
0x1d: {  	s5 =	simm.s32 @p1 $0x1;
	p0 =	seq.s32 s7, s2  }
0x1e: {  	s7 =	smul.u32 @!p0 $0xF7A, s2;
	p2 =	seq.s32 @!p0 s5, $0x0  }
0x1f: {  	s9 =	smul.u32 $0xF7A, s1;
	s8 =	simm.s32 @!p0 $0x1BF5;
	p2 =	por !p2, p0  }
0x20: {  	[sflag:s8] =	ssyncset.s32 @!p0 $0xFFFFF086;
	s6 =	sadd.s32 @!p0 s3, s7;
	s7 =	simm.s32 @!p0 $0x108  }
0x21: {  	s3 =	sadd.s32 s3, s9;
	s6 =	sadd.s32 @!p0 $0x88, s6;
	s7 =	simm.s32 @p2 $0x1082  }
0x22: {  	[simem:s7], [sflag:s8] =	dma.local @!p0 [hbm:s6], $0xF7A  }
0x23: {  	s9 =	sor.u32 $0xD0000000, s2;
	s6 =	simm.s32 $0x108;
	_ =	swait.ge @!p0 [sflag:s8], $0x0  }
0x24: {  	s3 =	sadd.s32 $0x88, s3;
	s6 =	simm.s32 @!p1 $0x1082;
	[sflag:s4] =	ssyncset.s32 $0xFFFFF086  }
0x25: {  	[simem:s6], [sflag:s4] =	dma.local [hbm:s3], $0xF7A  }
0x26: {  	[smem:$0x3F96] =	sst s1;
	(tag) =	ssettag s2;
	_ =	strace s9  }
0x27: {  	s1 =	sld [smem:$0x3FA6]  }
0x28: {  	s2 =	sld [smem:$0x3FA7]  }
0x29: {  	s4 =	sld [smem:$0x3FA9]  }
0x2a: {  	p0 =	seq.s32 s5, $0x0;
	s5 =	sld [smem:$0x3FAA]  }
0x2b: {  	s6 =	sld [smem:$0x3FAB]  }
0x2c: {  	s7 =	sld [smem:$0x3FAC]  }
0x2d: {  	s3 =	simm.s32 $0x108;
	s8 =	sld [smem:$0x3FAD]  }
0x2e: {  	s3 =	simm.s32 @!p0 $0x1082;
	s9 =	sld [smem:$0x3FAE]  }
0x2f: {  	lr =	sadd.s32 s0, s3;
	s0 =	sld [smem:$0x3FA5]  }
0x30: {  	s3 =	sld [smem:$0x3FA8]  }
0x31: {  	[smem:$0x3FB1] =	sst s10  }
0x32: {  	s10 =	sld [smem:$0x3FAF];
	_ =	sdelay $0x3  }
0x33: {  	p0 =	seq.s32 s10, $0x1;
	s10 =	sld [smem:$0x3FB1];
	_ =	sdelay $0x3  }
0x34: {  	[smem:$0x3FB1] =	sst s10  }
0x35: {  	s10 =	sld [smem:$0x3FB0];
	_ =	sdelay $0x3  }
0x36: {  	p1 =	seq.s32 s10, $0x1;
	s10 =	sld [smem:$0x3FB1];
	_ =	sdelay $0x3  }
0x37: {  	[smem:$0x3FB1] =	sst s10  }
0x38: {  	s10 =	sld [smem:$0x3FB2]  }
0x39: {  	_ = 	snop;
	(pc) =	sbr.ind lr, $3  }
0x3a: {  	_ = 	snop  }
0x3b: {  	_ = 	snop  }
0x3c: {  	p2 =	seq.s32 s10, $0x1;
	s10 =	sld [smem:$0x3FB1]  }
0x3d: {  	_ =	shalt  }
0x3e: {  	_ =	shalt  }
0x3f: {  	_ =	shalt  }
0x40: {  	_ =	shalt  }
0x41: {  	_ =	shalt  }
0x42: {  	_ =	shalt  }
0x43: {  	_ =	shalt  }
0x44: {  	_ =	shalt  }
0x45: {  	_ =	shalt  }
0x46: {  	_ =	shalt  }
0x47: {  	_ =	shalt  }
0x48: {  	_ =	shalt  }
0x49: {  	_ =	shalt  }
0x4a: {  	_ =	shalt  }
0x4b: {  	_ =	shalt  }
0x4c: {  	_ =	shalt  }
0x4d: {  	_ =	shalt  }
0x4e: {  	_ =	shalt  }
0x4f: {  	_ =	shalt  }
0x50: {  	_ =	shalt  }
0x51: {  	_ =	shalt  }
0x52: {  	_ =	shalt  }
0x53: {  	_ =	shalt  }
0x54: {  	_ =	shalt  }
0x55: {  	_ =	shalt  }
0x56: {  	_ =	shalt  }
0x57: {  	_ =	shalt  }
0x58: {  	_ =	shalt  }
0x59: {  	_ =	shalt  }
0x5a: {  	_ =	shalt  }
0x5b: {  	_ =	shalt  }
0x5c: {  	_ =	shalt  }
0x5d: {  	_ =	shalt  }
0x5e: {  	_ =	shalt  }
0x5f: {  	_ =	shalt  }
0x60: {  	_ =	shalt  }
0x61: {  	_ =	shalt  }
0x62: {  	_ =	shalt  }
0x63: {  	_ =	shalt  }
0x64: {  	_ =	shalt  }
0x65: {  	_ =	shalt  }
0x66: {  	_ =	shalt  }
0x67: {  	_ =	shalt  }
0x68: {  	_ =	shalt  }
0x69: {  	_ =	shalt  }
0x6a: {  	_ =	shalt  }
0x6b: {  	_ =	shalt  }
0x6c: {  	_ =	shalt  }
0x6d: {  	_ =	shalt  }
0x6e: {  	_ =	shalt  }
0x6f: {  	_ =	shalt  }
0x70: {  	_ =	shalt  }
0x71: {  	_ =	shalt  }
0x72: {  	_ =	shalt  }
0x73: {  	_ =	shalt  }
0x74: {  	_ =	shalt  }
0x75: {  	_ =	shalt  }
0x76: {  	_ =	shalt  }
0x77: {  	_ =	shalt  }
0x78: {  	_ =	shalt  }
0x79: {  	_ =	shalt  }
0x7a: {  	_ =	shalt  }
0x7b: {  	_ =	shalt  }
0x7c: {  	_ =	shalt  }
0x7d: {  	_ =	shalt  }
0x7e: {  	_ =	shalt  }
0x7f: {  	_ =	shalt  }
0x80: {  	_ =	shalt  }
0x81: {  	_ =	shalt  }
0x82: {  	_ =	shalt  }
0x83: {  	_ =	shalt  }
0x84: {  	_ =	shalt  }
0x85: {  	_ =	shalt  }
0x86: {  	_ =	shalt  }
0x87: {  	_ =	shalt  }
.Lfunc_end0:
.L_simem_size_0:
called_computation_lowered:
.L_overlay_start_0:
0x88: {  	s2 =	sld [smem:$0x3FD9]  }
0x89: {  	s3 =	sld [smem:$0x3FFE];
	_ =	sdelay $0x1  }
0x8a: {  	s1 =	srdreg.scid  }
0x8b: {  	s0 =	sand.u32 $0x1, s1  }
0x8c: {  	s17 =	sshll.u32 s0, $0xA;
	s2 =	sadd.s32 s3, s2  }
0x8d: {  	s2 =	sadd.s32 s2, s17  }
0x8e: {  	[smem:$0x3FBD] =	sst s2  }
0x8f: {  	_ = 	snop  }
0x90: {  	s2 =	sld [smem:$0x3FC9]  }
0x91: {  	s18 =	sld [smem:$0x3FC8]  }
0x92: {  	s4 =	sld [smem:$0x3FC6]  }
0x93: {  	s5 =	sld [smem:$0x3FC5];
	(tm) =	ssettm $0x1  }
0x94: {  	s6 =	sld [smem:$0x3FFB];
	_ =	sdelay $0x3  }
0x95: {  	_ =	strace s6  }
0x96: {  	s6 =	sld [smem:$0x3FFC];
	_ =	sdelay $0x3  }
0x97: {  	_ =	strace s6  }
0x98: {  	s6 =	sld [smem:$0x3FFD];
	_ =	sdelay $0x3  }
0x99: {  	_ =	strace s6  }
0x9a: {  	_ =	strace $0x8FFFFFFF  }
0x9b: {  	s19 =	sld [smem:$0x3FDB];
	_ =	sdelay $0x1  }
0x9c: {  	s7 =	simm.s32 $_scs_section_size  }
0x9d: {  	s8 =	simm.s32 $_size__tile_overlayer_lowered;
	s9 =	simm.s32 $_tile_overlayer_lowered  }
0x9e: {  	s22 =	simm.s32 $0x1BFF;
	s21 =	sshll.u32 s9, $0x1;
	s6 =	sadd.s32 s7, s19  }
0x9f: {  	s10 =	simm.s32 $0x0;
	s20 =	sshll.u32 s8, $0x1;
	s8 =	sadd.s32 s21, s6  }
0xa0: {  	[timem:s10], [sflag:s22] =	dma.local [hbm:s8], s20  }
0xa1: {  	_ =	swait.ge [sflag:s22], s20  }
0xa2: {  	s7 =	ssub.s32 $0x0, s20;
	[sflag:s22] =	ssyncset.done $0x0  }
0xa3: {  	[sflag:s22] =	ssyncadd.s32 s7;
	_ =	sdelay $0x1  }
0xa4: {  	s23 =	simm.s32 $0x1B8B  }
0xa5: {  	_ =	swait.ge [sflag:s23], $0x1  }
0xa6: {  	[sflag:s23] =	ssyncset.done $0x0  }
0xa7: {  	s25 =	simm.s32 $0x1B8E;
	s24 =	sld [smem:$0x3FFE];
	[sflag:s23] =	ssyncadd.s32 $0xFFFFFFFF  }
0xa8: {  	s26 =	simm.s32 $execute0_lowered;
	[smem:$0x3FD2] =	sst s25  }
0xa9: {  	s8 =	sshll.u32 s26, $0x1;
	_ =	strace $0x80000046;
	[dreg:$0x1] =	wrdreg $0xFFFFFFFF  }
0xaa: {  	s28 =	simm.s32 $_size_execute0_lowered;
	s6 =	sadd.s32 s6, s8;
	[dreg:$0x0] =	wrdreg $0x0  }
0xab: {  	s8 =	sshll.u32 s28, $0x1;
	[dreg:$0x2] =	wrdreg s6  }
0xac: {  	[dreg:$0x3] =	wrdreg s8  }
0xad: {  	[dreg:$0x4] =	wrdreg $0xC0  }
0xae: {  	_ =	task [dreg:s10], $0x5FFFF  }
0xaf: {  	[dreg:$0x1] =	wrdreg $0xFFFFFFFF  }
0xb0: {  	[dreg:$0x0] =	wrdreg $0x60  }
0xb1: {  	[dreg:$0x2] =	wrdreg s4  }
0xb2: {  	[dreg:$0x3] =	wrdreg s5  }
0xb3: {  	[dreg:$0x4] =	wrdreg s24  }
0xb4: {  	[dreg:$0x5] =	wrdreg s2  }
0xb5: {  	[dreg:$0x6] =	wrdreg s18  }
0xb6: {  	[dreg:$0x7] =	wrdreg $0x9  }
0xb7: {  	_ =	task.clear_ibuf [dreg:s10], $0x8FFFF;
	_ =	strace $0x90000046  }
0xb8: {  	s29 =	simm.s32 $0x9;
	_ =	strace $0x80000048  }
0xb9: {  	_ =	swait.ge [sflag:s29], $0x1  }
0xba: {  	[sflag:s29] =	ssyncadd.s32 $0xFFFFFFFF  }
0xbb: {  	_ =	strace $0x90000048  }
0xbc: {  	_ =	sfence  }
0xbd: {  	s30 =	sld [smem:$0x0];
	_ =	sdelay $0x2  }
0xbe: {  	s31 =	sshll.u32 s1, $0xD;
	s1 =	sshrl.u32 s1, $0x2  }
0xbf: {  	s3 =	sand.u32 $0x4000, s31;
	s1 =	sadd.s32 s1, s30  }
0xc0: {  	s0 =	sor.u32 s3, s0;
	s1 =	sshll.u32 s1, $0x11  }
0xc1: {  	s0 =	sor.u32 s1, s0  }
0xc2: {  	s0 =	sadd.s32 $0x8F2B, s0  }
0xc3: {  	[sflag:s0] =	ssyncadd.remote.s32 $0x1  }
0xc4: {  	_ =	sfence.sel $0xFFFF  }
0xc5: {  	[dreg:$0x0] =	wrdreg $0xFFFFFFFF;
	(pc) =	sbr.abs _section_cstart, $3  }
0xc6: {  	[dreg:$0x1] =	wrdreg $0xFFFFFFFF  }
0xc7: {  	_ =	task.clear_ibuf [dreg:s10], $0x2FFFF;
	_ =	strace $0x9FFFFFFF  }
0xc8: {  	(tm) =	ssettm $0x7FFFFFFF  }
0xc9: {  	_ =	shalt  }
tec
execute0_lowered:
.L_overlay_start_1:
0x0: {  	(tag) =	ssettag $0x1  }
0x1: {  	s1 =	rddreg [dreg:$0x0]  }
0x2: {  	s2 =	rddreg [dreg:$0x1]  }
0x3: {  	s0 =	rddreg [dreg:$0x2];
	s5 =	simm.s32 $0x0;
	s3 =	srdreg.scid  }
0x4: {  	s6 =	stileid.u32;
	s14 =	simm.s32 $0x1;
	s28 =	simm.s32 $0x14000  }
0x5: {  	s29 =	simm.s32 $0x18000;
	s30 =	simm.s32 $0x1C000;
	[smem:$0x7FF] =	sst s5  }
0x6: {  	s7 =	sadd.s32 $0x2400, s0;
	s3 =	sand.u32 $0x1, s3;
	s8 =	sadd.s32 $0x1400, s0  }
0x7: {  	s6 =	sshll.u32 s6, $0x1;
	s9 =	sadd.s32 $0x3400, s0;
	s11 =	sadd.s32 $0x43600, s0  }
0x8: {  	s0 =	simm.s32 $0x0;
	_ =	strace $0x80000047;
	s4 =	ssub.s32 $0x2, s3  }
0x9: {  	s10 =	sor.u32 s3, s6;
	s6 =	simm.s32 $0x1;
	s12 =	sshrl.u32 s4, $0x1  }
0xa: {  	s3 =	sor.u32 $0x4000, s10;
	s23 =	ssub.s32 $0x3EF, s10;
	p0 =	seq.s32 s10, $0x10  }
0xb: {  	s24 =	sshll.u32 s10, $0xA;
	s15 =	ssub.s32 $0x80, s10;
	s22 =	ssub.s32 s4, s12  }
0xc: {  	s12 =	sshrl.u32 s23, $0x5;
	s6 =	simm.s32 @!p0 $0x0;
	s25 =	sadd.s32 s1, s24  }
0xd: {  	s26 =	sor.u32 $0x8000, s24;
	p0 =	seq.s32 s10, $0x1;
	s4 =	sadd.s32 s2, s24  }
.Ltmp0:
0xe: {  	s23 =	simm.s32 $0x1F800;
	s24 =	simm.s32 $0x2000;
	(pc) =	sbr.rel .LBB2_1-.Ltmp0, $4  }
0xf: {  	v0 =	vlaneseq.u32;
	s13 =	sadd.s32 s6, s12;
	[dreg:$0x6] =	wrdreg s25;
	s16 =	sadd.s32 s1, s26  }
0x10: {  	v9 =	vimm.s32 $0x0;
	v3 =	vor.u32 $0x10, v0;
	v4 =	vor.u32 $0x20, v0;
	s14 =	simm.s32 @!p0 $0x0;
	[dreg:$0x8] =	wrdreg s4;
	s31 =	sadd.s32 s2, s26  }
0x11: {  	v5 =	vor.u32 $0x30, v0;
	v6 =	vor.u32 $0x40, v0;
	v7 =	vor.u32 $0x50, v0;
	s20 =	smax.u32 s22, $0x1;
	[dreg:$0x7] =	wrdreg s16;
	s16 =	sshrl.u32 s15, $0x5  }
0x12: {  	v8 =	vor.u32 $0x60, v0;
	v2 =	vmov s10;
	v1 =	vmov s3;
	s22 =	simm.s32 $0x4;
	[dreg:$0x9] =	wrdreg s31;
	s17 =	sadd.s32 s14, s16  }
.LBB2_25:
0x13: {  	p0 =	slt.s32 s6, $0x1  }
0x14: {  	s0 =	sadd.s32 $0x1, s0;
	s3 =	simm.s32 @!p0 $0x70  }
0x15: {  	s4 =	simm.s32 @!p0 $0x1F800;
	s6 =	simm.s32 @!p0 $0x1C000;
	p1 =	sne.s32 s0, s20  }
0x16: {  	[hbm4b:s11+s3] =	stream.indirect.scatter @!p0 [tilespmem:s6], [sflag:$0x3], $0x80, s4, s3, $0xb8;
	[tilespmem:$0x1F880] =	vst v63  }
.Ltmp1:
0x17: {  	_ = 	snop;
	(pc) =	sbr.rel @!p1 .LBB2_26-.Ltmp1, $4  }
0x18: {  	s3 =	simm.s32 @!p0 $0x3  }
0x19: {  	_ =	swait.ge @!p0 [sflag:s3], $0x3800  }
0x1a: {  	[sflag:s3] =	ssyncset.done @!p0 $0x0  }
0x1b: {  	[sflag:s3] =	ssyncadd.s32 @!p0 $0xFFFFC800  }
.LBB2_1:
0x1c: {  	s3 =	rddreg [dreg:$0x3];
	s4 =	simm.s32 $0x10000  }
0x1d: {  	[tilespmem:s4], [sflag:$0x4] =	stream.linear.gather [hbm4b:s3+s5], $0x4000, $0x38;
	[tilespmem:$0x1F880] =	vst v63  }
0x1e: {  	_ =	swait.ge [sflag:s22], $0x4000  }
0x1f: {  	[sflag:s22] =	ssyncset.done $0x0  }
0x20: {  	[sflag:s22] =	ssyncadd.s32 $0xFFFFC000  }
0x21: {  	[tilespmem:v0+s23+$0x0] =	vst.idx.msk $0xffff, v1  }
0x22: {  	[tilespmem:v3+s23+$0x0] =	vst.idx.msk $0xffff, v1  }
0x23: {  	[tilespmem:v4+s23+$0x0] =	vst.idx.msk $0xffff, v1  }
0x24: {  	[tilespmem:v5+s23+$0x0] =	vst.idx.msk $0xffff, v1  }
0x25: {  	[tilespmem:v6+s23+$0x0] =	vst.idx.msk $0xffff, v1  }
0x26: {  	[tilespmem:v7+s23+$0x0] =	vst.idx.msk $0xffff, v1  }
0x27: {  	s26 =	simm.s32 $0x7A1400;
	s6 =	simm.s32 $0x8000;
	s25 =	rddreg [dreg:$0x6];
	[tilespmem:v8+s23+$0x0] =	vst.idx.msk $0xffff, v1  }
0x28: {  	[tilespmem:s5], [sflag:$0x1] =	stream.strided.gather [hbm4b:s25+s24], $0x8000, s26, s24, $0x38;
	[tilespmem:$0x1F880] =	vst v63  }
0x29: {  	s3 =	simm.s32 $0x10020;
	s4 =	simm.s32 $0x0;
	s31 =	rddreg [dreg:$0x7]  }
0x2a: {  	v10 =	vimm.s32 $0x0;
	[tilespmem:s6], [sflag:$0x2] =	stream.strided.gather [hbm4b:s31+s24], $0x8000, s26, s24, $0x38;
	[tilespmem:$0x1F880] =	vst v63  }
.LBB2_2:
0x2b: {  	v11 =	vld [tilespmem:s3+$0xFFFFFFE0];
	_ =	sdelay $0x4  }
0x2c: {  	v12 =	vshrl.u32 v11, $0xA  }
0x2d: {  	v12 =	vand.u32 $0x1F, v12  }
0x2e: {  	vm0 =	veq.s32 v12, v2  }
0x2f: {  	v12 =	vsel vm0, $0x1, v9  }
0x30: {  	(xrf0) =	vadd.scan.msk.s32 $0xffff, v12;
	_ =	sdelay $0x5  }
0x31: {  	v12, _, _ =	vpop (xrf0)  }
0x32: {  	v12 =	vadd.s32 v12, v10  }
0x33: {  	v13 =	vshll.u32 v11, $0xE;
	v12 =	vadd.s32 $0xFFFFFFFF, v12  }
0x34: {  	v11 =	vshll.u32 v11, $0x9;
	v13 =	vand.u32 $0xFFC000, v13  }
0x35: {  	v11 =	vand.u32 $0xFF000000, v11;
	v13 =	vor.u32 s4, v13  }
0x36: {  	v11 =	vor.u32 v11, v13  }
0x37: {  	v11 =	vor.u32 v0, v11  }
0x38: {  	[tilespmem:v12+s28+$0x0] =	vst.idx.msk vm0, v11  }
0x39: {  	v11 =	vld [tilespmem:s3+$0xFFFFFFF0];
	_ =	sdelay $0x4  }
0x3a: {  	v51 =	vshrl.u32 v11, $0xA  }
0x3b: {  	v12 =	vand.u32 $0x1F, v51  }
0x3c: {  	vm1 =	veq.s32 v12, v2  }
0x3d: {  	v12 =	vsel vm1, $0x1, v9  }
0x3e: {  	(xrf0) =	vadd.scan.msk.s32 $0xffff, v12;
	_ =	sdelay $0x3  }
0x3f: {  	v52 =	vmpcnt.ones.xlane vm0;
	_ =	sdelay $0x1  }
0x40: {  	v10 =	vadd.s32 v10, v52;
	v53, _, _ =	vpop (xrf0)  }
0x41: {  	v12 =	vadd.s32 v53, v10  }
0x42: {  	v54 =	vshll.u32 v11, $0xE;
	v12 =	vadd.s32 $0xFFFFFFFF, v12  }
0x43: {  	s6 =	sadd.s32 $0x10, s4;
	v11 =	vshll.u32 v11, $0x9;
	v13 =	vand.u32 $0xFFC000, v54  }
0x44: {  	v11 =	vand.u32 $0xFF000000, v11;
	v13 =	vor.u32 s6, v13  }
0x45: {  	v11 =	vor.u32 v11, v13  }
0x46: {  	v11 =	vor.u32 v0, v11  }
0x47: {  	[tilespmem:v12+s28+$0x0] =	vst.idx.msk vm1, v11  }
0x48: {  	v11 =	vld [tilespmem:s3+$0x0];
	_ =	sdelay $0x4  }
0x49: {  	v55 =	vshrl.u32 v11, $0xA  }
0x4a: {  	v12 =	vand.u32 $0x1F, v55  }
0x4b: {  	vm14 =	veq.s32 v12, v2  }
0x4c: {  	v12 =	vsel vm14, $0x1, v9  }
0x4d: {  	(xrf0) =	vadd.scan.msk.s32 $0xffff, v12;
	_ =	sdelay $0x3  }
0x4e: {  	v56 =	vmpcnt.ones.xlane vm1;
	_ =	sdelay $0x1  }
0x4f: {  	v10 =	vadd.s32 v10, v56;
	v57, _, _ =	vpop (xrf0)  }
0x50: {  	v12 =	vadd.s32 v57, v10  }
0x51: {  	v58 =	vshll.u32 v11, $0xE;
	v12 =	vadd.s32 $0xFFFFFFFF, v12  }
0x52: {  	s26 =	sadd.s32 $0x20, s4;
	v11 =	vshll.u32 v11, $0x9;
	v13 =	vand.u32 $0xFFC000, v58  }
0x53: {  	v11 =	vand.u32 $0xFF000000, v11;
	v13 =	vor.u32 s26, v13  }
0x54: {  	v11 =	vor.u32 v11, v13  }
0x55: {  	v11 =	vor.u32 v0, v11  }
0x56: {  	[tilespmem:v12+s28+$0x0] =	vst.idx.msk vm14, v11  }
0x57: {  	v11 =	vld [tilespmem:s3+$0x10];
	_ =	sdelay $0x4  }
0x58: {  	v59 =	vshrl.u32 v11, $0xA  }
0x59: {  	v12 =	vand.u32 $0x1F, v59  }
0x5a: {  	vm15 =	veq.s32 v12, v2  }
0x5b: {  	v12 =	vsel vm15, $0x1, v9  }
0x5c: {  	(xrf0) =	vadd.scan.msk.s32 $0xffff, v12;
	_ =	sdelay $0x3  }
0x5d: {  	v60 =	vmpcnt.ones.xlane vm14;
	_ =	sdelay $0x1  }
0x5e: {  	v10 =	vadd.s32 v10, v60;
	v61, _, _ =	vpop (xrf0)  }
0x5f: {  	v12 =	vadd.s32 v61, v10  }
0x60: {  	p0 =	seq.s32 s4, $0x3FC0;
	v62 =	vshll.u32 v11, $0xE;
	v12 =	vadd.s32 $0xFFFFFFFF, v12  }
.Ltmp2:
0x61: {  	s31 =	sadd.s32 $0x30, s4;
	v11 =	vshll.u32 v11, $0x9;
	v13 =	vand.u32 $0xFFC000, v62;
	(pc) =	sbr.rel @!p0 .LBB2_2-.Ltmp2, $4  }
0x62: {  	v11 =	vand.u32 $0xFF000000, v11;
	v13 =	vor.u32 s31, v13  }
0x63: {  	v11 =	vor.u32 v11, v13;
	v63 =	vmpcnt.ones.xlane vm15  }
0x64: {  	v11 =	vor.u32 v0, v11  }
0x65: {  	s4 =	sadd.s32 $0x40, s4;
	s3 =	sadd.s32 $0x40, s3;
	v10 =	vadd.s32 v10, v63;
	[tilespmem:v12+s28+$0x0] =	vst.idx.msk vm15, v11  }
0x66: {  	v11 =	vadd.s32 $0x1F, v10  }
0x67: {  	v11 =	vshra.s32 v11, $0x5  }
0x68: {  	v11 =	vxor.u32 $0x80000000, v11  }
0x69: {  	(xrf0) =	vmax.scan.msk.u32 $0xffff, v11;
	_ =	sdelay $0x5  }
0x6a: {  	v11, _, _ =	vpop (xrf0)  }
0x6b: {  	(v2sf) =	vpush v11, $0xF;
	_ =	sdelay $0xc  }
.Ltmp3:
0x6c: {  	_ = 	snop;
	(pc) =	sbr.rel .LBB2_4-.Ltmp3, $4  }
0x6d: {  	_ = 	snop  }
0x6e: {  	s3 =	spop (v2sf)  }
0x6f: {  	s3 =	sxor.u32 $0x80000000, s3  }
0x70: {  	s6 =	simm.s32 $0x0;
	s4 =	simm.s32 $0x0;
	p0 =	slt.s32 s3, $0x1  }
.LBB2_11:
0x71: {  	[sflag:s15] =	ssyncset.done @!p3 $0x0  }
0x72: {  	[sflag:s15] =	ssyncadd.s32 @!p3 $0xFFFFC800  }
.LBB2_12:
0x73: {  	s14 =	sadd.s32 $0x2, s4  }
0x74: {  	p3 =	seq.s32 s21, $0x0;
	p2 =	slt.u32 s14, s13  }
0x75: {  	s15 =	sshll.u32 s14, $0x5;
	p3 =	por !p2, !p3  }
0x76: {  	p6 =	sne.s32 s14, s12;
	p5 =	por !p3, !p3;
	p3 =	seq.s32 s14, s12  }
0x77: {  	s15 =	sor.u32 s10, s15;
	p1 =	por !p2, !p1;
	p4 =	por !p5, p3  }
0x78: {  	p1 =	por !p1, !p1;
	s18 =	sshll.u32 @!p4 s15, $0xA;
	s19 =	simm.s32 @!p4 $0x2000  }
0x79: {  	p5 =	por !p5, !p5;
	s21 =	simm.s32 @!p4 $0x7A1400;
	s18 =	sand.u32 @!p4 $0x1FFFFC00, s18  }
0x7a: {  	s25 =	simm.s32 @!p4 $0x0;
	p5 =	por p6, p5;
	s18 =	sadd.s32 @!p4 s1, s18  }
0x7b: {  	[tilespmem:s25], [sflag:$0x1] =	stream.strided.gather @!p4 [hbm4b:s18+s19], $0x8000, s21, s19, $0x38;
	[tilespmem:$0x1F880] =	vst v63  }
0x7c: {  	p2 =	por !p1, p3;
	s14 =	simm.s32 @!p5 $0x0  }
0x7d: {  	[tilespmem:s14], [sflag:$0x1] =	stream.linear.gather @!p5 [hbm4b:s7+s14], $0x8000, $0x38;
	[tilespmem:$0x1F880] =	vst v63  }
0x7e: {  	p1 =	por !p1, !p1;
	s14 =	sshll.u32 @!p2 s15, $0xA  }
0x7f: {  	p1 =	por p6, p1;
	s18 =	simm.s32 @!p2 $0x7A1400;
	s14 =	sand.u32 @!p2 $0x1FFFFC00, s14  }
0x80: {  	s19 =	simm.s32 @!p2 $0x8000;
	s15 =	simm.s32 @!p2 $0x2000;
	s14 =	sadd.s32 @!p2 s1, s14  }
0x81: {  	[tilespmem:s19], [sflag:$0x2] =	stream.strided.gather @!p2 [hbm4b:s14+s15], $0x8000, s18, s15, $0x38;
	[tilespmem:$0x1F880] =	vst v63  }
0x82: {  	s4 =	sadd.s32 $0x1, s4;
	s14 =	simm.s32 @!p1 $0x0;
	s15 =	simm.s32 @!p1 $0x8000  }
0x83: {  	[tilespmem:s15], [sflag:$0x2] =	stream.linear.gather @!p1 [hbm4b:s7+s14], $0x8000, $0x38;
	[tilespmem:$0x1F880] =	vst v63  }
0x84: {  	p1 =	slt.u32 s4, s13  }
.Ltmp4:
0x85: {  	_ = 	snop;
	(pc) =	sbr.rel @!p1 .LBB2_13-.Ltmp4, $1  }
0x86: {  	_ =	sdelay $0x3  }
.LBB2_4:
0x87: {  	s21 =	sand.u32 $0x1, s4  }
.Ltmp5:
0x88: {  	s14 =	simm.s32 $0x2;
	p1 =	seq.s32 s21, $0x1;
	(pc) =	sbr.rel @p0 .LBB2_5-.Ltmp5, $4  }
0x89: {  	s14 =	simm.s32 @!p1 $0x1  }
0x8a: {  	_ =	swait.ge [sflag:s14], $0x8000  }
0x8b: {  	[sflag:s14] =	ssyncset.done $0x0  }
0x8c: {  	[sflag:s14] =	ssyncadd.s32 $0xFFFF8000  }
0x8d: {  	s14 =	sshll.u32 s4, $0x5  }
0x8e: {  	p2 =	seq.s32 s4, s12;
	s14 =	sshra.s32 s14, $0x5  }
0x8f: {  	s14 =	simm.s32 @p2 $0x1E  }
0x90: {  	v11 =	vimm.s32 $0x0;
	s25 =	simm.s32 $0x10;
	s26 =	smov.u32 s3;
	v12 =	vmov s14;
	s14 =	simm.s32 $0x14010  }
.LBB2_7:
0x91: {  	v13 =	vld [tilespmem:s14+$0xFFFFFFF0];
	_ =	sdelay $0x3  }
0x92: {  	s15 =	sadd.s32 $0xFFFFFFF0, s25  }
0x93: {  	v14 =	vor.u32 s15, v0;
	v15 =	vshra.s32 v13, $0x18  }
0x94: {  	vm0 =	vlt.s32 v14, v10;
	vm1 =	veq.s32 v15, v12  }
0x95: {  	vm0 =	vmand vm0, vm1  }
0x96: {  	v14 =	vsel vm0, $0x1, v9  }
0x97: {  	(xrf0) =	vadd.scan.msk.s32 $0xffff, v14;
	_ =	sdelay $0x5  }
0x98: {  	v14, _, _ =	vpop (xrf0)  }
0x99: {  	v14 =	vadd.s32 v14, v11  }
0x9a: {  	v14 =	vadd.s32 $0xFFFFFFFF, v14;
	_ =	sdelay $0x4  }
0x9b: {  	[tilespmem:v14+s29+$0x0] =	vst.idx.msk vm0, v13  }
0x9c: {  	v13 =	vld [tilespmem:s14+$0x0];
	_ =	sdelay $0x4  }
0x9d: {  	v14 =	vor.u32 s25, v0;
	v15 =	vshra.s32 v13, $0x18  }
0x9e: {  	vm15 =	vlt.s32 v14, v10;
	vm2 =	veq.s32 v15, v12  }
0x9f: {  	vm1 =	vmand vm15, vm2  }
0xa0: {  	v14 =	vsel vm1, $0x1, v9  }
0xa1: {  	(xrf0) =	vadd.scan.msk.s32 $0xffff, v14;
	_ =	sdelay $0x1  }
0xa2: {  	v14 =	vmpcnt.ones.xlane vm0;
	_ =	sdelay $0x3  }
0xa3: {  	v11 =	vadd.s32 v11, v14;
	v14, _, _ =	vpop (xrf0)  }
0xa4: {  	v14 =	vadd.s32 v14, v11  }
0xa5: {  	p2 =	sne.s32 s26, $0x1;
	v14 =	vadd.s32 $0xFFFFFFFF, v14  }
.Ltmp6:
0xa6: {  	_ = 	snop;
	(pc) =	sbr.rel @p2 .LBB2_7-.Ltmp6, $3  }
0xa7: {  	_ = 	snop  }
0xa8: {  	v15 =	vmpcnt.ones.xlane vm1;
	_ =	sdelay $0x1  }
0xa9: {  	s26 =	sadd.s32 $0xFFFFFFFF, s26;
	s25 =	sadd.s32 $0x20, s25;
	s14 =	sadd.s32 $0x20, s14;
	v11 =	vadd.s32 v11, v15;
	[tilespmem:v14+s29+$0x0] =	vst.idx.msk vm1, v13  }
.Ltmp7:
0xaa: {  	_ = 	snop;
	(pc) =	sbr.rel .LBB2_8-.Ltmp7, $1  }
0xab: {  	_ =	sdelay $0x3  }
.LBB2_5:
0xac: {  	v11 =	vimm.s32 $0x0  }
.LBB2_8:
0xad: {  	v12 =	vxor.u32 $0x80000000, v11  }
0xae: {  	(xrf0) =	vmax.scan.msk.u32 $0xffff, v12;
	_ =	sdelay $0x5  }
0xaf: {  	v12, _, _ =	vpop (xrf0)  }
0xb0: {  	(v2sf) =	vpush v12, $0xF;
	_ =	sdelay $0xe  }
0xb1: {  	s14 =	spop (v2sf)  }
0xb2: {  	s14 =	sadd.s32 $0x8000000F, s14  }
0xb3: {  	s14 =	sshra.s32 s14, $0x4  }
0xb4: {  	p2 =	slt.s32 s14, $0x1  }
.Ltmp8:
0xb5: {  	_ = 	snop;
	(pc) =	sbr.rel @p2 .LBB2_12-.Ltmp8, $1  }
0xb6: {  	_ =	sdelay $0x3  }
0xb7: {  	s25 =	simm.s32 $0x18000  }
0xb8: {  	v16 =	vld [tilespmem:s25+$0x0];
	_ =	sdelay $0x3  }
0xb9: {  	s15 =	simm.s32 $0x0  }
0xba: {  	v12 =	vor.u32 s15, v0;
	v13 =	vshrl.u32 v16, $0xE  }
0xbb: {  	vm0 =	vlt.s32 v12, v11;
	v12 =	vand.u32 $0x3FF, v13  }
0xbc: {  	v18 =	vnsel vm0, $0x0, v12  }
0xbd: {  	s31 =	sshll.u32 s21, $0xF;
	v13 =	vshll.u32 v18, $0x3  }
0xbe: {  	v12 =	vmov s31;
	v20 =	vand.u32 $0x1C00, v13  }
0xbf: {  	v21 =	vand.u32 $0x7F, v18;
	v13 =	vor.u32 v12, v20  }
0xc0: {  	v14 =	vor.u32 v21, v13;
	_ =	sdelay $0x3  }
0xc1: {  	v17 =	vadd.s32 s6, v0  }
0xc2: {  	v19 =	vshll.u32 v17, $0x7;
	v15 =	vld.idx.msk [tilespmem:v14+s5+$0x0], $0xffff  }
0xc3: {  	v22 =	vor.u32 $0x80, v14;
	_ =	sdelay $0x3  }
0xc4: {  	[tilespmem:v19+s30+$0x0] =	vst.idx.msk $0xffff, v15  }
0xc5: {  	v49 =	vor.u32 $0x1, v19;
	v15 =	vld.idx.msk [tilespmem:v22+s5+$0x0], $0xffff  }
0xc6: {  	v23 =	vor.u32 $0x100, v14;
	_ =	sdelay $0x3  }
0xc7: {  	[tilespmem:v49+s30+$0x0] =	vst.idx.msk $0xffff, v15  }
0xc8: {  	v50 =	vor.u32 $0x2, v19;
	v15 =	vld.idx.msk [tilespmem:v23+s5+$0x0], $0xffff  }
0xc9: {  	v51 =	vor.u32 $0x180, v14;
	_ =	sdelay $0x3  }
0xca: {  	[tilespmem:v50+s30+$0x0] =	vst.idx.msk $0xffff, v15  }
0xcb: {  	v52 =	vor.u32 $0x3, v19;
	v15 =	vld.idx.msk [tilespmem:v51+s5+$0x0], $0xffff  }
0xcc: {  	v53 =	vor.u32 $0x200, v14;
	_ =	sdelay $0x3  }
0xcd: {  	[tilespmem:v52+s30+$0x0] =	vst.idx.msk $0xffff, v15  }
0xce: {  	v54 =	vor.u32 $0x4, v19;
	v15 =	vld.idx.msk [tilespmem:v53+s5+$0x0], $0xffff  }
0xcf: {  	v55 =	vor.u32 $0x280, v14;
	_ =	sdelay $0x3  }
0xd0: {  	[tilespmem:v54+s30+$0x0] =	vst.idx.msk $0xffff, v15  }
0xd1: {  	v56 =	vor.u32 $0x5, v19;
	v15 =	vld.idx.msk [tilespmem:v55+s5+$0x0], $0xffff  }
0xd2: {  	v14 =	vor.u32 $0x300, v14;
	_ =	sdelay $0x3  }
0xd3: {  	[tilespmem:v56+s30+$0x0] =	vst.idx.msk $0xffff, v15  }
0xd4: {  	v13 =	vor.u32 v18, v13;
	v15 =	vor.u32 $0x6, v19;
	v14 =	vld.idx.msk [tilespmem:v14+s5+$0x0], $0xffff  }
0xd5: {  	v57 =	vor.u32 $0x380, v13;
	_ =	sdelay $0x3  }
0xd6: {  	v13 =	vor.u32 $0x2000, v12;
	[tilespmem:v15+s30+$0x0] =	vst.idx.msk $0xffff, v14  }
0xd7: {  	v58 =	vor.u32 $0x7, v19;
	v14 =	vor.u32 v13, v20;
	v15 =	vld.idx.msk [tilespmem:v57+s5+$0x0], $0xffff  }
0xd8: {  	v59 =	vor.u32 v14, v21;
	_ =	sdelay $0x3  }
0xd9: {  	[tilespmem:v58+s30+$0x0] =	vst.idx.msk $0xffff, v15  }
0xda: {  	v60 =	vor.u32 $0x8, v19;
	v15 =	vld.idx.msk [tilespmem:v59+s5+$0x0], $0xffff  }
0xdb: {  	v24 =	vor.u32 $0x80, v59;
	_ =	sdelay $0x3  }
0xdc: {  	[tilespmem:v60+s30+$0x0] =	vst.idx.msk $0xffff, v15  }
0xdd: {  	v61 =	vor.u32 $0x9, v19;
	v15 =	vld.idx.msk [tilespmem:v24+s5+$0x0], $0xffff  }
0xde: {  	v62 =	vor.u32 $0x100, v59;
	_ =	sdelay $0x3  }
0xdf: {  	[tilespmem:v61+s30+$0x0] =	vst.idx.msk $0xffff, v15  }
0xe0: {  	v63 =	vor.u32 $0xA, v19;
	v15 =	vld.idx.msk [tilespmem:v62+s5+$0x0], $0xffff  }
0xe1: {  	v28 =	vor.u32 $0x180, v59;
	_ =	sdelay $0x3  }
0xe2: {  	[tilespmem:v63+s30+$0x0] =	vst.idx.msk $0xffff, v15  }
0xe3: {  	v29 =	vor.u32 $0xB, v19;
	v15 =	vld.idx.msk [tilespmem:v28+s5+$0x0], $0xffff  }
0xe4: {  	v30 =	vor.u32 $0x200, v59;
	_ =	sdelay $0x3  }
0xe5: {  	[tilespmem:v29+s30+$0x0] =	vst.idx.msk $0xffff, v15  }
0xe6: {  	v31 =	vor.u32 $0xC, v19;
	v15 =	vld.idx.msk [tilespmem:v30+s5+$0x0], $0xffff  }
0xe7: {  	v32 =	vor.u32 $0x280, v59;
	_ =	sdelay $0x3  }
0xe8: {  	[tilespmem:v31+s30+$0x0] =	vst.idx.msk $0xffff, v15  }
0xe9: {  	v33 =	vor.u32 $0xD, v19;
	v15 =	vld.idx.msk [tilespmem:v32+s5+$0x0], $0xffff  }
0xea: {  	v23 =	vor.u32 $0x300, v59;
	_ =	sdelay $0x3  }
0xeb: {  	[tilespmem:v33+s30+$0x0] =	vst.idx.msk $0xffff, v15  }
0xec: {  	v34 =	vor.u32 $0xE, v19;
	v14 =	vor.u32 v14, v18;
	v15 =	vld.idx.msk [tilespmem:v23+s5+$0x0], $0xffff  }
0xed: {  	v35 =	vor.u32 $0x380, v14;
	_ =	sdelay $0x3  }
0xee: {  	v14 =	vor.u32 $0x4000, v12;
	[tilespmem:v34+s30+$0x0] =	vst.idx.msk $0xffff, v15  }
0xef: {  	v36 =	vor.u32 $0xF, v19;
	v15 =	vor.u32 v14, v20;
	v22 =	vld.idx.msk [tilespmem:v35+s5+$0x0], $0xffff  }
0xf0: {  	v37 =	vor.u32 v15, v21;
	_ =	sdelay $0x3  }
0xf1: {  	[tilespmem:v36+s30+$0x0] =	vst.idx.msk $0xffff, v22  }
0xf2: {  	v38 =	vor.u32 $0x10, v19;
	v22 =	vld.idx.msk [tilespmem:v37+s5+$0x0], $0xffff  }
0xf3: {  	v25 =	vor.u32 $0x80, v37;
	_ =	sdelay $0x3  }
0xf4: {  	[tilespmem:v38+s30+$0x0] =	vst.idx.msk $0xffff, v22  }
0xf5: {  	v39 =	vor.u32 $0x11, v19;
	v22 =	vld.idx.msk [tilespmem:v25+s5+$0x0], $0xffff  }
0xf6: {  	v40 =	vor.u32 $0x100, v37;
	_ =	sdelay $0x3  }
0xf7: {  	[tilespmem:v39+s30+$0x0] =	vst.idx.msk $0xffff, v22  }
0xf8: {  	v41 =	vor.u32 $0x12, v19;
	v22 =	vld.idx.msk [tilespmem:v40+s5+$0x0], $0xffff  }
0xf9: {  	v42 =	vor.u32 $0x180, v37;
	_ =	sdelay $0x3  }
0xfa: {  	[tilespmem:v41+s30+$0x0] =	vst.idx.msk $0xffff, v22  }
0xfb: {  	v43 =	vor.u32 $0x13, v19;
	v22 =	vld.idx.msk [tilespmem:v42+s5+$0x0], $0xffff  }
0xfc: {  	v44 =	vor.u32 $0x200, v37;
	_ =	sdelay $0x3  }
0xfd: {  	[tilespmem:v43+s30+$0x0] =	vst.idx.msk $0xffff, v22  }
0xfe: {  	v45 =	vor.u32 $0x14, v19;
	v22 =	vld.idx.msk [tilespmem:v44+s5+$0x0], $0xffff  }
0xff: {  	v46 =	vor.u32 $0x280, v37;
	_ =	sdelay $0x3  }
0x100: {  	[tilespmem:v45+s30+$0x0] =	vst.idx.msk $0xffff, v22  }
0x101: {  	v47 =	vor.u32 $0x15, v19;
	v22 =	vld.idx.msk [tilespmem:v46+s5+$0x0], $0xffff  }
0x102: {  	v24 =	vor.u32 $0x300, v37;
	_ =	sdelay $0x3  }
0x103: {  	[tilespmem:v47+s30+$0x0] =	vst.idx.msk $0xffff, v22  }
0x104: {  	v48 =	vor.u32 $0x16, v19;
	v15 =	vor.u32 v15, v18;
	v22 =	vld.idx.msk [tilespmem:v24+s5+$0x0], $0xffff  }
0x105: {  	v49 =	vor.u32 $0x380, v15;
	_ =	sdelay $0x3  }
0x106: {  	v15 =	vor.u32 $0x6000, v12;
	[tilespmem:v48+s30+$0x0] =	vst.idx.msk $0xffff, v22  }
0x107: {  	v50 =	vor.u32 $0x17, v19;
	v20 =	vor.u32 v15, v20;
	v22 =	vld.idx.msk [tilespmem:v49+s5+$0x0], $0xffff  }
0x108: {  	v21 =	vor.u32 v20, v21;
	_ =	sdelay $0x3  }
0x109: {  	[tilespmem:v50+s30+$0x0] =	vst.idx.msk $0xffff, v22  }
0x10a: {  	v51 =	vor.u32 $0x18, v19;
	v22 =	vld.idx.msk [tilespmem:v21+s5+$0x0], $0xffff  }
0x10b: {  	v52 =	vor.u32 $0x80, v21;
	_ =	sdelay $0x3  }
0x10c: {  	[tilespmem:v51+s30+$0x0] =	vst.idx.msk $0xffff, v22  }
0x10d: {  	v53 =	vor.u32 $0x19, v19;
	v22 =	vld.idx.msk [tilespmem:v52+s5+$0x0], $0xffff  }
0x10e: {  	v54 =	vor.u32 $0x100, v21;
	_ =	sdelay $0x3  }
0x10f: {  	[tilespmem:v53+s30+$0x0] =	vst.idx.msk $0xffff, v22  }
0x110: {  	v55 =	vor.u32 $0x1A, v19;
	v22 =	vld.idx.msk [tilespmem:v54+s5+$0x0], $0xffff  }
0x111: {  	v56 =	vor.u32 $0x180, v21;
	_ =	sdelay $0x3  }
0x112: {  	[tilespmem:v55+s30+$0x0] =	vst.idx.msk $0xffff, v22  }
0x113: {  	v57 =	vor.u32 $0x1B, v19;
	v22 =	vld.idx.msk [tilespmem:v56+s5+$0x0], $0xffff  }
0x114: {  	v58 =	vor.u32 $0x200, v21;
	_ =	sdelay $0x3  }
0x115: {  	[tilespmem:v57+s30+$0x0] =	vst.idx.msk $0xffff, v22  }
0x116: {  	v59 =	vor.u32 $0x1C, v19;
	v22 =	vld.idx.msk [tilespmem:v58+s5+$0x0], $0xffff  }
0x117: {  	v60 =	vor.u32 $0x280, v21;
	_ =	sdelay $0x3  }
0x118: {  	[tilespmem:v59+s30+$0x0] =	vst.idx.msk $0xffff, v22  }
0x119: {  	v61 =	vor.u32 $0x1D, v19;
	v22 =	vld.idx.msk [tilespmem:v60+s5+$0x0], $0xffff  }
0x11a: {  	v21 =	vor.u32 $0x300, v21;
	_ =	sdelay $0x3  }
0x11b: {  	[tilespmem:v61+s30+$0x0] =	vst.idx.msk $0xffff, v22  }
0x11c: {  	v63 =	vor.u32 $0x1E, v19;
	v18 =	vor.u32 v20, v18;
	v62 =	vld.idx.msk [tilespmem:v21+s5+$0x0], $0xffff  }
0x11d: {  	v18 =	vor.u32 $0x380, v18;
	_ =	sdelay $0x3  }
0x11e: {  	[tilespmem:v63+s30+$0x0] =	vst.idx.msk $0xffff, v62  }
0x11f: {  	v19 =	vor.u32 $0x1F, v19;
	v18 =	vld.idx.msk [tilespmem:v18+s5+$0x0], $0xffff;
	_ =	sdelay $0x2  }
0x120: {  	s26 =	sadd.s32 $0xFFFFFFFF, s14  }
0x121: {  	s6 =	sadd.s32 $0x10, s6;
	p2 =	sne.s32 s26, $0x0;
	v16 =	vand.u32 $0x3FFF, v16  }
.Ltmp9:
0x122: {  	p3 =	sne.s32 s6, $0x70;
	v16 =	vsel vm0, v16, v1;
	[tilespmem:v19+s30+$0x0] =	vst.idx.msk $0xffff, v18;
	(pc) =	sbr.rel @!p2 .LBB2_11-.Ltmp9, $4  }
0x123: {  	s14 =	simm.s32 @!p3 $0x70;
	s15 =	simm.s32 @!p3 $0x1F800;
	s31 =	simm.s32 @!p3 $0x1C000;
	[tilespmem:v17+s23+$0x0] =	vst.idx.msk $0xffff, v16  }
0x124: {  	[hbm4b:s9+s14] =	stream.indirect.scatter @!p3 [tilespmem:s31], [sflag:$0x3], $0x80, s15, s14, $0xb8;
	[tilespmem:$0x1F880] =	vst v63  }
0x125: {  	s15 =	simm.s32 @!p3 $0x3  }
0x126: {  	s6 =	simm.s32 @!p3 $0x0;
	s14 =	simm.s32 $0x10;
	_ =	swait.ge @!p3 [sflag:s15], $0x3800  }
.LBB2_10:
0x127: {  	s26 =	sadd.s32 $0xFFFFFFFF, s26;
	[sflag:s15] =	ssyncset.done @!p3 $0x0;
	s25 =	sadd.s32 $0x10, s25  }
0x128: {  	p2 =	sne.s32 s26, $0x0;
	[sflag:s15] =	ssyncadd.s32 @!p3 $0xFFFFC800  }
0x129: {  	v16 =	vld [tilespmem:s25+$0x0];
	_ =	sdelay $0x3  }
0x12a: {  	v17 =	vor.u32 s14, v0  }
0x12b: {  	vm0 =	vlt.s32 v17, v11;
	v17 =	vshrl.u32 v16, $0xE  }
0x12c: {  	v17 =	vand.u32 $0x3FF, v17  }
0x12d: {  	v17 =	vnsel vm0, $0x0, v17  }
0x12e: {  	v18 =	vshll.u32 v17, $0x3  }
0x12f: {  	v24 =	vand.u32 $0x7F, v17;
	v18 =	vand.u32 $0x1C00, v18  }
0x130: {  	v19 =	vor.u32 v12, v18;
	v25 =	vor.u32 v13, v18;
	v26 =	vor.u32 v15, v18  }
0x131: {  	v18 =	vor.u32 v14, v18;
	v27 =	vor.u32 v24, v19;
	v23 =	vor.u32 v25, v17  }
0x132: {  	v22 =	vor.u32 v18, v24;
	v21 =	vor.u32 v18, v17;
	v20 =	vor.u32 v26, v24  }
0x133: {  	v28 =	vor.u32 v17, v19;
	v19 =	vor.u32 v26, v17;
	_ =	sdelay $0x1  }
0x134: {  	v17 =	vadd.s32 s6, v0  }
0x135: {  	v18 =	vshll.u32 v17, $0x7;
	v26 =	vld.idx.msk [tilespmem:v27+s5+$0x0], $0xffff  }
0x136: {  	v29 =	vor.u32 $0x80, v27;
	_ =	sdelay $0x4  }
0x137: {  	[tilespmem:v18+s30+$0x0] =	vst.idx.msk $0xffff, v26  }
0x138: {  	v26 =	vld.idx.msk [tilespmem:v29+s5+$0x0], $0xffff;
	v29 =	vor.u32 $0x1, v18  }
0x139: {  	v30 =	vor.u32 $0x100, v27;
	_ =	sdelay $0x4  }
0x13a: {  	[tilespmem:v29+s30+$0x0] =	vst.idx.msk $0xffff, v26  }
0x13b: {  	v29 =	vor.u32 $0x2, v18;
	v26 =	vld.idx.msk [tilespmem:v30+s5+$0x0], $0xffff  }
0x13c: {  	v30 =	vor.u32 $0x180, v27;
	_ =	sdelay $0x4  }
0x13d: {  	[tilespmem:v29+s30+$0x0] =	vst.idx.msk $0xffff, v26  }
0x13e: {  	v29 =	vor.u32 $0x3, v18;
	v26 =	vld.idx.msk [tilespmem:v30+s5+$0x0], $0xffff  }
0x13f: {  	v30 =	vor.u32 $0x200, v27;
	_ =	sdelay $0x4  }
0x140: {  	[tilespmem:v29+s30+$0x0] =	vst.idx.msk $0xffff, v26  }
0x141: {  	v29 =	vor.u32 $0x4, v18;
	v26 =	vld.idx.msk [tilespmem:v30+s5+$0x0], $0xffff  }
0x142: {  	v30 =	vor.u32 $0x280, v27;
	_ =	sdelay $0x4  }
0x143: {  	[tilespmem:v29+s30+$0x0] =	vst.idx.msk $0xffff, v26  }
0x144: {  	v29 =	vor.u32 $0x5, v18;
	v26 =	vld.idx.msk [tilespmem:v30+s5+$0x0], $0xffff  }
0x145: {  	v27 =	vor.u32 $0x300, v27;
	_ =	sdelay $0x4  }
0x146: {  	[tilespmem:v29+s30+$0x0] =	vst.idx.msk $0xffff, v26  }
0x147: {  	v26 =	vld.idx.msk [tilespmem:v27+s5+$0x0], $0xffff;
	v27 =	vor.u32 $0x6, v18  }
0x148: {  	v28 =	vor.u32 $0x380, v28;
	_ =	sdelay $0x4  }
0x149: {  	[tilespmem:v27+s30+$0x0] =	vst.idx.msk $0xffff, v26  }
0x14a: {  	v27 =	vor.u32 $0x7, v18;
	v26 =	vld.idx.msk [tilespmem:v28+s5+$0x0], $0xffff;
	_ =	sdelay $0x1  }
0x14b: {  	v24 =	vor.u32 v25, v24;
	_ =	sdelay $0x3  }
0x14c: {  	[tilespmem:v27+s30+$0x0] =	vst.idx.msk $0xffff, v26  }
0x14d: {  	v26 =	vor.u32 $0x8, v18;
	v25 =	vld.idx.msk [tilespmem:v24+s5+$0x0], $0xffff  }
0x14e: {  	v27 =	vor.u32 $0x80, v24;
	_ =	sdelay $0x4  }
0x14f: {  	[tilespmem:v26+s30+$0x0] =	vst.idx.msk $0xffff, v25  }
0x150: {  	v26 =	vor.u32 $0x9, v18;
	v25 =	vld.idx.msk [tilespmem:v27+s5+$0x0], $0xffff  }
0x151: {  	v27 =	vor.u32 $0x100, v24;
	_ =	sdelay $0x4  }
0x152: {  	[tilespmem:v26+s30+$0x0] =	vst.idx.msk $0xffff, v25  }
0x153: {  	v26 =	vor.u32 $0xA, v18;
	v25 =	vld.idx.msk [tilespmem:v27+s5+$0x0], $0xffff  }
0x154: {  	v27 =	vor.u32 $0x180, v24;
	_ =	sdelay $0x4  }
0x155: {  	[tilespmem:v26+s30+$0x0] =	vst.idx.msk $0xffff, v25  }
0x156: {  	v26 =	vor.u32 $0xB, v18;
	v25 =	vld.idx.msk [tilespmem:v27+s5+$0x0], $0xffff  }
0x157: {  	v27 =	vor.u32 $0x200, v24;
	_ =	sdelay $0x4  }
0x158: {  	[tilespmem:v26+s30+$0x0] =	vst.idx.msk $0xffff, v25  }
0x159: {  	v26 =	vor.u32 $0xC, v18;
	v25 =	vld.idx.msk [tilespmem:v27+s5+$0x0], $0xffff  }
0x15a: {  	v27 =	vor.u32 $0x280, v24;
	_ =	sdelay $0x4  }
0x15b: {  	[tilespmem:v26+s30+$0x0] =	vst.idx.msk $0xffff, v25  }
0x15c: {  	v26 =	vor.u32 $0xD, v18;
	v25 =	vld.idx.msk [tilespmem:v27+s5+$0x0], $0xffff  }
0x15d: {  	v24 =	vor.u32 $0x300, v24;
	_ =	sdelay $0x4  }
0x15e: {  	[tilespmem:v26+s30+$0x0] =	vst.idx.msk $0xffff, v25  }
0x15f: {  	v25 =	vor.u32 $0xE, v18;
	v24 =	vld.idx.msk [tilespmem:v24+s5+$0x0], $0xffff  }
0x160: {  	v23 =	vor.u32 $0x380, v23;
	_ =	sdelay $0x4  }
0x161: {  	[tilespmem:v25+s30+$0x0] =	vst.idx.msk $0xffff, v24  }
0x162: {  	v24 =	vor.u32 $0xF, v18;
	v23 =	vld.idx.msk [tilespmem:v23+s5+$0x0], $0xffff;
	_ =	sdelay $0x5  }
0x163: {  	[tilespmem:v24+s30+$0x0] =	vst.idx.msk $0xffff, v23  }
0x164: {  	v24 =	vor.u32 $0x10, v18;
	v23 =	vld.idx.msk [tilespmem:v22+s5+$0x0], $0xffff  }
0x165: {  	v25 =	vor.u32 $0x80, v22;
	_ =	sdelay $0x4  }
0x166: {  	[tilespmem:v24+s30+$0x0] =	vst.idx.msk $0xffff, v23  }
0x167: {  	v24 =	vor.u32 $0x11, v18;
	v23 =	vld.idx.msk [tilespmem:v25+s5+$0x0], $0xffff  }
0x168: {  	v25 =	vor.u32 $0x100, v22;
	_ =	sdelay $0x4  }
0x169: {  	[tilespmem:v24+s30+$0x0] =	vst.idx.msk $0xffff, v23  }
0x16a: {  	v24 =	vor.u32 $0x12, v18;
	v23 =	vld.idx.msk [tilespmem:v25+s5+$0x0], $0xffff  }
0x16b: {  	v25 =	vor.u32 $0x180, v22;
	_ =	sdelay $0x4  }
0x16c: {  	[tilespmem:v24+s30+$0x0] =	vst.idx.msk $0xffff, v23  }
0x16d: {  	v24 =	vor.u32 $0x13, v18;
	v23 =	vld.idx.msk [tilespmem:v25+s5+$0x0], $0xffff  }
0x16e: {  	v25 =	vor.u32 $0x200, v22;
	_ =	sdelay $0x4  }
0x16f: {  	[tilespmem:v24+s30+$0x0] =	vst.idx.msk $0xffff, v23  }
0x170: {  	v24 =	vor.u32 $0x14, v18;
	v23 =	vld.idx.msk [tilespmem:v25+s5+$0x0], $0xffff  }
0x171: {  	v25 =	vor.u32 $0x280, v22;
	_ =	sdelay $0x4  }
0x172: {  	[tilespmem:v24+s30+$0x0] =	vst.idx.msk $0xffff, v23  }
0x173: {  	v24 =	vor.u32 $0x15, v18;
	v23 =	vld.idx.msk [tilespmem:v25+s5+$0x0], $0xffff  }
0x174: {  	v22 =	vor.u32 $0x300, v22;
	_ =	sdelay $0x4  }
0x175: {  	[tilespmem:v24+s30+$0x0] =	vst.idx.msk $0xffff, v23  }
0x176: {  	v23 =	vor.u32 $0x16, v18;
	v22 =	vld.idx.msk [tilespmem:v22+s5+$0x0], $0xffff  }
0x177: {  	v21 =	vor.u32 $0x380, v21;
	_ =	sdelay $0x4  }
0x178: {  	[tilespmem:v23+s30+$0x0] =	vst.idx.msk $0xffff, v22  }
0x179: {  	v22 =	vor.u32 $0x17, v18;
	v21 =	vld.idx.msk [tilespmem:v21+s5+$0x0], $0xffff;
	_ =	sdelay $0x5  }
0x17a: {  	[tilespmem:v22+s30+$0x0] =	vst.idx.msk $0xffff, v21  }
0x17b: {  	v22 =	vor.u32 $0x18, v18;
	v21 =	vld.idx.msk [tilespmem:v20+s5+$0x0], $0xffff  }
0x17c: {  	v23 =	vor.u32 $0x80, v20;
	_ =	sdelay $0x4  }
0x17d: {  	[tilespmem:v22+s30+$0x0] =	vst.idx.msk $0xffff, v21  }
0x17e: {  	v22 =	vor.u32 $0x19, v18;
	v21 =	vld.idx.msk [tilespmem:v23+s5+$0x0], $0xffff  }
0x17f: {  	v23 =	vor.u32 $0x100, v20;
	_ =	sdelay $0x4  }
0x180: {  	[tilespmem:v22+s30+$0x0] =	vst.idx.msk $0xffff, v21  }
0x181: {  	v22 =	vor.u32 $0x1A, v18;
	v21 =	vld.idx.msk [tilespmem:v23+s5+$0x0], $0xffff  }
0x182: {  	v23 =	vor.u32 $0x180, v20;
	_ =	sdelay $0x4  }
0x183: {  	[tilespmem:v22+s30+$0x0] =	vst.idx.msk $0xffff, v21  }
0x184: {  	v22 =	vor.u32 $0x1B, v18;
	v21 =	vld.idx.msk [tilespmem:v23+s5+$0x0], $0xffff  }
0x185: {  	v23 =	vor.u32 $0x200, v20;
	_ =	sdelay $0x4  }
0x186: {  	[tilespmem:v22+s30+$0x0] =	vst.idx.msk $0xffff, v21  }
0x187: {  	v22 =	vor.u32 $0x1C, v18;
	v21 =	vld.idx.msk [tilespmem:v23+s5+$0x0], $0xffff  }
0x188: {  	v23 =	vor.u32 $0x280, v20;
	_ =	sdelay $0x4  }
0x189: {  	[tilespmem:v22+s30+$0x0] =	vst.idx.msk $0xffff, v21  }
0x18a: {  	v22 =	vor.u32 $0x1D, v18;
	v21 =	vld.idx.msk [tilespmem:v23+s5+$0x0], $0xffff  }
0x18b: {  	v20 =	vor.u32 $0x300, v20;
	_ =	sdelay $0x4  }
0x18c: {  	[tilespmem:v22+s30+$0x0] =	vst.idx.msk $0xffff, v21  }
0x18d: {  	v21 =	vor.u32 $0x1E, v18;
	v20 =	vld.idx.msk [tilespmem:v20+s5+$0x0], $0xffff  }
0x18e: {  	v19 =	vor.u32 $0x380, v19;
	_ =	sdelay $0x4  }
0x18f: {  	[tilespmem:v21+s30+$0x0] =	vst.idx.msk $0xffff, v20  }
0x190: {  	v18 =	vor.u32 $0x1F, v18;
	v19 =	vld.idx.msk [tilespmem:v19+s5+$0x0], $0xffff;
	_ =	sdelay $0x3  }
0x191: {  	v16 =	vand.u32 $0x3FFF, v16;
	s6 =	sadd.s32 $0x10, s6  }
.Ltmp10:
0x192: {  	v16 =	vsel vm0, v16, v1;
	p3 =	sne.s32 s6, $0x70;
	(pc) =	sbr.rel @p2 .LBB2_10-.Ltmp10, $4  }
0x193: {  	s31 =	simm.s32 @!p3 $0x70;
	s18 =	simm.s32 @!p3 $0x1F800;
	s19 =	simm.s32 @!p3 $0x1C000;
	[tilespmem:v18+s30+$0x0] =	vst.idx.msk $0xffff, v19  }
0x194: {  	s15 =	simm.s32 @!p3 $0x3;
	s6 =	simm.s32 @!p3 $0x0;
	[tilespmem:v17+s23+$0x0] =	vst.idx.msk $0xffff, v16  }
0x195: {  	[hbm4b:s9+s31] =	stream.indirect.scatter @!p3 [tilespmem:s19], [sflag:$0x3], $0x80, s18, s31, $0xb8;
	[tilespmem:$0x1F880] =	vst v63  }
0x196: {  	s14 =	sadd.s32 $0x10, s14;
	_ =	swait.ge @!p3 [sflag:s15], $0x3800  }
.Ltmp11:
0x197: {  	_ = 	snop;
	(pc) =	sbr.rel .LBB2_11-.Ltmp11, $1  }
0x198: {  	_ =	sdelay $0x3  }
.LBB2_13:
0x199: {  	p0 =	slt.s32 s6, $0x1  }
0x19a: {  	s3 =	simm.s32 @!p0 $0x70;
	s4 =	simm.s32 @!p0 $0x1F800;
	s6 =	simm.s32 @!p0 $0x1C000  }
0x19b: {  	[hbm4b:s9+s3] =	stream.indirect.scatter @!p0 [tilespmem:s6], [sflag:$0x3], $0x80, s4, s3, $0xb8;
	[tilespmem:$0x1F880] =	vst v63  }
0x19c: {  	s3 =	simm.s32 @!p0 $0x3  }
0x19d: {  	_ =	swait.ge @!p0 [sflag:s3], $0x3800  }
0x19e: {  	[sflag:s3] =	ssyncset.done @!p0 $0x0  }
0x19f: {  	[sflag:s3] =	ssyncadd.s32 @!p0 $0xFFFFC800  }
0x1a0: {  	s21 =	simm.s32 $0x10000;
	s3 =	simm.s32 $0x0;
	s19 =	rddreg [dreg:$0x4]  }
0x1a1: {  	[tilespmem:s21], [sflag:$0x4] =	stream.linear.gather [hbm4b:s19+s3], $0x4000, $0x38;
	[tilespmem:$0x1F880] =	vst v63  }
0x1a2: {  	_ =	swait.ge [sflag:s22], $0x4000  }
0x1a3: {  	[sflag:s22] =	ssyncset.done $0x0  }
0x1a4: {  	[sflag:s22] =	ssyncadd.s32 $0xFFFFC000  }
0x1a5: {  	[tilespmem:v0+s23+$0x0] =	vst.idx.msk $0xffff, v1  }
0x1a6: {  	[tilespmem:v3+s23+$0x0] =	vst.idx.msk $0xffff, v1  }
0x1a7: {  	[tilespmem:v4+s23+$0x0] =	vst.idx.msk $0xffff, v1  }
0x1a8: {  	[tilespmem:v5+s23+$0x0] =	vst.idx.msk $0xffff, v1  }
0x1a9: {  	[tilespmem:v6+s23+$0x0] =	vst.idx.msk $0xffff, v1  }
0x1aa: {  	[tilespmem:v7+s23+$0x0] =	vst.idx.msk $0xffff, v1  }
0x1ab: {  	s14 =	simm.s32 $0xC3800;
	s25 =	rddreg [dreg:$0x8];
	[tilespmem:v8+s23+$0x0] =	vst.idx.msk $0xffff, v1  }
0x1ac: {  	[tilespmem:s3], [sflag:$0x1] =	stream.strided.gather [hbm4b:s25+s24], $0x8000, s14, s24, $0x38;
	[tilespmem:$0x1F880] =	vst v63  }
0x1ad: {  	s31 =	simm.s32 $0x8000;
	s4 =	simm.s32 $0x10020;
	s26 =	rddreg [dreg:$0x9]  }
0x1ae: {  	v10 =	vimm.s32 $0x0;
	[tilespmem:s31], [sflag:$0x2] =	stream.strided.gather [hbm4b:s26+s24], $0x8000, s14, s24, $0x38;
	[tilespmem:$0x1F880] =	vst v63  }
.LBB2_14:
0x1af: {  	v11 =	vld [tilespmem:s4+$0xFFFFFFE0];
	_ =	sdelay $0x4  }
0x1b0: {  	v12 =	vshrl.u32 v11, $0xA  }
0x1b1: {  	v12 =	vand.u32 $0x1F, v12  }
0x1b2: {  	vm0 =	veq.s32 v12, v2  }
0x1b3: {  	v12 =	vsel vm0, $0x1, v9  }
0x1b4: {  	(xrf0) =	vadd.scan.msk.s32 $0xffff, v12;
	_ =	sdelay $0x5  }
0x1b5: {  	v12, _, _ =	vpop (xrf0)  }
0x1b6: {  	v12 =	vadd.s32 v12, v10  }
0x1b7: {  	v13 =	vshll.u32 v11, $0xE;
	v12 =	vadd.s32 $0xFFFFFFFF, v12  }
0x1b8: {  	v11 =	vshll.u32 v11, $0x9;
	v13 =	vand.u32 $0xFFC000, v13  }
0x1b9: {  	v11 =	vand.u32 $0xFF000000, v11;
	v13 =	vor.u32 s3, v13  }
0x1ba: {  	v11 =	vor.u32 v11, v13  }
0x1bb: {  	v11 =	vor.u32 v0, v11  }
0x1bc: {  	[tilespmem:v12+s28+$0x0] =	vst.idx.msk vm0, v11  }
0x1bd: {  	v11 =	vld [tilespmem:s4+$0xFFFFFFF0];
	_ =	sdelay $0x4  }
0x1be: {  	v51 =	vshrl.u32 v11, $0xA  }
0x1bf: {  	v12 =	vand.u32 $0x1F, v51  }
0x1c0: {  	vm1 =	veq.s32 v12, v2  }
0x1c1: {  	v12 =	vsel vm1, $0x1, v9  }
0x1c2: {  	(xrf0) =	vadd.scan.msk.s32 $0xffff, v12;
	_ =	sdelay $0x3  }
0x1c3: {  	v52 =	vmpcnt.ones.xlane vm0;
	_ =	sdelay $0x1  }
0x1c4: {  	v10 =	vadd.s32 v10, v52;
	v53, _, _ =	vpop (xrf0)  }
0x1c5: {  	v12 =	vadd.s32 v53, v10  }
0x1c6: {  	v54 =	vshll.u32 v11, $0xE;
	v12 =	vadd.s32 $0xFFFFFFFF, v12  }
0x1c7: {  	s6 =	sadd.s32 $0x10, s3;
	v11 =	vshll.u32 v11, $0x9;
	v13 =	vand.u32 $0xFFC000, v54  }
0x1c8: {  	v11 =	vand.u32 $0xFF000000, v11;
	v13 =	vor.u32 s6, v13  }
0x1c9: {  	v11 =	vor.u32 v11, v13  }
0x1ca: {  	v11 =	vor.u32 v0, v11  }
0x1cb: {  	[tilespmem:v12+s28+$0x0] =	vst.idx.msk vm1, v11  }
0x1cc: {  	v11 =	vld [tilespmem:s4+$0x0];
	_ =	sdelay $0x4  }
0x1cd: {  	v55 =	vshrl.u32 v11, $0xA  }
0x1ce: {  	v12 =	vand.u32 $0x1F, v55  }
0x1cf: {  	vm14 =	veq.s32 v12, v2  }
0x1d0: {  	v12 =	vsel vm14, $0x1, v9  }
0x1d1: {  	(xrf0) =	vadd.scan.msk.s32 $0xffff, v12;
	_ =	sdelay $0x3  }
0x1d2: {  	v56 =	vmpcnt.ones.xlane vm1;
	_ =	sdelay $0x1  }
0x1d3: {  	v10 =	vadd.s32 v10, v56;
	v57, _, _ =	vpop (xrf0)  }
0x1d4: {  	v12 =	vadd.s32 v57, v10  }
0x1d5: {  	v58 =	vshll.u32 v11, $0xE;
	v12 =	vadd.s32 $0xFFFFFFFF, v12  }
0x1d6: {  	s26 =	sadd.s32 $0x20, s3;
	v11 =	vshll.u32 v11, $0x9;
	v13 =	vand.u32 $0xFFC000, v58  }
0x1d7: {  	v11 =	vand.u32 $0xFF000000, v11;
	v13 =	vor.u32 s26, v13  }
0x1d8: {  	v11 =	vor.u32 v11, v13  }
0x1d9: {  	v11 =	vor.u32 v0, v11  }
0x1da: {  	[tilespmem:v12+s28+$0x0] =	vst.idx.msk vm14, v11  }
0x1db: {  	v11 =	vld [tilespmem:s4+$0x10];
	_ =	sdelay $0x4  }
0x1dc: {  	v59 =	vshrl.u32 v11, $0xA  }
0x1dd: {  	v12 =	vand.u32 $0x1F, v59  }
0x1de: {  	vm15 =	veq.s32 v12, v2  }
0x1df: {  	v12 =	vsel vm15, $0x1, v9  }
0x1e0: {  	(xrf0) =	vadd.scan.msk.s32 $0xffff, v12;
	_ =	sdelay $0x3  }
0x1e1: {  	v60 =	vmpcnt.ones.xlane vm14;
	_ =	sdelay $0x1  }
0x1e2: {  	v10 =	vadd.s32 v10, v60;
	v61, _, _ =	vpop (xrf0)  }
0x1e3: {  	v12 =	vadd.s32 v61, v10  }
0x1e4: {  	p0 =	seq.s32 s3, $0x3FC0;
	v62 =	vshll.u32 v11, $0xE;
	v12 =	vadd.s32 $0xFFFFFFFF, v12  }
.Ltmp12:
0x1e5: {  	s31 =	sadd.s32 $0x30, s3;
	v11 =	vshll.u32 v11, $0x9;
	v13 =	vand.u32 $0xFFC000, v62;
	(pc) =	sbr.rel @!p0 .LBB2_14-.Ltmp12, $4  }
0x1e6: {  	v11 =	vand.u32 $0xFF000000, v11;
	v13 =	vor.u32 s31, v13  }
0x1e7: {  	v11 =	vor.u32 v11, v13;
	v63 =	vmpcnt.ones.xlane vm15  }
0x1e8: {  	v11 =	vor.u32 v0, v11  }
0x1e9: {  	s3 =	sadd.s32 $0x40, s3;
	s4 =	sadd.s32 $0x40, s4;
	v10 =	vadd.s32 v10, v63;
	[tilespmem:v12+s28+$0x0] =	vst.idx.msk vm15, v11  }
0x1ea: {  	v11 =	vadd.s32 $0x1F, v10  }
0x1eb: {  	v11 =	vshra.s32 v11, $0x5  }
0x1ec: {  	v11 =	vxor.u32 $0x80000000, v11  }
0x1ed: {  	(xrf0) =	vmax.scan.msk.u32 $0xffff, v11;
	_ =	sdelay $0x5  }
0x1ee: {  	v11, _, _ =	vpop (xrf0)  }
0x1ef: {  	(v2sf) =	vpush v11, $0xF;
	_ =	sdelay $0xc  }
.Ltmp13:
0x1f0: {  	_ = 	snop;
	(pc) =	sbr.rel .LBB2_16-.Ltmp13, $4  }
0x1f1: {  	_ = 	snop  }
0x1f2: {  	s3 =	spop (v2sf)  }
0x1f3: {  	s3 =	sxor.u32 $0x80000000, s3  }
0x1f4: {  	s6 =	simm.s32 $0x0;
	s4 =	simm.s32 $0x0;
	p0 =	slt.s32 s3, $0x1  }
.LBB2_23:
0x1f5: {  	[sflag:s15] =	ssyncset.done @!p3 $0x0  }
0x1f6: {  	[sflag:s15] =	ssyncadd.s32 @!p3 $0xFFFFC800  }
.LBB2_24:
0x1f7: {  	s14 =	sadd.s32 $0x2, s4  }
0x1f8: {  	p3 =	seq.s32 s21, $0x0;
	p2 =	slt.u32 s14, s17  }
0x1f9: {  	s15 =	sshll.u32 s14, $0x5;
	p3 =	por !p2, !p3  }
0x1fa: {  	p6 =	sne.s32 s14, s16;
	p5 =	por !p3, !p3;
	p3 =	seq.s32 s14, s16  }
0x1fb: {  	s15 =	sor.u32 s10, s15;
	p1 =	por !p2, !p1;
	p4 =	por !p5, p3  }
0x1fc: {  	p1 =	por !p1, !p1;
	p5 =	por !p5, !p5;
	s18 =	sshll.u32 @!p4 s15, $0xA  }
0x1fd: {  	s19 =	simm.s32 @!p4 $0x2000;
	s21 =	simm.s32 @!p4 $0xC3800;
	s18 =	sand.u32 @!p4 $0x1FFFFC00, s18  }
0x1fe: {  	s25 =	simm.s32 @!p4 $0x0;
	p5 =	por p6, p5;
	s18 =	sadd.s32 @!p4 s2, s18  }
0x1ff: {  	[tilespmem:s25], [sflag:$0x1] =	stream.strided.gather @!p4 [hbm4b:s18+s19], $0x8000, s21, s19, $0x38;
	[tilespmem:$0x1F880] =	vst v63  }
0x200: {  	p2 =	por !p1, p3;
	s14 =	simm.s32 @!p5 $0x0  }
0x201: {  	[tilespmem:s14], [sflag:$0x1] =	stream.linear.gather @!p5 [hbm4b:s8+s14], $0x8000, $0x38;
	[tilespmem:$0x1F880] =	vst v63  }
0x202: {  	p1 =	por !p1, !p1;
	s14 =	sshll.u32 @!p2 s15, $0xA  }
0x203: {  	p1 =	por p6, p1;
	s18 =	simm.s32 @!p2 $0xC3800;
	s14 =	sand.u32 @!p2 $0x1FFFFC00, s14  }
0x204: {  	s19 =	simm.s32 @!p2 $0x8000;
	s15 =	simm.s32 @!p2 $0x2000;
	s14 =	sadd.s32 @!p2 s2, s14  }
0x205: {  	[tilespmem:s19], [sflag:$0x2] =	stream.strided.gather @!p2 [hbm4b:s14+s15], $0x8000, s18, s15, $0x38;
	[tilespmem:$0x1F880] =	vst v63  }
0x206: {  	s4 =	sadd.s32 $0x1, s4;
	s14 =	simm.s32 @!p1 $0x0;
	s15 =	simm.s32 @!p1 $0x8000  }
0x207: {  	[tilespmem:s15], [sflag:$0x2] =	stream.linear.gather @!p1 [hbm4b:s8+s14], $0x8000, $0x38;
	[tilespmem:$0x1F880] =	vst v63  }
0x208: {  	p1 =	slt.u32 s4, s17  }
.Ltmp14:
0x209: {  	_ = 	snop;
	(pc) =	sbr.rel @!p1 .LBB2_25-.Ltmp14, $1  }
0x20a: {  	_ =	sdelay $0x3  }
.LBB2_16:
0x20b: {  	s21 =	sand.u32 $0x1, s4  }
.Ltmp15:
0x20c: {  	s14 =	simm.s32 $0x2;
	p1 =	seq.s32 s21, $0x1;
	(pc) =	sbr.rel @p0 .LBB2_17-.Ltmp15, $4  }
0x20d: {  	s14 =	simm.s32 @!p1 $0x1  }
0x20e: {  	_ =	swait.ge [sflag:s14], $0x8000  }
0x20f: {  	[sflag:s14] =	ssyncset.done $0x0  }
0x210: {  	[sflag:s14] =	ssyncadd.s32 $0xFFFF8000  }
0x211: {  	s14 =	sshll.u32 s4, $0x5  }
0x212: {  	p2 =	seq.s32 s4, s16;
	s14 =	sshra.s32 s14, $0x5  }
0x213: {  	s14 =	simm.s32 @p2 $0x3  }
0x214: {  	v11 =	vimm.s32 $0x0;
	s25 =	simm.s32 $0x10;
	s26 =	smov.u32 s3;
	v12 =	vmov s14;
	s14 =	simm.s32 $0x14010  }
.LBB2_19:
0x215: {  	v13 =	vld [tilespmem:s14+$0xFFFFFFF0];
	_ =	sdelay $0x3  }
0x216: {  	s15 =	sadd.s32 $0xFFFFFFF0, s25  }
0x217: {  	v14 =	vor.u32 s15, v0;
	v15 =	vshra.s32 v13, $0x18  }
0x218: {  	vm0 =	vlt.s32 v14, v10;
	vm1 =	veq.s32 v15, v12  }
0x219: {  	vm0 =	vmand vm0, vm1  }
0x21a: {  	v14 =	vsel vm0, $0x1, v9  }
0x21b: {  	(xrf0) =	vadd.scan.msk.s32 $0xffff, v14;
	_ =	sdelay $0x5  }
0x21c: {  	v14, _, _ =	vpop (xrf0)  }
0x21d: {  	v14 =	vadd.s32 v14, v11  }
0x21e: {  	v14 =	vadd.s32 $0xFFFFFFFF, v14;
	_ =	sdelay $0x4  }
0x21f: {  	[tilespmem:v14+s29+$0x0] =	vst.idx.msk vm0, v13  }
0x220: {  	v13 =	vld [tilespmem:s14+$0x0];
	_ =	sdelay $0x4  }
0x221: {  	v14 =	vor.u32 s25, v0;
	v15 =	vshra.s32 v13, $0x18  }
0x222: {  	vm15 =	vlt.s32 v14, v10;
	vm2 =	veq.s32 v15, v12  }
0x223: {  	vm1 =	vmand vm15, vm2  }
0x224: {  	v14 =	vsel vm1, $0x1, v9  }
0x225: {  	(xrf0) =	vadd.scan.msk.s32 $0xffff, v14;
	_ =	sdelay $0x1  }
0x226: {  	v14 =	vmpcnt.ones.xlane vm0;
	_ =	sdelay $0x3  }
0x227: {  	v11 =	vadd.s32 v11, v14;
	v14, _, _ =	vpop (xrf0)  }
0x228: {  	v14 =	vadd.s32 v14, v11  }
0x229: {  	p2 =	sne.s32 s26, $0x1;
	v14 =	vadd.s32 $0xFFFFFFFF, v14  }
.Ltmp16:
0x22a: {  	_ = 	snop;
	(pc) =	sbr.rel @p2 .LBB2_19-.Ltmp16, $3  }
0x22b: {  	_ = 	snop  }
0x22c: {  	v15 =	vmpcnt.ones.xlane vm1;
	_ =	sdelay $0x1  }
0x22d: {  	s26 =	sadd.s32 $0xFFFFFFFF, s26;
	s25 =	sadd.s32 $0x20, s25;
	s14 =	sadd.s32 $0x20, s14;
	v11 =	vadd.s32 v11, v15;
	[tilespmem:v14+s29+$0x0] =	vst.idx.msk vm1, v13  }
.Ltmp17:
0x22e: {  	_ = 	snop;
	(pc) =	sbr.rel .LBB2_20-.Ltmp17, $1  }
0x22f: {  	_ =	sdelay $0x3  }
.LBB2_17:
0x230: {  	v11 =	vimm.s32 $0x0  }
.LBB2_20:
0x231: {  	v12 =	vxor.u32 $0x80000000, v11  }
0x232: {  	(xrf0) =	vmax.scan.msk.u32 $0xffff, v12;
	_ =	sdelay $0x5  }
0x233: {  	v12, _, _ =	vpop (xrf0)  }
0x234: {  	(v2sf) =	vpush v12, $0xF;
	_ =	sdelay $0xe  }
0x235: {  	s14 =	spop (v2sf)  }
0x236: {  	s14 =	sadd.s32 $0x8000000F, s14  }
0x237: {  	s14 =	sshra.s32 s14, $0x4  }
0x238: {  	p2 =	slt.s32 s14, $0x1  }
.Ltmp18:
0x239: {  	_ = 	snop;
	(pc) =	sbr.rel @p2 .LBB2_24-.Ltmp18, $1  }
0x23a: {  	_ =	sdelay $0x3  }
0x23b: {  	s25 =	simm.s32 $0x18000  }
0x23c: {  	v16 =	vld [tilespmem:s25+$0x0];
	_ =	sdelay $0x3  }
0x23d: {  	s15 =	simm.s32 $0x0  }
0x23e: {  	v12 =	vor.u32 s15, v0;
	v13 =	vshrl.u32 v16, $0xE  }
0x23f: {  	vm0 =	vlt.s32 v12, v11;
	v12 =	vand.u32 $0x3FF, v13  }
0x240: {  	v18 =	vnsel vm0, $0x0, v12  }
0x241: {  	s31 =	sshll.u32 s21, $0xF;
	v13 =	vshll.u32 v18, $0x3  }
0x242: {  	v12 =	vmov s31;
	v20 =	vand.u32 $0x1C00, v13  }
0x243: {  	v21 =	vand.u32 $0x7F, v18;
	v13 =	vor.u32 v12, v20  }
0x244: {  	v14 =	vor.u32 v21, v13;
	_ =	sdelay $0x3  }
0x245: {  	v17 =	vadd.s32 s6, v0  }
0x246: {  	v19 =	vshll.u32 v17, $0x7;
	v15 =	vld.idx.msk [tilespmem:v14+s5+$0x0], $0xffff  }
0x247: {  	v22 =	vor.u32 $0x80, v14;
	_ =	sdelay $0x3  }
0x248: {  	[tilespmem:v19+s30+$0x0] =	vst.idx.msk $0xffff, v15  }
0x249: {  	v49 =	vor.u32 $0x1, v19;
	v15 =	vld.idx.msk [tilespmem:v22+s5+$0x0], $0xffff  }
0x24a: {  	v23 =	vor.u32 $0x100, v14;
	_ =	sdelay $0x3  }
0x24b: {  	[tilespmem:v49+s30+$0x0] =	vst.idx.msk $0xffff, v15  }
0x24c: {  	v50 =	vor.u32 $0x2, v19;
	v15 =	vld.idx.msk [tilespmem:v23+s5+$0x0], $0xffff  }
0x24d: {  	v51 =	vor.u32 $0x180, v14;
	_ =	sdelay $0x3  }
0x24e: {  	[tilespmem:v50+s30+$0x0] =	vst.idx.msk $0xffff, v15  }
0x24f: {  	v52 =	vor.u32 $0x3, v19;
	v15 =	vld.idx.msk [tilespmem:v51+s5+$0x0], $0xffff  }
0x250: {  	v53 =	vor.u32 $0x200, v14;
	_ =	sdelay $0x3  }
0x251: {  	[tilespmem:v52+s30+$0x0] =	vst.idx.msk $0xffff, v15  }
0x252: {  	v54 =	vor.u32 $0x4, v19;
	v15 =	vld.idx.msk [tilespmem:v53+s5+$0x0], $0xffff  }
0x253: {  	v55 =	vor.u32 $0x280, v14;
	_ =	sdelay $0x3  }
0x254: {  	[tilespmem:v54+s30+$0x0] =	vst.idx.msk $0xffff, v15  }
0x255: {  	v56 =	vor.u32 $0x5, v19;
	v15 =	vld.idx.msk [tilespmem:v55+s5+$0x0], $0xffff  }
0x256: {  	v14 =	vor.u32 $0x300, v14;
	_ =	sdelay $0x3  }
0x257: {  	[tilespmem:v56+s30+$0x0] =	vst.idx.msk $0xffff, v15  }
0x258: {  	v13 =	vor.u32 v18, v13;
	v15 =	vor.u32 $0x6, v19;
	v14 =	vld.idx.msk [tilespmem:v14+s5+$0x0], $0xffff  }
0x259: {  	v57 =	vor.u32 $0x380, v13;
	_ =	sdelay $0x3  }
0x25a: {  	v13 =	vor.u32 $0x2000, v12;
	[tilespmem:v15+s30+$0x0] =	vst.idx.msk $0xffff, v14  }
0x25b: {  	v58 =	vor.u32 $0x7, v19;
	v14 =	vor.u32 v13, v20;
	v15 =	vld.idx.msk [tilespmem:v57+s5+$0x0], $0xffff  }
0x25c: {  	v59 =	vor.u32 v14, v21;
	_ =	sdelay $0x3  }
0x25d: {  	[tilespmem:v58+s30+$0x0] =	vst.idx.msk $0xffff, v15  }
0x25e: {  	v60 =	vor.u32 $0x8, v19;
	v15 =	vld.idx.msk [tilespmem:v59+s5+$0x0], $0xffff  }
0x25f: {  	v24 =	vor.u32 $0x80, v59;
	_ =	sdelay $0x3  }
0x260: {  	[tilespmem:v60+s30+$0x0] =	vst.idx.msk $0xffff, v15  }
0x261: {  	v61 =	vor.u32 $0x9, v19;
	v15 =	vld.idx.msk [tilespmem:v24+s5+$0x0], $0xffff  }
0x262: {  	v62 =	vor.u32 $0x100, v59;
	_ =	sdelay $0x3  }
0x263: {  	[tilespmem:v61+s30+$0x0] =	vst.idx.msk $0xffff, v15  }
0x264: {  	v63 =	vor.u32 $0xA, v19;
	v15 =	vld.idx.msk [tilespmem:v62+s5+$0x0], $0xffff  }
0x265: {  	v28 =	vor.u32 $0x180, v59;
	_ =	sdelay $0x3  }
0x266: {  	[tilespmem:v63+s30+$0x0] =	vst.idx.msk $0xffff, v15  }
0x267: {  	v29 =	vor.u32 $0xB, v19;
	v15 =	vld.idx.msk [tilespmem:v28+s5+$0x0], $0xffff  }
0x268: {  	v30 =	vor.u32 $0x200, v59;
	_ =	sdelay $0x3  }
0x269: {  	[tilespmem:v29+s30+$0x0] =	vst.idx.msk $0xffff, v15  }
0x26a: {  	v31 =	vor.u32 $0xC, v19;
	v15 =	vld.idx.msk [tilespmem:v30+s5+$0x0], $0xffff  }
0x26b: {  	v32 =	vor.u32 $0x280, v59;
	_ =	sdelay $0x3  }
0x26c: {  	[tilespmem:v31+s30+$0x0] =	vst.idx.msk $0xffff, v15  }
0x26d: {  	v33 =	vor.u32 $0xD, v19;
	v15 =	vld.idx.msk [tilespmem:v32+s5+$0x0], $0xffff  }
0x26e: {  	v23 =	vor.u32 $0x300, v59;
	_ =	sdelay $0x3  }
0x26f: {  	[tilespmem:v33+s30+$0x0] =	vst.idx.msk $0xffff, v15  }
0x270: {  	v34 =	vor.u32 $0xE, v19;
	v14 =	vor.u32 v14, v18;
	v15 =	vld.idx.msk [tilespmem:v23+s5+$0x0], $0xffff  }
0x271: {  	v35 =	vor.u32 $0x380, v14;
	_ =	sdelay $0x3  }
0x272: {  	v14 =	vor.u32 $0x4000, v12;
	[tilespmem:v34+s30+$0x0] =	vst.idx.msk $0xffff, v15  }
0x273: {  	v36 =	vor.u32 $0xF, v19;
	v15 =	vor.u32 v14, v20;
	v22 =	vld.idx.msk [tilespmem:v35+s5+$0x0], $0xffff  }
0x274: {  	v37 =	vor.u32 v15, v21;
	_ =	sdelay $0x3  }
0x275: {  	[tilespmem:v36+s30+$0x0] =	vst.idx.msk $0xffff, v22  }
0x276: {  	v38 =	vor.u32 $0x10, v19;
	v22 =	vld.idx.msk [tilespmem:v37+s5+$0x0], $0xffff  }
0x277: {  	v25 =	vor.u32 $0x80, v37;
	_ =	sdelay $0x3  }
0x278: {  	[tilespmem:v38+s30+$0x0] =	vst.idx.msk $0xffff, v22  }
0x279: {  	v39 =	vor.u32 $0x11, v19;
	v22 =	vld.idx.msk [tilespmem:v25+s5+$0x0], $0xffff  }
0x27a: {  	v40 =	vor.u32 $0x100, v37;
	_ =	sdelay $0x3  }
0x27b: {  	[tilespmem:v39+s30+$0x0] =	vst.idx.msk $0xffff, v22  }
0x27c: {  	v41 =	vor.u32 $0x12, v19;
	v22 =	vld.idx.msk [tilespmem:v40+s5+$0x0], $0xffff  }
0x27d: {  	v42 =	vor.u32 $0x180, v37;
	_ =	sdelay $0x3  }
0x27e: {  	[tilespmem:v41+s30+$0x0] =	vst.idx.msk $0xffff, v22  }
0x27f: {  	v43 =	vor.u32 $0x13, v19;
	v22 =	vld.idx.msk [tilespmem:v42+s5+$0x0], $0xffff  }
0x280: {  	v44 =	vor.u32 $0x200, v37;
	_ =	sdelay $0x3  }
0x281: {  	[tilespmem:v43+s30+$0x0] =	vst.idx.msk $0xffff, v22  }
0x282: {  	v45 =	vor.u32 $0x14, v19;
	v22 =	vld.idx.msk [tilespmem:v44+s5+$0x0], $0xffff  }
0x283: {  	v46 =	vor.u32 $0x280, v37;
	_ =	sdelay $0x3  }
0x284: {  	[tilespmem:v45+s30+$0x0] =	vst.idx.msk $0xffff, v22  }
0x285: {  	v47 =	vor.u32 $0x15, v19;
	v22 =	vld.idx.msk [tilespmem:v46+s5+$0x0], $0xffff  }
0x286: {  	v24 =	vor.u32 $0x300, v37;
	_ =	sdelay $0x3  }
0x287: {  	[tilespmem:v47+s30+$0x0] =	vst.idx.msk $0xffff, v22  }
0x288: {  	v48 =	vor.u32 $0x16, v19;
	v15 =	vor.u32 v15, v18;
	v22 =	vld.idx.msk [tilespmem:v24+s5+$0x0], $0xffff  }
0x289: {  	v49 =	vor.u32 $0x380, v15;
	_ =	sdelay $0x3  }
0x28a: {  	v15 =	vor.u32 $0x6000, v12;
	[tilespmem:v48+s30+$0x0] =	vst.idx.msk $0xffff, v22  }
0x28b: {  	v50 =	vor.u32 $0x17, v19;
	v20 =	vor.u32 v15, v20;
	v22 =	vld.idx.msk [tilespmem:v49+s5+$0x0], $0xffff  }
0x28c: {  	v21 =	vor.u32 v20, v21;
	_ =	sdelay $0x3  }
0x28d: {  	[tilespmem:v50+s30+$0x0] =	vst.idx.msk $0xffff, v22  }
0x28e: {  	v51 =	vor.u32 $0x18, v19;
	v22 =	vld.idx.msk [tilespmem:v21+s5+$0x0], $0xffff  }
0x28f: {  	v52 =	vor.u32 $0x80, v21;
	_ =	sdelay $0x3  }
0x290: {  	[tilespmem:v51+s30+$0x0] =	vst.idx.msk $0xffff, v22  }
0x291: {  	v53 =	vor.u32 $0x19, v19;
	v22 =	vld.idx.msk [tilespmem:v52+s5+$0x0], $0xffff  }
0x292: {  	v54 =	vor.u32 $0x100, v21;
	_ =	sdelay $0x3  }
0x293: {  	[tilespmem:v53+s30+$0x0] =	vst.idx.msk $0xffff, v22  }
0x294: {  	v55 =	vor.u32 $0x1A, v19;
	v22 =	vld.idx.msk [tilespmem:v54+s5+$0x0], $0xffff  }
0x295: {  	v56 =	vor.u32 $0x180, v21;
	_ =	sdelay $0x3  }
0x296: {  	[tilespmem:v55+s30+$0x0] =	vst.idx.msk $0xffff, v22  }
0x297: {  	v57 =	vor.u32 $0x1B, v19;
	v22 =	vld.idx.msk [tilespmem:v56+s5+$0x0], $0xffff  }
0x298: {  	v58 =	vor.u32 $0x200, v21;
	_ =	sdelay $0x3  }
0x299: {  	[tilespmem:v57+s30+$0x0] =	vst.idx.msk $0xffff, v22  }
0x29a: {  	v59 =	vor.u32 $0x1C, v19;
	v22 =	vld.idx.msk [tilespmem:v58+s5+$0x0], $0xffff  }
0x29b: {  	v60 =	vor.u32 $0x280, v21;
	_ =	sdelay $0x3  }
0x29c: {  	[tilespmem:v59+s30+$0x0] =	vst.idx.msk $0xffff, v22  }
0x29d: {  	v61 =	vor.u32 $0x1D, v19;
	v22 =	vld.idx.msk [tilespmem:v60+s5+$0x0], $0xffff  }
0x29e: {  	v21 =	vor.u32 $0x300, v21;
	_ =	sdelay $0x3  }
0x29f: {  	[tilespmem:v61+s30+$0x0] =	vst.idx.msk $0xffff, v22  }
0x2a0: {  	v63 =	vor.u32 $0x1E, v19;
	v18 =	vor.u32 v20, v18;
	v62 =	vld.idx.msk [tilespmem:v21+s5+$0x0], $0xffff  }
0x2a1: {  	v18 =	vor.u32 $0x380, v18;
	_ =	sdelay $0x3  }
0x2a2: {  	[tilespmem:v63+s30+$0x0] =	vst.idx.msk $0xffff, v62  }
0x2a3: {  	v19 =	vor.u32 $0x1F, v19;
	v18 =	vld.idx.msk [tilespmem:v18+s5+$0x0], $0xffff;
	_ =	sdelay $0x2  }
0x2a4: {  	s26 =	sadd.s32 $0xFFFFFFFF, s14  }
0x2a5: {  	s6 =	sadd.s32 $0x10, s6;
	p2 =	sne.s32 s26, $0x0;
	v16 =	vand.u32 $0x3FFF, v16  }
.Ltmp19:
0x2a6: {  	p3 =	sne.s32 s6, $0x70;
	v16 =	vsel vm0, v16, v1;
	[tilespmem:v19+s30+$0x0] =	vst.idx.msk $0xffff, v18;
	(pc) =	sbr.rel @!p2 .LBB2_23-.Ltmp19, $4  }
0x2a7: {  	s14 =	simm.s32 @!p3 $0x70;
	s15 =	simm.s32 @!p3 $0x1F800;
	s18 =	simm.s32 @!p3 $0x1C000;
	[tilespmem:v17+s23+$0x0] =	vst.idx.msk $0xffff, v16  }
0x2a8: {  	[hbm4b:s11+s14] =	stream.indirect.scatter @!p3 [tilespmem:s18], [sflag:$0x3], $0x80, s15, s14, $0xb8;
	[tilespmem:$0x1F880] =	vst v63  }
0x2a9: {  	s15 =	simm.s32 @!p3 $0x3  }
0x2aa: {  	s6 =	simm.s32 @!p3 $0x0;
	s14 =	simm.s32 $0x10;
	_ =	swait.ge @!p3 [sflag:s15], $0x3800  }
.LBB2_22:
0x2ab: {  	s26 =	sadd.s32 $0xFFFFFFFF, s26;
	[sflag:s15] =	ssyncset.done @!p3 $0x0;
	s25 =	sadd.s32 $0x10, s25  }
0x2ac: {  	p2 =	sne.s32 s26, $0x0;
	[sflag:s15] =	ssyncadd.s32 @!p3 $0xFFFFC800  }
0x2ad: {  	v16 =	vld [tilespmem:s25+$0x0];
	_ =	sdelay $0x3  }
0x2ae: {  	v17 =	vor.u32 s14, v0  }
0x2af: {  	vm0 =	vlt.s32 v17, v11;
	v17 =	vshrl.u32 v16, $0xE  }
0x2b0: {  	v17 =	vand.u32 $0x3FF, v17  }
0x2b1: {  	v17 =	vnsel vm0, $0x0, v17  }
0x2b2: {  	v18 =	vshll.u32 v17, $0x3  }
0x2b3: {  	v24 =	vand.u32 $0x7F, v17;
	v18 =	vand.u32 $0x1C00, v18  }
0x2b4: {  	v19 =	vor.u32 v12, v18;
	v25 =	vor.u32 v13, v18;
	v26 =	vor.u32 v15, v18  }
0x2b5: {  	v18 =	vor.u32 v14, v18;
	v27 =	vor.u32 v24, v19;
	v23 =	vor.u32 v25, v17  }
0x2b6: {  	v22 =	vor.u32 v18, v24;
	v21 =	vor.u32 v18, v17;
	v20 =	vor.u32 v26, v24  }
0x2b7: {  	v28 =	vor.u32 v17, v19;
	v19 =	vor.u32 v26, v17;
	_ =	sdelay $0x1  }
0x2b8: {  	v17 =	vadd.s32 s6, v0  }
0x2b9: {  	v18 =	vshll.u32 v17, $0x7;
	v26 =	vld.idx.msk [tilespmem:v27+s5+$0x0], $0xffff  }
0x2ba: {  	v29 =	vor.u32 $0x80, v27;
	_ =	sdelay $0x4  }
0x2bb: {  	[tilespmem:v18+s30+$0x0] =	vst.idx.msk $0xffff, v26  }
0x2bc: {  	v26 =	vld.idx.msk [tilespmem:v29+s5+$0x0], $0xffff;
	v29 =	vor.u32 $0x1, v18  }
0x2bd: {  	v30 =	vor.u32 $0x100, v27;
	_ =	sdelay $0x4  }
0x2be: {  	[tilespmem:v29+s30+$0x0] =	vst.idx.msk $0xffff, v26  }
0x2bf: {  	v29 =	vor.u32 $0x2, v18;
	v26 =	vld.idx.msk [tilespmem:v30+s5+$0x0], $0xffff  }
0x2c0: {  	v30 =	vor.u32 $0x180, v27;
	_ =	sdelay $0x4  }
0x2c1: {  	[tilespmem:v29+s30+$0x0] =	vst.idx.msk $0xffff, v26  }
0x2c2: {  	v29 =	vor.u32 $0x3, v18;
	v26 =	vld.idx.msk [tilespmem:v30+s5+$0x0], $0xffff  }
0x2c3: {  	v30 =	vor.u32 $0x200, v27;
	_ =	sdelay $0x4  }
0x2c4: {  	[tilespmem:v29+s30+$0x0] =	vst.idx.msk $0xffff, v26  }
0x2c5: {  	v29 =	vor.u32 $0x4, v18;
	v26 =	vld.idx.msk [tilespmem:v30+s5+$0x0], $0xffff  }
0x2c6: {  	v30 =	vor.u32 $0x280, v27;
	_ =	sdelay $0x4  }
0x2c7: {  	[tilespmem:v29+s30+$0x0] =	vst.idx.msk $0xffff, v26  }
0x2c8: {  	v29 =	vor.u32 $0x5, v18;
	v26 =	vld.idx.msk [tilespmem:v30+s5+$0x0], $0xffff  }
0x2c9: {  	v27 =	vor.u32 $0x300, v27;
	_ =	sdelay $0x4  }
0x2ca: {  	[tilespmem:v29+s30+$0x0] =	vst.idx.msk $0xffff, v26  }
0x2cb: {  	v26 =	vld.idx.msk [tilespmem:v27+s5+$0x0], $0xffff;
	v27 =	vor.u32 $0x6, v18  }
0x2cc: {  	v28 =	vor.u32 $0x380, v28;
	_ =	sdelay $0x4  }
0x2cd: {  	[tilespmem:v27+s30+$0x0] =	vst.idx.msk $0xffff, v26  }
0x2ce: {  	v27 =	vor.u32 $0x7, v18;
	v26 =	vld.idx.msk [tilespmem:v28+s5+$0x0], $0xffff;
	_ =	sdelay $0x1  }
0x2cf: {  	v24 =	vor.u32 v25, v24;
	_ =	sdelay $0x3  }
0x2d0: {  	[tilespmem:v27+s30+$0x0] =	vst.idx.msk $0xffff, v26  }
0x2d1: {  	v26 =	vor.u32 $0x8, v18;
	v25 =	vld.idx.msk [tilespmem:v24+s5+$0x0], $0xffff  }
0x2d2: {  	v27 =	vor.u32 $0x80, v24;
	_ =	sdelay $0x4  }
0x2d3: {  	[tilespmem:v26+s30+$0x0] =	vst.idx.msk $0xffff, v25  }
0x2d4: {  	v26 =	vor.u32 $0x9, v18;
	v25 =	vld.idx.msk [tilespmem:v27+s5+$0x0], $0xffff  }
0x2d5: {  	v27 =	vor.u32 $0x100, v24;
	_ =	sdelay $0x4  }
0x2d6: {  	[tilespmem:v26+s30+$0x0] =	vst.idx.msk $0xffff, v25  }
0x2d7: {  	v26 =	vor.u32 $0xA, v18;
	v25 =	vld.idx.msk [tilespmem:v27+s5+$0x0], $0xffff  }
0x2d8: {  	v27 =	vor.u32 $0x180, v24;
	_ =	sdelay $0x4  }
0x2d9: {  	[tilespmem:v26+s30+$0x0] =	vst.idx.msk $0xffff, v25  }
0x2da: {  	v26 =	vor.u32 $0xB, v18;
	v25 =	vld.idx.msk [tilespmem:v27+s5+$0x0], $0xffff  }
0x2db: {  	v27 =	vor.u32 $0x200, v24;
	_ =	sdelay $0x4  }
0x2dc: {  	[tilespmem:v26+s30+$0x0] =	vst.idx.msk $0xffff, v25  }
0x2dd: {  	v26 =	vor.u32 $0xC, v18;
	v25 =	vld.idx.msk [tilespmem:v27+s5+$0x0], $0xffff  }
0x2de: {  	v27 =	vor.u32 $0x280, v24;
	_ =	sdelay $0x4  }
0x2df: {  	[tilespmem:v26+s30+$0x0] =	vst.idx.msk $0xffff, v25  }
0x2e0: {  	v26 =	vor.u32 $0xD, v18;
	v25 =	vld.idx.msk [tilespmem:v27+s5+$0x0], $0xffff  }
0x2e1: {  	v24 =	vor.u32 $0x300, v24;
	_ =	sdelay $0x4  }
0x2e2: {  	[tilespmem:v26+s30+$0x0] =	vst.idx.msk $0xffff, v25  }
0x2e3: {  	v25 =	vor.u32 $0xE, v18;
	v24 =	vld.idx.msk [tilespmem:v24+s5+$0x0], $0xffff  }
0x2e4: {  	v23 =	vor.u32 $0x380, v23;
	_ =	sdelay $0x4  }
0x2e5: {  	[tilespmem:v25+s30+$0x0] =	vst.idx.msk $0xffff, v24  }
0x2e6: {  	v24 =	vor.u32 $0xF, v18;
	v23 =	vld.idx.msk [tilespmem:v23+s5+$0x0], $0xffff;
	_ =	sdelay $0x5  }
0x2e7: {  	[tilespmem:v24+s30+$0x0] =	vst.idx.msk $0xffff, v23  }
0x2e8: {  	v24 =	vor.u32 $0x10, v18;
	v23 =	vld.idx.msk [tilespmem:v22+s5+$0x0], $0xffff  }
0x2e9: {  	v25 =	vor.u32 $0x80, v22;
	_ =	sdelay $0x4  }
0x2ea: {  	[tilespmem:v24+s30+$0x0] =	vst.idx.msk $0xffff, v23  }
0x2eb: {  	v24 =	vor.u32 $0x11, v18;
	v23 =	vld.idx.msk [tilespmem:v25+s5+$0x0], $0xffff  }
0x2ec: {  	v25 =	vor.u32 $0x100, v22;
	_ =	sdelay $0x4  }
0x2ed: {  	[tilespmem:v24+s30+$0x0] =	vst.idx.msk $0xffff, v23  }
0x2ee: {  	v24 =	vor.u32 $0x12, v18;
	v23 =	vld.idx.msk [tilespmem:v25+s5+$0x0], $0xffff  }
0x2ef: {  	v25 =	vor.u32 $0x180, v22;
	_ =	sdelay $0x4  }
0x2f0: {  	[tilespmem:v24+s30+$0x0] =	vst.idx.msk $0xffff, v23  }
0x2f1: {  	v24 =	vor.u32 $0x13, v18;
	v23 =	vld.idx.msk [tilespmem:v25+s5+$0x0], $0xffff  }
0x2f2: {  	v25 =	vor.u32 $0x200, v22;
	_ =	sdelay $0x4  }
0x2f3: {  	[tilespmem:v24+s30+$0x0] =	vst.idx.msk $0xffff, v23  }
0x2f4: {  	v24 =	vor.u32 $0x14, v18;
	v23 =	vld.idx.msk [tilespmem:v25+s5+$0x0], $0xffff  }
0x2f5: {  	v25 =	vor.u32 $0x280, v22;
	_ =	sdelay $0x4  }
0x2f6: {  	[tilespmem:v24+s30+$0x0] =	vst.idx.msk $0xffff, v23  }
0x2f7: {  	v24 =	vor.u32 $0x15, v18;
	v23 =	vld.idx.msk [tilespmem:v25+s5+$0x0], $0xffff  }
0x2f8: {  	v22 =	vor.u32 $0x300, v22;
	_ =	sdelay $0x4  }
0x2f9: {  	[tilespmem:v24+s30+$0x0] =	vst.idx.msk $0xffff, v23  }
0x2fa: {  	v23 =	vor.u32 $0x16, v18;
	v22 =	vld.idx.msk [tilespmem:v22+s5+$0x0], $0xffff  }
0x2fb: {  	v21 =	vor.u32 $0x380, v21;
	_ =	sdelay $0x4  }
0x2fc: {  	[tilespmem:v23+s30+$0x0] =	vst.idx.msk $0xffff, v22  }
0x2fd: {  	v22 =	vor.u32 $0x17, v18;
	v21 =	vld.idx.msk [tilespmem:v21+s5+$0x0], $0xffff;
	_ =	sdelay $0x5  }
0x2fe: {  	[tilespmem:v22+s30+$0x0] =	vst.idx.msk $0xffff, v21  }
0x2ff: {  	v22 =	vor.u32 $0x18, v18;
	v21 =	vld.idx.msk [tilespmem:v20+s5+$0x0], $0xffff  }
0x300: {  	v23 =	vor.u32 $0x80, v20;
	_ =	sdelay $0x4  }
0x301: {  	[tilespmem:v22+s30+$0x0] =	vst.idx.msk $0xffff, v21  }
0x302: {  	v22 =	vor.u32 $0x19, v18;
	v21 =	vld.idx.msk [tilespmem:v23+s5+$0x0], $0xffff  }
0x303: {  	v23 =	vor.u32 $0x100, v20;
	_ =	sdelay $0x4  }
0x304: {  	[tilespmem:v22+s30+$0x0] =	vst.idx.msk $0xffff, v21  }
0x305: {  	v22 =	vor.u32 $0x1A, v18;
	v21 =	vld.idx.msk [tilespmem:v23+s5+$0x0], $0xffff  }
0x306: {  	v23 =	vor.u32 $0x180, v20;
	_ =	sdelay $0x4  }
0x307: {  	[tilespmem:v22+s30+$0x0] =	vst.idx.msk $0xffff, v21  }
0x308: {  	v22 =	vor.u32 $0x1B, v18;
	v21 =	vld.idx.msk [tilespmem:v23+s5+$0x0], $0xffff  }
0x309: {  	v23 =	vor.u32 $0x200, v20;
	_ =	sdelay $0x4  }
0x30a: {  	[tilespmem:v22+s30+$0x0] =	vst.idx.msk $0xffff, v21  }
0x30b: {  	v22 =	vor.u32 $0x1C, v18;
	v21 =	vld.idx.msk [tilespmem:v23+s5+$0x0], $0xffff  }
0x30c: {  	v23 =	vor.u32 $0x280, v20;
	_ =	sdelay $0x4  }
0x30d: {  	[tilespmem:v22+s30+$0x0] =	vst.idx.msk $0xffff, v21  }
0x30e: {  	v22 =	vor.u32 $0x1D, v18;
	v21 =	vld.idx.msk [tilespmem:v23+s5+$0x0], $0xffff  }
0x30f: {  	v20 =	vor.u32 $0x300, v20;
	_ =	sdelay $0x4  }
0x310: {  	[tilespmem:v22+s30+$0x0] =	vst.idx.msk $0xffff, v21  }
0x311: {  	v21 =	vor.u32 $0x1E, v18;
	v20 =	vld.idx.msk [tilespmem:v20+s5+$0x0], $0xffff  }
0x312: {  	v19 =	vor.u32 $0x380, v19;
	_ =	sdelay $0x4  }
0x313: {  	[tilespmem:v21+s30+$0x0] =	vst.idx.msk $0xffff, v20  }
0x314: {  	v18 =	vor.u32 $0x1F, v18;
	v19 =	vld.idx.msk [tilespmem:v19+s5+$0x0], $0xffff;
	_ =	sdelay $0x3  }
0x315: {  	v16 =	vand.u32 $0x3FFF, v16;
	s6 =	sadd.s32 $0x10, s6  }
.Ltmp20:
0x316: {  	v16 =	vsel vm0, v16, v1;
	p3 =	sne.s32 s6, $0x70;
	(pc) =	sbr.rel @p2 .LBB2_22-.Ltmp20, $4  }
0x317: {  	s18 =	simm.s32 @!p3 $0x70;
	s19 =	simm.s32 @!p3 $0x1F800;
	s31 =	simm.s32 @!p3 $0x1C000;
	[tilespmem:v18+s30+$0x0] =	vst.idx.msk $0xffff, v19  }
0x318: {  	s15 =	simm.s32 @!p3 $0x3;
	s6 =	simm.s32 @!p3 $0x0;
	[tilespmem:v17+s23+$0x0] =	vst.idx.msk $0xffff, v16  }
0x319: {  	[hbm4b:s11+s18] =	stream.indirect.scatter @!p3 [tilespmem:s31], [sflag:$0x3], $0x80, s19, s18, $0xb8;
	[tilespmem:$0x1F880] =	vst v63  }
0x31a: {  	s14 =	sadd.s32 $0x10, s14;
	_ =	swait.ge @!p3 [sflag:s15], $0x3800  }
.Ltmp21:
0x31b: {  	_ = 	snop;
	(pc) =	sbr.rel .LBB2_23-.Ltmp21, $1  }
0x31c: {  	_ =	sdelay $0x3  }
.LBB2_26:
0x31d: {  	_ =	sfence.sel $0x180000  }
0x31e: {  	[bflag:$0x0] =	sbarrier.arrive $0xFFFF  }
0x31f: {  	_ =	strace $0x90000047  }
0x320: {  	s0 =	stileid.u32;
	[bflag:$0x2] =	sbarrier.arrive $0xFFFF  }
0x321: {  	p0 =	sne.s32 s0, $0x0;
	s0 =	rddreg [dreg:$0x5]  }
0x322: {  	s0 =	sadd.s32 @!p0 $0x100000, s0  }
0x323: {  	[sflag:s0] =	ssyncadd.tile.s32 @!p0 $0x1;
	_ =	shalt  }
.Lfunc_end2:
_tile_overlayer_lowered:
.L_overlay_start_2:
0x324: {  	(tag) =	ssettag $0x2  }
0x325: {  	s0 =	rddreg [dreg:$0x0];
	s2 =	stileid.u32  }
0x326: {  	s1 =	rddreg [dreg:$0x1];
	p0 =	sne.s32 s2, $0x0  }
0x327: {  	s3 =	rddreg [dreg:$0x2];
	[bflag:$0x3] =	sbarrier.arrive $0xFFFF;
	s2 =	simm.s32 @!p0 $0x1C04  }
0x328: {  	[timem:s3], [sflag:s2] =	dma.local @!p0 [hbm:s0], s1  }
0x329: {  	s0 =	simm.s32 @!p0 $0x4  }
0x32a: {  	_ =	swait.ge @!p0 [sflag:s0], s1  }
0x32b: {  	s1 =	ssub.s32 @!p0 $0x0, s1;
	[sflag:s0] =	ssyncset.done @!p0 $0x0  }
0x32c: {  	[sflag:s0] =	ssyncadd.s32 @!p0 s1  }
0x32d: {  	[bflag:$0x3] =	sbarrier.arrive $0xFFFF  }
0x32e: {  	_ =	shalt  }

</sc_bundles>
